<compile_context>
chip_gen: v7x
topology: tpu7x:2x2x1
jax: 0.10.2.dev20260603
libtpu: 0.0.44.dev20260713+nightly
codegen_flags: <defaults>
</compile_context>

<pallas_src>
import functools

import jax
import jax.numpy as jnp
from jax import lax
from jax.experimental import pallas as pl
from jax.experimental.pallas import tpu as pltpu
from jax.experimental.pallas import tpu_sc as plsc

N_NODES = 10000
E_EDGES = 320000
D_IN = 128
H_DIM = 128
C_OUT = 64

NUM_CORES = 2
NUM_SUBCORES = 16

CHUNK = 128
EDGES_PER_SUBCORE_STEP = NUM_SUBCORES * CHUNK
T_STEPS = 160
E_PAD = T_STEPS * EDGES_PER_SUBCORE_STEP

N_ACC = 10240
ROWS_PER_TILE = N_ACC // NUM_SUBCORES


def _seg_sum_sc(dhalf, gdepth, npass):
    steps = T_STEPS
    psteps = steps // npass
    giter = psteps // (2 * gdepth)
    assert psteps % (2 * gdepth) == 0
    mesh = plsc.VectorSubcoreMesh(core_axis_name="c", subcore_axis_name="s")

    @functools.partial(
        pl.kernel,
        mesh=mesh,
        out_type=jax.ShapeDtypeStruct((NUM_CORES, N_ACC, dhalf), jnp.float32),
        scratch_types=[
            pltpu.VMEM((psteps, CHUNK), jnp.int32),
            pltpu.VMEM((psteps, CHUNK), jnp.int32),
            pltpu.VMEM((gdepth * CHUNK, dhalf), jnp.float32),
            pltpu.VMEM((gdepth * CHUNK, dhalf), jnp.float32),
            pltpu.VMEM_SHARED((N_ACC, dhalf), jnp.float32),
            pltpu.SemaphoreType.DMA,
            pltpu.SemaphoreType.DMA,
            pltpu.SemaphoreType.DMA,
            pltpu.SemaphoreType.DMA,
        ],
        compiler_params=pltpu.CompilerParams(use_tc_tiling_on_sc=False),
    )
    def k(data_hbm, src_hbm, dst_hbm, out_hbm, src_v, dst_v, rows_a, rows_b,
          acc_sh, sem_ga, sem_gb, sem_sa, sem_sb):
        c = lax.axis_index("c")
        s = lax.axis_index("s")
        data = data_hbm.at[c]

        @pl.loop(0, CHUNK)
        def _(r):
            @pl.loop(0, dhalf, step=16)
            def _(j):
                rows_a[r, pl.ds(j, 16)] = jnp.zeros((16,), jnp.float32)

        @pl.loop(0, ROWS_PER_TILE // CHUNK)
        def _(kk):
            pltpu.sync_copy(
                rows_a.at[pl.ds(0, CHUNK)],
                acc_sh.at[pl.ds(s * ROWS_PER_TILE + kk * CHUNK, CHUNK)])
        plsc.subcore_barrier()

        def g_start(t0, buf, sem):
            for j in range(gdepth):
                pltpu.async_copy(data.at[src_v.at[t0 + j]],
                                 buf.at[pl.ds(j * CHUNK, CHUNK)], sem)

        def g_drain(t0, buf, sem):
            for j in range(gdepth):
                pltpu.make_async_copy(data.at[src_v.at[t0 + j]],
                                      buf.at[pl.ds(j * CHUNK, CHUNK)],
                                      sem).wait()

        def s_start(t0, buf, sem):
            for j in range(gdepth):
                pltpu.async_copy(buf.at[pl.ds(j * CHUNK, CHUNK)],
                                 acc_sh.at[dst_v.at[t0 + j]], sem, add=True)

        def s_drain(t0, buf, sem):
            for j in range(gdepth):
                pltpu.make_async_copy(buf.at[pl.ds(j * CHUNK, CHUNK)],
                                      acc_sh.at[dst_v.at[t0 + j]], sem).wait()

        for p in range(npass):
            pltpu.sync_copy(
                src_hbm.at[pl.ds(s * steps + p * psteps, psteps)], src_v)
            pltpu.sync_copy(
                dst_hbm.at[pl.ds(s * steps + p * psteps, psteps)], dst_v)

            g_start(0, rows_a, sem_ga)

            @pl.loop(0, giter)
            def _(i):
                ta = 2 * gdepth * i
                tb = ta + gdepth
                g_drain(ta, rows_a, sem_ga)
                s_start(ta, rows_a, sem_sa)

                @pl.when(i > 0)
                def _():
                    s_drain(ta - gdepth, rows_b, sem_sb)

                g_start(tb, rows_b, sem_gb)
                g_drain(tb, rows_b, sem_gb)
                s_start(tb, rows_b, sem_sb)
                s_drain(ta, rows_a, sem_sa)

                @pl.when(i < giter - 1)
                def _():
                    g_start(tb + gdepth, rows_a, sem_ga)

            s_drain(psteps - gdepth, rows_b, sem_sb)

        plsc.subcore_barrier()
        pltpu.sync_copy(
            acc_sh.at[pl.ds(s * ROWS_PER_TILE, ROWS_PER_TILE)],
            out_hbm.at[c].at[pl.ds(s * ROWS_PER_TILE, ROWS_PER_TILE)])

    return k


def _dot(a, w):
    return jnp.dot(a, w, preferred_element_type=jnp.float32)


def _dense1_body(seg_ref, x_ref, w1_ref, b1_ref, w1o1_ref, b1o1_ref,
                 w1o2_ref, b1o2_ref, w2_ref, b2_ref, h2_ref):
    a = jnp.concatenate((seg_ref[0], seg_ref[1]), axis=-1)
    a = a[:N_NODES] + x_ref[...]
    o = jnp.maximum(_dot(a, w1_ref[...]) + b1_ref[...], 0.0)
    o = jnp.maximum(_dot(o, w1o1_ref[...]) + b1o1_ref[...], 0.0)
    h1 = jnp.maximum(_dot(o, w1o2_ref[...]) + b1o2_ref[...], 0.0)
    h2 = _dot(h1, w2_ref[...]) + b2_ref[...]
    h2_ref[0] = h2[:, :C_OUT // 2]
    h2_ref[1] = h2[:, C_OUT // 2:]


def _dense2_body(seg_ref, h2_ref, w2o1_ref, b2o1_ref, w2o2_ref, b2o2_ref,
                 out_ref):
    a = jnp.concatenate((seg_ref[0], seg_ref[1]), axis=-1)
    h2 = jnp.concatenate((h2_ref[0], h2_ref[1]), axis=-1)
    a = a[:N_NODES] + h2
    o = jnp.maximum(a, 0.0)
    o = jnp.maximum(_dot(o, w2o1_ref[...]) + b2o1_ref[...], 0.0)
    out_ref[...] = _dot(o, w2o2_ref[...]) + b2o2_ref[...]


def kernel(x, edge_index, W1, b1, W1o1, b1o1, W1o2, b1o2,
           W2, b2, W2o1, b2o1, W2o2, b2o2):
    src = edge_index[0]
    dst = edge_index[1]
    pad = E_PAD - E_EDGES
    ar = jnp.arange(pad, dtype=jnp.int32)
    src_p = jnp.concatenate([src, (ar * 97) % N_NODES]).reshape(
        E_PAD // CHUNK, CHUNK)
    dst_p = jnp.concatenate([dst, N_NODES + (ar % (N_ACC - N_NODES))]).reshape(
        E_PAD // CHUNK, CHUNK)

    b1r = b1.reshape(1, H_DIM)
    b1o1r = b1o1.reshape(1, H_DIM)
    b1o2r = b1o2.reshape(1, H_DIM)
    b2r = b2.reshape(1, C_OUT)
    b2o1r = b2o1.reshape(1, C_OUT)
    b2o2r = b2o2.reshape(1, C_OUT)

    xh = jnp.stack((x[:, :D_IN // 2], x[:, D_IN // 2:]))
    seg1 = _seg_sum_sc(D_IN // 2, gdepth=4, npass=2)(xh, src_p, dst_p)

    h2h = pl.pallas_call(
        _dense1_body,
        out_shape=jax.ShapeDtypeStruct((NUM_CORES, N_NODES, C_OUT // 2),
                                       jnp.float32),
    )(seg1, x, W1, b1r, W1o1, b1o1r, W1o2, b1o2r, W2, b2r)

    seg2 = _seg_sum_sc(C_OUT // 2, gdepth=8, npass=1)(h2h, src_p, dst_p)

    out = pl.pallas_call(
        _dense2_body,
        out_shape=jax.ShapeDtypeStruct((N_NODES, C_OUT), jnp.float32),
    )(seg2, h2h, W2o1, b2o1r, W2o2, b2o2r)
    return out

# --- scband reference (transcript-rebuilt; emitter-appended) ---
"""Pipeline reference for scband-node-classifier-65506841199132 (READ-ONLY COPY).

The authoritative reference and input builder live on the scoring server;
editing this copy changes nothing except your own understanding.
"""

import jax, jax.numpy as jnp
import numpy as np

N = 10000
E = 320000
D = 128
H = 128
C = 64


def setup_inputs(seed: int = 0) -> dict:
    key = jax.random.key(seed)
    ks = jax.random.split(key, 16)
    x = jax.random.normal(ks[0], (N, D), dtype=jnp.float32)
    edge_index = jax.random.randint(ks[1], (2, E), 0, N, dtype=jnp.int32)
    s = 0.05
    # conv1: lin D->H, lin_outer1 H->H, lin_outer2 H->H
    W1 = jax.random.normal(ks[2], (D, H), dtype=jnp.float32) * s
    b1 = jnp.zeros((H,), dtype=jnp.float32)
    W1o1 = jax.random.normal(ks[3], (H, H), dtype=jnp.float32) * s
    b1o1 = jnp.zeros((H,), dtype=jnp.float32)
    W1o2 = jax.random.normal(ks[4], (H, H), dtype=jnp.float32) * s
    b1o2 = jnp.zeros((H,), dtype=jnp.float32)
    # conv2: lin H->C, lin_outer1 C->C, lin_outer2 C->C
    W2 = jax.random.normal(ks[5], (H, C), dtype=jnp.float32) * s
    b2 = jnp.zeros((C,), dtype=jnp.float32)
    W2o1 = jax.random.normal(ks[6], (C, C), dtype=jnp.float32) * s
    b2o1 = jnp.zeros((C,), dtype=jnp.float32)
    W2o2 = jax.random.normal(ks[7], (C, C), dtype=jnp.float32) * s
    b2o2 = jnp.zeros((C,), dtype=jnp.float32)
    return {
        'x': x, 'edge_index': edge_index,
        'W1': W1, 'b1': b1, 'W1o1': W1o1, 'b1o1': b1o1, 'W1o2': W1o2, 'b1o2': b1o2,
        'W2': W2, 'b2': b2, 'W2o1': W2o1, 'b2o1': b2o1, 'W2o2': W2o2, 'b2o2': b2o2,
    }


def _gcn_conv(x, src, dst, W, b, Wo1, bo1, Wo2, bo2):
    # lin
    h = x @ W + b
    # propagate with aggr='add', message = x_j, plus self-loops
    # add_self_loops(edge_index) followed by sum-scatter is equivalent to
    # segment_sum over original edges plus the node's own transformed feature.
    agg = jax.ops.segment_sum(h[src], dst, num_segments=x.shape[0]) + h
    out = jax.nn.relu(agg)
    out = jax.nn.relu(out @ Wo1 + bo1)
    out = out @ Wo2 + bo2
    return out


def reference(x, edge_index, W1, b1, W1o1, b1o1, W1o2, b1o2,
              W2, b2, W2o1, b2o1, W2o2, b2o2):
    src = edge_index[0]
    dst = edge_index[1]
    h = _gcn_conv(x, src, dst, W1, b1, W1o1, b1o1, W1o2, b1o2)
    h = jax.nn.relu(h)
    # F.dropout(training=self.training): identity in eval mode
    out = _gcn_conv(h, src, dst, W2, b2, W2o1, b2o1, W2o2, b2o2)
    return out

if __name__ == "__main__":
    import jax
    _d = setup_inputs()
    print(jax.jit(kernel)(*tuple(_d.values())))

</pallas_src>

<mosaic_0001>
#map = affine_map<(d0, d1) -> (0, 0, 0)>
#map1 = affine_map<(d0, d1) -> (0, 0)>
module attributes {stable_mosaic.version = 14 : i64} {
  func.func @k(%arg0: i32, %arg1: i32, %arg2: memref<2x10000x64xf32, #tpu.memory_space<hbm>>, %arg3: memref<2560x128xi32, #tpu.memory_space<hbm>>, %arg4: memref<2560x128xi32, #tpu.memory_space<hbm>>, %arg5: memref<2x10240x64xf32, #tpu.memory_space<hbm>>, %arg6: memref<80x128xi32, #tpu.memory_space<vmem>>, %arg7: memref<80x128xi32, #tpu.memory_space<vmem>>, %arg8: memref<512x64xf32, #tpu.memory_space<vmem>>, %arg9: memref<512x64xf32, #tpu.memory_space<vmem>>, %arg10: memref<10240x64xf32, #tpu.memory_space<vmem_shared>>, %arg11: memref<!tpu.dma_semaphore, #tpu.memory_space<semaphore_mem>>, %arg12: memref<!tpu.dma_semaphore, #tpu.memory_space<semaphore_mem>>, %arg13: memref<!tpu.dma_semaphore, #tpu.memory_space<semaphore_mem>>, %arg14: memref<!tpu.dma_semaphore, #tpu.memory_space<semaphore_mem>>) attributes {dimension_semantics = [#tpu.dimension_semantics<core_parallel>, #tpu.dimension_semantics<subcore_parallel>], iteration_bounds = array<i64: 2, 16>, scalar_prefetch = 0 : i64, scratch_operands = 9 : i64, tpu.core_type = #tpu.core_type<sc_vector_subcore>, window_params = [{transform_indices = #map}, {transform_indices = #map1}, {transform_indices = #map1}, {transform_indices = #map}]} {
    %scan3A = arith.constant 0 : i32
    %scan3A_0 = arith.constant 128 : i32
    %scan3A_1 = arith.addi %scan3A, %scan3A_0 : i32
    %scan3A_2 = arith.constant 1 : i32
    scf.for %scan3A_228 = %scan3A to %scan3A_1 step %scan3A_2  : i32 {
      %mul3A_229 = arith.constant 1 : i32
      %mul3A_230 = arith.muli %scan3A_228, %mul3A_229 : i32
      %add3A_231 = arith.constant 0 : i32
      %add3A_232 = arith.addi %add3A_231, %mul3A_230 : i32
      %scan3A_233 = arith.constant 0 : i32
      %scan3A_234 = arith.constant 4 : i32
      %scan3A_235 = arith.addi %scan3A_233, %scan3A_234 : i32
      %scan3A_236 = arith.constant 1 : i32
      scf.for %scan3A_238 = %scan3A_233 to %scan3A_235 step %scan3A_236  : i32 {
        %mul3A_239 = arith.constant 16 : i32
        %mul3A_240 = arith.muli %scan3A_238, %mul3A_239 : i32
        %add3A_241 = arith.constant 0 : i32
        %add3A_242 = arith.addi %add3A_241, %mul3A_240 : i32
        %broadcast_in_dim3A = arith.constant 0.000000e+00 : f32
        %broadcast_in_dim3A_243 = vector.broadcast %broadcast_in_dim3A : f32 to vector<16xf32>
        %swap3A = arith.index_cast %add3A_232 : i32 to index
        %swap3A_244 = arith.index_cast %add3A_242 : i32 to index
        %swap3A_245 = tpu.vector_load %arg8[%swap3A, %swap3A_244] {strides = array<i32>} : memref<512x64xf32, #tpu.memory_space<vmem>>, vector<1x16xf32>,
        %swap3A_246 = vector.shape_cast %swap3A_245 : vector<1x16xf32> to vector<16xf32>
        %swap3A_247 = vector.shape_cast %broadcast_in_dim3A_243 : vector<16xf32> to vector<1x16xf32>
        tpu.vector_store %arg8[%swap3A, %swap3A_244], %swap3A_247 {strides = array<i32>} : memref<512x64xf32, #tpu.memory_space<vmem>>, vector<1x16xf32>,
      }
      %scan3A_237 = arith.constant 4 : i32
    }
    %scan3A_3 = arith.constant 128 : i32
    %scan3A_4 = arith.constant 0 : i32
    %scan3A_5 = arith.constant 5 : i32
    %scan3A_6 = arith.addi %scan3A_4, %scan3A_5 : i32
    %scan3A_7 = arith.constant 1 : i32
    scf.for %scan3A_228 = %scan3A_4 to %scan3A_6 step %scan3A_7  : i32 {
      %mul3A_229 = arith.constant 1 : i32
      %mul3A_230 = arith.muli %scan3A_228, %mul3A_229 : i32
      %add3A_231 = arith.constant 0 : i32
      %add3A_232 = arith.addi %add3A_231, %mul3A_230 : i32
      %mul3A_233 = arith.constant 640 : i32
      %mul3A_234 = arith.muli %arg1, %mul3A_233 : i32
      %mul3A_235 = arith.constant 128 : i32
      %mul3A_236 = arith.muli %add3A_232, %mul3A_235 : i32
      %add3A_237 = arith.addi %mul3A_234, %mul3A_236 : i32
      "tpu.region"() ({
        %run_scoped3A = tpu.sem_alloc : memref<!tpu.dma_semaphore, #tpu.memory_space<semaphore_mem>>
        %dma_start3A_238 = arith.constant 0 : i32
        %dma_start3A_239 = arith.constant 0 : i32
        %dma_start3A_240 = tpu.memref_slice %arg8[%dma_start3A_238, %dma_start3A_239] : memref<512x64xf32, #tpu.memory_space<vmem>> -> memref<128x64xf32, #tpu.memory_space<vmem>>
        %dma_start3A_241 = arith.constant 0 : i32
        %dma_start3A_242 = tpu.memref_slice %arg10[%add3A_237, %dma_start3A_241] : memref<10240x64xf32, #tpu.memory_space<vmem_shared>> -> memref<128x64xf32, #tpu.memory_space<vmem_shared>>
        %dma_start3A_243 = arith.constant 0 : i32
        %dma_start3A_244 = tpu.memref_slice %arg10[%add3A_237, %dma_start3A_243] : memref<10240x64xf32, #tpu.memory_space<vmem_shared>> -> memref<128x64xf32, #tpu.memory_space<vmem_shared>>
        %dma_start3A_245 = arith.constant 0 : i32
        %dma_start3A_246 = arith.constant 0 : i32
        %dma_start3A_247 = tpu.memref_slice %arg8[%dma_start3A_245, %dma_start3A_246] : memref<512x64xf32, #tpu.memory_space<vmem>> -> memref<128x64xf32, #tpu.memory_space<vmem>>
        tpu.enqueue_dma source(%dma_start3A_247 : memref<128x64xf32, #tpu.memory_space<vmem>>) target(%dma_start3A_244 : memref<128x64xf32, #tpu.memory_space<vmem_shared>>) target_semaphore(%run_scoped3A : memref<!tpu.dma_semaphore, #tpu.memory_space<semaphore_mem>>)
        %dma_wait3A_248 = arith.constant 0 : i32
        %dma_wait3A_249 = arith.constant 0 : i32
        %dma_wait3A_250 = tpu.memref_slice %arg8[%dma_wait3A_248, %dma_wait3A_249] : memref<512x64xf32, #tpu.memory_space<vmem>> -> memref<128x64xf32, #tpu.memory_space<vmem>>
        %dma_wait3A_251 = arith.constant 0 : i32
        %dma_wait3A_252 = tpu.memref_slice %arg10[%add3A_237, %dma_wait3A_251] : memref<10240x64xf32, #tpu.memory_space<vmem_shared>> -> memref<128x64xf32, #tpu.memory_space<vmem_shared>>
        %dma_wait3A_253 = arith.constant 0 : i32
        %dma_wait3A_254 = tpu.memref_slice %arg10[%add3A_237, %dma_wait3A_253] : memref<10240x64xf32, #tpu.memory_space<vmem_shared>> -> memref<128x64xf32, #tpu.memory_space<vmem_shared>>
        %dma_wait3A_255 = arith.constant 0 : i32
        %dma_wait3A_256 = arith.constant 0 : i32
        %dma_wait3A_257 = tpu.memref_slice %arg8[%dma_wait3A_255, %dma_wait3A_256] : memref<512x64xf32, #tpu.memory_space<vmem>> -> memref<128x64xf32, #tpu.memory_space<vmem>>
        tpu.wait_dma2 semaphore(%run_scoped3A : memref<!tpu.dma_semaphore, #tpu.memory_space<semaphore_mem>>) src(%dma_wait3A_257 : memref<128x64xf32, #tpu.memory_space<vmem>>) dst(%dma_wait3A_254 : memref<128x64xf32, #tpu.memory_space<vmem_shared>>)
        tpu.yield
      }) : () -> ()
    }
    %scan3A_8 = arith.constant 5 : i32
    %barrier3A = arith.constant 0 : index
    tpu.barrier barrier_id(%barrier3A)
    %mul3A = arith.constant 160 : i32
    %mul3A_9 = arith.muli %arg1, %mul3A : i32
    %add3A = arith.constant 0 : i32
    %add3A_10 = arith.addi %mul3A_9, %add3A : i32
    "tpu.region"() ({
      %run_scoped3A = tpu.sem_alloc : memref<!tpu.dma_semaphore, #tpu.memory_space<semaphore_mem>>
      %dma_start3A_228 = arith.constant 0 : i32
      %dma_start3A_229 = tpu.memref_slice %arg3[%add3A_10, %dma_start3A_228] : memref<2560x128xi32, #tpu.memory_space<hbm>> -> memref<80x128xi32, #tpu.memory_space<hbm>>
      %dma_start3A_230 = arith.constant 0 : i32
      %dma_start3A_231 = tpu.memref_slice %arg3[%add3A_10, %dma_start3A_230] : memref<2560x128xi32, #tpu.memory_space<hbm>> -> memref<80x128xi32, #tpu.memory_space<hbm>>
      tpu.enqueue_dma source(%dma_start3A_231 : memref<80x128xi32, #tpu.memory_space<hbm>>) target(%arg6 : memref<80x128xi32, #tpu.memory_space<vmem>>) target_semaphore(%run_scoped3A : memref<!tpu.dma_semaphore, #tpu.memory_space<semaphore_mem>>)
      %dma_wait3A_232 = arith.constant 0 : i32
      %dma_wait3A_233 = tpu.memref_slice %arg3[%add3A_10, %dma_wait3A_232] : memref<2560x128xi32, #tpu.memory_space<hbm>> -> memref<80x128xi32, #tpu.memory_space<hbm>>
      %dma_wait3A_234 = arith.constant 0 : i32
      %dma_wait3A_235 = tpu.memref_slice %arg3[%add3A_10, %dma_wait3A_234] : memref<2560x128xi32, #tpu.memory_space<hbm>> -> memref<80x128xi32, #tpu.memory_space<hbm>>
      tpu.wait_dma2 semaphore(%run_scoped3A : memref<!tpu.dma_semaphore, #tpu.memory_space<semaphore_mem>>) src(%dma_wait3A_235 : memref<80x128xi32, #tpu.memory_space<hbm>>) dst(%arg6 : memref<80x128xi32, #tpu.memory_space<vmem>>)
      tpu.yield
    }) : () -> ()
    %mul3A_11 = arith.constant 160 : i32
    %mul3A_12 = arith.muli %arg1, %mul3A_11 : i32
    %add3A_13 = arith.constant 0 : i32
    %add3A_14 = arith.addi %mul3A_12, %add3A_13 : i32
    "tpu.region"() ({
      %run_scoped3A = tpu.sem_alloc : memref<!tpu.dma_semaphore, #tpu.memory_space<semaphore_mem>>
      %dma_start3A_228 = arith.constant 0 : i32
      %dma_start3A_229 = tpu.memref_slice %arg4[%add3A_14, %dma_start3A_228] : memref<2560x128xi32, #tpu.memory_space<hbm>> -> memref<80x128xi32, #tpu.memory_space<hbm>>
      %dma_start3A_230 = arith.constant 0 : i32
      %dma_start3A_231 = tpu.memref_slice %arg4[%add3A_14, %dma_start3A_230] : memref<2560x128xi32, #tpu.memory_space<hbm>> -> memref<80x128xi32, #tpu.memory_space<hbm>>
      tpu.enqueue_dma source(%dma_start3A_231 : memref<80x128xi32, #tpu.memory_space<hbm>>) target(%arg7 : memref<80x128xi32, #tpu.memory_space<vmem>>) target_semaphore(%run_scoped3A : memref<!tpu.dma_semaphore, #tpu.memory_space<semaphore_mem>>)
      %dma_wait3A_232 = arith.constant 0 : i32
      %dma_wait3A_233 = tpu.memref_slice %arg4[%add3A_14, %dma_wait3A_232] : memref<2560x128xi32, #tpu.memory_space<hbm>> -> memref<80x128xi32, #tpu.memory_space<hbm>>
      %dma_wait3A_234 = arith.constant 0 : i32
      %dma_wait3A_235 = tpu.memref_slice %arg4[%add3A_14, %dma_wait3A_234] : memref<2560x128xi32, #tpu.memory_space<hbm>> -> memref<80x128xi32, #tpu.memory_space<hbm>>
      tpu.wait_dma2 semaphore(%run_scoped3A : memref<!tpu.dma_semaphore, #tpu.memory_space<semaphore_mem>>) src(%dma_wait3A_235 : memref<80x128xi32, #tpu.memory_space<hbm>>) dst(%arg7 : memref<80x128xi32, #tpu.memory_space<vmem>>)
      tpu.yield
    }) : () -> ()
    %dma_start3A = arith.constant 0 : i32
    %dma_start3A_15 = arith.constant 0 : i32
    %dma_start3A_16 = arith.constant 0 : i32
    %dma_start3A_17 = tpu.memref_slice %arg8[%dma_start3A_15, %dma_start3A_16] : memref<512x64xf32, #tpu.memory_space<vmem>> -> memref<128x64xf32, #tpu.memory_space<vmem>>
    %dma_start3A_18 = arith.constant 0 : i32
    %dma_start3A_19 = tpu.memref_slice %arg6[%dma_start3A, %dma_start3A_18] : memref<80x128xi32, #tpu.memory_space<vmem>> -> memref<1x128xi32, #tpu.memory_space<vmem>>
    %dma_start3A_20 = tpu.memref_squeeze %dma_start3A_19 : memref<1x128xi32, #tpu.memory_space<vmem>> -> memref<128xi32, #tpu.memory_space<vmem>>
    %dma_start3A_21 = arith.constant 0 : i32
    %dma_start3A_22 = arith.constant 0 : i32
    %dma_start3A_23 = tpu.memref_slice %arg2[%arg0, %dma_start3A_21, %dma_start3A_22] : memref<2x10000x64xf32, #tpu.memory_space<hbm>> -> memref<1x10000x64xf32, #tpu.memory_space<hbm>>
    %dma_start3A_24 = tpu.memref_squeeze %dma_start3A_23 : memref<1x10000x64xf32, #tpu.memory_space<hbm>> -> memref<10000x64xf32, #tpu.memory_space<hbm>>
    %dma_start3A_25 = arith.constant 0 : i32
    %dma_start3A_26 = arith.constant 0 : i32
    %dma_start3A_27 = tpu.memref_slice %dma_start3A_24[%dma_start3A_25, %dma_start3A_26] : memref<10000x64xf32, #tpu.memory_space<hbm>> -> memref<10000x64xf32, #tpu.memory_space<hbm>>
    tpu.enqueue_indirect_dma source(%dma_start3A_27 : memref<10000x64xf32, #tpu.memory_space<hbm>>) target(%dma_start3A_17 : memref<128x64xf32, #tpu.memory_space<vmem>>) offsets(%dma_start3A_20 : memref<128xi32, #tpu.memory_space<vmem>>) semaphore(%arg11 : memref<!tpu.dma_semaphore, #tpu.memory_space<semaphore_mem>>)
    %dma_start3A_28 = arith.constant 1 : i32
    %dma_start3A_29 = arith.constant 128 : i32
    %dma_start3A_30 = arith.constant 0 : i32
    %dma_start3A_31 = tpu.memref_slice %arg8[%dma_start3A_29, %dma_start3A_30] : memref<512x64xf32, #tpu.memory_space<vmem>> -> memref<128x64xf32, #tpu.memory_space<vmem>>
    %dma_start3A_32 = arith.constant 0 : i32
    %dma_start3A_33 = tpu.memref_slice %arg6[%dma_start3A_28, %dma_start3A_32] : memref<80x128xi32, #tpu.memory_space<vmem>> -> memref<1x128xi32, #tpu.memory_space<vmem>>
    %dma_start3A_34 = tpu.memref_squeeze %dma_start3A_33 : memref<1x128xi32, #tpu.memory_space<vmem>> -> memref<128xi32, #tpu.memory_space<vmem>>
    %dma_start3A_35 = arith.constant 0 : i32
    %dma_start3A_36 = arith.constant 0 : i32
    %dma_start3A_37 = tpu.memref_slice %arg2[%arg0, %dma_start3A_35, %dma_start3A_36] : memref<2x10000x64xf32, #tpu.memory_space<hbm>> -> memref<1x10000x64xf32, #tpu.memory_space<hbm>>
    %dma_start3A_38 = tpu.memref_squeeze %dma_start3A_37 : memref<1x10000x64xf32, #tpu.memory_space<hbm>> -> memref<10000x64xf32, #tpu.memory_space<hbm>>
    %dma_start3A_39 = arith.constant 0 : i32
    %dma_start3A_40 = arith.constant 0 : i32
    %dma_start3A_41 = tpu.memref_slice %dma_start3A_38[%dma_start3A_39, %dma_start3A_40] : memref<10000x64xf32, #tpu.memory_space<hbm>> -> memref<10000x64xf32, #tpu.memory_space<hbm>>
    tpu.enqueue_indirect_dma source(%dma_start3A_41 : memref<10000x64xf32, #tpu.memory_space<hbm>>) target(%dma_start3A_31 : memref<128x64xf32, #tpu.memory_space<vmem>>) offsets(%dma_start3A_34 : memref<128xi32, #tpu.memory_space<vmem>>) semaphore(%arg11 : memref<!tpu.dma_semaphore, #tpu.memory_space<semaphore_mem>>)
    %dma_start3A_42 = arith.constant 2 : i32
    %dma_start3A_43 = arith.constant 256 : i32
    %dma_start3A_44 = arith.constant 0 : i32
    %dma_start3A_45 = tpu.memref_slice %arg8[%dma_start3A_43, %dma_start3A_44] : memref<512x64xf32, #tpu.memory_space<vmem>> -> memref<128x64xf32, #tpu.memory_space<vmem>>
    %dma_start3A_46 = arith.constant 0 : i32
    %dma_start3A_47 = tpu.memref_slice %arg6[%dma_start3A_42, %dma_start3A_46] : memref<80x128xi32, #tpu.memory_space<vmem>> -> memref<1x128xi32, #tpu.memory_space<vmem>>
    %dma_start3A_48 = tpu.memref_squeeze %dma_start3A_47 : memref<1x128xi32, #tpu.memory_space<vmem>> -> memref<128xi32, #tpu.memory_space<vmem>>
    %dma_start3A_49 = arith.constant 0 : i32
    %dma_start3A_50 = arith.constant 0 : i32
    %dma_start3A_51 = tpu.memref_slice %arg2[%arg0, %dma_start3A_49, %dma_start3A_50] : memref<2x10000x64xf32, #tpu.memory_space<hbm>> -> memref<1x10000x64xf32, #tpu.memory_space<hbm>>
    %dma_start3A_52 = tpu.memref_squeeze %dma_start3A_51 : memref<1x10000x64xf32, #tpu.memory_space<hbm>> -> memref<10000x64xf32, #tpu.memory_space<hbm>>
    %dma_start3A_53 = arith.constant 0 : i32
    %dma_start3A_54 = arith.constant 0 : i32
    %dma_start3A_55 = tpu.memref_slice %dma_start3A_52[%dma_start3A_53, %dma_start3A_54] : memref<10000x64xf32, #tpu.memory_space<hbm>> -> memref<10000x64xf32, #tpu.memory_space<hbm>>
    tpu.enqueue_indirect_dma source(%dma_start3A_55 : memref<10000x64xf32, #tpu.memory_space<hbm>>) target(%dma_start3A_45 : memref<128x64xf32, #tpu.memory_space<vmem>>) offsets(%dma_start3A_48 : memref<128xi32, #tpu.memory_space<vmem>>) semaphore(%arg11 : memref<!tpu.dma_semaphore, #tpu.memory_space<semaphore_mem>>)
    %dma_start3A_56 = arith.constant 3 : i32
    %dma_start3A_57 = arith.constant 384 : i32
    %dma_start3A_58 = arith.constant 0 : i32
    %dma_start3A_59 = tpu.memref_slice %arg8[%dma_start3A_57, %dma_start3A_58] : memref<512x64xf32, #tpu.memory_space<vmem>> -> memref<128x64xf32, #tpu.memory_space<vmem>>
    %dma_start3A_60 = arith.constant 0 : i32
    %dma_start3A_61 = tpu.memref_slice %arg6[%dma_start3A_56, %dma_start3A_60] : memref<80x128xi32, #tpu.memory_space<vmem>> -> memref<1x128xi32, #tpu.memory_space<vmem>>
    %dma_start3A_62 = tpu.memref_squeeze %dma_start3A_61 : memref<1x128xi32, #tpu.memory_space<vmem>> -> memref<128xi32, #tpu.memory_space<vmem>>
    %dma_start3A_63 = arith.constant 0 : i32
    %dma_start3A_64 = arith.constant 0 : i32
    %dma_start3A_65 = tpu.memref_slice %arg2[%arg0, %dma_start3A_63, %dma_start3A_64] : memref<2x10000x64xf32, #tpu.memory_space<hbm>> -> memref<1x10000x64xf32, #tpu.memory_space<hbm>>
    %dma_start3A_66 = tpu.memref_squeeze %dma_start3A_65 : memref<1x10000x64xf32, #tpu.memory_space<hbm>> -> memref<10000x64xf32, #tpu.memory_space<hbm>>
    %dma_start3A_67 = arith.constant 0 : i32
    %dma_start3A_68 = arith.constant 0 : i32
    %dma_start3A_69 = tpu.memref_slice %dma_start3A_66[%dma_start3A_67, %dma_start3A_68] : memref<10000x64xf32, #tpu.memory_space<hbm>> -> memref<10000x64xf32, #tpu.memory_space<hbm>>
    tpu.enqueue_indirect_dma source(%dma_start3A_69 : memref<10000x64xf32, #tpu.memory_space<hbm>>) target(%dma_start3A_59 : memref<128x64xf32, #tpu.memory_space<vmem>>) offsets(%dma_start3A_62 : memref<128xi32, #tpu.memory_space<vmem>>) semaphore(%arg11 : memref<!tpu.dma_semaphore, #tpu.memory_space<semaphore_mem>>)
    %scan3A_70 = arith.constant 0 : i32
    %scan3A_71 = arith.constant 10 : i32
    %scan3A_72 = arith.addi %scan3A_70, %scan3A_71 : i32
    %scan3A_73 = arith.constant 1 : i32
    scf.for %scan3A_228 = %scan3A_70 to %scan3A_72 step %scan3A_73  : i32 {
      %mul3A_229 = arith.constant 1 : i32
      %mul3A_230 = arith.muli %scan3A_228, %mul3A_229 : i32
      %add3A_231 = arith.constant 0 : i32
      %add3A_232 = arith.addi %add3A_231, %mul3A_230 : i32
      %mul3A_233 = arith.constant 8 : i32
      %mul3A_234 = arith.muli %mul3A_233, %add3A_232 : i32
      %add3A_235 = arith.constant 4 : i32
      %add3A_236 = arith.addi %mul3A_234, %add3A_235 : i32
      %add3A_237 = arith.constant 0 : i32
      %add3A_238 = arith.addi %mul3A_234, %add3A_237 : i32
      %dma_wait3A_239 = arith.constant 0 : i32
      %dma_wait3A_240 = arith.constant 0 : i32
      %dma_wait3A_241 = tpu.memref_slice %arg8[%dma_wait3A_239, %dma_wait3A_240] : memref<512x64xf32, #tpu.memory_space<vmem>> -> memref<128x64xf32, #tpu.memory_space<vmem>>
      %dma_wait3A_242 = arith.constant 0 : i32
      %dma_wait3A_243 = tpu.memref_slice %arg6[%add3A_238, %dma_wait3A_242] : memref<80x128xi32, #tpu.memory_space<vmem>> -> memref<1x128xi32, #tpu.memory_space<vmem>>
      %dma_wait3A_244 = tpu.memref_squeeze %dma_wait3A_243 : memref<1x128xi32, #tpu.memory_space<vmem>> -> memref<128xi32, #tpu.memory_space<vmem>>
      %dma_wait3A_245 = arith.constant 0 : i32
      %dma_wait3A_246 = arith.constant 0 : i32
      %dma_wait3A_247 = tpu.memref_slice %arg2[%arg0, %dma_wait3A_245, %dma_wait3A_246] : memref<2x10000x64xf32, #tpu.memory_space<hbm>> -> memref<1x10000x64xf32, #tpu.memory_space<hbm>>
      %dma_wait3A_248 = tpu.memref_squeeze %dma_wait3A_247 : memref<1x10000x64xf32, #tpu.memory_space<hbm>> -> memref<10000x64xf32, #tpu.memory_space<hbm>>
      %dma_wait3A_249 = arith.constant 0 : i32
      %dma_wait3A_250 = arith.constant 0 : i32
      %dma_wait3A_251 = tpu.memref_slice %dma_wait3A_248[%dma_wait3A_249, %dma_wait3A_250] : memref<10000x64xf32, #tpu.memory_space<hbm>> -> memref<10000x64xf32, #tpu.memory_space<hbm>>
      tpu.wait_indirect_dma semaphore(%arg11 : memref<!tpu.dma_semaphore, #tpu.memory_space<semaphore_mem>>) src(%dma_wait3A_251 : memref<10000x64xf32, #tpu.memory_space<hbm>>) dst(%dma_wait3A_241 : memref<128x64xf32, #tpu.memory_space<vmem>>)
      %add3A_252 = arith.constant 1 : i32
      %add3A_253 = arith.addi %mul3A_234, %add3A_252 : i32
      %dma_wait3A_254 = arith.constant 128 : i32
      %dma_wait3A_255 = arith.constant 0 : i32
      %dma_wait3A_256 = tpu.memref_slice %arg8[%dma_wait3A_254, %dma_wait3A_255] : memref<512x64xf32, #tpu.memory_space<vmem>> -> memref<128x64xf32, #tpu.memory_space<vmem>>
      %dma_wait3A_257 = arith.constant 0 : i32
      %dma_wait3A_258 = tpu.memref_slice %arg6[%add3A_253, %dma_wait3A_257] : memref<80x128xi32, #tpu.memory_space<vmem>> -> memref<1x128xi32, #tpu.memory_space<vmem>>
      %dma_wait3A_259 = tpu.memref_squeeze %dma_wait3A_258 : memref<1x128xi32, #tpu.memory_space<vmem>> -> memref<128xi32, #tpu.memory_space<vmem>>
      %dma_wait3A_260 = arith.constant 0 : i32
      %dma_wait3A_261 = arith.constant 0 : i32
      %dma_wait3A_262 = tpu.memref_slice %arg2[%arg0, %dma_wait3A_260, %dma_wait3A_261] : memref<2x10000x64xf32, #tpu.memory_space<hbm>> -> memref<1x10000x64xf32, #tpu.memory_space<hbm>>
      %dma_wait3A_263 = tpu.memref_squeeze %dma_wait3A_262 : memref<1x10000x64xf32, #tpu.memory_space<hbm>> -> memref<10000x64xf32, #tpu.memory_space<hbm>>
      %dma_wait3A_264 = arith.constant 0 : i32
      %dma_wait3A_265 = arith.constant 0 : i32
      %dma_wait3A_266 = tpu.memref_slice %dma_wait3A_263[%dma_wait3A_264, %dma_wait3A_265] : memref<10000x64xf32, #tpu.memory_space<hbm>> -> memref<10000x64xf32, #tpu.memory_space<hbm>>
      tpu.wait_indirect_dma semaphore(%arg11 : memref<!tpu.dma_semaphore, #tpu.memory_space<semaphore_mem>>) src(%dma_wait3A_266 : memref<10000x64xf32, #tpu.memory_space<hbm>>) dst(%dma_wait3A_256 : memref<128x64xf32, #tpu.memory_space<vmem>>)
      %add3A_267 = arith.constant 2 : i32
      %add3A_268 = arith.addi %mul3A_234, %add3A_267 : i32
      %dma_wait3A_269 = arith.constant 256 : i32
      %dma_wait3A_270 = arith.constant 0 : i32
      %dma_wait3A_271 = tpu.memref_slice %arg8[%dma_wait3A_269, %dma_wait3A_270] : memref<512x64xf32, #tpu.memory_space<vmem>> -> memref<128x64xf32, #tpu.memory_space<vmem>>
      %dma_wait3A_272 = arith.constant 0 : i32
      %dma_wait3A_273 = tpu.memref_slice %arg6[%add3A_268, %dma_wait3A_272] : memref<80x128xi32, #tpu.memory_space<vmem>> -> memref<1x128xi32, #tpu.memory_space<vmem>>
      %dma_wait3A_274 = tpu.memref_squeeze %dma_wait3A_273 : memref<1x128xi32, #tpu.memory_space<vmem>> -> memref<128xi32, #tpu.memory_space<vmem>>
      %dma_wait3A_275 = arith.constant 0 : i32
      %dma_wait3A_276 = arith.constant 0 : i32
      %dma_wait3A_277 = tpu.memref_slice %arg2[%arg0, %dma_wait3A_275, %dma_wait3A_276] : memref<2x10000x64xf32, #tpu.memory_space<hbm>> -> memref<1x10000x64xf32, #tpu.memory_space<hbm>>
      %dma_wait3A_278 = tpu.memref_squeeze %dma_wait3A_277 : memref<1x10000x64xf32, #tpu.memory_space<hbm>> -> memref<10000x64xf32, #tpu.memory_space<hbm>>
      %dma_wait3A_279 = arith.constant 0 : i32
      %dma_wait3A_280 = arith.constant 0 : i32
      %dma_wait3A_281 = tpu.memref_slice %dma_wait3A_278[%dma_wait3A_279, %dma_wait3A_280] : memref<10000x64xf32, #tpu.memory_space<hbm>> -> memref<10000x64xf32, #tpu.memory_space<hbm>>
      tpu.wait_indirect_dma semaphore(%arg11 : memref<!tpu.dma_semaphore, #tpu.memory_space<semaphore_mem>>) src(%dma_wait3A_281 : memref<10000x64xf32, #tpu.memory_space<hbm>>) dst(%dma_wait3A_271 : memref<128x64xf32, #tpu.memory_space<vmem>>)
      %add3A_282 = arith.constant 3 : i32
      %add3A_283 = arith.addi %mul3A_234, %add3A_282 : i32
      %dma_wait3A_284 = arith.constant 384 : i32
      %dma_wait3A_285 = arith.constant 0 : i32
      %dma_wait3A_286 = tpu.memref_slice %arg8[%dma_wait3A_284, %dma_wait3A_285] : memref<512x64xf32, #tpu.memory_space<vmem>> -> memref<128x64xf32, #tpu.memory_space<vmem>>
      %dma_wait3A_287 = arith.constant 0 : i32
      %dma_wait3A_288 = tpu.memref_slice %arg6[%add3A_283, %dma_wait3A_287] : memref<80x128xi32, #tpu.memory_space<vmem>> -> memref<1x128xi32, #tpu.memory_space<vmem>>
      %dma_wait3A_289 = tpu.memref_squeeze %dma_wait3A_288 : memref<1x128xi32, #tpu.memory_space<vmem>> -> memref<128xi32, #tpu.memory_space<vmem>>
      %dma_wait3A_290 = arith.constant 0 : i32
      %dma_wait3A_291 = arith.constant 0 : i32
      %dma_wait3A_292 = tpu.memref_slice %arg2[%arg0, %dma_wait3A_290, %dma_wait3A_291] : memref<2x10000x64xf32, #tpu.memory_space<hbm>> -> memref<1x10000x64xf32, #tpu.memory_space<hbm>>
      %dma_wait3A_293 = tpu.memref_squeeze %dma_wait3A_292 : memref<1x10000x64xf32, #tpu.memory_space<hbm>> -> memref<10000x64xf32, #tpu.memory_space<hbm>>
      %dma_wait3A_294 = arith.constant 0 : i32
      %dma_wait3A_295 = arith.constant 0 : i32
      %dma_wait3A_296 = tpu.memref_slice %dma_wait3A_293[%dma_wait3A_294, %dma_wait3A_295] : memref<10000x64xf32, #tpu.memory_space<hbm>> -> memref<10000x64xf32, #tpu.memory_space<hbm>>
      tpu.wait_indirect_dma semaphore(%arg11 : memref<!tpu.dma_semaphore, #tpu.memory_space<semaphore_mem>>) src(%dma_wait3A_296 : memref<10000x64xf32, #tpu.memory_space<hbm>>) dst(%dma_wait3A_286 : memref<128x64xf32, #tpu.memory_space<vmem>>)
      %add3A_297 = arith.constant 0 : i32
      %add3A_298 = arith.addi %mul3A_234, %add3A_297 : i32
      %dma_start3A_299 = arith.constant 0 : i32
      %dma_start3A_300 = arith.constant 0 : i32
      %dma_start3A_301 = tpu.memref_slice %arg8[%dma_start3A_299, %dma_start3A_300] : memref<512x64xf32, #tpu.memory_space<vmem>> -> memref<128x64xf32, #tpu.memory_space<vmem>>
      %dma_start3A_302 = arith.constant 0 : i32
      %dma_start3A_303 = tpu.memref_slice %arg7[%add3A_298, %dma_start3A_302] : memref<80x128xi32, #tpu.memory_space<vmem>> -> memref<1x128xi32, #tpu.memory_space<vmem>>
      %dma_start3A_304 = tpu.memref_squeeze %dma_start3A_303 : memref<1x128xi32, #tpu.memory_space<vmem>> -> memref<128xi32, #tpu.memory_space<vmem>>
      %dma_start3A_305 = arith.constant 0 : i32
      %dma_start3A_306 = arith.constant 0 : i32
      %dma_start3A_307 = tpu.memref_slice %arg10[%dma_start3A_305, %dma_start3A_306] : memref<10240x64xf32, #tpu.memory_space<vmem_shared>> -> memref<10240x64xf32, #tpu.memory_space<vmem_shared>>
      tpu.enqueue_indirect_dma source(%dma_start3A_301 : memref<128x64xf32, #tpu.memory_space<vmem>>) target(%dma_start3A_307 : memref<10240x64xf32, #tpu.memory_space<vmem_shared>>) offsets(%dma_start3A_304 : memref<128xi32, #tpu.memory_space<vmem>>) semaphore(%arg13 : memref<!tpu.dma_semaphore, #tpu.memory_space<semaphore_mem>>) {add = true}
      %add3A_308 = arith.constant 1 : i32
      %add3A_309 = arith.addi %mul3A_234, %add3A_308 : i32
      %dma_start3A_310 = arith.constant 128 : i32
      %dma_start3A_311 = arith.constant 0 : i32
      %dma_start3A_312 = tpu.memref_slice %arg8[%dma_start3A_310, %dma_start3A_311] : memref<512x64xf32, #tpu.memory_space<vmem>> -> memref<128x64xf32, #tpu.memory_space<vmem>>
      %dma_start3A_313 = arith.constant 0 : i32
      %dma_start3A_314 = tpu.memref_slice %arg7[%add3A_309, %dma_start3A_313] : memref<80x128xi32, #tpu.memory_space<vmem>> -> memref<1x128xi32, #tpu.memory_space<vmem>>
      %dma_start3A_315 = tpu.memref_squeeze %dma_start3A_314 : memref<1x128xi32, #tpu.memory_space<vmem>> -> memref<128xi32, #tpu.memory_space<vmem>>
      %dma_start3A_316 = arith.constant 0 : i32
      %dma_start3A_317 = arith.constant 0 : i32
      %dma_start3A_318 = tpu.memref_slice %arg10[%dma_start3A_316, %dma_start3A_317] : memref<10240x64xf32, #tpu.memory_space<vmem_shared>> -> memref<10240x64xf32, #tpu.memory_space<vmem_shared>>
      tpu.enqueue_indirect_dma source(%dma_start3A_312 : memref<128x64xf32, #tpu.memory_space<vmem>>) target(%dma_start3A_318 : memref<10240x64xf32, #tpu.memory_space<vmem_shared>>) offsets(%dma_start3A_315 : memref<128xi32, #tpu.memory_space<vmem>>) semaphore(%arg13 : memref<!tpu.dma_semaphore, #tpu.memory_space<semaphore_mem>>) {add = true}
      %add3A_319 = arith.constant 2 : i32
      %add3A_320 = arith.addi %mul3A_234, %add3A_319 : i32
      %dma_start3A_321 = arith.constant 256 : i32
      %dma_start3A_322 = arith.constant 0 : i32
      %dma_start3A_323 = tpu.memref_slice %arg8[%dma_start3A_321, %dma_start3A_322] : memref<512x64xf32, #tpu.memory_space<vmem>> -> memref<128x64xf32, #tpu.memory_space<vmem>>
      %dma_start3A_324 = arith.constant 0 : i32
      %dma_start3A_325 = tpu.memref_slice %arg7[%add3A_320, %dma_start3A_324] : memref<80x128xi32, #tpu.memory_space<vmem>> -> memref<1x128xi32, #tpu.memory_space<vmem>>
      %dma_start3A_326 = tpu.memref_squeeze %dma_start3A_325 : memref<1x128xi32, #tpu.memory_space<vmem>> -> memref<128xi32, #tpu.memory_space<vmem>>
      %dma_start3A_327 = arith.constant 0 : i32
      %dma_start3A_328 = arith.constant 0 : i32
      %dma_start3A_329 = tpu.memref_slice %arg10[%dma_start3A_327, %dma_start3A_328] : memref<10240x64xf32, #tpu.memory_space<vmem_shared>> -> memref<10240x64xf32, #tpu.memory_space<vmem_shared>>
      tpu.enqueue_indirect_dma source(%dma_start3A_323 : memref<128x64xf32, #tpu.memory_space<vmem>>) target(%dma_start3A_329 : memref<10240x64xf32, #tpu.memory_space<vmem_shared>>) offsets(%dma_start3A_326 : memref<128xi32, #tpu.memory_space<vmem>>) semaphore(%arg13 : memref<!tpu.dma_semaphore, #tpu.memory_space<semaphore_mem>>) {add = true}
      %add3A_330 = arith.constant 3 : i32
      %add3A_331 = arith.addi %mul3A_234, %add3A_330 : i32
      %dma_start3A_332 = arith.constant 384 : i32
      %dma_start3A_333 = arith.constant 0 : i32
      %dma_start3A_334 = tpu.memref_slice %arg8[%dma_start3A_332, %dma_start3A_333] : memref<512x64xf32, #tpu.memory_space<vmem>> -> memref<128x64xf32, #tpu.memory_space<vmem>>
      %dma_start3A_335 = arith.constant 0 : i32
      %dma_start3A_336 = tpu.memref_slice %arg7[%add3A_331, %dma_start3A_335] : memref<80x128xi32, #tpu.memory_space<vmem>> -> memref<1x128xi32, #tpu.memory_space<vmem>>
      %dma_start3A_337 = tpu.memref_squeeze %dma_start3A_336 : memref<1x128xi32, #tpu.memory_space<vmem>> -> memref<128xi32, #tpu.memory_space<vmem>>
      %dma_start3A_338 = arith.constant 0 : i32
      %dma_start3A_339 = arith.constant 0 : i32
      %dma_start3A_340 = tpu.memref_slice %arg10[%dma_start3A_338, %dma_start3A_339] : memref<10240x64xf32, #tpu.memory_space<vmem_shared>> -> memref<10240x64xf32, #tpu.memory_space<vmem_shared>>
      tpu.enqueue_indirect_dma source(%dma_start3A_334 : memref<128x64xf32, #tpu.memory_space<vmem>>) target(%dma_start3A_340 : memref<10240x64xf32, #tpu.memory_space<vmem_shared>>) offsets(%dma_start3A_337 : memref<128xi32, #tpu.memory_space<vmem>>) semaphore(%arg13 : memref<!tpu.dma_semaphore, #tpu.memory_space<semaphore_mem>>) {add = true}
      %gt3A = arith.constant 0 : i32
      %gt3A_341 = arith.cmpi sgt, %add3A_232, %gt3A : i32
      %convert_element_type3A = arith.extui %gt3A_341 : i1 to i32
      %cond3A = arith.constant 0 : i32
      %cond3A_342 = arith.cmpi ne, %convert_element_type3A, %cond3A : i32
      scf.if %cond3A_342 {
        %sub3A = arith.constant 4 : i32
        %sub3A_555 = arith.subi %mul3A_234, %sub3A : i32
        %add3A_556 = arith.constant 0 : i32
        %add3A_557 = arith.addi %sub3A_555, %add3A_556 : i32
        %dma_wait3A_558 = arith.constant 0 : i32
        %dma_wait3A_559 = arith.constant 0 : i32
        %dma_wait3A_560 = tpu.memref_slice %arg9[%dma_wait3A_558, %dma_wait3A_559] : memref<512x64xf32, #tpu.memory_space<vmem>> -> memref<128x64xf32, #tpu.memory_space<vmem>>
        %dma_wait3A_561 = arith.constant 0 : i32
        %dma_wait3A_562 = tpu.memref_slice %arg7[%add3A_557, %dma_wait3A_561] : memref<80x128xi32, #tpu.memory_space<vmem>> -> memref<1x128xi32, #tpu.memory_space<vmem>>
        %dma_wait3A_563 = tpu.memref_squeeze %dma_wait3A_562 : memref<1x128xi32, #tpu.memory_space<vmem>> -> memref<128xi32, #tpu.memory_space<vmem>>
        %dma_wait3A_564 = arith.constant 0 : i32
        %dma_wait3A_565 = arith.constant 0 : i32
        %dma_wait3A_566 = tpu.memref_slice %arg10[%dma_wait3A_564, %dma_wait3A_565] : memref<10240x64xf32, #tpu.memory_space<vmem_shared>> -> memref<10240x64xf32, #tpu.memory_space<vmem_shared>>
        tpu.wait_indirect_dma semaphore(%arg14 : memref<!tpu.dma_semaphore, #tpu.memory_space<semaphore_mem>>) src(%dma_wait3A_560 : memref<128x64xf32, #tpu.memory_space<vmem>>) dst(%dma_wait3A_566 : memref<10240x64xf32, #tpu.memory_space<vmem_shared>>)
        %add3A_567 = arith.constant 1 : i32
        %add3A_568 = arith.addi %sub3A_555, %add3A_567 : i32
        %dma_wait3A_569 = arith.constant 128 : i32
        %dma_wait3A_570 = arith.constant 0 : i32
        %dma_wait3A_571 = tpu.memref_slice %arg9[%dma_wait3A_569, %dma_wait3A_570] : memref<512x64xf32, #tpu.memory_space<vmem>> -> memref<128x64xf32, #tpu.memory_space<vmem>>
        %dma_wait3A_572 = arith.constant 0 : i32
        %dma_wait3A_573 = tpu.memref_slice %arg7[%add3A_568, %dma_wait3A_572] : memref<80x128xi32, #tpu.memory_space<vmem>> -> memref<1x128xi32, #tpu.memory_space<vmem>>
        %dma_wait3A_574 = tpu.memref_squeeze %dma_wait3A_573 : memref<1x128xi32, #tpu.memory_space<vmem>> -> memref<128xi32, #tpu.memory_space<vmem>>
        %dma_wait3A_575 = arith.constant 0 : i32
        %dma_wait3A_576 = arith.constant 0 : i32
        %dma_wait3A_577 = tpu.memref_slice %arg10[%dma_wait3A_575, %dma_wait3A_576] : memref<10240x64xf32, #tpu.memory_space<vmem_shared>> -> memref<10240x64xf32, #tpu.memory_space<vmem_shared>>
        tpu.wait_indirect_dma semaphore(%arg14 : memref<!tpu.dma_semaphore, #tpu.memory_space<semaphore_mem>>) src(%dma_wait3A_571 : memref<128x64xf32, #tpu.memory_space<vmem>>) dst(%dma_wait3A_577 : memref<10240x64xf32, #tpu.memory_space<vmem_shared>>)
        %add3A_578 = arith.constant 2 : i32
        %add3A_579 = arith.addi %sub3A_555, %add3A_578 : i32
        %dma_wait3A_580 = arith.constant 256 : i32
        %dma_wait3A_581 = arith.constant 0 : i32
        %dma_wait3A_582 = tpu.memref_slice %arg9[%dma_wait3A_580, %dma_wait3A_581] : memref<512x64xf32, #tpu.memory_space<vmem>> -> memref<128x64xf32, #tpu.memory_space<vmem>>
        %dma_wait3A_583 = arith.constant 0 : i32
        %dma_wait3A_584 = tpu.memref_slice %arg7[%add3A_579, %dma_wait3A_583] : memref<80x128xi32, #tpu.memory_space<vmem>> -> memref<1x128xi32, #tpu.memory_space<vmem>>
        %dma_wait3A_585 = tpu.memref_squeeze %dma_wait3A_584 : memref<1x128xi32, #tpu.memory_space<vmem>> -> memref<128xi32, #tpu.memory_space<vmem>>
        %dma_wait3A_586 = arith.constant 0 : i32
        %dma_wait3A_587 = arith.constant 0 : i32
        %dma_wait3A_588 = tpu.memref_slice %arg10[%dma_wait3A_586, %dma_wait3A_587] : memref<10240x64xf32, #tpu.memory_space<vmem_shared>> -> memref<10240x64xf32, #tpu.memory_space<vmem_shared>>
        tpu.wait_indirect_dma semaphore(%arg14 : memref<!tpu.dma_semaphore, #tpu.memory_space<semaphore_mem>>) src(%dma_wait3A_582 : memref<128x64xf32, #tpu.memory_space<vmem>>) dst(%dma_wait3A_588 : memref<10240x64xf32, #tpu.memory_space<vmem_shared>>)
        %add3A_589 = arith.constant 3 : i32
        %add3A_590 = arith.addi %sub3A_555, %add3A_589 : i32
        %dma_wait3A_591 = arith.constant 384 : i32
        %dma_wait3A_592 = arith.constant 0 : i32
        %dma_wait3A_593 = tpu.memref_slice %arg9[%dma_wait3A_591, %dma_wait3A_592] : memref<512x64xf32, #tpu.memory_space<vmem>> -> memref<128x64xf32, #tpu.memory_space<vmem>>
        %dma_wait3A_594 = arith.constant 0 : i32
        %dma_wait3A_595 = tpu.memref_slice %arg7[%add3A_590, %dma_wait3A_594] : memref<80x128xi32, #tpu.memory_space<vmem>> -> memref<1x128xi32, #tpu.memory_space<vmem>>
        %dma_wait3A_596 = tpu.memref_squeeze %dma_wait3A_595 : memref<1x128xi32, #tpu.memory_space<vmem>> -> memref<128xi32, #tpu.memory_space<vmem>>
        %dma_wait3A_597 = arith.constant 0 : i32
        %dma_wait3A_598 = arith.constant 0 : i32
        %dma_wait3A_599 = tpu.memref_slice %arg10[%dma_wait3A_597, %dma_wait3A_598] : memref<10240x64xf32, #tpu.memory_space<vmem_shared>> -> memref<10240x64xf32, #tpu.memory_space<vmem_shared>>
        tpu.wait_indirect_dma semaphore(%arg14 : memref<!tpu.dma_semaphore, #tpu.memory_space<semaphore_mem>>) src(%dma_wait3A_593 : memref<128x64xf32, #tpu.memory_space<vmem>>) dst(%dma_wait3A_599 : memref<10240x64xf32, #tpu.memory_space<vmem_shared>>)
      } else {
      }
      %add3A_343 = arith.constant 0 : i32
      %add3A_344 = arith.addi %add3A_236, %add3A_343 : i32
      %dma_start3A_345 = arith.constant 0 : i32
      %dma_start3A_346 = arith.constant 0 : i32
      %dma_start3A_347 = tpu.memref_slice %arg9[%dma_start3A_345, %dma_start3A_346] : memref<512x64xf32, #tpu.memory_space<vmem>> -> memref<128x64xf32, #tpu.memory_space<vmem>>
      %dma_start3A_348 = arith.constant 0 : i32
      %dma_start3A_349 = tpu.memref_slice %arg6[%add3A_344, %dma_start3A_348] : memref<80x128xi32, #tpu.memory_space<vmem>> -> memref<1x128xi32, #tpu.memory_space<vmem>>
      %dma_start3A_350 = tpu.memref_squeeze %dma_start3A_349 : memref<1x128xi32, #tpu.memory_space<vmem>> -> memref<128xi32, #tpu.memory_space<vmem>>
      %dma_start3A_351 = arith.constant 0 : i32
      %dma_start3A_352 = arith.constant 0 : i32
      %dma_start3A_353 = tpu.memref_slice %arg2[%arg0, %dma_start3A_351, %dma_start3A_352] : memref<2x10000x64xf32, #tpu.memory_space<hbm>> -> memref<1x10000x64xf32, #tpu.memory_space<hbm>>
      %dma_start3A_354 = tpu.memref_squeeze %dma_start3A_353 : memref<1x10000x64xf32, #tpu.memory_space<hbm>> -> memref<10000x64xf32, #tpu.memory_space<hbm>>
      %dma_start3A_355 = arith.constant 0 : i32
      %dma_start3A_356 = arith.constant 0 : i32
      %dma_start3A_357 = tpu.memref_slice %dma_start3A_354[%dma_start3A_355, %dma_start3A_356] : memref<10000x64xf32, #tpu.memory_space<hbm>> -> memref<10000x64xf32, #tpu.memory_space<hbm>>
      tpu.enqueue_indirect_dma source(%dma_start3A_357 : memref<10000x64xf32, #tpu.memory_space<hbm>>) target(%dma_start3A_347 : memref<128x64xf32, #tpu.memory_space<vmem>>) offsets(%dma_start3A_350 : memref<128xi32, #tpu.memory_space<vmem>>) semaphore(%arg12 : memref<!tpu.dma_semaphore, #tpu.memory_space<semaphore_mem>>)
      %add3A_358 = arith.constant 1 : i32
      %add3A_359 = arith.addi %add3A_236, %add3A_358 : i32
      %dma_start3A_360 = arith.constant 128 : i32
      %dma_start3A_361 = arith.constant 0 : i32
      %dma_start3A_362 = tpu.memref_slice %arg9[%dma_start3A_360, %dma_start3A_361] : memref<512x64xf32, #tpu.memory_space<vmem>> -> memref<128x64xf32, #tpu.memory_space<vmem>>
      %dma_start3A_363 = arith.constant 0 : i32
      %dma_start3A_364 = tpu.memref_slice %arg6[%add3A_359, %dma_start3A_363] : memref<80x128xi32, #tpu.memory_space<vmem>> -> memref<1x128xi32, #tpu.memory_space<vmem>>
      %dma_start3A_365 = tpu.memref_squeeze %dma_start3A_364 : memref<1x128xi32, #tpu.memory_space<vmem>> -> memref<128xi32, #tpu.memory_space<vmem>>
      %dma_start3A_366 = arith.constant 0 : i32
      %dma_start3A_367 = arith.constant 0 : i32
      %dma_start3A_368 = tpu.memref_slice %arg2[%arg0, %dma_start3A_366, %dma_start3A_367] : memref<2x10000x64xf32, #tpu.memory_space<hbm>> -> memref<1x10000x64xf32, #tpu.memory_space<hbm>>
      %dma_start3A_369 = tpu.memref_squeeze %dma_start3A_368 : memref<1x10000x64xf32, #tpu.memory_space<hbm>> -> memref<10000x64xf32, #tpu.memory_space<hbm>>
      %dma_start3A_370 = arith.constant 0 : i32
      %dma_start3A_371 = arith.constant 0 : i32
      %dma_start3A_372 = tpu.memref_slice %dma_start3A_369[%dma_start3A_370, %dma_start3A_371] : memref<10000x64xf32, #tpu.memory_space<hbm>> -> memref<10000x64xf32, #tpu.memory_space<hbm>>
      tpu.enqueue_indirect_dma source(%dma_start3A_372 : memref<10000x64xf32, #tpu.memory_space<hbm>>) target(%dma_start3A_362 : memref<128x64xf32, #tpu.memory_space<vmem>>) offsets(%dma_start3A_365 : memref<128xi32, #tpu.memory_space<vmem>>) semaphore(%arg12 : memref<!tpu.dma_semaphore, #tpu.memory_space<semaphore_mem>>)
      %add3A_373 = arith.constant 2 : i32
      %add3A_374 = arith.addi %add3A_236, %add3A_373 : i32
      %dma_start3A_375 = arith.constant 256 : i32
      %dma_start3A_376 = arith.constant 0 : i32
      %dma_start3A_377 = tpu.memref_slice %arg9[%dma_start3A_375, %dma_start3A_376] : memref<512x64xf32, #tpu.memory_space<vmem>> -> memref<128x64xf32, #tpu.memory_space<vmem>>
      %dma_start3A_378 = arith.constant 0 : i32
      %dma_start3A_379 = tpu.memref_slice %arg6[%add3A_374, %dma_start3A_378] : memref<80x128xi32, #tpu.memory_space<vmem>> -> memref<1x128xi32, #tpu.memory_space<vmem>>
      %dma_start3A_380 = tpu.memref_squeeze %dma_start3A_379 : memref<1x128xi32, #tpu.memory_space<vmem>> -> memref<128xi32, #tpu.memory_space<vmem>>
      %dma_start3A_381 = arith.constant 0 : i32
      %dma_start3A_382 = arith.constant 0 : i32
      %dma_start3A_383 = tpu.memref_slice %arg2[%arg0, %dma_start3A_381, %dma_start3A_382] : memref<2x10000x64xf32, #tpu.memory_space<hbm>> -> memref<1x10000x64xf32, #tpu.memory_space<hbm>>
      %dma_start3A_384 = tpu.memref_squeeze %dma_start3A_383 : memref<1x10000x64xf32, #tpu.memory_space<hbm>> -> memref<10000x64xf32, #tpu.memory_space<hbm>>
      %dma_start3A_385 = arith.constant 0 : i32
      %dma_start3A_386 = arith.constant 0 : i32
      %dma_start3A_387 = tpu.memref_slice %dma_start3A_384[%dma_start3A_385, %dma_start3A_386] : memref<10000x64xf32, #tpu.memory_space<hbm>> -> memref<10000x64xf32, #tpu.memory_space<hbm>>
      tpu.enqueue_indirect_dma source(%dma_start3A_387 : memref<10000x64xf32, #tpu.memory_space<hbm>>) target(%dma_start3A_377 : memref<128x64xf32, #tpu.memory_space<vmem>>) offsets(%dma_start3A_380 : memref<128xi32, #tpu.memory_space<vmem>>) semaphore(%arg12 : memref<!tpu.dma_semaphore, #tpu.memory_space<semaphore_mem>>)
      %add3A_388 = arith.constant 3 : i32
      %add3A_389 = arith.addi %add3A_236, %add3A_388 : i32
      %dma_start3A_390 = arith.constant 384 : i32
      %dma_start3A_391 = arith.constant 0 : i32
      %dma_start3A_392 = tpu.memref_slice %arg9[%dma_start3A_390, %dma_start3A_391] : memref<512x64xf32, #tpu.memory_space<vmem>> -> memref<128x64xf32, #tpu.memory_space<vmem>>
      %dma_start3A_393 = arith.constant 0 : i32
      %dma_start3A_394 = tpu.memref_slice %arg6[%add3A_389, %dma_start3A_393] : memref<80x128xi32, #tpu.memory_space<vmem>> -> memref<1x128xi32, #tpu.memory_space<vmem>>
      %dma_start3A_395 = tpu.memref_squeeze %dma_start3A_394 : memref<1x128xi32, #tpu.memory_space<vmem>> -> memref<128xi32, #tpu.memory_space<vmem>>
      %dma_start3A_396 = arith.constant 0 : i32
      %dma_start3A_397 = arith.constant 0 : i32
      %dma_start3A_398 = tpu.memref_slice %arg2[%arg0, %dma_start3A_396, %dma_start3A_397] : memref<2x10000x64xf32, #tpu.memory_space<hbm>> -> memref<1x10000x64xf32, #tpu.memory_space<hbm>>
      %dma_start3A_399 = tpu.memref_squeeze %dma_start3A_398 : memref<1x10000x64xf32, #tpu.memory_space<hbm>> -> memref<10000x64xf32, #tpu.memory_space<hbm>>
      %dma_start3A_400 = arith.constant 0 : i32
      %dma_start3A_401 = arith.constant 0 : i32
      %dma_start3A_402 = tpu.memref_slice %dma_start3A_399[%dma_start3A_400, %dma_start3A_401] : memref<10000x64xf32, #tpu.memory_space<hbm>> -> memref<10000x64xf32, #tpu.memory_space<hbm>>
      tpu.enqueue_indirect_dma source(%dma_start3A_402 : memref<10000x64xf32, #tpu.memory_space<hbm>>) target(%dma_start3A_392 : memref<128x64xf32, #tpu.memory_space<vmem>>) offsets(%dma_start3A_395 : memref<128xi32, #tpu.memory_space<vmem>>) semaphore(%arg12 : memref<!tpu.dma_semaphore, #tpu.memory_space<semaphore_mem>>)
      %add3A_403 = arith.constant 0 : i32
      %add3A_404 = arith.addi %add3A_236, %add3A_403 : i32
      %dma_wait3A_405 = arith.constant 0 : i32
      %dma_wait3A_406 = arith.constant 0 : i32
      %dma_wait3A_407 = tpu.memref_slice %arg9[%dma_wait3A_405, %dma_wait3A_406] : memref<512x64xf32, #tpu.memory_space<vmem>> -> memref<128x64xf32, #tpu.memory_space<vmem>>
      %dma_wait3A_408 = arith.constant 0 : i32
      %dma_wait3A_409 = tpu.memref_slice %arg6[%add3A_404, %dma_wait3A_408] : memref<80x128xi32, #tpu.memory_space<vmem>> -> memref<1x128xi32, #tpu.memory_space<vmem>>
      %dma_wait3A_410 = tpu.memref_squeeze %dma_wait3A_409 : memref<1x128xi32, #tpu.memory_space<vmem>> -> memref<128xi32, #tpu.memory_space<vmem>>
      %dma_wait3A_411 = arith.constant 0 : i32
      %dma_wait3A_412 = arith.constant 0 : i32
      %dma_wait3A_413 = tpu.memref_slice %arg2[%arg0, %dma_wait3A_411, %dma_wait3A_412] : memref<2x10000x64xf32, #tpu.memory_space<hbm>> -> memref<1x10000x64xf32, #tpu.memory_space<hbm>>
      %dma_wait3A_414 = tpu.memref_squeeze %dma_wait3A_413 : memref<1x10000x64xf32, #tpu.memory_space<hbm>> -> memref<10000x64xf32, #tpu.memory_space<hbm>>
      %dma_wait3A_415 = arith.constant 0 : i32
      %dma_wait3A_416 = arith.constant 0 : i32
      %dma_wait3A_417 = tpu.memref_slice %dma_wait3A_414[%dma_wait3A_415, %dma_wait3A_416] : memref<10000x64xf32, #tpu.memory_space<hbm>> -> memref<10000x64xf32, #tpu.memory_space<hbm>>
      tpu.wait_indirect_dma semaphore(%arg12 : memref<!tpu.dma_semaphore, #tpu.memory_space<semaphore_mem>>) src(%dma_wait3A_417 : memref<10000x64xf32, #tpu.memory_space<hbm>>) dst(%dma_wait3A_407 : memref<128x64xf32, #tpu.memory_space<vmem>>)
      %add3A_418 = arith.constant 1 : i32
      %add3A_419 = arith.addi %add3A_236, %add3A_418 : i32
      %dma_wait3A_420 = arith.constant 128 : i32
      %dma_wait3A_421 = arith.constant 0 : i32
      %dma_wait3A_422 = tpu.memref_slice %arg9[%dma_wait3A_420, %dma_wait3A_421] : memref<512x64xf32, #tpu.memory_space<vmem>> -> memref<128x64xf32, #tpu.memory_space<vmem>>
      %dma_wait3A_423 = arith.constant 0 : i32
      %dma_wait3A_424 = tpu.memref_slice %arg6[%add3A_419, %dma_wait3A_423] : memref<80x128xi32, #tpu.memory_space<vmem>> -> memref<1x128xi32, #tpu.memory_space<vmem>>
      %dma_wait3A_425 = tpu.memref_squeeze %dma_wait3A_424 : memref<1x128xi32, #tpu.memory_space<vmem>> -> memref<128xi32, #tpu.memory_space<vmem>>
      %dma_wait3A_426 = arith.constant 0 : i32
      %dma_wait3A_427 = arith.constant 0 : i32
      %dma_wait3A_428 = tpu.memref_slice %arg2[%arg0, %dma_wait3A_426, %dma_wait3A_427] : memref<2x10000x64xf32, #tpu.memory_space<hbm>> -> memref<1x10000x64xf32, #tpu.memory_space<hbm>>
      %dma_wait3A_429 = tpu.memref_squeeze %dma_wait3A_428 : memref<1x10000x64xf32, #tpu.memory_space<hbm>> -> memref<10000x64xf32, #tpu.memory_space<hbm>>
      %dma_wait3A_430 = arith.constant 0 : i32
      %dma_wait3A_431 = arith.constant 0 : i32
      %dma_wait3A_432 = tpu.memref_slice %dma_wait3A_429[%dma_wait3A_430, %dma_wait3A_431] : memref<10000x64xf32, #tpu.memory_space<hbm>> -> memref<10000x64xf32, #tpu.memory_space<hbm>>
      tpu.wait_indirect_dma semaphore(%arg12 : memref<!tpu.dma_semaphore, #tpu.memory_space<semaphore_mem>>) src(%dma_wait3A_432 : memref<10000x64xf32, #tpu.memory_space<hbm>>) dst(%dma_wait3A_422 : memref<128x64xf32, #tpu.memory_space<vmem>>)
      %add3A_433 = arith.constant 2 : i32
      %add3A_434 = arith.addi %add3A_236, %add3A_433 : i32
      %dma_wait3A_435 = arith.constant 256 : i32
      %dma_wait3A_436 = arith.constant 0 : i32
      %dma_wait3A_437 = tpu.memref_slice %arg9[%dma_wait3A_435, %dma_wait3A_436] : memref<512x64xf32, #tpu.memory_space<vmem>> -> memref<128x64xf32, #tpu.memory_space<vmem>>
      %dma_wait3A_438 = arith.constant 0 : i32
      %dma_wait3A_439 = tpu.memref_slice %arg6[%add3A_434, %dma_wait3A_438] : memref<80x128xi32, #tpu.memory_space<vmem>> -> memref<1x128xi32, #tpu.memory_space<vmem>>
      %dma_wait3A_440 = tpu.memref_squeeze %dma_wait3A_439 : memref<1x128xi32, #tpu.memory_space<vmem>> -> memref<128xi32, #tpu.memory_space<vmem>>
      %dma_wait3A_441 = arith.constant 0 : i32
      %dma_wait3A_442 = arith.constant 0 : i32
      %dma_wait3A_443 = tpu.memref_slice %arg2[%arg0, %dma_wait3A_441, %dma_wait3A_442] : memref<2x10000x64xf32, #tpu.memory_space<hbm>> -> memref<1x10000x64xf32, #tpu.memory_space<hbm>>
      %dma_wait3A_444 = tpu.memref_squeeze %dma_wait3A_443 : memref<1x10000x64xf32, #tpu.memory_space<hbm>> -> memref<10000x64xf32, #tpu.memory_space<hbm>>
      %dma_wait3A_445 = arith.constant 0 : i32
      %dma_wait3A_446 = arith.constant 0 : i32
      %dma_wait3A_447 = tpu.memref_slice %dma_wait3A_444[%dma_wait3A_445, %dma_wait3A_446] : memref<10000x64xf32, #tpu.memory_space<hbm>> -> memref<10000x64xf32, #tpu.memory_space<hbm>>
      tpu.wait_indirect_dma semaphore(%arg12 : memref<!tpu.dma_semaphore, #tpu.memory_space<semaphore_mem>>) src(%dma_wait3A_447 : memref<10000x64xf32, #tpu.memory_space<hbm>>) dst(%dma_wait3A_437 : memref<128x64xf32, #tpu.memory_space<vmem>>)
      %add3A_448 = arith.constant 3 : i32
      %add3A_449 = arith.addi %add3A_236, %add3A_448 : i32
      %dma_wait3A_450 = arith.constant 384 : i32
      %dma_wait3A_451 = arith.constant 0 : i32
      %dma_wait3A_452 = tpu.memref_slice %arg9[%dma_wait3A_450, %dma_wait3A_451] : memref<512x64xf32, #tpu.memory_space<vmem>> -> memref<128x64xf32, #tpu.memory_space<vmem>>
      %dma_wait3A_453 = arith.constant 0 : i32
      %dma_wait3A_454 = tpu.memref_slice %arg6[%add3A_449, %dma_wait3A_453] : memref<80x128xi32, #tpu.memory_space<vmem>> -> memref<1x128xi32, #tpu.memory_space<vmem>>
      %dma_wait3A_455 = tpu.memref_squeeze %dma_wait3A_454 : memref<1x128xi32, #tpu.memory_space<vmem>> -> memref<128xi32, #tpu.memory_space<vmem>>
      %dma_wait3A_456 = arith.constant 0 : i32
      %dma_wait3A_457 = arith.constant 0 : i32
      %dma_wait3A_458 = tpu.memref_slice %arg2[%arg0, %dma_wait3A_456, %dma_wait3A_457] : memref<2x10000x64xf32, #tpu.memory_space<hbm>> -> memref<1x10000x64xf32, #tpu.memory_space<hbm>>
      %dma_wait3A_459 = tpu.memref_squeeze %dma_wait3A_458 : memref<1x10000x64xf32, #tpu.memory_space<hbm>> -> memref<10000x64xf32, #tpu.memory_space<hbm>>
      %dma_wait3A_460 = arith.constant 0 : i32
      %dma_wait3A_461 = arith.constant 0 : i32
      %dma_wait3A_462 = tpu.memref_slice %dma_wait3A_459[%dma_wait3A_460, %dma_wait3A_461] : memref<10000x64xf32, #tpu.memory_space<hbm>> -> memref<10000x64xf32, #tpu.memory_space<hbm>>
      tpu.wait_indirect_dma semaphore(%arg12 : memref<!tpu.dma_semaphore, #tpu.memory_space<semaphore_mem>>) src(%dma_wait3A_462 : memref<10000x64xf32, #tpu.memory_space<hbm>>) dst(%dma_wait3A_452 : memref<128x64xf32, #tpu.memory_space<vmem>>)
      %add3A_463 = arith.constant 0 : i32
      %add3A_464 = arith.addi %add3A_236, %add3A_463 : i32
      %dma_start3A_465 = arith.constant 0 : i32
      %dma_start3A_466 = arith.constant 0 : i32
      %dma_start3A_467 = tpu.memref_slice %arg9[%dma_start3A_465, %dma_start3A_466] : memref<512x64xf32, #tpu.memory_space<vmem>> -> memref<128x64xf32, #tpu.memory_space<vmem>>
      %dma_start3A_468 = arith.constant 0 : i32
      %dma_start3A_469 = tpu.memref_slice %arg7[%add3A_464, %dma_start3A_468] : memref<80x128xi32, #tpu.memory_space<vmem>> -> memref<1x128xi32, #tpu.memory_space<vmem>>
      %dma_start3A_470 = tpu.memref_squeeze %dma_start3A_469 : memref<1x128xi32, #tpu.memory_space<vmem>> -> memref<128xi32, #tpu.memory_space<vmem>>
      %dma_start3A_471 = arith.constant 0 : i32
      %dma_start3A_472 = arith.constant 0 : i32
      %dma_start3A_473 = tpu.memref_slice %arg10[%dma_start3A_471, %dma_start3A_472] : memref<10240x64xf32, #tpu.memory_space<vmem_shared>> -> memref<10240x64xf32, #tpu.memory_space<vmem_shared>>
      tpu.enqueue_indirect_dma source(%dma_start3A_467 : memref<128x64xf32, #tpu.memory_space<vmem>>) target(%dma_start3A_473 : memref<10240x64xf32, #tpu.memory_space<vmem_shared>>) offsets(%dma_start3A_470 : memref<128xi32, #tpu.memory_space<vmem>>) semaphore(%arg14 : memref<!tpu.dma_semaphore, #tpu.memory_space<semaphore_mem>>) {add = true}
      %add3A_474 = arith.constant 1 : i32
      %add3A_475 = arith.addi %add3A_236, %add3A_474 : i32
      %dma_start3A_476 = arith.constant 128 : i32
      %dma_start3A_477 = arith.constant 0 : i32
      %dma_start3A_478 = tpu.memref_slice %arg9[%dma_start3A_476, %dma_start3A_477] : memref<512x64xf32, #tpu.memory_space<vmem>> -> memref<128x64xf32, #tpu.memory_space<vmem>>
      %dma_start3A_479 = arith.constant 0 : i32
      %dma_start3A_480 = tpu.memref_slice %arg7[%add3A_475, %dma_start3A_479] : memref<80x128xi32, #tpu.memory_space<vmem>> -> memref<1x128xi32, #tpu.memory_space<vmem>>
      %dma_start3A_481 = tpu.memref_squeeze %dma_start3A_480 : memref<1x128xi32, #tpu.memory_space<vmem>> -> memref<128xi32, #tpu.memory_space<vmem>>
      %dma_start3A_482 = arith.constant 0 : i32
      %dma_start3A_483 = arith.constant 0 : i32
      %dma_start3A_484 = tpu.memref_slice %arg10[%dma_start3A_482, %dma_start3A_483] : memref<10240x64xf32, #tpu.memory_space<vmem_shared>> -> memref<10240x64xf32, #tpu.memory_space<vmem_shared>>
      tpu.enqueue_indirect_dma source(%dma_start3A_478 : memref<128x64xf32, #tpu.memory_space<vmem>>) target(%dma_start3A_484 : memref<10240x64xf32, #tpu.memory_space<vmem_shared>>) offsets(%dma_start3A_481 : memref<128xi32, #tpu.memory_space<vmem>>) semaphore(%arg14 : memref<!tpu.dma_semaphore, #tpu.memory_space<semaphore_mem>>) {add = true}
      %add3A_485 = arith.constant 2 : i32
      %add3A_486 = arith.addi %add3A_236, %add3A_485 : i32
      %dma_start3A_487 = arith.constant 256 : i32
      %dma_start3A_488 = arith.constant 0 : i32
      %dma_start3A_489 = tpu.memref_slice %arg9[%dma_start3A_487, %dma_start3A_488] : memref<512x64xf32, #tpu.memory_space<vmem>> -> memref<128x64xf32, #tpu.memory_space<vmem>>
      %dma_start3A_490 = arith.constant 0 : i32
      %dma_start3A_491 = tpu.memref_slice %arg7[%add3A_486, %dma_start3A_490] : memref<80x128xi32, #tpu.memory_space<vmem>> -> memref<1x128xi32, #tpu.memory_space<vmem>>
      %dma_start3A_492 = tpu.memref_squeeze %dma_start3A_491 : memref<1x128xi32, #tpu.memory_space<vmem>> -> memref<128xi32, #tpu.memory_space<vmem>>
      %dma_start3A_493 = arith.constant 0 : i32
      %dma_start3A_494 = arith.constant 0 : i32
      %dma_start3A_495 = tpu.memref_slice %arg10[%dma_start3A_493, %dma_start3A_494] : memref<10240x64xf32, #tpu.memory_space<vmem_shared>> -> memref<10240x64xf32, #tpu.memory_space<vmem_shared>>
      tpu.enqueue_indirect_dma source(%dma_start3A_489 : memref<128x64xf32, #tpu.memory_space<vmem>>) target(%dma_start3A_495 : memref<10240x64xf32, #tpu.memory_space<vmem_shared>>) offsets(%dma_start3A_492 : memref<128xi32, #tpu.memory_space<vmem>>) semaphore(%arg14 : memref<!tpu.dma_semaphore, #tpu.memory_space<semaphore_mem>>) {add = true}
      %add3A_496 = arith.constant 3 : i32
      %add3A_497 = arith.addi %add3A_236, %add3A_496 : i32
      %dma_start3A_498 = arith.constant 384 : i32
      %dma_start3A_499 = arith.constant 0 : i32
      %dma_start3A_500 = tpu.memref_slice %arg9[%dma_start3A_498, %dma_start3A_499] : memref<512x64xf32, #tpu.memory_space<vmem>> -> memref<128x64xf32, #tpu.memory_space<vmem>>
      %dma_start3A_501 = arith.constant 0 : i32
      %dma_start3A_502 = tpu.memref_slice %arg7[%add3A_497, %dma_start3A_501] : memref<80x128xi32, #tpu.memory_space<vmem>> -> memref<1x128xi32, #tpu.memory_space<vmem>>
      %dma_start3A_503 = tpu.memref_squeeze %dma_start3A_502 : memref<1x128xi32, #tpu.memory_space<vmem>> -> memref<128xi32, #tpu.memory_space<vmem>>
      %dma_start3A_504 = arith.constant 0 : i32
      %dma_start3A_505 = arith.constant 0 : i32
      %dma_start3A_506 = tpu.memref_slice %arg10[%dma_start3A_504, %dma_start3A_505] : memref<10240x64xf32, #tpu.memory_space<vmem_shared>> -> memref<10240x64xf32, #tpu.memory_space<vmem_shared>>
      tpu.enqueue_indirect_dma source(%dma_start3A_500 : memref<128x64xf32, #tpu.memory_space<vmem>>) target(%dma_start3A_506 : memref<10240x64xf32, #tpu.memory_space<vmem_shared>>) offsets(%dma_start3A_503 : memref<128xi32, #tpu.memory_space<vmem>>) semaphore(%arg14 : memref<!tpu.dma_semaphore, #tpu.memory_space<semaphore_mem>>) {add = true}
      %add3A_507 = arith.constant 0 : i32
      %add3A_508 = arith.addi %mul3A_234, %add3A_507 : i32
      %dma_wait3A_509 = arith.constant 0 : i32
      %dma_wait3A_510 = arith.constant 0 : i32
      %dma_wait3A_511 = tpu.memref_slice %arg8[%dma_wait3A_509, %dma_wait3A_510] : memref<512x64xf32, #tpu.memory_space<vmem>> -> memref<128x64xf32, #tpu.memory_space<vmem>>
      %dma_wait3A_512 = arith.constant 0 : i32
      %dma_wait3A_513 = tpu.memref_slice %arg7[%add3A_508, %dma_wait3A_512] : memref<80x128xi32, #tpu.memory_space<vmem>> -> memref<1x128xi32, #tpu.memory_space<vmem>>
      %dma_wait3A_514 = tpu.memref_squeeze %dma_wait3A_513 : memref<1x128xi32, #tpu.memory_space<vmem>> -> memref<128xi32, #tpu.memory_space<vmem>>
      %dma_wait3A_515 = arith.constant 0 : i32
      %dma_wait3A_516 = arith.constant 0 : i32
      %dma_wait3A_517 = tpu.memref_slice %arg10[%dma_wait3A_515, %dma_wait3A_516] : memref<10240x64xf32, #tpu.memory_space<vmem_shared>> -> memref<10240x64xf32, #tpu.memory_space<vmem_shared>>
      tpu.wait_indirect_dma semaphore(%arg13 : memref<!tpu.dma_semaphore, #tpu.memory_space<semaphore_mem>>) src(%dma_wait3A_511 : memref<128x64xf32, #tpu.memory_space<vmem>>) dst(%dma_wait3A_517 : memref<10240x64xf32, #tpu.memory_space<vmem_shared>>)
      %add3A_518 = arith.constant 1 : i32
      %add3A_519 = arith.addi %mul3A_234, %add3A_518 : i32
      %dma_wait3A_520 = arith.constant 128 : i32
      %dma_wait3A_521 = arith.constant 0 : i32
      %dma_wait3A_522 = tpu.memref_slice %arg8[%dma_wait3A_520, %dma_wait3A_521] : memref<512x64xf32, #tpu.memory_space<vmem>> -> memref<128x64xf32, #tpu.memory_space<vmem>>
      %dma_wait3A_523 = arith.constant 0 : i32
      %dma_wait3A_524 = tpu.memref_slice %arg7[%add3A_519, %dma_wait3A_523] : memref<80x128xi32, #tpu.memory_space<vmem>> -> memref<1x128xi32, #tpu.memory_space<vmem>>
      %dma_wait3A_525 = tpu.memref_squeeze %dma_wait3A_524 : memref<1x128xi32, #tpu.memory_space<vmem>> -> memref<128xi32, #tpu.memory_space<vmem>>
      %dma_wait3A_526 = arith.constant 0 : i32
      %dma_wait3A_527 = arith.constant 0 : i32
      %dma_wait3A_528 = tpu.memref_slice %arg10[%dma_wait3A_526, %dma_wait3A_527] : memref<10240x64xf32, #tpu.memory_space<vmem_shared>> -> memref<10240x64xf32, #tpu.memory_space<vmem_shared>>
      tpu.wait_indirect_dma semaphore(%arg13 : memref<!tpu.dma_semaphore, #tpu.memory_space<semaphore_mem>>) src(%dma_wait3A_522 : memref<128x64xf32, #tpu.memory_space<vmem>>) dst(%dma_wait3A_528 : memref<10240x64xf32, #tpu.memory_space<vmem_shared>>)
      %add3A_529 = arith.constant 2 : i32
      %add3A_530 = arith.addi %mul3A_234, %add3A_529 : i32
      %dma_wait3A_531 = arith.constant 256 : i32
      %dma_wait3A_532 = arith.constant 0 : i32
      %dma_wait3A_533 = tpu.memref_slice %arg8[%dma_wait3A_531, %dma_wait3A_532] : memref<512x64xf32, #tpu.memory_space<vmem>> -> memref<128x64xf32, #tpu.memory_space<vmem>>
      %dma_wait3A_534 = arith.constant 0 : i32
      %dma_wait3A_535 = tpu.memref_slice %arg7[%add3A_530, %dma_wait3A_534] : memref<80x128xi32, #tpu.memory_space<vmem>> -> memref<1x128xi32, #tpu.memory_space<vmem>>
      %dma_wait3A_536 = tpu.memref_squeeze %dma_wait3A_535 : memref<1x128xi32, #tpu.memory_space<vmem>> -> memref<128xi32, #tpu.memory_space<vmem>>
      %dma_wait3A_537 = arith.constant 0 : i32
      %dma_wait3A_538 = arith.constant 0 : i32
      %dma_wait3A_539 = tpu.memref_slice %arg10[%dma_wait3A_537, %dma_wait3A_538] : memref<10240x64xf32, #tpu.memory_space<vmem_shared>> -> memref<10240x64xf32, #tpu.memory_space<vmem_shared>>
      tpu.wait_indirect_dma semaphore(%arg13 : memref<!tpu.dma_semaphore, #tpu.memory_space<semaphore_mem>>) src(%dma_wait3A_533 : memref<128x64xf32, #tpu.memory_space<vmem>>) dst(%dma_wait3A_539 : memref<10240x64xf32, #tpu.memory_space<vmem_shared>>)
      %add3A_540 = arith.constant 3 : i32
      %add3A_541 = arith.addi %mul3A_234, %add3A_540 : i32
      %dma_wait3A_542 = arith.constant 384 : i32
      %dma_wait3A_543 = arith.constant 0 : i32
      %dma_wait3A_544 = tpu.memref_slice %arg8[%dma_wait3A_542, %dma_wait3A_543] : memref<512x64xf32, #tpu.memory_space<vmem>> -> memref<128x64xf32, #tpu.memory_space<vmem>>
      %dma_wait3A_545 = arith.constant 0 : i32
      %dma_wait3A_546 = tpu.memref_slice %arg7[%add3A_541, %dma_wait3A_545] : memref<80x128xi32, #tpu.memory_space<vmem>> -> memref<1x128xi32, #tpu.memory_space<vmem>>
      %dma_wait3A_547 = tpu.memref_squeeze %dma_wait3A_546 : memref<1x128xi32, #tpu.memory_space<vmem>> -> memref<128xi32, #tpu.memory_space<vmem>>
      %dma_wait3A_548 = arith.constant 0 : i32
      %dma_wait3A_549 = arith.constant 0 : i32
      %dma_wait3A_550 = tpu.memref_slice %arg10[%dma_wait3A_548, %dma_wait3A_549] : memref<10240x64xf32, #tpu.memory_space<vmem_shared>> -> memref<10240x64xf32, #tpu.memory_space<vmem_shared>>
      tpu.wait_indirect_dma semaphore(%arg13 : memref<!tpu.dma_semaphore, #tpu.memory_space<semaphore_mem>>) src(%dma_wait3A_544 : memref<128x64xf32, #tpu.memory_space<vmem>>) dst(%dma_wait3A_550 : memref<10240x64xf32, #tpu.memory_space<vmem_shared>>)
      %lt3A = arith.constant 9 : i32
      %lt3A_551 = arith.cmpi slt, %add3A_232, %lt3A : i32
      %convert_element_type3A_552 = arith.extui %lt3A_551 : i1 to i32
      %cond3A_553 = arith.constant 0 : i32
      %cond3A_554 = arith.cmpi ne, %convert_element_type3A_552, %cond3A_553 : i32
      scf.if %cond3A_554 {
        %add3A_555 = arith.constant 4 : i32
        %add3A_556 = arith.addi %add3A_236, %add3A_555 : i32
        %add3A_557 = arith.constant 0 : i32
        %add3A_558 = arith.addi %add3A_556, %add3A_557 : i32
        %dma_start3A_559 = arith.constant 0 : i32
        %dma_start3A_560 = arith.constant 0 : i32
        %dma_start3A_561 = tpu.memref_slice %arg8[%dma_start3A_559, %dma_start3A_560] : memref<512x64xf32, #tpu.memory_space<vmem>> -> memref<128x64xf32, #tpu.memory_space<vmem>>
        %dma_start3A_562 = arith.constant 0 : i32
        %dma_start3A_563 = tpu.memref_slice %arg6[%add3A_558, %dma_start3A_562] : memref<80x128xi32, #tpu.memory_space<vmem>> -> memref<1x128xi32, #tpu.memory_space<vmem>>
        %dma_start3A_564 = tpu.memref_squeeze %dma_start3A_563 : memref<1x128xi32, #tpu.memory_space<vmem>> -> memref<128xi32, #tpu.memory_space<vmem>>
        %dma_start3A_565 = arith.constant 0 : i32
        %dma_start3A_566 = arith.constant 0 : i32
        %dma_start3A_567 = tpu.memref_slice %arg2[%arg0, %dma_start3A_565, %dma_start3A_566] : memref<2x10000x64xf32, #tpu.memory_space<hbm>> -> memref<1x10000x64xf32, #tpu.memory_space<hbm>>
        %dma_start3A_568 = tpu.memref_squeeze %dma_start3A_567 : memref<1x10000x64xf32, #tpu.memory_space<hbm>> -> memref<10000x64xf32, #tpu.memory_space<hbm>>
        %dma_start3A_569 = arith.constant 0 : i32
        %dma_start3A_570 = arith.constant 0 : i32
        %dma_start3A_571 = tpu.memref_slice %dma_start3A_568[%dma_start3A_569, %dma_start3A_570] : memref<10000x64xf32, #tpu.memory_space<hbm>> -> memref<10000x64xf32, #tpu.memory_space<hbm>>
        tpu.enqueue_indirect_dma source(%dma_start3A_571 : memref<10000x64xf32, #tpu.memory_space<hbm>>) target(%dma_start3A_561 : memref<128x64xf32, #tpu.memory_space<vmem>>) offsets(%dma_start3A_564 : memref<128xi32, #tpu.memory_space<vmem>>) semaphore(%arg11 : memref<!tpu.dma_semaphore, #tpu.memory_space<semaphore_mem>>)
        %add3A_572 = arith.constant 1 : i32
        %add3A_573 = arith.addi %add3A_556, %add3A_572 : i32
        %dma_start3A_574 = arith.constant 128 : i32
        %dma_start3A_575 = arith.constant 0 : i32
        %dma_start3A_576 = tpu.memref_slice %arg8[%dma_start3A_574, %dma_start3A_575] : memref<512x64xf32, #tpu.memory_space<vmem>> -> memref<128x64xf32, #tpu.memory_space<vmem>>
        %dma_start3A_577 = arith.constant 0 : i32
        %dma_start3A_578 = tpu.memref_slice %arg6[%add3A_573, %dma_start3A_577] : memref<80x128xi32, #tpu.memory_space<vmem>> -> memref<1x128xi32, #tpu.memory_space<vmem>>
        %dma_start3A_579 = tpu.memref_squeeze %dma_start3A_578 : memref<1x128xi32, #tpu.memory_space<vmem>> -> memref<128xi32, #tpu.memory_space<vmem>>
        %dma_start3A_580 = arith.constant 0 : i32
        %dma_start3A_581 = arith.constant 0 : i32
        %dma_start3A_582 = tpu.memref_slice %arg2[%arg0, %dma_start3A_580, %dma_start3A_581] : memref<2x10000x64xf32, #tpu.memory_space<hbm>> -> memref<1x10000x64xf32, #tpu.memory_space<hbm>>
        %dma_start3A_583 = tpu.memref_squeeze %dma_start3A_582 : memref<1x10000x64xf32, #tpu.memory_space<hbm>> -> memref<10000x64xf32, #tpu.memory_space<hbm>>
        %dma_start3A_584 = arith.constant 0 : i32
        %dma_start3A_585 = arith.constant 0 : i32
        %dma_start3A_586 = tpu.memref_slice %dma_start3A_583[%dma_start3A_584, %dma_start3A_585] : memref<10000x64xf32, #tpu.memory_space<hbm>> -> memref<10000x64xf32, #tpu.memory_space<hbm>>
        tpu.enqueue_indirect_dma source(%dma_start3A_586 : memref<10000x64xf32, #tpu.memory_space<hbm>>) target(%dma_start3A_576 : memref<128x64xf32, #tpu.memory_space<vmem>>) offsets(%dma_start3A_579 : memref<128xi32, #tpu.memory_space<vmem>>) semaphore(%arg11 : memref<!tpu.dma_semaphore, #tpu.memory_space<semaphore_mem>>)
        %add3A_587 = arith.constant 2 : i32
        %add3A_588 = arith.addi %add3A_556, %add3A_587 : i32
        %dma_start3A_589 = arith.constant 256 : i32
        %dma_start3A_590 = arith.constant 0 : i32
        %dma_start3A_591 = tpu.memref_slice %arg8[%dma_start3A_589, %dma_start3A_590] : memref<512x64xf32, #tpu.memory_space<vmem>> -> memref<128x64xf32, #tpu.memory_space<vmem>>
        %dma_start3A_592 = arith.constant 0 : i32
        %dma_start3A_593 = tpu.memref_slice %arg6[%add3A_588, %dma_start3A_592] : memref<80x128xi32, #tpu.memory_space<vmem>> -> memref<1x128xi32, #tpu.memory_space<vmem>>
        %dma_start3A_594 = tpu.memref_squeeze %dma_start3A_593 : memref<1x128xi32, #tpu.memory_space<vmem>> -> memref<128xi32, #tpu.memory_space<vmem>>
        %dma_start3A_595 = arith.constant 0 : i32
        %dma_start3A_596 = arith.constant 0 : i32
        %dma_start3A_597 = tpu.memref_slice %arg2[%arg0, %dma_start3A_595, %dma_start3A_596] : memref<2x10000x64xf32, #tpu.memory_space<hbm>> -> memref<1x10000x64xf32, #tpu.memory_space<hbm>>
        %dma_start3A_598 = tpu.memref_squeeze %dma_start3A_597 : memref<1x10000x64xf32, #tpu.memory_space<hbm>> -> memref<10000x64xf32, #tpu.memory_space<hbm>>
        %dma_start3A_599 = arith.constant 0 : i32
        %dma_start3A_600 = arith.constant 0 : i32
        %dma_start3A_601 = tpu.memref_slice %dma_start3A_598[%dma_start3A_599, %dma_start3A_600] : memref<10000x64xf32, #tpu.memory_space<hbm>> -> memref<10000x64xf32, #tpu.memory_space<hbm>>
        tpu.enqueue_indirect_dma source(%dma_start3A_601 : memref<10000x64xf32, #tpu.memory_space<hbm>>) target(%dma_start3A_591 : memref<128x64xf32, #tpu.memory_space<vmem>>) offsets(%dma_start3A_594 : memref<128xi32, #tpu.memory_space<vmem>>) semaphore(%arg11 : memref<!tpu.dma_semaphore, #tpu.memory_space<semaphore_mem>>)
        %add3A_602 = arith.constant 3 : i32
        %add3A_603 = arith.addi %add3A_556, %add3A_602 : i32
        %dma_start3A_604 = arith.constant 384 : i32
        %dma_start3A_605 = arith.constant 0 : i32
        %dma_start3A_606 = tpu.memref_slice %arg8[%dma_start3A_604, %dma_start3A_605] : memref<512x64xf32, #tpu.memory_space<vmem>> -> memref<128x64xf32, #tpu.memory_space<vmem>>
        %dma_start3A_607 = arith.constant 0 : i32
        %dma_start3A_608 = tpu.memref_slice %arg6[%add3A_603, %dma_start3A_607] : memref<80x128xi32, #tpu.memory_space<vmem>> -> memref<1x128xi32, #tpu.memory_space<vmem>>
        %dma_start3A_609 = tpu.memref_squeeze %dma_start3A_608 : memref<1x128xi32, #tpu.memory_space<vmem>> -> memref<128xi32, #tpu.memory_space<vmem>>
        %dma_start3A_610 = arith.constant 0 : i32
        %dma_start3A_611 = arith.constant 0 : i32
        %dma_start3A_612 = tpu.memref_slice %arg2[%arg0, %dma_start3A_610, %dma_start3A_611] : memref<2x10000x64xf32, #tpu.memory_space<hbm>> -> memref<1x10000x64xf32, #tpu.memory_space<hbm>>
        %dma_start3A_613 = tpu.memref_squeeze %dma_start3A_612 : memref<1x10000x64xf32, #tpu.memory_space<hbm>> -> memref<10000x64xf32, #tpu.memory_space<hbm>>
        %dma_start3A_614 = arith.constant 0 : i32
        %dma_start3A_615 = arith.constant 0 : i32
        %dma_start3A_616 = tpu.memref_slice %dma_start3A_613[%dma_start3A_614, %dma_start3A_615] : memref<10000x64xf32, #tpu.memory_space<hbm>> -> memref<10000x64xf32, #tpu.memory_space<hbm>>
        tpu.enqueue_indirect_dma source(%dma_start3A_616 : memref<10000x64xf32, #tpu.memory_space<hbm>>) target(%dma_start3A_606 : memref<128x64xf32, #tpu.memory_space<vmem>>) offsets(%dma_start3A_609 : memref<128xi32, #tpu.memory_space<vmem>>) semaphore(%arg11 : memref<!tpu.dma_semaphore, #tpu.memory_space<semaphore_mem>>)
      } else {
      }
    }
    %scan3A_74 = arith.constant 10 : i32
    %dma_wait3A = arith.constant 76 : i32
    %dma_wait3A_75 = arith.constant 0 : i32
    %dma_wait3A_76 = arith.constant 0 : i32
    %dma_wait3A_77 = tpu.memref_slice %arg9[%dma_wait3A_75, %dma_wait3A_76] : memref<512x64xf32, #tpu.memory_space<vmem>> -> memref<128x64xf32, #tpu.memory_space<vmem>>
    %dma_wait3A_78 = arith.constant 0 : i32
    %dma_wait3A_79 = tpu.memref_slice %arg7[%dma_wait3A, %dma_wait3A_78] : memref<80x128xi32, #tpu.memory_space<vmem>> -> memref<1x128xi32, #tpu.memory_space<vmem>>
    %dma_wait3A_80 = tpu.memref_squeeze %dma_wait3A_79 : memref<1x128xi32, #tpu.memory_space<vmem>> -> memref<128xi32, #tpu.memory_space<vmem>>
    %dma_wait3A_81 = arith.constant 0 : i32
    %dma_wait3A_82 = arith.constant 0 : i32
    %dma_wait3A_83 = tpu.memref_slice %arg10[%dma_wait3A_81, %dma_wait3A_82] : memref<10240x64xf32, #tpu.memory_space<vmem_shared>> -> memref<10240x64xf32, #tpu.memory_space<vmem_shared>>
    tpu.wait_indirect_dma semaphore(%arg14 : memref<!tpu.dma_semaphore, #tpu.memory_space<semaphore_mem>>) src(%dma_wait3A_77 : memref<128x64xf32, #tpu.memory_space<vmem>>) dst(%dma_wait3A_83 : memref<10240x64xf32, #tpu.memory_space<vmem_shared>>)
    %dma_wait3A_84 = arith.constant 77 : i32
    %dma_wait3A_85 = arith.constant 128 : i32
    %dma_wait3A_86 = arith.constant 0 : i32
    %dma_wait3A_87 = tpu.memref_slice %arg9[%dma_wait3A_85, %dma_wait3A_86] : memref<512x64xf32, #tpu.memory_space<vmem>> -> memref<128x64xf32, #tpu.memory_space<vmem>>
    %dma_wait3A_88 = arith.constant 0 : i32
    %dma_wait3A_89 = tpu.memref_slice %arg7[%dma_wait3A_84, %dma_wait3A_88] : memref<80x128xi32, #tpu.memory_space<vmem>> -> memref<1x128xi32, #tpu.memory_space<vmem>>
    %dma_wait3A_90 = tpu.memref_squeeze %dma_wait3A_89 : memref<1x128xi32, #tpu.memory_space<vmem>> -> memref<128xi32, #tpu.memory_space<vmem>>
    %dma_wait3A_91 = arith.constant 0 : i32
    %dma_wait3A_92 = arith.constant 0 : i32
    %dma_wait3A_93 = tpu.memref_slice %arg10[%dma_wait3A_91, %dma_wait3A_92] : memref<10240x64xf32, #tpu.memory_space<vmem_shared>> -> memref<10240x64xf32, #tpu.memory_space<vmem_shared>>
    tpu.wait_indirect_dma semaphore(%arg14 : memref<!tpu.dma_semaphore, #tpu.memory_space<semaphore_mem>>) src(%dma_wait3A_87 : memref<128x64xf32, #tpu.memory_space<vmem>>) dst(%dma_wait3A_93 : memref<10240x64xf32, #tpu.memory_space<vmem_shared>>)
    %dma_wait3A_94 = arith.constant 78 : i32
    %dma_wait3A_95 = arith.constant 256 : i32
    %dma_wait3A_96 = arith.constant 0 : i32
    %dma_wait3A_97 = tpu.memref_slice %arg9[%dma_wait3A_95, %dma_wait3A_96] : memref<512x64xf32, #tpu.memory_space<vmem>> -> memref<128x64xf32, #tpu.memory_space<vmem>>
    %dma_wait3A_98 = arith.constant 0 : i32
    %dma_wait3A_99 = tpu.memref_slice %arg7[%dma_wait3A_94, %dma_wait3A_98] : memref<80x128xi32, #tpu.memory_space<vmem>> -> memref<1x128xi32, #tpu.memory_space<vmem>>
    %dma_wait3A_100 = tpu.memref_squeeze %dma_wait3A_99 : memref<1x128xi32, #tpu.memory_space<vmem>> -> memref<128xi32, #tpu.memory_space<vmem>>
    %dma_wait3A_101 = arith.constant 0 : i32
    %dma_wait3A_102 = arith.constant 0 : i32
    %dma_wait3A_103 = tpu.memref_slice %arg10[%dma_wait3A_101, %dma_wait3A_102] : memref<10240x64xf32, #tpu.memory_space<vmem_shared>> -> memref<10240x64xf32, #tpu.memory_space<vmem_shared>>
    tpu.wait_indirect_dma semaphore(%arg14 : memref<!tpu.dma_semaphore, #tpu.memory_space<semaphore_mem>>) src(%dma_wait3A_97 : memref<128x64xf32, #tpu.memory_space<vmem>>) dst(%dma_wait3A_103 : memref<10240x64xf32, #tpu.memory_space<vmem_shared>>)
    %dma_wait3A_104 = arith.constant 79 : i32
    %dma_wait3A_105 = arith.constant 384 : i32
    %dma_wait3A_106 = arith.constant 0 : i32
    %dma_wait3A_107 = tpu.memref_slice %arg9[%dma_wait3A_105, %dma_wait3A_106] : memref<512x64xf32, #tpu.memory_space<vmem>> -> memref<128x64xf32, #tpu.memory_space<vmem>>
    %dma_wait3A_108 = arith.constant 0 : i32
    %dma_wait3A_109 = tpu.memref_slice %arg7[%dma_wait3A_104, %dma_wait3A_108] : memref<80x128xi32, #tpu.memory_space<vmem>> -> memref<1x128xi32, #tpu.memory_space<vmem>>
    %dma_wait3A_110 = tpu.memref_squeeze %dma_wait3A_109 : memref<1x128xi32, #tpu.memory_space<vmem>> -> memref<128xi32, #tpu.memory_space<vmem>>
    %dma_wait3A_111 = arith.constant 0 : i32
    %dma_wait3A_112 = arith.constant 0 : i32
    %dma_wait3A_113 = tpu.memref_slice %arg10[%dma_wait3A_111, %dma_wait3A_112] : memref<10240x64xf32, #tpu.memory_space<vmem_shared>> -> memref<10240x64xf32, #tpu.memory_space<vmem_shared>>
    tpu.wait_indirect_dma semaphore(%arg14 : memref<!tpu.dma_semaphore, #tpu.memory_space<semaphore_mem>>) src(%dma_wait3A_107 : memref<128x64xf32, #tpu.memory_space<vmem>>) dst(%dma_wait3A_113 : memref<10240x64xf32, #tpu.memory_space<vmem_shared>>)
    %mul3A_114 = arith.constant 160 : i32
    %mul3A_115 = arith.muli %arg1, %mul3A_114 : i32
    %add3A_116 = arith.constant 80 : i32
    %add3A_117 = arith.addi %mul3A_115, %add3A_116 : i32
    "tpu.region"() ({
      %run_scoped3A = tpu.sem_alloc : memref<!tpu.dma_semaphore, #tpu.memory_space<semaphore_mem>>
      %dma_start3A_228 = arith.constant 0 : i32
      %dma_start3A_229 = tpu.memref_slice %arg3[%add3A_117, %dma_start3A_228] : memref<2560x128xi32, #tpu.memory_space<hbm>> -> memref<80x128xi32, #tpu.memory_space<hbm>>
      %dma_start3A_230 = arith.constant 0 : i32
      %dma_start3A_231 = tpu.memref_slice %arg3[%add3A_117, %dma_start3A_230] : memref<2560x128xi32, #tpu.memory_space<hbm>> -> memref<80x128xi32, #tpu.memory_space<hbm>>
      tpu.enqueue_dma source(%dma_start3A_231 : memref<80x128xi32, #tpu.memory_space<hbm>>) target(%arg6 : memref<80x128xi32, #tpu.memory_space<vmem>>) target_semaphore(%run_scoped3A : memref<!tpu.dma_semaphore, #tpu.memory_space<semaphore_mem>>)
      %dma_wait3A_232 = arith.constant 0 : i32
      %dma_wait3A_233 = tpu.memref_slice %arg3[%add3A_117, %dma_wait3A_232] : memref<2560x128xi32, #tpu.memory_space<hbm>> -> memref<80x128xi32, #tpu.memory_space<hbm>>
      %dma_wait3A_234 = arith.constant 0 : i32
      %dma_wait3A_235 = tpu.memref_slice %arg3[%add3A_117, %dma_wait3A_234] : memref<2560x128xi32, #tpu.memory_space<hbm>> -> memref<80x128xi32, #tpu.memory_space<hbm>>
      tpu.wait_dma2 semaphore(%run_scoped3A : memref<!tpu.dma_semaphore, #tpu.memory_space<semaphore_mem>>) src(%dma_wait3A_235 : memref<80x128xi32, #tpu.memory_space<hbm>>) dst(%arg6 : memref<80x128xi32, #tpu.memory_space<vmem>>)
      tpu.yield
    }) : () -> ()
    %mul3A_118 = arith.constant 160 : i32
    %mul3A_119 = arith.muli %arg1, %mul3A_118 : i32
    %add3A_120 = arith.constant 80 : i32
    %add3A_121 = arith.addi %mul3A_119, %add3A_120 : i32
    "tpu.region"() ({
      %run_scoped3A = tpu.sem_alloc : memref<!tpu.dma_semaphore, #tpu.memory_space<semaphore_mem>>
      %dma_start3A_228 = arith.constant 0 : i32
      %dma_start3A_229 = tpu.memref_slice %arg4[%add3A_121, %dma_start3A_228] : memref<2560x128xi32, #tpu.memory_space<hbm>> -> memref<80x128xi32, #tpu.memory_space<hbm>>
      %dma_start3A_230 = arith.constant 0 : i32
      %dma_start3A_231 = tpu.memref_slice %arg4[%add3A_121, %dma_start3A_230] : memref<2560x128xi32, #tpu.memory_space<hbm>> -> memref<80x128xi32, #tpu.memory_space<hbm>>
      tpu.enqueue_dma source(%dma_start3A_231 : memref<80x128xi32, #tpu.memory_space<hbm>>) target(%arg7 : memref<80x128xi32, #tpu.memory_space<vmem>>) target_semaphore(%run_scoped3A : memref<!tpu.dma_semaphore, #tpu.memory_space<semaphore_mem>>)
      %dma_wait3A_232 = arith.constant 0 : i32
      %dma_wait3A_233 = tpu.memref_slice %arg4[%add3A_121, %dma_wait3A_232] : memref<2560x128xi32, #tpu.memory_space<hbm>> -> memref<80x128xi32, #tpu.memory_space<hbm>>
      %dma_wait3A_234 = arith.constant 0 : i32
      %dma_wait3A_235 = tpu.memref_slice %arg4[%add3A_121, %dma_wait3A_234] : memref<2560x128xi32, #tpu.memory_space<hbm>> -> memref<80x128xi32, #tpu.memory_space<hbm>>
      tpu.wait_dma2 semaphore(%run_scoped3A : memref<!tpu.dma_semaphore, #tpu.memory_space<semaphore_mem>>) src(%dma_wait3A_235 : memref<80x128xi32, #tpu.memory_space<hbm>>) dst(%arg7 : memref<80x128xi32, #tpu.memory_space<vmem>>)
      tpu.yield
    }) : () -> ()
    %dma_start3A_122 = arith.constant 0 : i32
    %dma_start3A_123 = arith.constant 0 : i32
    %dma_start3A_124 = arith.constant 0 : i32
    %dma_start3A_125 = tpu.memref_slice %arg8[%dma_start3A_123, %dma_start3A_124] : memref<512x64xf32, #tpu.memory_space<vmem>> -> memref<128x64xf32, #tpu.memory_space<vmem>>
    %dma_start3A_126 = arith.constant 0 : i32
    %dma_start3A_127 = tpu.memref_slice %arg6[%dma_start3A_122, %dma_start3A_126] : memref<80x128xi32, #tpu.memory_space<vmem>> -> memref<1x128xi32, #tpu.memory_space<vmem>>
    %dma_start3A_128 = tpu.memref_squeeze %dma_start3A_127 : memref<1x128xi32, #tpu.memory_space<vmem>> -> memref<128xi32, #tpu.memory_space<vmem>>
    %dma_start3A_129 = arith.constant 0 : i32
    %dma_start3A_130 = arith.constant 0 : i32
    %dma_start3A_131 = tpu.memref_slice %arg2[%arg0, %dma_start3A_129, %dma_start3A_130] : memref<2x10000x64xf32, #tpu.memory_space<hbm>> -> memref<1x10000x64xf32, #tpu.memory_space<hbm>>
    %dma_start3A_132 = tpu.memref_squeeze %dma_start3A_131 : memref<1x10000x64xf32, #tpu.memory_space<hbm>> -> memref<10000x64xf32, #tpu.memory_space<hbm>>
    %dma_start3A_133 = arith.constant 0 : i32
    %dma_start3A_134 = arith.constant 0 : i32
    %dma_start3A_135 = tpu.memref_slice %dma_start3A_132[%dma_start3A_133, %dma_start3A_134] : memref<10000x64xf32, #tpu.memory_space<hbm>> -> memref<10000x64xf32, #tpu.memory_space<hbm>>
    tpu.enqueue_indirect_dma source(%dma_start3A_135 : memref<10000x64xf32, #tpu.memory_space<hbm>>) target(%dma_start3A_125 : memref<128x64xf32, #tpu.memory_space<vmem>>) offsets(%dma_start3A_128 : memref<128xi32, #tpu.memory_space<vmem>>) semaphore(%arg11 : memref<!tpu.dma_semaphore, #tpu.memory_space<semaphore_mem>>)
    %dma_start3A_136 = arith.constant 1 : i32
    %dma_start3A_137 = arith.constant 128 : i32
    %dma_start3A_138 = arith.constant 0 : i32
    %dma_start3A_139 = tpu.memref_slice %arg8[%dma_start3A_137, %dma_start3A_138] : memref<512x64xf32, #tpu.memory_space<vmem>> -> memref<128x64xf32, #tpu.memory_space<vmem>>
    %dma_start3A_140 = arith.constant 0 : i32
    %dma_start3A_141 = tpu.memref_slice %arg6[%dma_start3A_136, %dma_start3A_140] : memref<80x128xi32, #tpu.memory_space<vmem>> -> memref<1x128xi32, #tpu.memory_space<vmem>>
    %dma_start3A_142 = tpu.memref_squeeze %dma_start3A_141 : memref<1x128xi32, #tpu.memory_space<vmem>> -> memref<128xi32, #tpu.memory_space<vmem>>
    %dma_start3A_143 = arith.constant 0 : i32
    %dma_start3A_144 = arith.constant 0 : i32
    %dma_start3A_145 = tpu.memref_slice %arg2[%arg0, %dma_start3A_143, %dma_start3A_144] : memref<2x10000x64xf32, #tpu.memory_space<hbm>> -> memref<1x10000x64xf32, #tpu.memory_space<hbm>>
    %dma_start3A_146 = tpu.memref_squeeze %dma_start3A_145 : memref<1x10000x64xf32, #tpu.memory_space<hbm>> -> memref<10000x64xf32, #tpu.memory_space<hbm>>
    %dma_start3A_147 = arith.constant 0 : i32
    %dma_start3A_148 = arith.constant 0 : i32
    %dma_start3A_149 = tpu.memref_slice %dma_start3A_146[%dma_start3A_147, %dma_start3A_148] : memref<10000x64xf32, #tpu.memory_space<hbm>> -> memref<10000x64xf32, #tpu.memory_space<hbm>>
    tpu.enqueue_indirect_dma source(%dma_start3A_149 : memref<10000x64xf32, #tpu.memory_space<hbm>>) target(%dma_start3A_139 : memref<128x64xf32, #tpu.memory_space<vmem>>) offsets(%dma_start3A_142 : memref<128xi32, #tpu.memory_space<vmem>>) semaphore(%arg11 : memref<!tpu.dma_semaphore, #tpu.memory_space<semaphore_mem>>)
    %dma_start3A_150 = arith.constant 2 : i32
    %dma_start3A_151 = arith.constant 256 : i32
    %dma_start3A_152 = arith.constant 0 : i32
    %dma_start3A_153 = tpu.memref_slice %arg8[%dma_start3A_151, %dma_start3A_152] : memref<512x64xf32, #tpu.memory_space<vmem>> -> memref<128x64xf32, #tpu.memory_space<vmem>>
    %dma_start3A_154 = arith.constant 0 : i32
    %dma_start3A_155 = tpu.memref_slice %arg6[%dma_start3A_150, %dma_start3A_154] : memref<80x128xi32, #tpu.memory_space<vmem>> -> memref<1x128xi32, #tpu.memory_space<vmem>>
    %dma_start3A_156 = tpu.memref_squeeze %dma_start3A_155 : memref<1x128xi32, #tpu.memory_space<vmem>> -> memref<128xi32, #tpu.memory_space<vmem>>
    %dma_start3A_157 = arith.constant 0 : i32
    %dma_start3A_158 = arith.constant 0 : i32
    %dma_start3A_159 = tpu.memref_slice %arg2[%arg0, %dma_start3A_157, %dma_start3A_158] : memref<2x10000x64xf32, #tpu.memory_space<hbm>> -> memref<1x10000x64xf32, #tpu.memory_space<hbm>>
    %dma_start3A_160 = tpu.memref_squeeze %dma_start3A_159 : memref<1x10000x64xf32, #tpu.memory_space<hbm>> -> memref<10000x64xf32, #tpu.memory_space<hbm>>
    %dma_start3A_161 = arith.constant 0 : i32
    %dma_start3A_162 = arith.constant 0 : i32
    %dma_start3A_163 = tpu.memref_slice %dma_start3A_160[%dma_start3A_161, %dma_start3A_162] : memref<10000x64xf32, #tpu.memory_space<hbm>> -> memref<10000x64xf32, #tpu.memory_space<hbm>>
    tpu.enqueue_indirect_dma source(%dma_start3A_163 : memref<10000x64xf32, #tpu.memory_space<hbm>>) target(%dma_start3A_153 : memref<128x64xf32, #tpu.memory_space<vmem>>) offsets(%dma_start3A_156 : memref<128xi32, #tpu.memory_space<vmem>>) semaphore(%arg11 : memref<!tpu.dma_semaphore, #tpu.memory_space<semaphore_mem>>)
    %dma_start3A_164 = arith.constant 3 : i32
    %dma_start3A_165 = arith.constant 384 : i32
    %dma_start3A_166 = arith.constant 0 : i32
    %dma_start3A_167 = tpu.memref_slice %arg8[%dma_start3A_165, %dma_start3A_166] : memref<512x64xf32, #tpu.memory_space<vmem>> -> memref<128x64xf32, #tpu.memory_space<vmem>>
    %dma_start3A_168 = arith.constant 0 : i32
    %dma_start3A_169 = tpu.memref_slice %arg6[%dma_start3A_164, %dma_start3A_168] : memref<80x128xi32, #tpu.memory_space<vmem>> -> memref<1x128xi32, #tpu.memory_space<vmem>>
    %dma_start3A_170 = tpu.memref_squeeze %dma_start3A_169 : memref<1x128xi32, #tpu.memory_space<vmem>> -> memref<128xi32, #tpu.memory_space<vmem>>
    %dma_start3A_171 = arith.constant 0 : i32
    %dma_start3A_172 = arith.constant 0 : i32
    %dma_start3A_173 = tpu.memref_slice %arg2[%arg0, %dma_start3A_171, %dma_start3A_172] : memref<2x10000x64xf32, #tpu.memory_space<hbm>> -> memref<1x10000x64xf32, #tpu.memory_space<hbm>>
    %dma_start3A_174 = tpu.memref_squeeze %dma_start3A_173 : memref<1x10000x64xf32, #tpu.memory_space<hbm>> -> memref<10000x64xf32, #tpu.memory_space<hbm>>
    %dma_start3A_175 = arith.constant 0 : i32
    %dma_start3A_176 = arith.constant 0 : i32
    %dma_start3A_177 = tpu.memref_slice %dma_start3A_174[%dma_start3A_175, %dma_start3A_176] : memref<10000x64xf32, #tpu.memory_space<hbm>> -> memref<10000x64xf32, #tpu.memory_space<hbm>>
    tpu.enqueue_indirect_dma source(%dma_start3A_177 : memref<10000x64xf32, #tpu.memory_space<hbm>>) target(%dma_start3A_167 : memref<128x64xf32, #tpu.memory_space<vmem>>) offsets(%dma_start3A_170 : memref<128xi32, #tpu.memory_space<vmem>>) semaphore(%arg11 : memref<!tpu.dma_semaphore, #tpu.memory_space<semaphore_mem>>)
    %scan3A_178 = arith.constant 0 : i32
    %scan3A_179 = arith.constant 10 : i32
    %scan3A_180 = arith.addi %scan3A_178, %scan3A_179 : i32
    %scan3A_181 = arith.constant 1 : i32
    scf.for %scan3A_228 = %scan3A_178 to %scan3A_180 step %scan3A_181  : i32 {
      %mul3A_229 = arith.constant 1 : i32
      %mul3A_230 = arith.muli %scan3A_228, %mul3A_229 : i32
      %add3A_231 = arith.constant 0 : i32
      %add3A_232 = arith.addi %add3A_231, %mul3A_230 : i32
      %mul3A_233 = arith.constant 8 : i32
      %mul3A_234 = arith.muli %mul3A_233, %add3A_232 : i32
      %add3A_235 = arith.constant 4 : i32
      %add3A_236 = arith.addi %mul3A_234, %add3A_235 : i32
      %add3A_237 = arith.constant 0 : i32
      %add3A_238 = arith.addi %mul3A_234, %add3A_237 : i32
      %dma_wait3A_239 = arith.constant 0 : i32
      %dma_wait3A_240 = arith.constant 0 : i32
      %dma_wait3A_241 = tpu.memref_slice %arg8[%dma_wait3A_239, %dma_wait3A_240] : memref<512x64xf32, #tpu.memory_space<vmem>> -> memref<128x64xf32, #tpu.memory_space<vmem>>
      %dma_wait3A_242 = arith.constant 0 : i32
      %dma_wait3A_243 = tpu.memref_slice %arg6[%add3A_238, %dma_wait3A_242] : memref<80x128xi32, #tpu.memory_space<vmem>> -> memref<1x128xi32, #tpu.memory_space<vmem>>
      %dma_wait3A_244 = tpu.memref_squeeze %dma_wait3A_243 : memref<1x128xi32, #tpu.memory_space<vmem>> -> memref<128xi32, #tpu.memory_space<vmem>>
      %dma_wait3A_245 = arith.constant 0 : i32
      %dma_wait3A_246 = arith.constant 0 : i32
      %dma_wait3A_247 = tpu.memref_slice %arg2[%arg0, %dma_wait3A_245, %dma_wait3A_246] : memref<2x10000x64xf32, #tpu.memory_space<hbm>> -> memref<1x10000x64xf32, #tpu.memory_space<hbm>>
      %dma_wait3A_248 = tpu.memref_squeeze %dma_wait3A_247 : memref<1x10000x64xf32, #tpu.memory_space<hbm>> -> memref<10000x64xf32, #tpu.memory_space<hbm>>
      %dma_wait3A_249 = arith.constant 0 : i32
      %dma_wait3A_250 = arith.constant 0 : i32
      %dma_wait3A_251 = tpu.memref_slice %dma_wait3A_248[%dma_wait3A_249, %dma_wait3A_250] : memref<10000x64xf32, #tpu.memory_space<hbm>> -> memref<10000x64xf32, #tpu.memory_space<hbm>>
      tpu.wait_indirect_dma semaphore(%arg11 : memref<!tpu.dma_semaphore, #tpu.memory_space<semaphore_mem>>) src(%dma_wait3A_251 : memref<10000x64xf32, #tpu.memory_space<hbm>>) dst(%dma_wait3A_241 : memref<128x64xf32, #tpu.memory_space<vmem>>)
      %add3A_252 = arith.constant 1 : i32
      %add3A_253 = arith.addi %mul3A_234, %add3A_252 : i32
      %dma_wait3A_254 = arith.constant 128 : i32
      %dma_wait3A_255 = arith.constant 0 : i32
      %dma_wait3A_256 = tpu.memref_slice %arg8[%dma_wait3A_254, %dma_wait3A_255] : memref<512x64xf32, #tpu.memory_space<vmem>> -> memref<128x64xf32, #tpu.memory_space<vmem>>
      %dma_wait3A_257 = arith.constant 0 : i32
      %dma_wait3A_258 = tpu.memref_slice %arg6[%add3A_253, %dma_wait3A_257] : memref<80x128xi32, #tpu.memory_space<vmem>> -> memref<1x128xi32, #tpu.memory_space<vmem>>
      %dma_wait3A_259 = tpu.memref_squeeze %dma_wait3A_258 : memref<1x128xi32, #tpu.memory_space<vmem>> -> memref<128xi32, #tpu.memory_space<vmem>>
      %dma_wait3A_260 = arith.constant 0 : i32
      %dma_wait3A_261 = arith.constant 0 : i32
      %dma_wait3A_262 = tpu.memref_slice %arg2[%arg0, %dma_wait3A_260, %dma_wait3A_261] : memref<2x10000x64xf32, #tpu.memory_space<hbm>> -> memref<1x10000x64xf32, #tpu.memory_space<hbm>>
      %dma_wait3A_263 = tpu.memref_squeeze %dma_wait3A_262 : memref<1x10000x64xf32, #tpu.memory_space<hbm>> -> memref<10000x64xf32, #tpu.memory_space<hbm>>
      %dma_wait3A_264 = arith.constant 0 : i32
      %dma_wait3A_265 = arith.constant 0 : i32
      %dma_wait3A_266 = tpu.memref_slice %dma_wait3A_263[%dma_wait3A_264, %dma_wait3A_265] : memref<10000x64xf32, #tpu.memory_space<hbm>> -> memref<10000x64xf32, #tpu.memory_space<hbm>>
      tpu.wait_indirect_dma semaphore(%arg11 : memref<!tpu.dma_semaphore, #tpu.memory_space<semaphore_mem>>) src(%dma_wait3A_266 : memref<10000x64xf32, #tpu.memory_space<hbm>>) dst(%dma_wait3A_256 : memref<128x64xf32, #tpu.memory_space<vmem>>)
      %add3A_267 = arith.constant 2 : i32
      %add3A_268 = arith.addi %mul3A_234, %add3A_267 : i32
      %dma_wait3A_269 = arith.constant 256 : i32
      %dma_wait3A_270 = arith.constant 0 : i32
      %dma_wait3A_271 = tpu.memref_slice %arg8[%dma_wait3A_269, %dma_wait3A_270] : memref<512x64xf32, #tpu.memory_space<vmem>> -> memref<128x64xf32, #tpu.memory_space<vmem>>
      %dma_wait3A_272 = arith.constant 0 : i32
      %dma_wait3A_273 = tpu.memref_slice %arg6[%add3A_268, %dma_wait3A_272] : memref<80x128xi32, #tpu.memory_space<vmem>> -> memref<1x128xi32, #tpu.memory_space<vmem>>
      %dma_wait3A_274 = tpu.memref_squeeze %dma_wait3A_273 : memref<1x128xi32, #tpu.memory_space<vmem>> -> memref<128xi32, #tpu.memory_space<vmem>>
      %dma_wait3A_275 = arith.constant 0 : i32
      %dma_wait3A_276 = arith.constant 0 : i32
      %dma_wait3A_277 = tpu.memref_slice %arg2[%arg0, %dma_wait3A_275, %dma_wait3A_276] : memref<2x10000x64xf32, #tpu.memory_space<hbm>> -> memref<1x10000x64xf32, #tpu.memory_space<hbm>>
      %dma_wait3A_278 = tpu.memref_squeeze %dma_wait3A_277 : memref<1x10000x64xf32, #tpu.memory_space<hbm>> -> memref<10000x64xf32, #tpu.memory_space<hbm>>
      %dma_wait3A_279 = arith.constant 0 : i32
      %dma_wait3A_280 = arith.constant 0 : i32
      %dma_wait3A_281 = tpu.memref_slice %dma_wait3A_278[%dma_wait3A_279, %dma_wait3A_280] : memref<10000x64xf32, #tpu.memory_space<hbm>> -> memref<10000x64xf32, #tpu.memory_space<hbm>>
      tpu.wait_indirect_dma semaphore(%arg11 : memref<!tpu.dma_semaphore, #tpu.memory_space<semaphore_mem>>) src(%dma_wait3A_281 : memref<10000x64xf32, #tpu.memory_space<hbm>>) dst(%dma_wait3A_271 : memref<128x64xf32, #tpu.memory_space<vmem>>)
      %add3A_282 = arith.constant 3 : i32
      %add3A_283 = arith.addi %mul3A_234, %add3A_282 : i32
      %dma_wait3A_284 = arith.constant 384 : i32
      %dma_wait3A_285 = arith.constant 0 : i32
      %dma_wait3A_286 = tpu.memref_slice %arg8[%dma_wait3A_284, %dma_wait3A_285] : memref<512x64xf32, #tpu.memory_space<vmem>> -> memref<128x64xf32, #tpu.memory_space<vmem>>
      %dma_wait3A_287 = arith.constant 0 : i32
      %dma_wait3A_288 = tpu.memref_slice %arg6[%add3A_283, %dma_wait3A_287] : memref<80x128xi32, #tpu.memory_space<vmem>> -> memref<1x128xi32, #tpu.memory_space<vmem>>
      %dma_wait3A_289 = tpu.memref_squeeze %dma_wait3A_288 : memref<1x128xi32, #tpu.memory_space<vmem>> -> memref<128xi32, #tpu.memory_space<vmem>>
      %dma_wait3A_290 = arith.constant 0 : i32
      %dma_wait3A_291 = arith.constant 0 : i32
      %dma_wait3A_292 = tpu.memref_slice %arg2[%arg0, %dma_wait3A_290, %dma_wait3A_291] : memref<2x10000x64xf32, #tpu.memory_space<hbm>> -> memref<1x10000x64xf32, #tpu.memory_space<hbm>>
      %dma_wait3A_293 = tpu.memref_squeeze %dma_wait3A_292 : memref<1x10000x64xf32, #tpu.memory_space<hbm>> -> memref<10000x64xf32, #tpu.memory_space<hbm>>
      %dma_wait3A_294 = arith.constant 0 : i32
      %dma_wait3A_295 = arith.constant 0 : i32
      %dma_wait3A_296 = tpu.memref_slice %dma_wait3A_293[%dma_wait3A_294, %dma_wait3A_295] : memref<10000x64xf32, #tpu.memory_space<hbm>> -> memref<10000x64xf32, #tpu.memory_space<hbm>>
      tpu.wait_indirect_dma semaphore(%arg11 : memref<!tpu.dma_semaphore, #tpu.memory_space<semaphore_mem>>) src(%dma_wait3A_296 : memref<10000x64xf32, #tpu.memory_space<hbm>>) dst(%dma_wait3A_286 : memref<128x64xf32, #tpu.memory_space<vmem>>)
      %add3A_297 = arith.constant 0 : i32
      %add3A_298 = arith.addi %mul3A_234, %add3A_297 : i32
      %dma_start3A_299 = arith.constant 0 : i32
      %dma_start3A_300 = arith.constant 0 : i32
      %dma_start3A_301 = tpu.memref_slice %arg8[%dma_start3A_299, %dma_start3A_300] : memref<512x64xf32, #tpu.memory_space<vmem>> -> memref<128x64xf32, #tpu.memory_space<vmem>>
      %dma_start3A_302 = arith.constant 0 : i32
      %dma_start3A_303 = tpu.memref_slice %arg7[%add3A_298, %dma_start3A_302] : memref<80x128xi32, #tpu.memory_space<vmem>> -> memref<1x128xi32, #tpu.memory_space<vmem>>
      %dma_start3A_304 = tpu.memref_squeeze %dma_start3A_303 : memref<1x128xi32, #tpu.memory_space<vmem>> -> memref<128xi32, #tpu.memory_space<vmem>>
      %dma_start3A_305 = arith.constant 0 : i32
      %dma_start3A_306 = arith.constant 0 : i32
      %dma_start3A_307 = tpu.memref_slice %arg10[%dma_start3A_305, %dma_start3A_306] : memref<10240x64xf32, #tpu.memory_space<vmem_shared>> -> memref<10240x64xf32, #tpu.memory_space<vmem_shared>>
      tpu.enqueue_indirect_dma source(%dma_start3A_301 : memref<128x64xf32, #tpu.memory_space<vmem>>) target(%dma_start3A_307 : memref<10240x64xf32, #tpu.memory_space<vmem_shared>>) offsets(%dma_start3A_304 : memref<128xi32, #tpu.memory_space<vmem>>) semaphore(%arg13 : memref<!tpu.dma_semaphore, #tpu.memory_space<semaphore_mem>>) {add = true}
      %add3A_308 = arith.constant 1 : i32
      %add3A_309 = arith.addi %mul3A_234, %add3A_308 : i32
      %dma_start3A_310 = arith.constant 128 : i32
      %dma_start3A_311 = arith.constant 0 : i32
      %dma_start3A_312 = tpu.memref_slice %arg8[%dma_start3A_310, %dma_start3A_311] : memref<512x64xf32, #tpu.memory_space<vmem>> -> memref<128x64xf32, #tpu.memory_space<vmem>>
      %dma_start3A_313 = arith.constant 0 : i32
      %dma_start3A_314 = tpu.memref_slice %arg7[%add3A_309, %dma_start3A_313] : memref<80x128xi32, #tpu.memory_space<vmem>> -> memref<1x128xi32, #tpu.memory_space<vmem>>
      %dma_start3A_315 = tpu.memref_squeeze %dma_start3A_314 : memref<1x128xi32, #tpu.memory_space<vmem>> -> memref<128xi32, #tpu.memory_space<vmem>>
      %dma_start3A_316 = arith.constant 0 : i32
      %dma_start3A_317 = arith.constant 0 : i32
      %dma_start3A_318 = tpu.memref_slice %arg10[%dma_start3A_316, %dma_start3A_317] : memref<10240x64xf32, #tpu.memory_space<vmem_shared>> -> memref<10240x64xf32, #tpu.memory_space<vmem_shared>>
      tpu.enqueue_indirect_dma source(%dma_start3A_312 : memref<128x64xf32, #tpu.memory_space<vmem>>) target(%dma_start3A_318 : memref<10240x64xf32, #tpu.memory_space<vmem_shared>>) offsets(%dma_start3A_315 : memref<128xi32, #tpu.memory_space<vmem>>) semaphore(%arg13 : memref<!tpu.dma_semaphore, #tpu.memory_space<semaphore_mem>>) {add = true}
      %add3A_319 = arith.constant 2 : i32
      %add3A_320 = arith.addi %mul3A_234, %add3A_319 : i32
      %dma_start3A_321 = arith.constant 256 : i32
      %dma_start3A_322 = arith.constant 0 : i32
      %dma_start3A_323 = tpu.memref_slice %arg8[%dma_start3A_321, %dma_start3A_322] : memref<512x64xf32, #tpu.memory_space<vmem>> -> memref<128x64xf32, #tpu.memory_space<vmem>>
      %dma_start3A_324 = arith.constant 0 : i32
      %dma_start3A_325 = tpu.memref_slice %arg7[%add3A_320, %dma_start3A_324] : memref<80x128xi32, #tpu.memory_space<vmem>> -> memref<1x128xi32, #tpu.memory_space<vmem>>
      %dma_start3A_326 = tpu.memref_squeeze %dma_start3A_325 : memref<1x128xi32, #tpu.memory_space<vmem>> -> memref<128xi32, #tpu.memory_space<vmem>>
      %dma_start3A_327 = arith.constant 0 : i32
      %dma_start3A_328 = arith.constant 0 : i32
      %dma_start3A_329 = tpu.memref_slice %arg10[%dma_start3A_327, %dma_start3A_328] : memref<10240x64xf32, #tpu.memory_space<vmem_shared>> -> memref<10240x64xf32, #tpu.memory_space<vmem_shared>>
      tpu.enqueue_indirect_dma source(%dma_start3A_323 : memref<128x64xf32, #tpu.memory_space<vmem>>) target(%dma_start3A_329 : memref<10240x64xf32, #tpu.memory_space<vmem_shared>>) offsets(%dma_start3A_326 : memref<128xi32, #tpu.memory_space<vmem>>) semaphore(%arg13 : memref<!tpu.dma_semaphore, #tpu.memory_space<semaphore_mem>>) {add = true}
      %add3A_330 = arith.constant 3 : i32
      %add3A_331 = arith.addi %mul3A_234, %add3A_330 : i32
      %dma_start3A_332 = arith.constant 384 : i32
      %dma_start3A_333 = arith.constant 0 : i32
      %dma_start3A_334 = tpu.memref_slice %arg8[%dma_start3A_332, %dma_start3A_333] : memref<512x64xf32, #tpu.memory_space<vmem>> -> memref<128x64xf32, #tpu.memory_space<vmem>>
      %dma_start3A_335 = arith.constant 0 : i32
      %dma_start3A_336 = tpu.memref_slice %arg7[%add3A_331, %dma_start3A_335] : memref<80x128xi32, #tpu.memory_space<vmem>> -> memref<1x128xi32, #tpu.memory_space<vmem>>
      %dma_start3A_337 = tpu.memref_squeeze %dma_start3A_336 : memref<1x128xi32, #tpu.memory_space<vmem>> -> memref<128xi32, #tpu.memory_space<vmem>>
      %dma_start3A_338 = arith.constant 0 : i32
      %dma_start3A_339 = arith.constant 0 : i32
      %dma_start3A_340 = tpu.memref_slice %arg10[%dma_start3A_338, %dma_start3A_339] : memref<10240x64xf32, #tpu.memory_space<vmem_shared>> -> memref<10240x64xf32, #tpu.memory_space<vmem_shared>>
      tpu.enqueue_indirect_dma source(%dma_start3A_334 : memref<128x64xf32, #tpu.memory_space<vmem>>) target(%dma_start3A_340 : memref<10240x64xf32, #tpu.memory_space<vmem_shared>>) offsets(%dma_start3A_337 : memref<128xi32, #tpu.memory_space<vmem>>) semaphore(%arg13 : memref<!tpu.dma_semaphore, #tpu.memory_space<semaphore_mem>>) {add = true}
      %gt3A = arith.constant 0 : i32
      %gt3A_341 = arith.cmpi sgt, %add3A_232, %gt3A : i32
      %convert_element_type3A = arith.extui %gt3A_341 : i1 to i32
      %cond3A = arith.constant 0 : i32
      %cond3A_342 = arith.cmpi ne, %convert_element_type3A, %cond3A : i32
      scf.if %cond3A_342 {
        %sub3A = arith.constant 4 : i32
        %sub3A_555 = arith.subi %mul3A_234, %sub3A : i32
        %add3A_556 = arith.constant 0 : i32
        %add3A_557 = arith.addi %sub3A_555, %add3A_556 : i32
        %dma_wait3A_558 = arith.constant 0 : i32
        %dma_wait3A_559 = arith.constant 0 : i32
        %dma_wait3A_560 = tpu.memref_slice %arg9[%dma_wait3A_558, %dma_wait3A_559] : memref<512x64xf32, #tpu.memory_space<vmem>> -> memref<128x64xf32, #tpu.memory_space<vmem>>
        %dma_wait3A_561 = arith.constant 0 : i32
        %dma_wait3A_562 = tpu.memref_slice %arg7[%add3A_557, %dma_wait3A_561] : memref<80x128xi32, #tpu.memory_space<vmem>> -> memref<1x128xi32, #tpu.memory_space<vmem>>
        %dma_wait3A_563 = tpu.memref_squeeze %dma_wait3A_562 : memref<1x128xi32, #tpu.memory_space<vmem>> -> memref<128xi32, #tpu.memory_space<vmem>>
        %dma_wait3A_564 = arith.constant 0 : i32
        %dma_wait3A_565 = arith.constant 0 : i32
        %dma_wait3A_566 = tpu.memref_slice %arg10[%dma_wait3A_564, %dma_wait3A_565] : memref<10240x64xf32, #tpu.memory_space<vmem_shared>> -> memref<10240x64xf32, #tpu.memory_space<vmem_shared>>
        tpu.wait_indirect_dma semaphore(%arg14 : memref<!tpu.dma_semaphore, #tpu.memory_space<semaphore_mem>>) src(%dma_wait3A_560 : memref<128x64xf32, #tpu.memory_space<vmem>>) dst(%dma_wait3A_566 : memref<10240x64xf32, #tpu.memory_space<vmem_shared>>)
        %add3A_567 = arith.constant 1 : i32
        %add3A_568 = arith.addi %sub3A_555, %add3A_567 : i32
        %dma_wait3A_569 = arith.constant 128 : i32
        %dma_wait3A_570 = arith.constant 0 : i32
        %dma_wait3A_571 = tpu.memref_slice %arg9[%dma_wait3A_569, %dma_wait3A_570] : memref<512x64xf32, #tpu.memory_space<vmem>> -> memref<128x64xf32, #tpu.memory_space<vmem>>
        %dma_wait3A_572 = arith.constant 0 : i32
        %dma_wait3A_573 = tpu.memref_slice %arg7[%add3A_568, %dma_wait3A_572] : memref<80x128xi32, #tpu.memory_space<vmem>> -> memref<1x128xi32, #tpu.memory_space<vmem>>
        %dma_wait3A_574 = tpu.memref_squeeze %dma_wait3A_573 : memref<1x128xi32, #tpu.memory_space<vmem>> -> memref<128xi32, #tpu.memory_space<vmem>>
        %dma_wait3A_575 = arith.constant 0 : i32
        %dma_wait3A_576 = arith.constant 0 : i32
        %dma_wait3A_577 = tpu.memref_slice %arg10[%dma_wait3A_575, %dma_wait3A_576] : memref<10240x64xf32, #tpu.memory_space<vmem_shared>> -> memref<10240x64xf32, #tpu.memory_space<vmem_shared>>
        tpu.wait_indirect_dma semaphore(%arg14 : memref<!tpu.dma_semaphore, #tpu.memory_space<semaphore_mem>>) src(%dma_wait3A_571 : memref<128x64xf32, #tpu.memory_space<vmem>>) dst(%dma_wait3A_577 : memref<10240x64xf32, #tpu.memory_space<vmem_shared>>)
        %add3A_578 = arith.constant 2 : i32
        %add3A_579 = arith.addi %sub3A_555, %add3A_578 : i32
        %dma_wait3A_580 = arith.constant 256 : i32
        %dma_wait3A_581 = arith.constant 0 : i32
        %dma_wait3A_582 = tpu.memref_slice %arg9[%dma_wait3A_580, %dma_wait3A_581] : memref<512x64xf32, #tpu.memory_space<vmem>> -> memref<128x64xf32, #tpu.memory_space<vmem>>
        %dma_wait3A_583 = arith.constant 0 : i32
        %dma_wait3A_584 = tpu.memref_slice %arg7[%add3A_579, %dma_wait3A_583] : memref<80x128xi32, #tpu.memory_space<vmem>> -> memref<1x128xi32, #tpu.memory_space<vmem>>
        %dma_wait3A_585 = tpu.memref_squeeze %dma_wait3A_584 : memref<1x128xi32, #tpu.memory_space<vmem>> -> memref<128xi32, #tpu.memory_space<vmem>>
        %dma_wait3A_586 = arith.constant 0 : i32
        %dma_wait3A_587 = arith.constant 0 : i32
        %dma_wait3A_588 = tpu.memref_slice %arg10[%dma_wait3A_586, %dma_wait3A_587] : memref<10240x64xf32, #tpu.memory_space<vmem_shared>> -> memref<10240x64xf32, #tpu.memory_space<vmem_shared>>
        tpu.wait_indirect_dma semaphore(%arg14 : memref<!tpu.dma_semaphore, #tpu.memory_space<semaphore_mem>>) src(%dma_wait3A_582 : memref<128x64xf32, #tpu.memory_space<vmem>>) dst(%dma_wait3A_588 : memref<10240x64xf32, #tpu.memory_space<vmem_shared>>)
        %add3A_589 = arith.constant 3 : i32
        %add3A_590 = arith.addi %sub3A_555, %add3A_589 : i32
        %dma_wait3A_591 = arith.constant 384 : i32
        %dma_wait3A_592 = arith.constant 0 : i32
        %dma_wait3A_593 = tpu.memref_slice %arg9[%dma_wait3A_591, %dma_wait3A_592] : memref<512x64xf32, #tpu.memory_space<vmem>> -> memref<128x64xf32, #tpu.memory_space<vmem>>
        %dma_wait3A_594 = arith.constant 0 : i32
        %dma_wait3A_595 = tpu.memref_slice %arg7[%add3A_590, %dma_wait3A_594] : memref<80x128xi32, #tpu.memory_space<vmem>> -> memref<1x128xi32, #tpu.memory_space<vmem>>
        %dma_wait3A_596 = tpu.memref_squeeze %dma_wait3A_595 : memref<1x128xi32, #tpu.memory_space<vmem>> -> memref<128xi32, #tpu.memory_space<vmem>>
        %dma_wait3A_597 = arith.constant 0 : i32
        %dma_wait3A_598 = arith.constant 0 : i32
        %dma_wait3A_599 = tpu.memref_slice %arg10[%dma_wait3A_597, %dma_wait3A_598] : memref<10240x64xf32, #tpu.memory_space<vmem_shared>> -> memref<10240x64xf32, #tpu.memory_space<vmem_shared>>
        tpu.wait_indirect_dma semaphore(%arg14 : memref<!tpu.dma_semaphore, #tpu.memory_space<semaphore_mem>>) src(%dma_wait3A_593 : memref<128x64xf32, #tpu.memory_space<vmem>>) dst(%dma_wait3A_599 : memref<10240x64xf32, #tpu.memory_space<vmem_shared>>)
      } else {
      }
      %add3A_343 = arith.constant 0 : i32
      %add3A_344 = arith.addi %add3A_236, %add3A_343 : i32
      %dma_start3A_345 = arith.constant 0 : i32
      %dma_start3A_346 = arith.constant 0 : i32
      %dma_start3A_347 = tpu.memref_slice %arg9[%dma_start3A_345, %dma_start3A_346] : memref<512x64xf32, #tpu.memory_space<vmem>> -> memref<128x64xf32, #tpu.memory_space<vmem>>
      %dma_start3A_348 = arith.constant 0 : i32
      %dma_start3A_349 = tpu.memref_slice %arg6[%add3A_344, %dma_start3A_348] : memref<80x128xi32, #tpu.memory_space<vmem>> -> memref<1x128xi32, #tpu.memory_space<vmem>>
      %dma_start3A_350 = tpu.memref_squeeze %dma_start3A_349 : memref<1x128xi32, #tpu.memory_space<vmem>> -> memref<128xi32, #tpu.memory_space<vmem>>
      %dma_start3A_351 = arith.constant 0 : i32
      %dma_start3A_352 = arith.constant 0 : i32
      %dma_start3A_353 = tpu.memref_slice %arg2[%arg0, %dma_start3A_351, %dma_start3A_352] : memref<2x10000x64xf32, #tpu.memory_space<hbm>> -> memref<1x10000x64xf32, #tpu.memory_space<hbm>>
      %dma_start3A_354 = tpu.memref_squeeze %dma_start3A_353 : memref<1x10000x64xf32, #tpu.memory_space<hbm>> -> memref<10000x64xf32, #tpu.memory_space<hbm>>
      %dma_start3A_355 = arith.constant 0 : i32
      %dma_start3A_356 = arith.constant 0 : i32
      %dma_start3A_357 = tpu.memref_slice %dma_start3A_354[%dma_start3A_355, %dma_start3A_356] : memref<10000x64xf32, #tpu.memory_space<hbm>> -> memref<10000x64xf32, #tpu.memory_space<hbm>>
      tpu.enqueue_indirect_dma source(%dma_start3A_357 : memref<10000x64xf32, #tpu.memory_space<hbm>>) target(%dma_start3A_347 : memref<128x64xf32, #tpu.memory_space<vmem>>) offsets(%dma_start3A_350 : memref<128xi32, #tpu.memory_space<vmem>>) semaphore(%arg12 : memref<!tpu.dma_semaphore, #tpu.memory_space<semaphore_mem>>)
      %add3A_358 = arith.constant 1 : i32
      %add3A_359 = arith.addi %add3A_236, %add3A_358 : i32
      %dma_start3A_360 = arith.constant 128 : i32
      %dma_start3A_361 = arith.constant 0 : i32
      %dma_start3A_362 = tpu.memref_slice %arg9[%dma_start3A_360, %dma_start3A_361] : memref<512x64xf32, #tpu.memory_space<vmem>> -> memref<128x64xf32, #tpu.memory_space<vmem>>
      %dma_start3A_363 = arith.constant 0 : i32
      %dma_start3A_364 = tpu.memref_slice %arg6[%add3A_359, %dma_start3A_363] : memref<80x128xi32, #tpu.memory_space<vmem>> -> memref<1x128xi32, #tpu.memory_space<vmem>>
      %dma_start3A_365 = tpu.memref_squeeze %dma_start3A_364 : memref<1x128xi32, #tpu.memory_space<vmem>> -> memref<128xi32, #tpu.memory_space<vmem>>
      %dma_start3A_366 = arith.constant 0 : i32
      %dma_start3A_367 = arith.constant 0 : i32
      %dma_start3A_368 = tpu.memref_slice %arg2[%arg0, %dma_start3A_366, %dma_start3A_367] : memref<2x10000x64xf32, #tpu.memory_space<hbm>> -> memref<1x10000x64xf32, #tpu.memory_space<hbm>>
      %dma_start3A_369 = tpu.memref_squeeze %dma_start3A_368 : memref<1x10000x64xf32, #tpu.memory_space<hbm>> -> memref<10000x64xf32, #tpu.memory_space<hbm>>
      %dma_start3A_370 = arith.constant 0 : i32
      %dma_start3A_371 = arith.constant 0 : i32
      %dma_start3A_372 = tpu.memref_slice %dma_start3A_369[%dma_start3A_370, %dma_start3A_371] : memref<10000x64xf32, #tpu.memory_space<hbm>> -> memref<10000x64xf32, #tpu.memory_space<hbm>>
      tpu.enqueue_indirect_dma source(%dma_start3A_372 : memref<10000x64xf32, #tpu.memory_space<hbm>>) target(%dma_start3A_362 : memref<128x64xf32, #tpu.memory_space<vmem>>) offsets(%dma_start3A_365 : memref<128xi32, #tpu.memory_space<vmem>>) semaphore(%arg12 : memref<!tpu.dma_semaphore, #tpu.memory_space<semaphore_mem>>)
      %add3A_373 = arith.constant 2 : i32
      %add3A_374 = arith.addi %add3A_236, %add3A_373 : i32
      %dma_start3A_375 = arith.constant 256 : i32
      %dma_start3A_376 = arith.constant 0 : i32
      %dma_start3A_377 = tpu.memref_slice %arg9[%dma_start3A_375, %dma_start3A_376] : memref<512x64xf32, #tpu.memory_space<vmem>> -> memref<128x64xf32, #tpu.memory_space<vmem>>
      %dma_start3A_378 = arith.constant 0 : i32
      %dma_start3A_379 = tpu.memref_slice %arg6[%add3A_374, %dma_start3A_378] : memref<80x128xi32, #tpu.memory_space<vmem>> -> memref<1x128xi32, #tpu.memory_space<vmem>>
      %dma_start3A_380 = tpu.memref_squeeze %dma_start3A_379 : memref<1x128xi32, #tpu.memory_space<vmem>> -> memref<128xi32, #tpu.memory_space<vmem>>
      %dma_start3A_381 = arith.constant 0 : i32
      %dma_start3A_382 = arith.constant 0 : i32
      %dma_start3A_383 = tpu.memref_slice %arg2[%arg0, %dma_start3A_381, %dma_start3A_382] : memref<2x10000x64xf32, #tpu.memory_space<hbm>> -> memref<1x10000x64xf32, #tpu.memory_space<hbm>>
      %dma_start3A_384 = tpu.memref_squeeze %dma_start3A_383 : memref<1x10000x64xf32, #tpu.memory_space<hbm>> -> memref<10000x64xf32, #tpu.memory_space<hbm>>
      %dma_start3A_385 = arith.constant 0 : i32
      %dma_start3A_386 = arith.constant 0 : i32
      %dma_start3A_387 = tpu.memref_slice %dma_start3A_384[%dma_start3A_385, %dma_start3A_386] : memref<10000x64xf32, #tpu.memory_space<hbm>> -> memref<10000x64xf32, #tpu.memory_space<hbm>>
      tpu.enqueue_indirect_dma source(%dma_start3A_387 : memref<10000x64xf32, #tpu.memory_space<hbm>>) target(%dma_start3A_377 : memref<128x64xf32, #tpu.memory_space<vmem>>) offsets(%dma_start3A_380 : memref<128xi32, #tpu.memory_space<vmem>>) semaphore(%arg12 : memref<!tpu.dma_semaphore, #tpu.memory_space<semaphore_mem>>)
      %add3A_388 = arith.constant 3 : i32
      %add3A_389 = arith.addi %add3A_236, %add3A_388 : i32
      %dma_start3A_390 = arith.constant 384 : i32
      %dma_start3A_391 = arith.constant 0 : i32
      %dma_start3A_392 = tpu.memref_slice %arg9[%dma_start3A_390, %dma_start3A_391] : memref<512x64xf32, #tpu.memory_space<vmem>> -> memref<128x64xf32, #tpu.memory_space<vmem>>
      %dma_start3A_393 = arith.constant 0 : i32
      %dma_start3A_394 = tpu.memref_slice %arg6[%add3A_389, %dma_start3A_393] : memref<80x128xi32, #tpu.memory_space<vmem>> -> memref<1x128xi32, #tpu.memory_space<vmem>>
      %dma_start3A_395 = tpu.memref_squeeze %dma_start3A_394 : memref<1x128xi32, #tpu.memory_space<vmem>> -> memref<128xi32, #tpu.memory_space<vmem>>
      %dma_start3A_396 = arith.constant 0 : i32
      %dma_start3A_397 = arith.constant 0 : i32
      %dma_start3A_398 = tpu.memref_slice %arg2[%arg0, %dma_start3A_396, %dma_start3A_397] : memref<2x10000x64xf32, #tpu.memory_space<hbm>> -> memref<1x10000x64xf32, #tpu.memory_space<hbm>>
      %dma_start3A_399 = tpu.memref_squeeze %dma_start3A_398 : memref<1x10000x64xf32, #tpu.memory_space<hbm>> -> memref<10000x64xf32, #tpu.memory_space<hbm>>
      %dma_start3A_400 = arith.constant 0 : i32
      %dma_start3A_401 = arith.constant 0 : i32
      %dma_start3A_402 = tpu.memref_slice %dma_start3A_399[%dma_start3A_400, %dma_start3A_401] : memref<10000x64xf32, #tpu.memory_space<hbm>> -> memref<10000x64xf32, #tpu.memory_space<hbm>>
      tpu.enqueue_indirect_dma source(%dma_start3A_402 : memref<10000x64xf32, #tpu.memory_space<hbm>>) target(%dma_start3A_392 : memref<128x64xf32, #tpu.memory_space<vmem>>) offsets(%dma_start3A_395 : memref<128xi32, #tpu.memory_space<vmem>>) semaphore(%arg12 : memref<!tpu.dma_semaphore, #tpu.memory_space<semaphore_mem>>)
      %add3A_403 = arith.constant 0 : i32
      %add3A_404 = arith.addi %add3A_236, %add3A_403 : i32
      %dma_wait3A_405 = arith.constant 0 : i32
      %dma_wait3A_406 = arith.constant 0 : i32
      %dma_wait3A_407 = tpu.memref_slice %arg9[%dma_wait3A_405, %dma_wait3A_406] : memref<512x64xf32, #tpu.memory_space<vmem>> -> memref<128x64xf32, #tpu.memory_space<vmem>>
      %dma_wait3A_408 = arith.constant 0 : i32
      %dma_wait3A_409 = tpu.memref_slice %arg6[%add3A_404, %dma_wait3A_408] : memref<80x128xi32, #tpu.memory_space<vmem>> -> memref<1x128xi32, #tpu.memory_space<vmem>>
      %dma_wait3A_410 = tpu.memref_squeeze %dma_wait3A_409 : memref<1x128xi32, #tpu.memory_space<vmem>> -> memref<128xi32, #tpu.memory_space<vmem>>
      %dma_wait3A_411 = arith.constant 0 : i32
      %dma_wait3A_412 = arith.constant 0 : i32
      %dma_wait3A_413 = tpu.memref_slice %arg2[%arg0, %dma_wait3A_411, %dma_wait3A_412] : memref<2x10000x64xf32, #tpu.memory_space<hbm>> -> memref<1x10000x64xf32, #tpu.memory_space<hbm>>
      %dma_wait3A_414 = tpu.memref_squeeze %dma_wait3A_413 : memref<1x10000x64xf32, #tpu.memory_space<hbm>> -> memref<10000x64xf32, #tpu.memory_space<hbm>>
      %dma_wait3A_415 = arith.constant 0 : i32
      %dma_wait3A_416 = arith.constant 0 : i32
      %dma_wait3A_417 = tpu.memref_slice %dma_wait3A_414[%dma_wait3A_415, %dma_wait3A_416] : memref<10000x64xf32, #tpu.memory_space<hbm>> -> memref<10000x64xf32, #tpu.memory_space<hbm>>
      tpu.wait_indirect_dma semaphore(%arg12 : memref<!tpu.dma_semaphore, #tpu.memory_space<semaphore_mem>>) src(%dma_wait3A_417 : memref<10000x64xf32, #tpu.memory_space<hbm>>) dst(%dma_wait3A_407 : memref<128x64xf32, #tpu.memory_space<vmem>>)
      %add3A_418 = arith.constant 1 : i32
      %add3A_419 = arith.addi %add3A_236, %add3A_418 : i32
      %dma_wait3A_420 = arith.constant 128 : i32
      %dma_wait3A_421 = arith.constant 0 : i32
      %dma_wait3A_422 = tpu.memref_slice %arg9[%dma_wait3A_420, %dma_wait3A_421] : memref<512x64xf32, #tpu.memory_space<vmem>> -> memref<128x64xf32, #tpu.memory_space<vmem>>
      %dma_wait3A_423 = arith.constant 0 : i32
      %dma_wait3A_424 = tpu.memref_slice %arg6[%add3A_419, %dma_wait3A_423] : memref<80x128xi32, #tpu.memory_space<vmem>> -> memref<1x128xi32, #tpu.memory_space<vmem>>
      %dma_wait3A_425 = tpu.memref_squeeze %dma_wait3A_424 : memref<1x128xi32, #tpu.memory_space<vmem>> -> memref<128xi32, #tpu.memory_space<vmem>>
      %dma_wait3A_426 = arith.constant 0 : i32
      %dma_wait3A_427 = arith.constant 0 : i32
      %dma_wait3A_428 = tpu.memref_slice %arg2[%arg0, %dma_wait3A_426, %dma_wait3A_427] : memref<2x10000x64xf32, #tpu.memory_space<hbm>> -> memref<1x10000x64xf32, #tpu.memory_space<hbm>>
      %dma_wait3A_429 = tpu.memref_squeeze %dma_wait3A_428 : memref<1x10000x64xf32, #tpu.memory_space<hbm>> -> memref<10000x64xf32, #tpu.memory_space<hbm>>
      %dma_wait3A_430 = arith.constant 0 : i32
      %dma_wait3A_431 = arith.constant 0 : i32
      %dma_wait3A_432 = tpu.memref_slice %dma_wait3A_429[%dma_wait3A_430, %dma_wait3A_431] : memref<10000x64xf32, #tpu.memory_space<hbm>> -> memref<10000x64xf32, #tpu.memory_space<hbm>>
      tpu.wait_indirect_dma semaphore(%arg12 : memref<!tpu.dma_semaphore, #tpu.memory_space<semaphore_mem>>) src(%dma_wait3A_432 : memref<10000x64xf32, #tpu.memory_space<hbm>>) dst(%dma_wait3A_422 : memref<128x64xf32, #tpu.memory_space<vmem>>)
      %add3A_433 = arith.constant 2 : i32
      %add3A_434 = arith.addi %add3A_236, %add3A_433 : i32
      %dma_wait3A_435 = arith.constant 256 : i32
      %dma_wait3A_436 = arith.constant 0 : i32
      %dma_wait3A_437 = tpu.memref_slice %arg9[%dma_wait3A_435, %dma_wait3A_436] : memref<512x64xf32, #tpu.memory_space<vmem>> -> memref<128x64xf32, #tpu.memory_space<vmem>>
      %dma_wait3A_438 = arith.constant 0 : i32
      %dma_wait3A_439 = tpu.memref_slice %arg6[%add3A_434, %dma_wait3A_438] : memref<80x128xi32, #tpu.memory_space<vmem>> -> memref<1x128xi32, #tpu.memory_space<vmem>>
      %dma_wait3A_440 = tpu.memref_squeeze %dma_wait3A_439 : memref<1x128xi32, #tpu.memory_space<vmem>> -> memref<128xi32, #tpu.memory_space<vmem>>
      %dma_wait3A_441 = arith.constant 0 : i32
      %dma_wait3A_442 = arith.constant 0 : i32
      %dma_wait3A_443 = tpu.memref_slice %arg2[%arg0, %dma_wait3A_441, %dma_wait3A_442] : memref<2x10000x64xf32, #tpu.memory_space<hbm>> -> memref<1x10000x64xf32, #tpu.memory_space<hbm>>
      %dma_wait3A_444 = tpu.memref_squeeze %dma_wait3A_443 : memref<1x10000x64xf32, #tpu.memory_space<hbm>> -> memref<10000x64xf32, #tpu.memory_space<hbm>>
      %dma_wait3A_445 = arith.constant 0 : i32
      %dma_wait3A_446 = arith.constant 0 : i32
      %dma_wait3A_447 = tpu.memref_slice %dma_wait3A_444[%dma_wait3A_445, %dma_wait3A_446] : memref<10000x64xf32, #tpu.memory_space<hbm>> -> memref<10000x64xf32, #tpu.memory_space<hbm>>
      tpu.wait_indirect_dma semaphore(%arg12 : memref<!tpu.dma_semaphore, #tpu.memory_space<semaphore_mem>>) src(%dma_wait3A_447 : memref<10000x64xf32, #tpu.memory_space<hbm>>) dst(%dma_wait3A_437 : memref<128x64xf32, #tpu.memory_space<vmem>>)
      %add3A_448 = arith.constant 3 : i32
      %add3A_449 = arith.addi %add3A_236, %add3A_448 : i32
      %dma_wait3A_450 = arith.constant 384 : i32
      %dma_wait3A_451 = arith.constant 0 : i32
      %dma_wait3A_452 = tpu.memref_slice %arg9[%dma_wait3A_450, %dma_wait3A_451] : memref<512x64xf32, #tpu.memory_space<vmem>> -> memref<128x64xf32, #tpu.memory_space<vmem>>
      %dma_wait3A_453 = arith.constant 0 : i32
      %dma_wait3A_454 = tpu.memref_slice %arg6[%add3A_449, %dma_wait3A_453] : memref<80x128xi32, #tpu.memory_space<vmem>> -> memref<1x128xi32, #tpu.memory_space<vmem>>
      %dma_wait3A_455 = tpu.memref_squeeze %dma_wait3A_454 : memref<1x128xi32, #tpu.memory_space<vmem>> -> memref<128xi32, #tpu.memory_space<vmem>>
      %dma_wait3A_456 = arith.constant 0 : i32
      %dma_wait3A_457 = arith.constant 0 : i32
      %dma_wait3A_458 = tpu.memref_slice %arg2[%arg0, %dma_wait3A_456, %dma_wait3A_457] : memref<2x10000x64xf32, #tpu.memory_space<hbm>> -> memref<1x10000x64xf32, #tpu.memory_space<hbm>>
      %dma_wait3A_459 = tpu.memref_squeeze %dma_wait3A_458 : memref<1x10000x64xf32, #tpu.memory_space<hbm>> -> memref<10000x64xf32, #tpu.memory_space<hbm>>
      %dma_wait3A_460 = arith.constant 0 : i32
      %dma_wait3A_461 = arith.constant 0 : i32
      %dma_wait3A_462 = tpu.memref_slice %dma_wait3A_459[%dma_wait3A_460, %dma_wait3A_461] : memref<10000x64xf32, #tpu.memory_space<hbm>> -> memref<10000x64xf32, #tpu.memory_space<hbm>>
      tpu.wait_indirect_dma semaphore(%arg12 : memref<!tpu.dma_semaphore, #tpu.memory_space<semaphore_mem>>) src(%dma_wait3A_462 : memref<10000x64xf32, #tpu.memory_space<hbm>>) dst(%dma_wait3A_452 : memref<128x64xf32, #tpu.memory_space<vmem>>)
      %add3A_463 = arith.constant 0 : i32
      %add3A_464 = arith.addi %add3A_236, %add3A_463 : i32
      %dma_start3A_465 = arith.constant 0 : i32
      %dma_start3A_466 = arith.constant 0 : i32
      %dma_start3A_467 = tpu.memref_slice %arg9[%dma_start3A_465, %dma_start3A_466] : memref<512x64xf32, #tpu.memory_space<vmem>> -> memref<128x64xf32, #tpu.memory_space<vmem>>
      %dma_start3A_468 = arith.constant 0 : i32
      %dma_start3A_469 = tpu.memref_slice %arg7[%add3A_464, %dma_start3A_468] : memref<80x128xi32, #tpu.memory_space<vmem>> -> memref<1x128xi32, #tpu.memory_space<vmem>>
      %dma_start3A_470 = tpu.memref_squeeze %dma_start3A_469 : memref<1x128xi32, #tpu.memory_space<vmem>> -> memref<128xi32, #tpu.memory_space<vmem>>
      %dma_start3A_471 = arith.constant 0 : i32
      %dma_start3A_472 = arith.constant 0 : i32
      %dma_start3A_473 = tpu.memref_slice %arg10[%dma_start3A_471, %dma_start3A_472] : memref<10240x64xf32, #tpu.memory_space<vmem_shared>> -> memref<10240x64xf32, #tpu.memory_space<vmem_shared>>
      tpu.enqueue_indirect_dma source(%dma_start3A_467 : memref<128x64xf32, #tpu.memory_space<vmem>>) target(%dma_start3A_473 : memref<10240x64xf32, #tpu.memory_space<vmem_shared>>) offsets(%dma_start3A_470 : memref<128xi32, #tpu.memory_space<vmem>>) semaphore(%arg14 : memref<!tpu.dma_semaphore, #tpu.memory_space<semaphore_mem>>) {add = true}
      %add3A_474 = arith.constant 1 : i32
      %add3A_475 = arith.addi %add3A_236, %add3A_474 : i32
      %dma_start3A_476 = arith.constant 128 : i32
      %dma_start3A_477 = arith.constant 0 : i32
      %dma_start3A_478 = tpu.memref_slice %arg9[%dma_start3A_476, %dma_start3A_477] : memref<512x64xf32, #tpu.memory_space<vmem>> -> memref<128x64xf32, #tpu.memory_space<vmem>>
      %dma_start3A_479 = arith.constant 0 : i32
      %dma_start3A_480 = tpu.memref_slice %arg7[%add3A_475, %dma_start3A_479] : memref<80x128xi32, #tpu.memory_space<vmem>> -> memref<1x128xi32, #tpu.memory_space<vmem>>
      %dma_start3A_481 = tpu.memref_squeeze %dma_start3A_480 : memref<1x128xi32, #tpu.memory_space<vmem>> -> memref<128xi32, #tpu.memory_space<vmem>>
      %dma_start3A_482 = arith.constant 0 : i32
      %dma_start3A_483 = arith.constant 0 : i32
      %dma_start3A_484 = tpu.memref_slice %arg10[%dma_start3A_482, %dma_start3A_483] : memref<10240x64xf32, #tpu.memory_space<vmem_shared>> -> memref<10240x64xf32, #tpu.memory_space<vmem_shared>>
      tpu.enqueue_indirect_dma source(%dma_start3A_478 : memref<128x64xf32, #tpu.memory_space<vmem>>) target(%dma_start3A_484 : memref<10240x64xf32, #tpu.memory_space<vmem_shared>>) offsets(%dma_start3A_481 : memref<128xi32, #tpu.memory_space<vmem>>) semaphore(%arg14 : memref<!tpu.dma_semaphore, #tpu.memory_space<semaphore_mem>>) {add = true}
      %add3A_485 = arith.constant 2 : i32
      %add3A_486 = arith.addi %add3A_236, %add3A_485 : i32
      %dma_start3A_487 = arith.constant 256 : i32
      %dma_start3A_488 = arith.constant 0 : i32
      %dma_start3A_489 = tpu.memref_slice %arg9[%dma_start3A_487, %dma_start3A_488] : memref<512x64xf32, #tpu.memory_space<vmem>> -> memref<128x64xf32, #tpu.memory_space<vmem>>
      %dma_start3A_490 = arith.constant 0 : i32
      %dma_start3A_491 = tpu.memref_slice %arg7[%add3A_486, %dma_start3A_490] : memref<80x128xi32, #tpu.memory_space<vmem>> -> memref<1x128xi32, #tpu.memory_space<vmem>>
      %dma_start3A_492 = tpu.memref_squeeze %dma_start3A_491 : memref<1x128xi32, #tpu.memory_space<vmem>> -> memref<128xi32, #tpu.memory_space<vmem>>
      %dma_start3A_493 = arith.constant 0 : i32
      %dma_start3A_494 = arith.constant 0 : i32
      %dma_start3A_495 = tpu.memref_slice %arg10[%dma_start3A_493, %dma_start3A_494] : memref<10240x64xf32, #tpu.memory_space<vmem_shared>> -> memref<10240x64xf32, #tpu.memory_space<vmem_shared>>
      tpu.enqueue_indirect_dma source(%dma_start3A_489 : memref<128x64xf32, #tpu.memory_space<vmem>>) target(%dma_start3A_495 : memref<10240x64xf32, #tpu.memory_space<vmem_shared>>) offsets(%dma_start3A_492 : memref<128xi32, #tpu.memory_space<vmem>>) semaphore(%arg14 : memref<!tpu.dma_semaphore, #tpu.memory_space<semaphore_mem>>) {add = true}
      %add3A_496 = arith.constant 3 : i32
      %add3A_497 = arith.addi %add3A_236, %add3A_496 : i32
      %dma_start3A_498 = arith.constant 384 : i32
      %dma_start3A_499 = arith.constant 0 : i32
      %dma_start3A_500 = tpu.memref_slice %arg9[%dma_start3A_498, %dma_start3A_499] : memref<512x64xf32, #tpu.memory_space<vmem>> -> memref<128x64xf32, #tpu.memory_space<vmem>>
      %dma_start3A_501 = arith.constant 0 : i32
      %dma_start3A_502 = tpu.memref_slice %arg7[%add3A_497, %dma_start3A_501] : memref<80x128xi32, #tpu.memory_space<vmem>> -> memref<1x128xi32, #tpu.memory_space<vmem>>
      %dma_start3A_503 = tpu.memref_squeeze %dma_start3A_502 : memref<1x128xi32, #tpu.memory_space<vmem>> -> memref<128xi32, #tpu.memory_space<vmem>>
      %dma_start3A_504 = arith.constant 0 : i32
      %dma_start3A_505 = arith.constant 0 : i32
      %dma_start3A_506 = tpu.memref_slice %arg10[%dma_start3A_504, %dma_start3A_505] : memref<10240x64xf32, #tpu.memory_space<vmem_shared>> -> memref<10240x64xf32, #tpu.memory_space<vmem_shared>>
      tpu.enqueue_indirect_dma source(%dma_start3A_500 : memref<128x64xf32, #tpu.memory_space<vmem>>) target(%dma_start3A_506 : memref<10240x64xf32, #tpu.memory_space<vmem_shared>>) offsets(%dma_start3A_503 : memref<128xi32, #tpu.memory_space<vmem>>) semaphore(%arg14 : memref<!tpu.dma_semaphore, #tpu.memory_space<semaphore_mem>>) {add = true}
      %add3A_507 = arith.constant 0 : i32
      %add3A_508 = arith.addi %mul3A_234, %add3A_507 : i32
      %dma_wait3A_509 = arith.constant 0 : i32
      %dma_wait3A_510 = arith.constant 0 : i32
      %dma_wait3A_511 = tpu.memref_slice %arg8[%dma_wait3A_509, %dma_wait3A_510] : memref<512x64xf32, #tpu.memory_space<vmem>> -> memref<128x64xf32, #tpu.memory_space<vmem>>
      %dma_wait3A_512 = arith.constant 0 : i32
      %dma_wait3A_513 = tpu.memref_slice %arg7[%add3A_508, %dma_wait3A_512] : memref<80x128xi32, #tpu.memory_space<vmem>> -> memref<1x128xi32, #tpu.memory_space<vmem>>
      %dma_wait3A_514 = tpu.memref_squeeze %dma_wait3A_513 : memref<1x128xi32, #tpu.memory_space<vmem>> -> memref<128xi32, #tpu.memory_space<vmem>>
      %dma_wait3A_515 = arith.constant 0 : i32
      %dma_wait3A_516 = arith.constant 0 : i32
      %dma_wait3A_517 = tpu.memref_slice %arg10[%dma_wait3A_515, %dma_wait3A_516] : memref<10240x64xf32, #tpu.memory_space<vmem_shared>> -> memref<10240x64xf32, #tpu.memory_space<vmem_shared>>
      tpu.wait_indirect_dma semaphore(%arg13 : memref<!tpu.dma_semaphore, #tpu.memory_space<semaphore_mem>>) src(%dma_wait3A_511 : memref<128x64xf32, #tpu.memory_space<vmem>>) dst(%dma_wait3A_517 : memref<10240x64xf32, #tpu.memory_space<vmem_shared>>)
      %add3A_518 = arith.constant 1 : i32
      %add3A_519 = arith.addi %mul3A_234, %add3A_518 : i32
      %dma_wait3A_520 = arith.constant 128 : i32
      %dma_wait3A_521 = arith.constant 0 : i32
      %dma_wait3A_522 = tpu.memref_slice %arg8[%dma_wait3A_520, %dma_wait3A_521] : memref<512x64xf32, #tpu.memory_space<vmem>> -> memref<128x64xf32, #tpu.memory_space<vmem>>
      %dma_wait3A_523 = arith.constant 0 : i32
      %dma_wait3A_524 = tpu.memref_slice %arg7[%add3A_519, %dma_wait3A_523] : memref<80x128xi32, #tpu.memory_space<vmem>> -> memref<1x128xi32, #tpu.memory_space<vmem>>
      %dma_wait3A_525 = tpu.memref_squeeze %dma_wait3A_524 : memref<1x128xi32, #tpu.memory_space<vmem>> -> memref<128xi32, #tpu.memory_space<vmem>>
      %dma_wait3A_526 = arith.constant 0 : i32
      %dma_wait3A_527 = arith.constant 0 : i32
      %dma_wait3A_528 = tpu.memref_slice %arg10[%dma_wait3A_526, %dma_wait3A_527] : memref<10240x64xf32, #tpu.memory_space<vmem_shared>> -> memref<10240x64xf32, #tpu.memory_space<vmem_shared>>
      tpu.wait_indirect_dma semaphore(%arg13 : memref<!tpu.dma_semaphore, #tpu.memory_space<semaphore_mem>>) src(%dma_wait3A_522 : memref<128x64xf32, #tpu.memory_space<vmem>>) dst(%dma_wait3A_528 : memref<10240x64xf32, #tpu.memory_space<vmem_shared>>)
      %add3A_529 = arith.constant 2 : i32
      %add3A_530 = arith.addi %mul3A_234, %add3A_529 : i32
      %dma_wait3A_531 = arith.constant 256 : i32
      %dma_wait3A_532 = arith.constant 0 : i32
      %dma_wait3A_533 = tpu.memref_slice %arg8[%dma_wait3A_531, %dma_wait3A_532] : memref<512x64xf32, #tpu.memory_space<vmem>> -> memref<128x64xf32, #tpu.memory_space<vmem>>
      %dma_wait3A_534 = arith.constant 0 : i32
      %dma_wait3A_535 = tpu.memref_slice %arg7[%add3A_530, %dma_wait3A_534] : memref<80x128xi32, #tpu.memory_space<vmem>> -> memref<1x128xi32, #tpu.memory_space<vmem>>
      %dma_wait3A_536 = tpu.memref_squeeze %dma_wait3A_535 : memref<1x128xi32, #tpu.memory_space<vmem>> -> memref<128xi32, #tpu.memory_space<vmem>>
      %dma_wait3A_537 = arith.constant 0 : i32
      %dma_wait3A_538 = arith.constant 0 : i32
      %dma_wait3A_539 = tpu.memref_slice %arg10[%dma_wait3A_537, %dma_wait3A_538] : memref<10240x64xf32, #tpu.memory_space<vmem_shared>> -> memref<10240x64xf32, #tpu.memory_space<vmem_shared>>
      tpu.wait_indirect_dma semaphore(%arg13 : memref<!tpu.dma_semaphore, #tpu.memory_space<semaphore_mem>>) src(%dma_wait3A_533 : memref<128x64xf32, #tpu.memory_space<vmem>>) dst(%dma_wait3A_539 : memref<10240x64xf32, #tpu.memory_space<vmem_shared>>)
      %add3A_540 = arith.constant 3 : i32
      %add3A_541 = arith.addi %mul3A_234, %add3A_540 : i32
      %dma_wait3A_542 = arith.constant 384 : i32
      %dma_wait3A_543 = arith.constant 0 : i32
      %dma_wait3A_544 = tpu.memref_slice %arg8[%dma_wait3A_542, %dma_wait3A_543] : memref<512x64xf32, #tpu.memory_space<vmem>> -> memref<128x64xf32, #tpu.memory_space<vmem>>
      %dma_wait3A_545 = arith.constant 0 : i32
      %dma_wait3A_546 = tpu.memref_slice %arg7[%add3A_541, %dma_wait3A_545] : memref<80x128xi32, #tpu.memory_space<vmem>> -> memref<1x128xi32, #tpu.memory_space<vmem>>
      %dma_wait3A_547 = tpu.memref_squeeze %dma_wait3A_546 : memref<1x128xi32, #tpu.memory_space<vmem>> -> memref<128xi32, #tpu.memory_space<vmem>>
      %dma_wait3A_548 = arith.constant 0 : i32
      %dma_wait3A_549 = arith.constant 0 : i32
      %dma_wait3A_550 = tpu.memref_slice %arg10[%dma_wait3A_548, %dma_wait3A_549] : memref<10240x64xf32, #tpu.memory_space<vmem_shared>> -> memref<10240x64xf32, #tpu.memory_space<vmem_shared>>
      tpu.wait_indirect_dma semaphore(%arg13 : memref<!tpu.dma_semaphore, #tpu.memory_space<semaphore_mem>>) src(%dma_wait3A_544 : memref<128x64xf32, #tpu.memory_space<vmem>>) dst(%dma_wait3A_550 : memref<10240x64xf32, #tpu.memory_space<vmem_shared>>)
      %lt3A = arith.constant 9 : i32
      %lt3A_551 = arith.cmpi slt, %add3A_232, %lt3A : i32
      %convert_element_type3A_552 = arith.extui %lt3A_551 : i1 to i32
      %cond3A_553 = arith.constant 0 : i32
      %cond3A_554 = arith.cmpi ne, %convert_element_type3A_552, %cond3A_553 : i32
      scf.if %cond3A_554 {
        %add3A_555 = arith.constant 4 : i32
        %add3A_556 = arith.addi %add3A_236, %add3A_555 : i32
        %add3A_557 = arith.constant 0 : i32
        %add3A_558 = arith.addi %add3A_556, %add3A_557 : i32
        %dma_start3A_559 = arith.constant 0 : i32
        %dma_start3A_560 = arith.constant 0 : i32
        %dma_start3A_561 = tpu.memref_slice %arg8[%dma_start3A_559, %dma_start3A_560] : memref<512x64xf32, #tpu.memory_space<vmem>> -> memref<128x64xf32, #tpu.memory_space<vmem>>
        %dma_start3A_562 = arith.constant 0 : i32
        %dma_start3A_563 = tpu.memref_slice %arg6[%add3A_558, %dma_start3A_562] : memref<80x128xi32, #tpu.memory_space<vmem>> -> memref<1x128xi32, #tpu.memory_space<vmem>>
        %dma_start3A_564 = tpu.memref_squeeze %dma_start3A_563 : memref<1x128xi32, #tpu.memory_space<vmem>> -> memref<128xi32, #tpu.memory_space<vmem>>
        %dma_start3A_565 = arith.constant 0 : i32
        %dma_start3A_566 = arith.constant 0 : i32
        %dma_start3A_567 = tpu.memref_slice %arg2[%arg0, %dma_start3A_565, %dma_start3A_566] : memref<2x10000x64xf32, #tpu.memory_space<hbm>> -> memref<1x10000x64xf32, #tpu.memory_space<hbm>>
        %dma_start3A_568 = tpu.memref_squeeze %dma_start3A_567 : memref<1x10000x64xf32, #tpu.memory_space<hbm>> -> memref<10000x64xf32, #tpu.memory_space<hbm>>
        %dma_start3A_569 = arith.constant 0 : i32
        %dma_start3A_570 = arith.constant 0 : i32
        %dma_start3A_571 = tpu.memref_slice %dma_start3A_568[%dma_start3A_569, %dma_start3A_570] : memref<10000x64xf32, #tpu.memory_space<hbm>> -> memref<10000x64xf32, #tpu.memory_space<hbm>>
        tpu.enqueue_indirect_dma source(%dma_start3A_571 : memref<10000x64xf32, #tpu.memory_space<hbm>>) target(%dma_start3A_561 : memref<128x64xf32, #tpu.memory_space<vmem>>) offsets(%dma_start3A_564 : memref<128xi32, #tpu.memory_space<vmem>>) semaphore(%arg11 : memref<!tpu.dma_semaphore, #tpu.memory_space<semaphore_mem>>)
        %add3A_572 = arith.constant 1 : i32
        %add3A_573 = arith.addi %add3A_556, %add3A_572 : i32
        %dma_start3A_574 = arith.constant 128 : i32
        %dma_start3A_575 = arith.constant 0 : i32
        %dma_start3A_576 = tpu.memref_slice %arg8[%dma_start3A_574, %dma_start3A_575] : memref<512x64xf32, #tpu.memory_space<vmem>> -> memref<128x64xf32, #tpu.memory_space<vmem>>
        %dma_start3A_577 = arith.constant 0 : i32
        %dma_start3A_578 = tpu.memref_slice %arg6[%add3A_573, %dma_start3A_577] : memref<80x128xi32, #tpu.memory_space<vmem>> -> memref<1x128xi32, #tpu.memory_space<vmem>>
        %dma_start3A_579 = tpu.memref_squeeze %dma_start3A_578 : memref<1x128xi32, #tpu.memory_space<vmem>> -> memref<128xi32, #tpu.memory_space<vmem>>
        %dma_start3A_580 = arith.constant 0 : i32
        %dma_start3A_581 = arith.constant 0 : i32
        %dma_start3A_582 = tpu.memref_slice %arg2[%arg0, %dma_start3A_580, %dma_start3A_581] : memref<2x10000x64xf32, #tpu.memory_space<hbm>> -> memref<1x10000x64xf32, #tpu.memory_space<hbm>>
        %dma_start3A_583 = tpu.memref_squeeze %dma_start3A_582 : memref<1x10000x64xf32, #tpu.memory_space<hbm>> -> memref<10000x64xf32, #tpu.memory_space<hbm>>
        %dma_start3A_584 = arith.constant 0 : i32
        %dma_start3A_585 = arith.constant 0 : i32
        %dma_start3A_586 = tpu.memref_slice %dma_start3A_583[%dma_start3A_584, %dma_start3A_585] : memref<10000x64xf32, #tpu.memory_space<hbm>> -> memref<10000x64xf32, #tpu.memory_space<hbm>>
        tpu.enqueue_indirect_dma source(%dma_start3A_586 : memref<10000x64xf32, #tpu.memory_space<hbm>>) target(%dma_start3A_576 : memref<128x64xf32, #tpu.memory_space<vmem>>) offsets(%dma_start3A_579 : memref<128xi32, #tpu.memory_space<vmem>>) semaphore(%arg11 : memref<!tpu.dma_semaphore, #tpu.memory_space<semaphore_mem>>)
        %add3A_587 = arith.constant 2 : i32
        %add3A_588 = arith.addi %add3A_556, %add3A_587 : i32
        %dma_start3A_589 = arith.constant 256 : i32
        %dma_start3A_590 = arith.constant 0 : i32
        %dma_start3A_591 = tpu.memref_slice %arg8[%dma_start3A_589, %dma_start3A_590] : memref<512x64xf32, #tpu.memory_space<vmem>> -> memref<128x64xf32, #tpu.memory_space<vmem>>
        %dma_start3A_592 = arith.constant 0 : i32
        %dma_start3A_593 = tpu.memref_slice %arg6[%add3A_588, %dma_start3A_592] : memref<80x128xi32, #tpu.memory_space<vmem>> -> memref<1x128xi32, #tpu.memory_space<vmem>>
        %dma_start3A_594 = tpu.memref_squeeze %dma_start3A_593 : memref<1x128xi32, #tpu.memory_space<vmem>> -> memref<128xi32, #tpu.memory_space<vmem>>
        %dma_start3A_595 = arith.constant 0 : i32
        %dma_start3A_596 = arith.constant 0 : i32
        %dma_start3A_597 = tpu.memref_slice %arg2[%arg0, %dma_start3A_595, %dma_start3A_596] : memref<2x10000x64xf32, #tpu.memory_space<hbm>> -> memref<1x10000x64xf32, #tpu.memory_space<hbm>>
        %dma_start3A_598 = tpu.memref_squeeze %dma_start3A_597 : memref<1x10000x64xf32, #tpu.memory_space<hbm>> -> memref<10000x64xf32, #tpu.memory_space<hbm>>
        %dma_start3A_599 = arith.constant 0 : i32
        %dma_start3A_600 = arith.constant 0 : i32
        %dma_start3A_601 = tpu.memref_slice %dma_start3A_598[%dma_start3A_599, %dma_start3A_600] : memref<10000x64xf32, #tpu.memory_space<hbm>> -> memref<10000x64xf32, #tpu.memory_space<hbm>>
        tpu.enqueue_indirect_dma source(%dma_start3A_601 : memref<10000x64xf32, #tpu.memory_space<hbm>>) target(%dma_start3A_591 : memref<128x64xf32, #tpu.memory_space<vmem>>) offsets(%dma_start3A_594 : memref<128xi32, #tpu.memory_space<vmem>>) semaphore(%arg11 : memref<!tpu.dma_semaphore, #tpu.memory_space<semaphore_mem>>)
        %add3A_602 = arith.constant 3 : i32
        %add3A_603 = arith.addi %add3A_556, %add3A_602 : i32
        %dma_start3A_604 = arith.constant 384 : i32
        %dma_start3A_605 = arith.constant 0 : i32
        %dma_start3A_606 = tpu.memref_slice %arg8[%dma_start3A_604, %dma_start3A_605] : memref<512x64xf32, #tpu.memory_space<vmem>> -> memref<128x64xf32, #tpu.memory_space<vmem>>
        %dma_start3A_607 = arith.constant 0 : i32
        %dma_start3A_608 = tpu.memref_slice %arg6[%add3A_603, %dma_start3A_607] : memref<80x128xi32, #tpu.memory_space<vmem>> -> memref<1x128xi32, #tpu.memory_space<vmem>>
        %dma_start3A_609 = tpu.memref_squeeze %dma_start3A_608 : memref<1x128xi32, #tpu.memory_space<vmem>> -> memref<128xi32, #tpu.memory_space<vmem>>
        %dma_start3A_610 = arith.constant 0 : i32
        %dma_start3A_611 = arith.constant 0 : i32
        %dma_start3A_612 = tpu.memref_slice %arg2[%arg0, %dma_start3A_610, %dma_start3A_611] : memref<2x10000x64xf32, #tpu.memory_space<hbm>> -> memref<1x10000x64xf32, #tpu.memory_space<hbm>>
        %dma_start3A_613 = tpu.memref_squeeze %dma_start3A_612 : memref<1x10000x64xf32, #tpu.memory_space<hbm>> -> memref<10000x64xf32, #tpu.memory_space<hbm>>
        %dma_start3A_614 = arith.constant 0 : i32
        %dma_start3A_615 = arith.constant 0 : i32
        %dma_start3A_616 = tpu.memref_slice %dma_start3A_613[%dma_start3A_614, %dma_start3A_615] : memref<10000x64xf32, #tpu.memory_space<hbm>> -> memref<10000x64xf32, #tpu.memory_space<hbm>>
        tpu.enqueue_indirect_dma source(%dma_start3A_616 : memref<10000x64xf32, #tpu.memory_space<hbm>>) target(%dma_start3A_606 : memref<128x64xf32, #tpu.memory_space<vmem>>) offsets(%dma_start3A_609 : memref<128xi32, #tpu.memory_space<vmem>>) semaphore(%arg11 : memref<!tpu.dma_semaphore, #tpu.memory_space<semaphore_mem>>)
      } else {
      }
    }
    %scan3A_182 = arith.constant 10 : i32
    %dma_wait3A_183 = arith.constant 76 : i32
    %dma_wait3A_184 = arith.constant 0 : i32
    %dma_wait3A_185 = arith.constant 0 : i32
    %dma_wait3A_186 = tpu.memref_slice %arg9[%dma_wait3A_184, %dma_wait3A_185] : memref<512x64xf32, #tpu.memory_space<vmem>> -> memref<128x64xf32, #tpu.memory_space<vmem>>
    %dma_wait3A_187 = arith.constant 0 : i32
    %dma_wait3A_188 = tpu.memref_slice %arg7[%dma_wait3A_183, %dma_wait3A_187] : memref<80x128xi32, #tpu.memory_space<vmem>> -> memref<1x128xi32, #tpu.memory_space<vmem>>
    %dma_wait3A_189 = tpu.memref_squeeze %dma_wait3A_188 : memref<1x128xi32, #tpu.memory_space<vmem>> -> memref<128xi32, #tpu.memory_space<vmem>>
    %dma_wait3A_190 = arith.constant 0 : i32
    %dma_wait3A_191 = arith.constant 0 : i32
    %dma_wait3A_192 = tpu.memref_slice %arg10[%dma_wait3A_190, %dma_wait3A_191] : memref<10240x64xf32, #tpu.memory_space<vmem_shared>> -> memref<10240x64xf32, #tpu.memory_space<vmem_shared>>
    tpu.wait_indirect_dma semaphore(%arg14 : memref<!tpu.dma_semaphore, #tpu.memory_space<semaphore_mem>>) src(%dma_wait3A_186 : memref<128x64xf32, #tpu.memory_space<vmem>>) dst(%dma_wait3A_192 : memref<10240x64xf32, #tpu.memory_space<vmem_shared>>)
    %dma_wait3A_193 = arith.constant 77 : i32
    %dma_wait3A_194 = arith.constant 128 : i32
    %dma_wait3A_195 = arith.constant 0 : i32
    %dma_wait3A_196 = tpu.memref_slice %arg9[%dma_wait3A_194, %dma_wait3A_195] : memref<512x64xf32, #tpu.memory_space<vmem>> -> memref<128x64xf32, #tpu.memory_space<vmem>>
    %dma_wait3A_197 = arith.constant 0 : i32
    %dma_wait3A_198 = tpu.memref_slice %arg7[%dma_wait3A_193, %dma_wait3A_197] : memref<80x128xi32, #tpu.memory_space<vmem>> -> memref<1x128xi32, #tpu.memory_space<vmem>>
    %dma_wait3A_199 = tpu.memref_squeeze %dma_wait3A_198 : memref<1x128xi32, #tpu.memory_space<vmem>> -> memref<128xi32, #tpu.memory_space<vmem>>
    %dma_wait3A_200 = arith.constant 0 : i32
    %dma_wait3A_201 = arith.constant 0 : i32
    %dma_wait3A_202 = tpu.memref_slice %arg10[%dma_wait3A_200, %dma_wait3A_201] : memref<10240x64xf32, #tpu.memory_space<vmem_shared>> -> memref<10240x64xf32, #tpu.memory_space<vmem_shared>>
    tpu.wait_indirect_dma semaphore(%arg14 : memref<!tpu.dma_semaphore, #tpu.memory_space<semaphore_mem>>) src(%dma_wait3A_196 : memref<128x64xf32, #tpu.memory_space<vmem>>) dst(%dma_wait3A_202 : memref<10240x64xf32, #tpu.memory_space<vmem_shared>>)
    %dma_wait3A_203 = arith.constant 78 : i32
    %dma_wait3A_204 = arith.constant 256 : i32
    %dma_wait3A_205 = arith.constant 0 : i32
    %dma_wait3A_206 = tpu.memref_slice %arg9[%dma_wait3A_204, %dma_wait3A_205] : memref<512x64xf32, #tpu.memory_space<vmem>> -> memref<128x64xf32, #tpu.memory_space<vmem>>
    %dma_wait3A_207 = arith.constant 0 : i32
    %dma_wait3A_208 = tpu.memref_slice %arg7[%dma_wait3A_203, %dma_wait3A_207] : memref<80x128xi32, #tpu.memory_space<vmem>> -> memref<1x128xi32, #tpu.memory_space<vmem>>
    %dma_wait3A_209 = tpu.memref_squeeze %dma_wait3A_208 : memref<1x128xi32, #tpu.memory_space<vmem>> -> memref<128xi32, #tpu.memory_space<vmem>>
    %dma_wait3A_210 = arith.constant 0 : i32
    %dma_wait3A_211 = arith.constant 0 : i32
    %dma_wait3A_212 = tpu.memref_slice %arg10[%dma_wait3A_210, %dma_wait3A_211] : memref<10240x64xf32, #tpu.memory_space<vmem_shared>> -> memref<10240x64xf32, #tpu.memory_space<vmem_shared>>
    tpu.wait_indirect_dma semaphore(%arg14 : memref<!tpu.dma_semaphore, #tpu.memory_space<semaphore_mem>>) src(%dma_wait3A_206 : memref<128x64xf32, #tpu.memory_space<vmem>>) dst(%dma_wait3A_212 : memref<10240x64xf32, #tpu.memory_space<vmem_shared>>)
    %dma_wait3A_213 = arith.constant 79 : i32
    %dma_wait3A_214 = arith.constant 384 : i32
    %dma_wait3A_215 = arith.constant 0 : i32
    %dma_wait3A_216 = tpu.memref_slice %arg9[%dma_wait3A_214, %dma_wait3A_215] : memref<512x64xf32, #tpu.memory_space<vmem>> -> memref<128x64xf32, #tpu.memory_space<vmem>>
    %dma_wait3A_217 = arith.constant 0 : i32
    %dma_wait3A_218 = tpu.memref_slice %arg7[%dma_wait3A_213, %dma_wait3A_217] : memref<80x128xi32, #tpu.memory_space<vmem>> -> memref<1x128xi32, #tpu.memory_space<vmem>>
    %dma_wait3A_219 = tpu.memref_squeeze %dma_wait3A_218 : memref<1x128xi32, #tpu.memory_space<vmem>> -> memref<128xi32, #tpu.memory_space<vmem>>
    %dma_wait3A_220 = arith.constant 0 : i32
    %dma_wait3A_221 = arith.constant 0 : i32
    %dma_wait3A_222 = tpu.memref_slice %arg10[%dma_wait3A_220, %dma_wait3A_221] : memref<10240x64xf32, #tpu.memory_space<vmem_shared>> -> memref<10240x64xf32, #tpu.memory_space<vmem_shared>>
    tpu.wait_indirect_dma semaphore(%arg14 : memref<!tpu.dma_semaphore, #tpu.memory_space<semaphore_mem>>) src(%dma_wait3A_216 : memref<128x64xf32, #tpu.memory_space<vmem>>) dst(%dma_wait3A_222 : memref<10240x64xf32, #tpu.memory_space<vmem_shared>>)
    %barrier3A_223 = arith.constant 0 : index
    tpu.barrier barrier_id(%barrier3A_223)
    %mul3A_224 = arith.constant 640 : i32
    %mul3A_225 = arith.muli %arg1, %mul3A_224 : i32
    %mul3A_226 = arith.constant 640 : i32
    %mul3A_227 = arith.muli %arg1, %mul3A_226 : i32
    "tpu.region"() ({
      %run_scoped3A = tpu.sem_alloc : memref<!tpu.dma_semaphore, #tpu.memory_space<semaphore_mem>>
      %dma_start3A_228 = arith.constant 0 : i32
      %dma_start3A_229 = arith.constant 0 : i32
      %dma_start3A_230 = tpu.memref_slice %arg5[%arg0, %dma_start3A_228, %dma_start3A_229] : memref<2x10240x64xf32, #tpu.memory_space<hbm>> -> memref<1x10240x64xf32, #tpu.memory_space<hbm>>
      %dma_start3A_231 = tpu.memref_squeeze %dma_start3A_230 : memref<1x10240x64xf32, #tpu.memory_space<hbm>> -> memref<10240x64xf32, #tpu.memory_space<hbm>>
      %dma_start3A_232 = arith.constant 0 : i32
      %dma_start3A_233 = tpu.memref_slice %dma_start3A_231[%mul3A_227, %dma_start3A_232] : memref<10240x64xf32, #tpu.memory_space<hbm>> -> memref<640x64xf32, #tpu.memory_space<hbm>>
      %dma_start3A_234 = arith.constant 0 : i32
      %dma_start3A_235 = tpu.memref_slice %arg10[%mul3A_225, %dma_start3A_234] : memref<10240x64xf32, #tpu.memory_space<vmem_shared>> -> memref<640x64xf32, #tpu.memory_space<vmem_shared>>
      tpu.enqueue_dma source(%dma_start3A_235 : memref<640x64xf32, #tpu.memory_space<vmem_shared>>) target(%dma_start3A_233 : memref<640x64xf32, #tpu.memory_space<hbm>>) target_semaphore(%run_scoped3A : memref<!tpu.dma_semaphore, #tpu.memory_space<semaphore_mem>>)
      %dma_wait3A_236 = arith.constant 0 : i32
      %dma_wait3A_237 = arith.constant 0 : i32
      %dma_wait3A_238 = tpu.memref_slice %arg5[%arg0, %dma_wait3A_236, %dma_wait3A_237] : memref<2x10240x64xf32, #tpu.memory_space<hbm>> -> memref<1x10240x64xf32, #tpu.memory_space<hbm>>
      %dma_wait3A_239 = tpu.memref_squeeze %dma_wait3A_238 : memref<1x10240x64xf32, #tpu.memory_space<hbm>> -> memref<10240x64xf32, #tpu.memory_space<hbm>>
      %dma_wait3A_240 = arith.constant 0 : i32
      %dma_wait3A_241 = tpu.memref_slice %dma_wait3A_239[%mul3A_227, %dma_wait3A_240] : memref<10240x64xf32, #tpu.memory_space<hbm>> -> memref<640x64xf32, #tpu.memory_space<hbm>>
      %dma_wait3A_242 = arith.constant 0 : i32
      %dma_wait3A_243 = tpu.memref_slice %arg10[%mul3A_225, %dma_wait3A_242] : memref<10240x64xf32, #tpu.memory_space<vmem_shared>> -> memref<640x64xf32, #tpu.memory_space<vmem_shared>>
      tpu.wait_dma2 semaphore(%run_scoped3A : memref<!tpu.dma_semaphore, #tpu.memory_space<semaphore_mem>>) src(%dma_wait3A_243 : memref<640x64xf32, #tpu.memory_space<vmem_shared>>) dst(%dma_wait3A_241 : memref<640x64xf32, #tpu.memory_space<hbm>>)
      tpu.yield
    }) : () -> ()
    return
  }
}

#map = affine_map<(d0, d1) -> (0, 0, 0)>
#map1 = affine_map<(d0, d1) -> (0, 0)>
module attributes {stable_mosaic.version = 14 : i64} {
  func.func @k(%arg0: i32, %arg1: i32, %arg2: memref<2x10000x32xf32, #tpu.memory_space<hbm>>, %arg3: memref<2560x128xi32, #tpu.memory_space<hbm>>, %arg4: memref<2560x128xi32, #tpu.memory_space<hbm>>, %arg5: memref<2x10240x32xf32, #tpu.memory_space<hbm>>, %arg6: memref<160x128xi32, #tpu.memory_space<vmem>>, %arg7: memref<160x128xi32, #tpu.memory_space<vmem>>, %arg8: memref<1024x32xf32, #tpu.memory_space<vmem>>, %arg9: memref<1024x32xf32, #tpu.memory_space<vmem>>, %arg10: memref<10240x32xf32, #tpu.memory_space<vmem_shared>>, %arg11: memref<!tpu.dma_semaphore, #tpu.memory_space<semaphore_mem>>, %arg12: memref<!tpu.dma_semaphore, #tpu.memory_space<semaphore_mem>>, %arg13: memref<!tpu.dma_semaphore, #tpu.memory_space<semaphore_mem>>, %arg14: memref<!tpu.dma_semaphore, #tpu.memory_space<semaphore_mem>>) attributes {dimension_semantics = [#tpu.dimension_semantics<core_parallel>, #tpu.dimension_semantics<subcore_parallel>], iteration_bounds = array<i64: 2, 16>, scalar_prefetch = 0 : i64, scratch_operands = 9 : i64, tpu.core_type = #tpu.core_type<sc_vector_subcore>, window_params = [{transform_indices = #map}, {transform_indices = #map1}, {transform_indices = #map1}, {transform_indices = #map}]} {
    %scan3A = arith.constant 0 : i32
    %scan3A_0 = arith.constant 128 : i32
    %scan3A_1 = arith.addi %scan3A, %scan3A_0 : i32
    %scan3A_2 = arith.constant 1 : i32
    scf.for %scan3A_215 = %scan3A to %scan3A_1 step %scan3A_2  : i32 {
      %mul3A_216 = arith.constant 1 : i32
      %mul3A_217 = arith.muli %scan3A_215, %mul3A_216 : i32
      %add3A_218 = arith.constant 0 : i32
      %add3A_219 = arith.addi %add3A_218, %mul3A_217 : i32
      %scan3A_220 = arith.constant 0 : i32
      %scan3A_221 = arith.constant 2 : i32
      %scan3A_222 = arith.addi %scan3A_220, %scan3A_221 : i32
      %scan3A_223 = arith.constant 1 : i32
      scf.for %scan3A_225 = %scan3A_220 to %scan3A_222 step %scan3A_223  : i32 {
        %mul3A_226 = arith.constant 16 : i32
        %mul3A_227 = arith.muli %scan3A_225, %mul3A_226 : i32
        %add3A_228 = arith.constant 0 : i32
        %add3A_229 = arith.addi %add3A_228, %mul3A_227 : i32
        %broadcast_in_dim3A = arith.constant 0.000000e+00 : f32
        %broadcast_in_dim3A_230 = vector.broadcast %broadcast_in_dim3A : f32 to vector<16xf32>
        %swap3A = arith.index_cast %add3A_219 : i32 to index
        %swap3A_231 = arith.index_cast %add3A_229 : i32 to index
        %swap3A_232 = tpu.vector_load %arg8[%swap3A, %swap3A_231] {strides = array<i32>} : memref<1024x32xf32, #tpu.memory_space<vmem>>, vector<1x16xf32>,
        %swap3A_233 = vector.shape_cast %swap3A_232 : vector<1x16xf32> to vector<16xf32>
        %swap3A_234 = vector.shape_cast %broadcast_in_dim3A_230 : vector<16xf32> to vector<1x16xf32>
        tpu.vector_store %arg8[%swap3A, %swap3A_231], %swap3A_234 {strides = array<i32>} : memref<1024x32xf32, #tpu.memory_space<vmem>>, vector<1x16xf32>,
      }
      %scan3A_224 = arith.constant 2 : i32
    }
    %scan3A_3 = arith.constant 128 : i32
    %scan3A_4 = arith.constant 0 : i32
    %scan3A_5 = arith.constant 5 : i32
    %scan3A_6 = arith.addi %scan3A_4, %scan3A_5 : i32
    %scan3A_7 = arith.constant 1 : i32
    scf.for %scan3A_215 = %scan3A_4 to %scan3A_6 step %scan3A_7  : i32 {
      %mul3A_216 = arith.constant 1 : i32
      %mul3A_217 = arith.muli %scan3A_215, %mul3A_216 : i32
      %add3A_218 = arith.constant 0 : i32
      %add3A_219 = arith.addi %add3A_218, %mul3A_217 : i32
      %mul3A_220 = arith.constant 640 : i32
      %mul3A_221 = arith.muli %arg1, %mul3A_220 : i32
      %mul3A_222 = arith.constant 128 : i32
      %mul3A_223 = arith.muli %add3A_219, %mul3A_222 : i32
      %add3A_224 = arith.addi %mul3A_221, %mul3A_223 : i32
      "tpu.region"() ({
        %run_scoped3A = tpu.sem_alloc : memref<!tpu.dma_semaphore, #tpu.memory_space<semaphore_mem>>
        %dma_start3A_225 = arith.constant 0 : i32
        %dma_start3A_226 = arith.constant 0 : i32
        %dma_start3A_227 = tpu.memref_slice %arg8[%dma_start3A_225, %dma_start3A_226] : memref<1024x32xf32, #tpu.memory_space<vmem>> -> memref<128x32xf32, #tpu.memory_space<vmem>>
        %dma_start3A_228 = arith.constant 0 : i32
        %dma_start3A_229 = tpu.memref_slice %arg10[%add3A_224, %dma_start3A_228] : memref<10240x32xf32, #tpu.memory_space<vmem_shared>> -> memref<128x32xf32, #tpu.memory_space<vmem_shared>>
        %dma_start3A_230 = arith.constant 0 : i32
        %dma_start3A_231 = tpu.memref_slice %arg10[%add3A_224, %dma_start3A_230] : memref<10240x32xf32, #tpu.memory_space<vmem_shared>> -> memref<128x32xf32, #tpu.memory_space<vmem_shared>>
        %dma_start3A_232 = arith.constant 0 : i32
        %dma_start3A_233 = arith.constant 0 : i32
        %dma_start3A_234 = tpu.memref_slice %arg8[%dma_start3A_232, %dma_start3A_233] : memref<1024x32xf32, #tpu.memory_space<vmem>> -> memref<128x32xf32, #tpu.memory_space<vmem>>
        tpu.enqueue_dma source(%dma_start3A_234 : memref<128x32xf32, #tpu.memory_space<vmem>>) target(%dma_start3A_231 : memref<128x32xf32, #tpu.memory_space<vmem_shared>>) target_semaphore(%run_scoped3A : memref<!tpu.dma_semaphore, #tpu.memory_space<semaphore_mem>>)
        %dma_wait3A_235 = arith.constant 0 : i32
        %dma_wait3A_236 = arith.constant 0 : i32
        %dma_wait3A_237 = tpu.memref_slice %arg8[%dma_wait3A_235, %dma_wait3A_236] : memref<1024x32xf32, #tpu.memory_space<vmem>> -> memref<128x32xf32, #tpu.memory_space<vmem>>
        %dma_wait3A_238 = arith.constant 0 : i32
        %dma_wait3A_239 = tpu.memref_slice %arg10[%add3A_224, %dma_wait3A_238] : memref<10240x32xf32, #tpu.memory_space<vmem_shared>> -> memref<128x32xf32, #tpu.memory_space<vmem_shared>>
        %dma_wait3A_240 = arith.constant 0 : i32
        %dma_wait3A_241 = tpu.memref_slice %arg10[%add3A_224, %dma_wait3A_240] : memref<10240x32xf32, #tpu.memory_space<vmem_shared>> -> memref<128x32xf32, #tpu.memory_space<vmem_shared>>
        %dma_wait3A_242 = arith.constant 0 : i32
        %dma_wait3A_243 = arith.constant 0 : i32
        %dma_wait3A_244 = tpu.memref_slice %arg8[%dma_wait3A_242, %dma_wait3A_243] : memref<1024x32xf32, #tpu.memory_space<vmem>> -> memref<128x32xf32, #tpu.memory_space<vmem>>
        tpu.wait_dma2 semaphore(%run_scoped3A : memref<!tpu.dma_semaphore, #tpu.memory_space<semaphore_mem>>) src(%dma_wait3A_244 : memref<128x32xf32, #tpu.memory_space<vmem>>) dst(%dma_wait3A_241 : memref<128x32xf32, #tpu.memory_space<vmem_shared>>)
        tpu.yield
      }) : () -> ()
    }
    %scan3A_8 = arith.constant 5 : i32
    %barrier3A = arith.constant 0 : index
    tpu.barrier barrier_id(%barrier3A)
    %mul3A = arith.constant 160 : i32
    %mul3A_9 = arith.muli %arg1, %mul3A : i32
    %add3A = arith.constant 0 : i32
    %add3A_10 = arith.addi %mul3A_9, %add3A : i32
    "tpu.region"() ({
      %run_scoped3A = tpu.sem_alloc : memref<!tpu.dma_semaphore, #tpu.memory_space<semaphore_mem>>
      %dma_start3A_215 = arith.constant 0 : i32
      %dma_start3A_216 = tpu.memref_slice %arg3[%add3A_10, %dma_start3A_215] : memref<2560x128xi32, #tpu.memory_space<hbm>> -> memref<160x128xi32, #tpu.memory_space<hbm>>
      %dma_start3A_217 = arith.constant 0 : i32
      %dma_start3A_218 = tpu.memref_slice %arg3[%add3A_10, %dma_start3A_217] : memref<2560x128xi32, #tpu.memory_space<hbm>> -> memref<160x128xi32, #tpu.memory_space<hbm>>
      tpu.enqueue_dma source(%dma_start3A_218 : memref<160x128xi32, #tpu.memory_space<hbm>>) target(%arg6 : memref<160x128xi32, #tpu.memory_space<vmem>>) target_semaphore(%run_scoped3A : memref<!tpu.dma_semaphore, #tpu.memory_space<semaphore_mem>>)
      %dma_wait3A_219 = arith.constant 0 : i32
      %dma_wait3A_220 = tpu.memref_slice %arg3[%add3A_10, %dma_wait3A_219] : memref<2560x128xi32, #tpu.memory_space<hbm>> -> memref<160x128xi32, #tpu.memory_space<hbm>>
      %dma_wait3A_221 = arith.constant 0 : i32
      %dma_wait3A_222 = tpu.memref_slice %arg3[%add3A_10, %dma_wait3A_221] : memref<2560x128xi32, #tpu.memory_space<hbm>> -> memref<160x128xi32, #tpu.memory_space<hbm>>
      tpu.wait_dma2 semaphore(%run_scoped3A : memref<!tpu.dma_semaphore, #tpu.memory_space<semaphore_mem>>) src(%dma_wait3A_222 : memref<160x128xi32, #tpu.memory_space<hbm>>) dst(%arg6 : memref<160x128xi32, #tpu.memory_space<vmem>>)
      tpu.yield
    }) : () -> ()
    %mul3A_11 = arith.constant 160 : i32
    %mul3A_12 = arith.muli %arg1, %mul3A_11 : i32
    %add3A_13 = arith.constant 0 : i32
    %add3A_14 = arith.addi %mul3A_12, %add3A_13 : i32
    "tpu.region"() ({
      %run_scoped3A = tpu.sem_alloc : memref<!tpu.dma_semaphore, #tpu.memory_space<semaphore_mem>>
      %dma_start3A_215 = arith.constant 0 : i32
      %dma_start3A_216 = tpu.memref_slice %arg4[%add3A_14, %dma_start3A_215] : memref<2560x128xi32, #tpu.memory_space<hbm>> -> memref<160x128xi32, #tpu.memory_space<hbm>>
      %dma_start3A_217 = arith.constant 0 : i32
      %dma_start3A_218 = tpu.memref_slice %arg4[%add3A_14, %dma_start3A_217] : memref<2560x128xi32, #tpu.memory_space<hbm>> -> memref<160x128xi32, #tpu.memory_space<hbm>>
      tpu.enqueue_dma source(%dma_start3A_218 : memref<160x128xi32, #tpu.memory_space<hbm>>) target(%arg7 : memref<160x128xi32, #tpu.memory_space<vmem>>) target_semaphore(%run_scoped3A : memref<!tpu.dma_semaphore, #tpu.memory_space<semaphore_mem>>)
      %dma_wait3A_219 = arith.constant 0 : i32
      %dma_wait3A_220 = tpu.memref_slice %arg4[%add3A_14, %dma_wait3A_219] : memref<2560x128xi32, #tpu.memory_space<hbm>> -> memref<160x128xi32, #tpu.memory_space<hbm>>
      %dma_wait3A_221 = arith.constant 0 : i32
      %dma_wait3A_222 = tpu.memref_slice %arg4[%add3A_14, %dma_wait3A_221] : memref<2560x128xi32, #tpu.memory_space<hbm>> -> memref<160x128xi32, #tpu.memory_space<hbm>>
      tpu.wait_dma2 semaphore(%run_scoped3A : memref<!tpu.dma_semaphore, #tpu.memory_space<semaphore_mem>>) src(%dma_wait3A_222 : memref<160x128xi32, #tpu.memory_space<hbm>>) dst(%arg7 : memref<160x128xi32, #tpu.memory_space<vmem>>)
      tpu.yield
    }) : () -> ()
    %dma_start3A = arith.constant 0 : i32
    %dma_start3A_15 = arith.constant 0 : i32
    %dma_start3A_16 = arith.constant 0 : i32
    %dma_start3A_17 = tpu.memref_slice %arg8[%dma_start3A_15, %dma_start3A_16] : memref<1024x32xf32, #tpu.memory_space<vmem>> -> memref<128x32xf32, #tpu.memory_space<vmem>>
    %dma_start3A_18 = arith.constant 0 : i32
    %dma_start3A_19 = tpu.memref_slice %arg6[%dma_start3A, %dma_start3A_18] : memref<160x128xi32, #tpu.memory_space<vmem>> -> memref<1x128xi32, #tpu.memory_space<vmem>>
    %dma_start3A_20 = tpu.memref_squeeze %dma_start3A_19 : memref<1x128xi32, #tpu.memory_space<vmem>> -> memref<128xi32, #tpu.memory_space<vmem>>
    %dma_start3A_21 = arith.constant 0 : i32
    %dma_start3A_22 = arith.constant 0 : i32
    %dma_start3A_23 = tpu.memref_slice %arg2[%arg0, %dma_start3A_21, %dma_start3A_22] : memref<2x10000x32xf32, #tpu.memory_space<hbm>> -> memref<1x10000x32xf32, #tpu.memory_space<hbm>>
    %dma_start3A_24 = tpu.memref_squeeze %dma_start3A_23 : memref<1x10000x32xf32, #tpu.memory_space<hbm>> -> memref<10000x32xf32, #tpu.memory_space<hbm>>
    %dma_start3A_25 = arith.constant 0 : i32
    %dma_start3A_26 = arith.constant 0 : i32
    %dma_start3A_27 = tpu.memref_slice %dma_start3A_24[%dma_start3A_25, %dma_start3A_26] : memref<10000x32xf32, #tpu.memory_space<hbm>> -> memref<10000x32xf32, #tpu.memory_space<hbm>>
    tpu.enqueue_indirect_dma source(%dma_start3A_27 : memref<10000x32xf32, #tpu.memory_space<hbm>>) target(%dma_start3A_17 : memref<128x32xf32, #tpu.memory_space<vmem>>) offsets(%dma_start3A_20 : memref<128xi32, #tpu.memory_space<vmem>>) semaphore(%arg11 : memref<!tpu.dma_semaphore, #tpu.memory_space<semaphore_mem>>)
    %dma_start3A_28 = arith.constant 1 : i32
    %dma_start3A_29 = arith.constant 128 : i32
    %dma_start3A_30 = arith.constant 0 : i32
    %dma_start3A_31 = tpu.memref_slice %arg8[%dma_start3A_29, %dma_start3A_30] : memref<1024x32xf32, #tpu.memory_space<vmem>> -> memref<128x32xf32, #tpu.memory_space<vmem>>
    %dma_start3A_32 = arith.constant 0 : i32
    %dma_start3A_33 = tpu.memref_slice %arg6[%dma_start3A_28, %dma_start3A_32] : memref<160x128xi32, #tpu.memory_space<vmem>> -> memref<1x128xi32, #tpu.memory_space<vmem>>
    %dma_start3A_34 = tpu.memref_squeeze %dma_start3A_33 : memref<1x128xi32, #tpu.memory_space<vmem>> -> memref<128xi32, #tpu.memory_space<vmem>>
    %dma_start3A_35 = arith.constant 0 : i32
    %dma_start3A_36 = arith.constant 0 : i32
    %dma_start3A_37 = tpu.memref_slice %arg2[%arg0, %dma_start3A_35, %dma_start3A_36] : memref<2x10000x32xf32, #tpu.memory_space<hbm>> -> memref<1x10000x32xf32, #tpu.memory_space<hbm>>
    %dma_start3A_38 = tpu.memref_squeeze %dma_start3A_37 : memref<1x10000x32xf32, #tpu.memory_space<hbm>> -> memref<10000x32xf32, #tpu.memory_space<hbm>>
    %dma_start3A_39 = arith.constant 0 : i32
    %dma_start3A_40 = arith.constant 0 : i32
    %dma_start3A_41 = tpu.memref_slice %dma_start3A_38[%dma_start3A_39, %dma_start3A_40] : memref<10000x32xf32, #tpu.memory_space<hbm>> -> memref<10000x32xf32, #tpu.memory_space<hbm>>
    tpu.enqueue_indirect_dma source(%dma_start3A_41 : memref<10000x32xf32, #tpu.memory_space<hbm>>) target(%dma_start3A_31 : memref<128x32xf32, #tpu.memory_space<vmem>>) offsets(%dma_start3A_34 : memref<128xi32, #tpu.memory_space<vmem>>) semaphore(%arg11 : memref<!tpu.dma_semaphore, #tpu.memory_space<semaphore_mem>>)
    %dma_start3A_42 = arith.constant 2 : i32
    %dma_start3A_43 = arith.constant 256 : i32
    %dma_start3A_44 = arith.constant 0 : i32
    %dma_start3A_45 = tpu.memref_slice %arg8[%dma_start3A_43, %dma_start3A_44] : memref<1024x32xf32, #tpu.memory_space<vmem>> -> memref<128x32xf32, #tpu.memory_space<vmem>>
    %dma_start3A_46 = arith.constant 0 : i32
    %dma_start3A_47 = tpu.memref_slice %arg6[%dma_start3A_42, %dma_start3A_46] : memref<160x128xi32, #tpu.memory_space<vmem>> -> memref<1x128xi32, #tpu.memory_space<vmem>>
    %dma_start3A_48 = tpu.memref_squeeze %dma_start3A_47 : memref<1x128xi32, #tpu.memory_space<vmem>> -> memref<128xi32, #tpu.memory_space<vmem>>
    %dma_start3A_49 = arith.constant 0 : i32
    %dma_start3A_50 = arith.constant 0 : i32
    %dma_start3A_51 = tpu.memref_slice %arg2[%arg0, %dma_start3A_49, %dma_start3A_50] : memref<2x10000x32xf32, #tpu.memory_space<hbm>> -> memref<1x10000x32xf32, #tpu.memory_space<hbm>>
    %dma_start3A_52 = tpu.memref_squeeze %dma_start3A_51 : memref<1x10000x32xf32, #tpu.memory_space<hbm>> -> memref<10000x32xf32, #tpu.memory_space<hbm>>
    %dma_start3A_53 = arith.constant 0 : i32
    %dma_start3A_54 = arith.constant 0 : i32
    %dma_start3A_55 = tpu.memref_slice %dma_start3A_52[%dma_start3A_53, %dma_start3A_54] : memref<10000x32xf32, #tpu.memory_space<hbm>> -> memref<10000x32xf32, #tpu.memory_space<hbm>>
    tpu.enqueue_indirect_dma source(%dma_start3A_55 : memref<10000x32xf32, #tpu.memory_space<hbm>>) target(%dma_start3A_45 : memref<128x32xf32, #tpu.memory_space<vmem>>) offsets(%dma_start3A_48 : memref<128xi32, #tpu.memory_space<vmem>>) semaphore(%arg11 : memref<!tpu.dma_semaphore, #tpu.memory_space<semaphore_mem>>)
    %dma_start3A_56 = arith.constant 3 : i32
    %dma_start3A_57 = arith.constant 384 : i32
    %dma_start3A_58 = arith.constant 0 : i32
    %dma_start3A_59 = tpu.memref_slice %arg8[%dma_start3A_57, %dma_start3A_58] : memref<1024x32xf32, #tpu.memory_space<vmem>> -> memref<128x32xf32, #tpu.memory_space<vmem>>
    %dma_start3A_60 = arith.constant 0 : i32
    %dma_start3A_61 = tpu.memref_slice %arg6[%dma_start3A_56, %dma_start3A_60] : memref<160x128xi32, #tpu.memory_space<vmem>> -> memref<1x128xi32, #tpu.memory_space<vmem>>
    %dma_start3A_62 = tpu.memref_squeeze %dma_start3A_61 : memref<1x128xi32, #tpu.memory_space<vmem>> -> memref<128xi32, #tpu.memory_space<vmem>>
    %dma_start3A_63 = arith.constant 0 : i32
    %dma_start3A_64 = arith.constant 0 : i32
    %dma_start3A_65 = tpu.memref_slice %arg2[%arg0, %dma_start3A_63, %dma_start3A_64] : memref<2x10000x32xf32, #tpu.memory_space<hbm>> -> memref<1x10000x32xf32, #tpu.memory_space<hbm>>
    %dma_start3A_66 = tpu.memref_squeeze %dma_start3A_65 : memref<1x10000x32xf32, #tpu.memory_space<hbm>> -> memref<10000x32xf32, #tpu.memory_space<hbm>>
    %dma_start3A_67 = arith.constant 0 : i32
    %dma_start3A_68 = arith.constant 0 : i32
    %dma_start3A_69 = tpu.memref_slice %dma_start3A_66[%dma_start3A_67, %dma_start3A_68] : memref<10000x32xf32, #tpu.memory_space<hbm>> -> memref<10000x32xf32, #tpu.memory_space<hbm>>
    tpu.enqueue_indirect_dma source(%dma_start3A_69 : memref<10000x32xf32, #tpu.memory_space<hbm>>) target(%dma_start3A_59 : memref<128x32xf32, #tpu.memory_space<vmem>>) offsets(%dma_start3A_62 : memref<128xi32, #tpu.memory_space<vmem>>) semaphore(%arg11 : memref<!tpu.dma_semaphore, #tpu.memory_space<semaphore_mem>>)
    %dma_start3A_70 = arith.constant 4 : i32
    %dma_start3A_71 = arith.constant 512 : i32
    %dma_start3A_72 = arith.constant 0 : i32
    %dma_start3A_73 = tpu.memref_slice %arg8[%dma_start3A_71, %dma_start3A_72] : memref<1024x32xf32, #tpu.memory_space<vmem>> -> memref<128x32xf32, #tpu.memory_space<vmem>>
    %dma_start3A_74 = arith.constant 0 : i32
    %dma_start3A_75 = tpu.memref_slice %arg6[%dma_start3A_70, %dma_start3A_74] : memref<160x128xi32, #tpu.memory_space<vmem>> -> memref<1x128xi32, #tpu.memory_space<vmem>>
    %dma_start3A_76 = tpu.memref_squeeze %dma_start3A_75 : memref<1x128xi32, #tpu.memory_space<vmem>> -> memref<128xi32, #tpu.memory_space<vmem>>
    %dma_start3A_77 = arith.constant 0 : i32
    %dma_start3A_78 = arith.constant 0 : i32
    %dma_start3A_79 = tpu.memref_slice %arg2[%arg0, %dma_start3A_77, %dma_start3A_78] : memref<2x10000x32xf32, #tpu.memory_space<hbm>> -> memref<1x10000x32xf32, #tpu.memory_space<hbm>>
    %dma_start3A_80 = tpu.memref_squeeze %dma_start3A_79 : memref<1x10000x32xf32, #tpu.memory_space<hbm>> -> memref<10000x32xf32, #tpu.memory_space<hbm>>
    %dma_start3A_81 = arith.constant 0 : i32
    %dma_start3A_82 = arith.constant 0 : i32
    %dma_start3A_83 = tpu.memref_slice %dma_start3A_80[%dma_start3A_81, %dma_start3A_82] : memref<10000x32xf32, #tpu.memory_space<hbm>> -> memref<10000x32xf32, #tpu.memory_space<hbm>>
    tpu.enqueue_indirect_dma source(%dma_start3A_83 : memref<10000x32xf32, #tpu.memory_space<hbm>>) target(%dma_start3A_73 : memref<128x32xf32, #tpu.memory_space<vmem>>) offsets(%dma_start3A_76 : memref<128xi32, #tpu.memory_space<vmem>>) semaphore(%arg11 : memref<!tpu.dma_semaphore, #tpu.memory_space<semaphore_mem>>)
    %dma_start3A_84 = arith.constant 5 : i32
    %dma_start3A_85 = arith.constant 640 : i32
    %dma_start3A_86 = arith.constant 0 : i32
    %dma_start3A_87 = tpu.memref_slice %arg8[%dma_start3A_85, %dma_start3A_86] : memref<1024x32xf32, #tpu.memory_space<vmem>> -> memref<128x32xf32, #tpu.memory_space<vmem>>
    %dma_start3A_88 = arith.constant 0 : i32
    %dma_start3A_89 = tpu.memref_slice %arg6[%dma_start3A_84, %dma_start3A_88] : memref<160x128xi32, #tpu.memory_space<vmem>> -> memref<1x128xi32, #tpu.memory_space<vmem>>
    %dma_start3A_90 = tpu.memref_squeeze %dma_start3A_89 : memref<1x128xi32, #tpu.memory_space<vmem>> -> memref<128xi32, #tpu.memory_space<vmem>>
    %dma_start3A_91 = arith.constant 0 : i32
    %dma_start3A_92 = arith.constant 0 : i32
    %dma_start3A_93 = tpu.memref_slice %arg2[%arg0, %dma_start3A_91, %dma_start3A_92] : memref<2x10000x32xf32, #tpu.memory_space<hbm>> -> memref<1x10000x32xf32, #tpu.memory_space<hbm>>
    %dma_start3A_94 = tpu.memref_squeeze %dma_start3A_93 : memref<1x10000x32xf32, #tpu.memory_space<hbm>> -> memref<10000x32xf32, #tpu.memory_space<hbm>>
    %dma_start3A_95 = arith.constant 0 : i32
    %dma_start3A_96 = arith.constant 0 : i32
    %dma_start3A_97 = tpu.memref_slice %dma_start3A_94[%dma_start3A_95, %dma_start3A_96] : memref<10000x32xf32, #tpu.memory_space<hbm>> -> memref<10000x32xf32, #tpu.memory_space<hbm>>
    tpu.enqueue_indirect_dma source(%dma_start3A_97 : memref<10000x32xf32, #tpu.memory_space<hbm>>) target(%dma_start3A_87 : memref<128x32xf32, #tpu.memory_space<vmem>>) offsets(%dma_start3A_90 : memref<128xi32, #tpu.memory_space<vmem>>) semaphore(%arg11 : memref<!tpu.dma_semaphore, #tpu.memory_space<semaphore_mem>>)
    %dma_start3A_98 = arith.constant 6 : i32
    %dma_start3A_99 = arith.constant 768 : i32
    %dma_start3A_100 = arith.constant 0 : i32
    %dma_start3A_101 = tpu.memref_slice %arg8[%dma_start3A_99, %dma_start3A_100] : memref<1024x32xf32, #tpu.memory_space<vmem>> -> memref<128x32xf32, #tpu.memory_space<vmem>>
    %dma_start3A_102 = arith.constant 0 : i32
    %dma_start3A_103 = tpu.memref_slice %arg6[%dma_start3A_98, %dma_start3A_102] : memref<160x128xi32, #tpu.memory_space<vmem>> -> memref<1x128xi32, #tpu.memory_space<vmem>>
    %dma_start3A_104 = tpu.memref_squeeze %dma_start3A_103 : memref<1x128xi32, #tpu.memory_space<vmem>> -> memref<128xi32, #tpu.memory_space<vmem>>
    %dma_start3A_105 = arith.constant 0 : i32
    %dma_start3A_106 = arith.constant 0 : i32
    %dma_start3A_107 = tpu.memref_slice %arg2[%arg0, %dma_start3A_105, %dma_start3A_106] : memref<2x10000x32xf32, #tpu.memory_space<hbm>> -> memref<1x10000x32xf32, #tpu.memory_space<hbm>>
    %dma_start3A_108 = tpu.memref_squeeze %dma_start3A_107 : memref<1x10000x32xf32, #tpu.memory_space<hbm>> -> memref<10000x32xf32, #tpu.memory_space<hbm>>
    %dma_start3A_109 = arith.constant 0 : i32
    %dma_start3A_110 = arith.constant 0 : i32
    %dma_start3A_111 = tpu.memref_slice %dma_start3A_108[%dma_start3A_109, %dma_start3A_110] : memref<10000x32xf32, #tpu.memory_space<hbm>> -> memref<10000x32xf32, #tpu.memory_space<hbm>>
    tpu.enqueue_indirect_dma source(%dma_start3A_111 : memref<10000x32xf32, #tpu.memory_space<hbm>>) target(%dma_start3A_101 : memref<128x32xf32, #tpu.memory_space<vmem>>) offsets(%dma_start3A_104 : memref<128xi32, #tpu.memory_space<vmem>>) semaphore(%arg11 : memref<!tpu.dma_semaphore, #tpu.memory_space<semaphore_mem>>)
    %dma_start3A_112 = arith.constant 7 : i32
    %dma_start3A_113 = arith.constant 896 : i32
    %dma_start3A_114 = arith.constant 0 : i32
    %dma_start3A_115 = tpu.memref_slice %arg8[%dma_start3A_113, %dma_start3A_114] : memref<1024x32xf32, #tpu.memory_space<vmem>> -> memref<128x32xf32, #tpu.memory_space<vmem>>
    %dma_start3A_116 = arith.constant 0 : i32
    %dma_start3A_117 = tpu.memref_slice %arg6[%dma_start3A_112, %dma_start3A_116] : memref<160x128xi32, #tpu.memory_space<vmem>> -> memref<1x128xi32, #tpu.memory_space<vmem>>
    %dma_start3A_118 = tpu.memref_squeeze %dma_start3A_117 : memref<1x128xi32, #tpu.memory_space<vmem>> -> memref<128xi32, #tpu.memory_space<vmem>>
    %dma_start3A_119 = arith.constant 0 : i32
    %dma_start3A_120 = arith.constant 0 : i32
    %dma_start3A_121 = tpu.memref_slice %arg2[%arg0, %dma_start3A_119, %dma_start3A_120] : memref<2x10000x32xf32, #tpu.memory_space<hbm>> -> memref<1x10000x32xf32, #tpu.memory_space<hbm>>
    %dma_start3A_122 = tpu.memref_squeeze %dma_start3A_121 : memref<1x10000x32xf32, #tpu.memory_space<hbm>> -> memref<10000x32xf32, #tpu.memory_space<hbm>>
    %dma_start3A_123 = arith.constant 0 : i32
    %dma_start3A_124 = arith.constant 0 : i32
    %dma_start3A_125 = tpu.memref_slice %dma_start3A_122[%dma_start3A_123, %dma_start3A_124] : memref<10000x32xf32, #tpu.memory_space<hbm>> -> memref<10000x32xf32, #tpu.memory_space<hbm>>
    tpu.enqueue_indirect_dma source(%dma_start3A_125 : memref<10000x32xf32, #tpu.memory_space<hbm>>) target(%dma_start3A_115 : memref<128x32xf32, #tpu.memory_space<vmem>>) offsets(%dma_start3A_118 : memref<128xi32, #tpu.memory_space<vmem>>) semaphore(%arg11 : memref<!tpu.dma_semaphore, #tpu.memory_space<semaphore_mem>>)
    %scan3A_126 = arith.constant 0 : i32
    %scan3A_127 = arith.constant 10 : i32
    %scan3A_128 = arith.addi %scan3A_126, %scan3A_127 : i32
    %scan3A_129 = arith.constant 1 : i32
    scf.for %scan3A_215 = %scan3A_126 to %scan3A_128 step %scan3A_129  : i32 {
      %mul3A_216 = arith.constant 1 : i32
      %mul3A_217 = arith.muli %scan3A_215, %mul3A_216 : i32
      %add3A_218 = arith.constant 0 : i32
      %add3A_219 = arith.addi %add3A_218, %mul3A_217 : i32
      %mul3A_220 = arith.constant 16 : i32
      %mul3A_221 = arith.muli %mul3A_220, %add3A_219 : i32
      %add3A_222 = arith.constant 8 : i32
      %add3A_223 = arith.addi %mul3A_221, %add3A_222 : i32
      %add3A_224 = arith.constant 0 : i32
      %add3A_225 = arith.addi %mul3A_221, %add3A_224 : i32
      %dma_wait3A_226 = arith.constant 0 : i32
      %dma_wait3A_227 = arith.constant 0 : i32
      %dma_wait3A_228 = tpu.memref_slice %arg8[%dma_wait3A_226, %dma_wait3A_227] : memref<1024x32xf32, #tpu.memory_space<vmem>> -> memref<128x32xf32, #tpu.memory_space<vmem>>
      %dma_wait3A_229 = arith.constant 0 : i32
      %dma_wait3A_230 = tpu.memref_slice %arg6[%add3A_225, %dma_wait3A_229] : memref<160x128xi32, #tpu.memory_space<vmem>> -> memref<1x128xi32, #tpu.memory_space<vmem>>
      %dma_wait3A_231 = tpu.memref_squeeze %dma_wait3A_230 : memref<1x128xi32, #tpu.memory_space<vmem>> -> memref<128xi32, #tpu.memory_space<vmem>>
      %dma_wait3A_232 = arith.constant 0 : i32
      %dma_wait3A_233 = arith.constant 0 : i32
      %dma_wait3A_234 = tpu.memref_slice %arg2[%arg0, %dma_wait3A_232, %dma_wait3A_233] : memref<2x10000x32xf32, #tpu.memory_space<hbm>> -> memref<1x10000x32xf32, #tpu.memory_space<hbm>>
      %dma_wait3A_235 = tpu.memref_squeeze %dma_wait3A_234 : memref<1x10000x32xf32, #tpu.memory_space<hbm>> -> memref<10000x32xf32, #tpu.memory_space<hbm>>
      %dma_wait3A_236 = arith.constant 0 : i32
      %dma_wait3A_237 = arith.constant 0 : i32
      %dma_wait3A_238 = tpu.memref_slice %dma_wait3A_235[%dma_wait3A_236, %dma_wait3A_237] : memref<10000x32xf32, #tpu.memory_space<hbm>> -> memref<10000x32xf32, #tpu.memory_space<hbm>>
      tpu.wait_indirect_dma semaphore(%arg11 : memref<!tpu.dma_semaphore, #tpu.memory_space<semaphore_mem>>) src(%dma_wait3A_238 : memref<10000x32xf32, #tpu.memory_space<hbm>>) dst(%dma_wait3A_228 : memref<128x32xf32, #tpu.memory_space<vmem>>)
      %add3A_239 = arith.constant 1 : i32
      %add3A_240 = arith.addi %mul3A_221, %add3A_239 : i32
      %dma_wait3A_241 = arith.constant 128 : i32
      %dma_wait3A_242 = arith.constant 0 : i32
      %dma_wait3A_243 = tpu.memref_slice %arg8[%dma_wait3A_241, %dma_wait3A_242] : memref<1024x32xf32, #tpu.memory_space<vmem>> -> memref<128x32xf32, #tpu.memory_space<vmem>>
      %dma_wait3A_244 = arith.constant 0 : i32
      %dma_wait3A_245 = tpu.memref_slice %arg6[%add3A_240, %dma_wait3A_244] : memref<160x128xi32, #tpu.memory_space<vmem>> -> memref<1x128xi32, #tpu.memory_space<vmem>>
      %dma_wait3A_246 = tpu.memref_squeeze %dma_wait3A_245 : memref<1x128xi32, #tpu.memory_space<vmem>> -> memref<128xi32, #tpu.memory_space<vmem>>
      %dma_wait3A_247 = arith.constant 0 : i32
      %dma_wait3A_248 = arith.constant 0 : i32
      %dma_wait3A_249 = tpu.memref_slice %arg2[%arg0, %dma_wait3A_247, %dma_wait3A_248] : memref<2x10000x32xf32, #tpu.memory_space<hbm>> -> memref<1x10000x32xf32, #tpu.memory_space<hbm>>
      %dma_wait3A_250 = tpu.memref_squeeze %dma_wait3A_249 : memref<1x10000x32xf32, #tpu.memory_space<hbm>> -> memref<10000x32xf32, #tpu.memory_space<hbm>>
      %dma_wait3A_251 = arith.constant 0 : i32
      %dma_wait3A_252 = arith.constant 0 : i32
      %dma_wait3A_253 = tpu.memref_slice %dma_wait3A_250[%dma_wait3A_251, %dma_wait3A_252] : memref<10000x32xf32, #tpu.memory_space<hbm>> -> memref<10000x32xf32, #tpu.memory_space<hbm>>
      tpu.wait_indirect_dma semaphore(%arg11 : memref<!tpu.dma_semaphore, #tpu.memory_space<semaphore_mem>>) src(%dma_wait3A_253 : memref<10000x32xf32, #tpu.memory_space<hbm>>) dst(%dma_wait3A_243 : memref<128x32xf32, #tpu.memory_space<vmem>>)
      %add3A_254 = arith.constant 2 : i32
      %add3A_255 = arith.addi %mul3A_221, %add3A_254 : i32
      %dma_wait3A_256 = arith.constant 256 : i32
      %dma_wait3A_257 = arith.constant 0 : i32
      %dma_wait3A_258 = tpu.memref_slice %arg8[%dma_wait3A_256, %dma_wait3A_257] : memref<1024x32xf32, #tpu.memory_space<vmem>> -> memref<128x32xf32, #tpu.memory_space<vmem>>
      %dma_wait3A_259 = arith.constant 0 : i32
      %dma_wait3A_260 = tpu.memref_slice %arg6[%add3A_255, %dma_wait3A_259] : memref<160x128xi32, #tpu.memory_space<vmem>> -> memref<1x128xi32, #tpu.memory_space<vmem>>
      %dma_wait3A_261 = tpu.memref_squeeze %dma_wait3A_260 : memref<1x128xi32, #tpu.memory_space<vmem>> -> memref<128xi32, #tpu.memory_space<vmem>>
      %dma_wait3A_262 = arith.constant 0 : i32
      %dma_wait3A_263 = arith.constant 0 : i32
      %dma_wait3A_264 = tpu.memref_slice %arg2[%arg0, %dma_wait3A_262, %dma_wait3A_263] : memref<2x10000x32xf32, #tpu.memory_space<hbm>> -> memref<1x10000x32xf32, #tpu.memory_space<hbm>>
      %dma_wait3A_265 = tpu.memref_squeeze %dma_wait3A_264 : memref<1x10000x32xf32, #tpu.memory_space<hbm>> -> memref<10000x32xf32, #tpu.memory_space<hbm>>
      %dma_wait3A_266 = arith.constant 0 : i32
      %dma_wait3A_267 = arith.constant 0 : i32
      %dma_wait3A_268 = tpu.memref_slice %dma_wait3A_265[%dma_wait3A_266, %dma_wait3A_267] : memref<10000x32xf32, #tpu.memory_space<hbm>> -> memref<10000x32xf32, #tpu.memory_space<hbm>>
      tpu.wait_indirect_dma semaphore(%arg11 : memref<!tpu.dma_semaphore, #tpu.memory_space<semaphore_mem>>) src(%dma_wait3A_268 : memref<10000x32xf32, #tpu.memory_space<hbm>>) dst(%dma_wait3A_258 : memref<128x32xf32, #tpu.memory_space<vmem>>)
      %add3A_269 = arith.constant 3 : i32
      %add3A_270 = arith.addi %mul3A_221, %add3A_269 : i32
      %dma_wait3A_271 = arith.constant 384 : i32
      %dma_wait3A_272 = arith.constant 0 : i32
      %dma_wait3A_273 = tpu.memref_slice %arg8[%dma_wait3A_271, %dma_wait3A_272] : memref<1024x32xf32, #tpu.memory_space<vmem>> -> memref<128x32xf32, #tpu.memory_space<vmem>>
      %dma_wait3A_274 = arith.constant 0 : i32
      %dma_wait3A_275 = tpu.memref_slice %arg6[%add3A_270, %dma_wait3A_274] : memref<160x128xi32, #tpu.memory_space<vmem>> -> memref<1x128xi32, #tpu.memory_space<vmem>>
      %dma_wait3A_276 = tpu.memref_squeeze %dma_wait3A_275 : memref<1x128xi32, #tpu.memory_space<vmem>> -> memref<128xi32, #tpu.memory_space<vmem>>
      %dma_wait3A_277 = arith.constant 0 : i32
      %dma_wait3A_278 = arith.constant 0 : i32
      %dma_wait3A_279 = tpu.memref_slice %arg2[%arg0, %dma_wait3A_277, %dma_wait3A_278] : memref<2x10000x32xf32, #tpu.memory_space<hbm>> -> memref<1x10000x32xf32, #tpu.memory_space<hbm>>
      %dma_wait3A_280 = tpu.memref_squeeze %dma_wait3A_279 : memref<1x10000x32xf32, #tpu.memory_space<hbm>> -> memref<10000x32xf32, #tpu.memory_space<hbm>>
      %dma_wait3A_281 = arith.constant 0 : i32
      %dma_wait3A_282 = arith.constant 0 : i32
      %dma_wait3A_283 = tpu.memref_slice %dma_wait3A_280[%dma_wait3A_281, %dma_wait3A_282] : memref<10000x32xf32, #tpu.memory_space<hbm>> -> memref<10000x32xf32, #tpu.memory_space<hbm>>
      tpu.wait_indirect_dma semaphore(%arg11 : memref<!tpu.dma_semaphore, #tpu.memory_space<semaphore_mem>>) src(%dma_wait3A_283 : memref<10000x32xf32, #tpu.memory_space<hbm>>) dst(%dma_wait3A_273 : memref<128x32xf32, #tpu.memory_space<vmem>>)
      %add3A_284 = arith.constant 4 : i32
      %add3A_285 = arith.addi %mul3A_221, %add3A_284 : i32
      %dma_wait3A_286 = arith.constant 512 : i32
      %dma_wait3A_287 = arith.constant 0 : i32
      %dma_wait3A_288 = tpu.memref_slice %arg8[%dma_wait3A_286, %dma_wait3A_287] : memref<1024x32xf32, #tpu.memory_space<vmem>> -> memref<128x32xf32, #tpu.memory_space<vmem>>
      %dma_wait3A_289 = arith.constant 0 : i32
      %dma_wait3A_290 = tpu.memref_slice %arg6[%add3A_285, %dma_wait3A_289] : memref<160x128xi32, #tpu.memory_space<vmem>> -> memref<1x128xi32, #tpu.memory_space<vmem>>
      %dma_wait3A_291 = tpu.memref_squeeze %dma_wait3A_290 : memref<1x128xi32, #tpu.memory_space<vmem>> -> memref<128xi32, #tpu.memory_space<vmem>>
      %dma_wait3A_292 = arith.constant 0 : i32
      %dma_wait3A_293 = arith.constant 0 : i32
      %dma_wait3A_294 = tpu.memref_slice %arg2[%arg0, %dma_wait3A_292, %dma_wait3A_293] : memref<2x10000x32xf32, #tpu.memory_space<hbm>> -> memref<1x10000x32xf32, #tpu.memory_space<hbm>>
      %dma_wait3A_295 = tpu.memref_squeeze %dma_wait3A_294 : memref<1x10000x32xf32, #tpu.memory_space<hbm>> -> memref<10000x32xf32, #tpu.memory_space<hbm>>
      %dma_wait3A_296 = arith.constant 0 : i32
      %dma_wait3A_297 = arith.constant 0 : i32
      %dma_wait3A_298 = tpu.memref_slice %dma_wait3A_295[%dma_wait3A_296, %dma_wait3A_297] : memref<10000x32xf32, #tpu.memory_space<hbm>> -> memref<10000x32xf32, #tpu.memory_space<hbm>>
      tpu.wait_indirect_dma semaphore(%arg11 : memref<!tpu.dma_semaphore, #tpu.memory_space<semaphore_mem>>) src(%dma_wait3A_298 : memref<10000x32xf32, #tpu.memory_space<hbm>>) dst(%dma_wait3A_288 : memref<128x32xf32, #tpu.memory_space<vmem>>)
      %add3A_299 = arith.constant 5 : i32
      %add3A_300 = arith.addi %mul3A_221, %add3A_299 : i32
      %dma_wait3A_301 = arith.constant 640 : i32
      %dma_wait3A_302 = arith.constant 0 : i32
      %dma_wait3A_303 = tpu.memref_slice %arg8[%dma_wait3A_301, %dma_wait3A_302] : memref<1024x32xf32, #tpu.memory_space<vmem>> -> memref<128x32xf32, #tpu.memory_space<vmem>>
      %dma_wait3A_304 = arith.constant 0 : i32
      %dma_wait3A_305 = tpu.memref_slice %arg6[%add3A_300, %dma_wait3A_304] : memref<160x128xi32, #tpu.memory_space<vmem>> -> memref<1x128xi32, #tpu.memory_space<vmem>>
      %dma_wait3A_306 = tpu.memref_squeeze %dma_wait3A_305 : memref<1x128xi32, #tpu.memory_space<vmem>> -> memref<128xi32, #tpu.memory_space<vmem>>
      %dma_wait3A_307 = arith.constant 0 : i32
      %dma_wait3A_308 = arith.constant 0 : i32
      %dma_wait3A_309 = tpu.memref_slice %arg2[%arg0, %dma_wait3A_307, %dma_wait3A_308] : memref<2x10000x32xf32, #tpu.memory_space<hbm>> -> memref<1x10000x32xf32, #tpu.memory_space<hbm>>
      %dma_wait3A_310 = tpu.memref_squeeze %dma_wait3A_309 : memref<1x10000x32xf32, #tpu.memory_space<hbm>> -> memref<10000x32xf32, #tpu.memory_space<hbm>>
      %dma_wait3A_311 = arith.constant 0 : i32
      %dma_wait3A_312 = arith.constant 0 : i32
      %dma_wait3A_313 = tpu.memref_slice %dma_wait3A_310[%dma_wait3A_311, %dma_wait3A_312] : memref<10000x32xf32, #tpu.memory_space<hbm>> -> memref<10000x32xf32, #tpu.memory_space<hbm>>
      tpu.wait_indirect_dma semaphore(%arg11 : memref<!tpu.dma_semaphore, #tpu.memory_space<semaphore_mem>>) src(%dma_wait3A_313 : memref<10000x32xf32, #tpu.memory_space<hbm>>) dst(%dma_wait3A_303 : memref<128x32xf32, #tpu.memory_space<vmem>>)
      %add3A_314 = arith.constant 6 : i32
      %add3A_315 = arith.addi %mul3A_221, %add3A_314 : i32
      %dma_wait3A_316 = arith.constant 768 : i32
      %dma_wait3A_317 = arith.constant 0 : i32
      %dma_wait3A_318 = tpu.memref_slice %arg8[%dma_wait3A_316, %dma_wait3A_317] : memref<1024x32xf32, #tpu.memory_space<vmem>> -> memref<128x32xf32, #tpu.memory_space<vmem>>
      %dma_wait3A_319 = arith.constant 0 : i32
      %dma_wait3A_320 = tpu.memref_slice %arg6[%add3A_315, %dma_wait3A_319] : memref<160x128xi32, #tpu.memory_space<vmem>> -> memref<1x128xi32, #tpu.memory_space<vmem>>
      %dma_wait3A_321 = tpu.memref_squeeze %dma_wait3A_320 : memref<1x128xi32, #tpu.memory_space<vmem>> -> memref<128xi32, #tpu.memory_space<vmem>>
      %dma_wait3A_322 = arith.constant 0 : i32
      %dma_wait3A_323 = arith.constant 0 : i32
      %dma_wait3A_324 = tpu.memref_slice %arg2[%arg0, %dma_wait3A_322, %dma_wait3A_323] : memref<2x10000x32xf32, #tpu.memory_space<hbm>> -> memref<1x10000x32xf32, #tpu.memory_space<hbm>>
      %dma_wait3A_325 = tpu.memref_squeeze %dma_wait3A_324 : memref<1x10000x32xf32, #tpu.memory_space<hbm>> -> memref<10000x32xf32, #tpu.memory_space<hbm>>
      %dma_wait3A_326 = arith.constant 0 : i32
      %dma_wait3A_327 = arith.constant 0 : i32
      %dma_wait3A_328 = tpu.memref_slice %dma_wait3A_325[%dma_wait3A_326, %dma_wait3A_327] : memref<10000x32xf32, #tpu.memory_space<hbm>> -> memref<10000x32xf32, #tpu.memory_space<hbm>>
      tpu.wait_indirect_dma semaphore(%arg11 : memref<!tpu.dma_semaphore, #tpu.memory_space<semaphore_mem>>) src(%dma_wait3A_328 : memref<10000x32xf32, #tpu.memory_space<hbm>>) dst(%dma_wait3A_318 : memref<128x32xf32, #tpu.memory_space<vmem>>)
      %add3A_329 = arith.constant 7 : i32
      %add3A_330 = arith.addi %mul3A_221, %add3A_329 : i32
      %dma_wait3A_331 = arith.constant 896 : i32
      %dma_wait3A_332 = arith.constant 0 : i32
      %dma_wait3A_333 = tpu.memref_slice %arg8[%dma_wait3A_331, %dma_wait3A_332] : memref<1024x32xf32, #tpu.memory_space<vmem>> -> memref<128x32xf32, #tpu.memory_space<vmem>>
      %dma_wait3A_334 = arith.constant 0 : i32
      %dma_wait3A_335 = tpu.memref_slice %arg6[%add3A_330, %dma_wait3A_334] : memref<160x128xi32, #tpu.memory_space<vmem>> -> memref<1x128xi32, #tpu.memory_space<vmem>>
      %dma_wait3A_336 = tpu.memref_squeeze %dma_wait3A_335 : memref<1x128xi32, #tpu.memory_space<vmem>> -> memref<128xi32, #tpu.memory_space<vmem>>
      %dma_wait3A_337 = arith.constant 0 : i32
      %dma_wait3A_338 = arith.constant 0 : i32
      %dma_wait3A_339 = tpu.memref_slice %arg2[%arg0, %dma_wait3A_337, %dma_wait3A_338] : memref<2x10000x32xf32, #tpu.memory_space<hbm>> -> memref<1x10000x32xf32, #tpu.memory_space<hbm>>
      %dma_wait3A_340 = tpu.memref_squeeze %dma_wait3A_339 : memref<1x10000x32xf32, #tpu.memory_space<hbm>> -> memref<10000x32xf32, #tpu.memory_space<hbm>>
      %dma_wait3A_341 = arith.constant 0 : i32
      %dma_wait3A_342 = arith.constant 0 : i32
      %dma_wait3A_343 = tpu.memref_slice %dma_wait3A_340[%dma_wait3A_341, %dma_wait3A_342] : memref<10000x32xf32, #tpu.memory_space<hbm>> -> memref<10000x32xf32, #tpu.memory_space<hbm>>
      tpu.wait_indirect_dma semaphore(%arg11 : memref<!tpu.dma_semaphore, #tpu.memory_space<semaphore_mem>>) src(%dma_wait3A_343 : memref<10000x32xf32, #tpu.memory_space<hbm>>) dst(%dma_wait3A_333 : memref<128x32xf32, #tpu.memory_space<vmem>>)
      %add3A_344 = arith.constant 0 : i32
      %add3A_345 = arith.addi %mul3A_221, %add3A_344 : i32
      %dma_start3A_346 = arith.constant 0 : i32
      %dma_start3A_347 = arith.constant 0 : i32
      %dma_start3A_348 = tpu.memref_slice %arg8[%dma_start3A_346, %dma_start3A_347] : memref<1024x32xf32, #tpu.memory_space<vmem>> -> memref<128x32xf32, #tpu.memory_space<vmem>>
      %dma_start3A_349 = arith.constant 0 : i32
      %dma_start3A_350 = tpu.memref_slice %arg7[%add3A_345, %dma_start3A_349] : memref<160x128xi32, #tpu.memory_space<vmem>> -> memref<1x128xi32, #tpu.memory_space<vmem>>
      %dma_start3A_351 = tpu.memref_squeeze %dma_start3A_350 : memref<1x128xi32, #tpu.memory_space<vmem>> -> memref<128xi32, #tpu.memory_space<vmem>>
      %dma_start3A_352 = arith.constant 0 : i32
      %dma_start3A_353 = arith.constant 0 : i32
      %dma_start3A_354 = tpu.memref_slice %arg10[%dma_start3A_352, %dma_start3A_353] : memref<10240x32xf32, #tpu.memory_space<vmem_shared>> -> memref<10240x32xf32, #tpu.memory_space<vmem_shared>>
      tpu.enqueue_indirect_dma source(%dma_start3A_348 : memref<128x32xf32, #tpu.memory_space<vmem>>) target(%dma_start3A_354 : memref<10240x32xf32, #tpu.memory_space<vmem_shared>>) offsets(%dma_start3A_351 : memref<128xi32, #tpu.memory_space<vmem>>) semaphore(%arg13 : memref<!tpu.dma_semaphore, #tpu.memory_space<semaphore_mem>>) {add = true}
      %add3A_355 = arith.constant 1 : i32
      %add3A_356 = arith.addi %mul3A_221, %add3A_355 : i32
      %dma_start3A_357 = arith.constant 128 : i32
      %dma_start3A_358 = arith.constant 0 : i32
      %dma_start3A_359 = tpu.memref_slice %arg8[%dma_start3A_357, %dma_start3A_358] : memref<1024x32xf32, #tpu.memory_space<vmem>> -> memref<128x32xf32, #tpu.memory_space<vmem>>
      %dma_start3A_360 = arith.constant 0 : i32
      %dma_start3A_361 = tpu.memref_slice %arg7[%add3A_356, %dma_start3A_360] : memref<160x128xi32, #tpu.memory_space<vmem>> -> memref<1x128xi32, #tpu.memory_space<vmem>>
      %dma_start3A_362 = tpu.memref_squeeze %dma_start3A_361 : memref<1x128xi32, #tpu.memory_space<vmem>> -> memref<128xi32, #tpu.memory_space<vmem>>
      %dma_start3A_363 = arith.constant 0 : i32
      %dma_start3A_364 = arith.constant 0 : i32
      %dma_start3A_365 = tpu.memref_slice %arg10[%dma_start3A_363, %dma_start3A_364] : memref<10240x32xf32, #tpu.memory_space<vmem_shared>> -> memref<10240x32xf32, #tpu.memory_space<vmem_shared>>
      tpu.enqueue_indirect_dma source(%dma_start3A_359 : memref<128x32xf32, #tpu.memory_space<vmem>>) target(%dma_start3A_365 : memref<10240x32xf32, #tpu.memory_space<vmem_shared>>) offsets(%dma_start3A_362 : memref<128xi32, #tpu.memory_space<vmem>>) semaphore(%arg13 : memref<!tpu.dma_semaphore, #tpu.memory_space<semaphore_mem>>) {add = true}
      %add3A_366 = arith.constant 2 : i32
      %add3A_367 = arith.addi %mul3A_221, %add3A_366 : i32
      %dma_start3A_368 = arith.constant 256 : i32
      %dma_start3A_369 = arith.constant 0 : i32
      %dma_start3A_370 = tpu.memref_slice %arg8[%dma_start3A_368, %dma_start3A_369] : memref<1024x32xf32, #tpu.memory_space<vmem>> -> memref<128x32xf32, #tpu.memory_space<vmem>>
      %dma_start3A_371 = arith.constant 0 : i32
      %dma_start3A_372 = tpu.memref_slice %arg7[%add3A_367, %dma_start3A_371] : memref<160x128xi32, #tpu.memory_space<vmem>> -> memref<1x128xi32, #tpu.memory_space<vmem>>
      %dma_start3A_373 = tpu.memref_squeeze %dma_start3A_372 : memref<1x128xi32, #tpu.memory_space<vmem>> -> memref<128xi32, #tpu.memory_space<vmem>>
      %dma_start3A_374 = arith.constant 0 : i32
      %dma_start3A_375 = arith.constant 0 : i32
      %dma_start3A_376 = tpu.memref_slice %arg10[%dma_start3A_374, %dma_start3A_375] : memref<10240x32xf32, #tpu.memory_space<vmem_shared>> -> memref<10240x32xf32, #tpu.memory_space<vmem_shared>>
      tpu.enqueue_indirect_dma source(%dma_start3A_370 : memref<128x32xf32, #tpu.memory_space<vmem>>) target(%dma_start3A_376 : memref<10240x32xf32, #tpu.memory_space<vmem_shared>>) offsets(%dma_start3A_373 : memref<128xi32, #tpu.memory_space<vmem>>) semaphore(%arg13 : memref<!tpu.dma_semaphore, #tpu.memory_space<semaphore_mem>>) {add = true}
      %add3A_377 = arith.constant 3 : i32
      %add3A_378 = arith.addi %mul3A_221, %add3A_377 : i32
      %dma_start3A_379 = arith.constant 384 : i32
      %dma_start3A_380 = arith.constant 0 : i32
      %dma_start3A_381 = tpu.memref_slice %arg8[%dma_start3A_379, %dma_start3A_380] : memref<1024x32xf32, #tpu.memory_space<vmem>> -> memref<128x32xf32, #tpu.memory_space<vmem>>
      %dma_start3A_382 = arith.constant 0 : i32
      %dma_start3A_383 = tpu.memref_slice %arg7[%add3A_378, %dma_start3A_382] : memref<160x128xi32, #tpu.memory_space<vmem>> -> memref<1x128xi32, #tpu.memory_space<vmem>>
      %dma_start3A_384 = tpu.memref_squeeze %dma_start3A_383 : memref<1x128xi32, #tpu.memory_space<vmem>> -> memref<128xi32, #tpu.memory_space<vmem>>
      %dma_start3A_385 = arith.constant 0 : i32
      %dma_start3A_386 = arith.constant 0 : i32
      %dma_start3A_387 = tpu.memref_slice %arg10[%dma_start3A_385, %dma_start3A_386] : memref<10240x32xf32, #tpu.memory_space<vmem_shared>> -> memref<10240x32xf32, #tpu.memory_space<vmem_shared>>
      tpu.enqueue_indirect_dma source(%dma_start3A_381 : memref<128x32xf32, #tpu.memory_space<vmem>>) target(%dma_start3A_387 : memref<10240x32xf32, #tpu.memory_space<vmem_shared>>) offsets(%dma_start3A_384 : memref<128xi32, #tpu.memory_space<vmem>>) semaphore(%arg13 : memref<!tpu.dma_semaphore, #tpu.memory_space<semaphore_mem>>) {add = true}
      %add3A_388 = arith.constant 4 : i32
      %add3A_389 = arith.addi %mul3A_221, %add3A_388 : i32
      %dma_start3A_390 = arith.constant 512 : i32
      %dma_start3A_391 = arith.constant 0 : i32
      %dma_start3A_392 = tpu.memref_slice %arg8[%dma_start3A_390, %dma_start3A_391] : memref<1024x32xf32, #tpu.memory_space<vmem>> -> memref<128x32xf32, #tpu.memory_space<vmem>>
      %dma_start3A_393 = arith.constant 0 : i32
      %dma_start3A_394 = tpu.memref_slice %arg7[%add3A_389, %dma_start3A_393] : memref<160x128xi32, #tpu.memory_space<vmem>> -> memref<1x128xi32, #tpu.memory_space<vmem>>
      %dma_start3A_395 = tpu.memref_squeeze %dma_start3A_394 : memref<1x128xi32, #tpu.memory_space<vmem>> -> memref<128xi32, #tpu.memory_space<vmem>>
      %dma_start3A_396 = arith.constant 0 : i32
      %dma_start3A_397 = arith.constant 0 : i32
      %dma_start3A_398 = tpu.memref_slice %arg10[%dma_start3A_396, %dma_start3A_397] : memref<10240x32xf32, #tpu.memory_space<vmem_shared>> -> memref<10240x32xf32, #tpu.memory_space<vmem_shared>>
      tpu.enqueue_indirect_dma source(%dma_start3A_392 : memref<128x32xf32, #tpu.memory_space<vmem>>) target(%dma_start3A_398 : memref<10240x32xf32, #tpu.memory_space<vmem_shared>>) offsets(%dma_start3A_395 : memref<128xi32, #tpu.memory_space<vmem>>) semaphore(%arg13 : memref<!tpu.dma_semaphore, #tpu.memory_space<semaphore_mem>>) {add = true}
      %add3A_399 = arith.constant 5 : i32
      %add3A_400 = arith.addi %mul3A_221, %add3A_399 : i32
      %dma_start3A_401 = arith.constant 640 : i32
      %dma_start3A_402 = arith.constant 0 : i32
      %dma_start3A_403 = tpu.memref_slice %arg8[%dma_start3A_401, %dma_start3A_402] : memref<1024x32xf32, #tpu.memory_space<vmem>> -> memref<128x32xf32, #tpu.memory_space<vmem>>
      %dma_start3A_404 = arith.constant 0 : i32
      %dma_start3A_405 = tpu.memref_slice %arg7[%add3A_400, %dma_start3A_404] : memref<160x128xi32, #tpu.memory_space<vmem>> -> memref<1x128xi32, #tpu.memory_space<vmem>>
      %dma_start3A_406 = tpu.memref_squeeze %dma_start3A_405 : memref<1x128xi32, #tpu.memory_space<vmem>> -> memref<128xi32, #tpu.memory_space<vmem>>
      %dma_start3A_407 = arith.constant 0 : i32
      %dma_start3A_408 = arith.constant 0 : i32
      %dma_start3A_409 = tpu.memref_slice %arg10[%dma_start3A_407, %dma_start3A_408] : memref<10240x32xf32, #tpu.memory_space<vmem_shared>> -> memref<10240x32xf32, #tpu.memory_space<vmem_shared>>
      tpu.enqueue_indirect_dma source(%dma_start3A_403 : memref<128x32xf32, #tpu.memory_space<vmem>>) target(%dma_start3A_409 : memref<10240x32xf32, #tpu.memory_space<vmem_shared>>) offsets(%dma_start3A_406 : memref<128xi32, #tpu.memory_space<vmem>>) semaphore(%arg13 : memref<!tpu.dma_semaphore, #tpu.memory_space<semaphore_mem>>) {add = true}
      %add3A_410 = arith.constant 6 : i32
      %add3A_411 = arith.addi %mul3A_221, %add3A_410 : i32
      %dma_start3A_412 = arith.constant 768 : i32
      %dma_start3A_413 = arith.constant 0 : i32
      %dma_start3A_414 = tpu.memref_slice %arg8[%dma_start3A_412, %dma_start3A_413] : memref<1024x32xf32, #tpu.memory_space<vmem>> -> memref<128x32xf32, #tpu.memory_space<vmem>>
      %dma_start3A_415 = arith.constant 0 : i32
      %dma_start3A_416 = tpu.memref_slice %arg7[%add3A_411, %dma_start3A_415] : memref<160x128xi32, #tpu.memory_space<vmem>> -> memref<1x128xi32, #tpu.memory_space<vmem>>
      %dma_start3A_417 = tpu.memref_squeeze %dma_start3A_416 : memref<1x128xi32, #tpu.memory_space<vmem>> -> memref<128xi32, #tpu.memory_space<vmem>>
      %dma_start3A_418 = arith.constant 0 : i32
      %dma_start3A_419 = arith.constant 0 : i32
      %dma_start3A_420 = tpu.memref_slice %arg10[%dma_start3A_418, %dma_start3A_419] : memref<10240x32xf32, #tpu.memory_space<vmem_shared>> -> memref<10240x32xf32, #tpu.memory_space<vmem_shared>>
      tpu.enqueue_indirect_dma source(%dma_start3A_414 : memref<128x32xf32, #tpu.memory_space<vmem>>) target(%dma_start3A_420 : memref<10240x32xf32, #tpu.memory_space<vmem_shared>>) offsets(%dma_start3A_417 : memref<128xi32, #tpu.memory_space<vmem>>) semaphore(%arg13 : memref<!tpu.dma_semaphore, #tpu.memory_space<semaphore_mem>>) {add = true}
      %add3A_421 = arith.constant 7 : i32
      %add3A_422 = arith.addi %mul3A_221, %add3A_421 : i32
      %dma_start3A_423 = arith.constant 896 : i32
      %dma_start3A_424 = arith.constant 0 : i32
      %dma_start3A_425 = tpu.memref_slice %arg8[%dma_start3A_423, %dma_start3A_424] : memref<1024x32xf32, #tpu.memory_space<vmem>> -> memref<128x32xf32, #tpu.memory_space<vmem>>
      %dma_start3A_426 = arith.constant 0 : i32
      %dma_start3A_427 = tpu.memref_slice %arg7[%add3A_422, %dma_start3A_426] : memref<160x128xi32, #tpu.memory_space<vmem>> -> memref<1x128xi32, #tpu.memory_space<vmem>>
      %dma_start3A_428 = tpu.memref_squeeze %dma_start3A_427 : memref<1x128xi32, #tpu.memory_space<vmem>> -> memref<128xi32, #tpu.memory_space<vmem>>
      %dma_start3A_429 = arith.constant 0 : i32
      %dma_start3A_430 = arith.constant 0 : i32
      %dma_start3A_431 = tpu.memref_slice %arg10[%dma_start3A_429, %dma_start3A_430] : memref<10240x32xf32, #tpu.memory_space<vmem_shared>> -> memref<10240x32xf32, #tpu.memory_space<vmem_shared>>
      tpu.enqueue_indirect_dma source(%dma_start3A_425 : memref<128x32xf32, #tpu.memory_space<vmem>>) target(%dma_start3A_431 : memref<10240x32xf32, #tpu.memory_space<vmem_shared>>) offsets(%dma_start3A_428 : memref<128xi32, #tpu.memory_space<vmem>>) semaphore(%arg13 : memref<!tpu.dma_semaphore, #tpu.memory_space<semaphore_mem>>) {add = true}
      %gt3A = arith.constant 0 : i32
      %gt3A_432 = arith.cmpi sgt, %add3A_219, %gt3A : i32
      %convert_element_type3A = arith.extui %gt3A_432 : i1 to i32
      %cond3A = arith.constant 0 : i32
      %cond3A_433 = arith.cmpi ne, %convert_element_type3A, %cond3A : i32
      scf.if %cond3A_433 {
        %sub3A = arith.constant 8 : i32
        %sub3A_854 = arith.subi %mul3A_221, %sub3A : i32
        %add3A_855 = arith.constant 0 : i32
        %add3A_856 = arith.addi %sub3A_854, %add3A_855 : i32
        %dma_wait3A_857 = arith.constant 0 : i32
        %dma_wait3A_858 = arith.constant 0 : i32
        %dma_wait3A_859 = tpu.memref_slice %arg9[%dma_wait3A_857, %dma_wait3A_858] : memref<1024x32xf32, #tpu.memory_space<vmem>> -> memref<128x32xf32, #tpu.memory_space<vmem>>
        %dma_wait3A_860 = arith.constant 0 : i32
        %dma_wait3A_861 = tpu.memref_slice %arg7[%add3A_856, %dma_wait3A_860] : memref<160x128xi32, #tpu.memory_space<vmem>> -> memref<1x128xi32, #tpu.memory_space<vmem>>
        %dma_wait3A_862 = tpu.memref_squeeze %dma_wait3A_861 : memref<1x128xi32, #tpu.memory_space<vmem>> -> memref<128xi32, #tpu.memory_space<vmem>>
        %dma_wait3A_863 = arith.constant 0 : i32
        %dma_wait3A_864 = arith.constant 0 : i32
        %dma_wait3A_865 = tpu.memref_slice %arg10[%dma_wait3A_863, %dma_wait3A_864] : memref<10240x32xf32, #tpu.memory_space<vmem_shared>> -> memref<10240x32xf32, #tpu.memory_space<vmem_shared>>
        tpu.wait_indirect_dma semaphore(%arg14 : memref<!tpu.dma_semaphore, #tpu.memory_space<semaphore_mem>>) src(%dma_wait3A_859 : memref<128x32xf32, #tpu.memory_space<vmem>>) dst(%dma_wait3A_865 : memref<10240x32xf32, #tpu.memory_space<vmem_shared>>)
        %add3A_866 = arith.constant 1 : i32
        %add3A_867 = arith.addi %sub3A_854, %add3A_866 : i32
        %dma_wait3A_868 = arith.constant 128 : i32
        %dma_wait3A_869 = arith.constant 0 : i32
        %dma_wait3A_870 = tpu.memref_slice %arg9[%dma_wait3A_868, %dma_wait3A_869] : memref<1024x32xf32, #tpu.memory_space<vmem>> -> memref<128x32xf32, #tpu.memory_space<vmem>>
        %dma_wait3A_871 = arith.constant 0 : i32
        %dma_wait3A_872 = tpu.memref_slice %arg7[%add3A_867, %dma_wait3A_871] : memref<160x128xi32, #tpu.memory_space<vmem>> -> memref<1x128xi32, #tpu.memory_space<vmem>>
        %dma_wait3A_873 = tpu.memref_squeeze %dma_wait3A_872 : memref<1x128xi32, #tpu.memory_space<vmem>> -> memref<128xi32, #tpu.memory_space<vmem>>
        %dma_wait3A_874 = arith.constant 0 : i32
        %dma_wait3A_875 = arith.constant 0 : i32
        %dma_wait3A_876 = tpu.memref_slice %arg10[%dma_wait3A_874, %dma_wait3A_875] : memref<10240x32xf32, #tpu.memory_space<vmem_shared>> -> memref<10240x32xf32, #tpu.memory_space<vmem_shared>>
        tpu.wait_indirect_dma semaphore(%arg14 : memref<!tpu.dma_semaphore, #tpu.memory_space<semaphore_mem>>) src(%dma_wait3A_870 : memref<128x32xf32, #tpu.memory_space<vmem>>) dst(%dma_wait3A_876 : memref<10240x32xf32, #tpu.memory_space<vmem_shared>>)
        %add3A_877 = arith.constant 2 : i32
        %add3A_878 = arith.addi %sub3A_854, %add3A_877 : i32
        %dma_wait3A_879 = arith.constant 256 : i32
        %dma_wait3A_880 = arith.constant 0 : i32
        %dma_wait3A_881 = tpu.memref_slice %arg9[%dma_wait3A_879, %dma_wait3A_880] : memref<1024x32xf32, #tpu.memory_space<vmem>> -> memref<128x32xf32, #tpu.memory_space<vmem>>
        %dma_wait3A_882 = arith.constant 0 : i32
        %dma_wait3A_883 = tpu.memref_slice %arg7[%add3A_878, %dma_wait3A_882] : memref<160x128xi32, #tpu.memory_space<vmem>> -> memref<1x128xi32, #tpu.memory_space<vmem>>
        %dma_wait3A_884 = tpu.memref_squeeze %dma_wait3A_883 : memref<1x128xi32, #tpu.memory_space<vmem>> -> memref<128xi32, #tpu.memory_space<vmem>>
        %dma_wait3A_885 = arith.constant 0 : i32
        %dma_wait3A_886 = arith.constant 0 : i32
        %dma_wait3A_887 = tpu.memref_slice %arg10[%dma_wait3A_885, %dma_wait3A_886] : memref<10240x32xf32, #tpu.memory_space<vmem_shared>> -> memref<10240x32xf32, #tpu.memory_space<vmem_shared>>
        tpu.wait_indirect_dma semaphore(%arg14 : memref<!tpu.dma_semaphore, #tpu.memory_space<semaphore_mem>>) src(%dma_wait3A_881 : memref<128x32xf32, #tpu.memory_space<vmem>>) dst(%dma_wait3A_887 : memref<10240x32xf32, #tpu.memory_space<vmem_shared>>)
        %add3A_888 = arith.constant 3 : i32
        %add3A_889 = arith.addi %sub3A_854, %add3A_888 : i32
        %dma_wait3A_890 = arith.constant 384 : i32
        %dma_wait3A_891 = arith.constant 0 : i32
        %dma_wait3A_892 = tpu.memref_slice %arg9[%dma_wait3A_890, %dma_wait3A_891] : memref<1024x32xf32, #tpu.memory_space<vmem>> -> memref<128x32xf32, #tpu.memory_space<vmem>>
        %dma_wait3A_893 = arith.constant 0 : i32
        %dma_wait3A_894 = tpu.memref_slice %arg7[%add3A_889, %dma_wait3A_893] : memref<160x128xi32, #tpu.memory_space<vmem>> -> memref<1x128xi32, #tpu.memory_space<vmem>>
        %dma_wait3A_895 = tpu.memref_squeeze %dma_wait3A_894 : memref<1x128xi32, #tpu.memory_space<vmem>> -> memref<128xi32, #tpu.memory_space<vmem>>
        %dma_wait3A_896 = arith.constant 0 : i32
        %dma_wait3A_897 = arith.constant 0 : i32
        %dma_wait3A_898 = tpu.memref_slice %arg10[%dma_wait3A_896, %dma_wait3A_897] : memref<10240x32xf32, #tpu.memory_space<vmem_shared>> -> memref<10240x32xf32, #tpu.memory_space<vmem_shared>>
        tpu.wait_indirect_dma semaphore(%arg14 : memref<!tpu.dma_semaphore, #tpu.memory_space<semaphore_mem>>) src(%dma_wait3A_892 : memref<128x32xf32, #tpu.memory_space<vmem>>) dst(%dma_wait3A_898 : memref<10240x32xf32, #tpu.memory_space<vmem_shared>>)
        %add3A_899 = arith.constant 4 : i32
        %add3A_900 = arith.addi %sub3A_854, %add3A_899 : i32
        %dma_wait3A_901 = arith.constant 512 : i32
        %dma_wait3A_902 = arith.constant 0 : i32
        %dma_wait3A_903 = tpu.memref_slice %arg9[%dma_wait3A_901, %dma_wait3A_902] : memref<1024x32xf32, #tpu.memory_space<vmem>> -> memref<128x32xf32, #tpu.memory_space<vmem>>
        %dma_wait3A_904 = arith.constant 0 : i32
        %dma_wait3A_905 = tpu.memref_slice %arg7[%add3A_900, %dma_wait3A_904] : memref<160x128xi32, #tpu.memory_space<vmem>> -> memref<1x128xi32, #tpu.memory_space<vmem>>
        %dma_wait3A_906 = tpu.memref_squeeze %dma_wait3A_905 : memref<1x128xi32, #tpu.memory_space<vmem>> -> memref<128xi32, #tpu.memory_space<vmem>>
        %dma_wait3A_907 = arith.constant 0 : i32
        %dma_wait3A_908 = arith.constant 0 : i32
        %dma_wait3A_909 = tpu.memref_slice %arg10[%dma_wait3A_907, %dma_wait3A_908] : memref<10240x32xf32, #tpu.memory_space<vmem_shared>> -> memref<10240x32xf32, #tpu.memory_space<vmem_shared>>
        tpu.wait_indirect_dma semaphore(%arg14 : memref<!tpu.dma_semaphore, #tpu.memory_space<semaphore_mem>>) src(%dma_wait3A_903 : memref<128x32xf32, #tpu.memory_space<vmem>>) dst(%dma_wait3A_909 : memref<10240x32xf32, #tpu.memory_space<vmem_shared>>)
        %add3A_910 = arith.constant 5 : i32
        %add3A_911 = arith.addi %sub3A_854, %add3A_910 : i32
        %dma_wait3A_912 = arith.constant 640 : i32
        %dma_wait3A_913 = arith.constant 0 : i32
        %dma_wait3A_914 = tpu.memref_slice %arg9[%dma_wait3A_912, %dma_wait3A_913] : memref<1024x32xf32, #tpu.memory_space<vmem>> -> memref<128x32xf32, #tpu.memory_space<vmem>>
        %dma_wait3A_915 = arith.constant 0 : i32
        %dma_wait3A_916 = tpu.memref_slice %arg7[%add3A_911, %dma_wait3A_915] : memref<160x128xi32, #tpu.memory_space<vmem>> -> memref<1x128xi32, #tpu.memory_space<vmem>>
        %dma_wait3A_917 = tpu.memref_squeeze %dma_wait3A_916 : memref<1x128xi32, #tpu.memory_space<vmem>> -> memref<128xi32, #tpu.memory_space<vmem>>
        %dma_wait3A_918 = arith.constant 0 : i32
        %dma_wait3A_919 = arith.constant 0 : i32
        %dma_wait3A_920 = tpu.memref_slice %arg10[%dma_wait3A_918, %dma_wait3A_919] : memref<10240x32xf32, #tpu.memory_space<vmem_shared>> -> memref<10240x32xf32, #tpu.memory_space<vmem_shared>>
        tpu.wait_indirect_dma semaphore(%arg14 : memref<!tpu.dma_semaphore, #tpu.memory_space<semaphore_mem>>) src(%dma_wait3A_914 : memref<128x32xf32, #tpu.memory_space<vmem>>) dst(%dma_wait3A_920 : memref<10240x32xf32, #tpu.memory_space<vmem_shared>>)
        %add3A_921 = arith.constant 6 : i32
        %add3A_922 = arith.addi %sub3A_854, %add3A_921 : i32
        %dma_wait3A_923 = arith.constant 768 : i32
        %dma_wait3A_924 = arith.constant 0 : i32
        %dma_wait3A_925 = tpu.memref_slice %arg9[%dma_wait3A_923, %dma_wait3A_924] : memref<1024x32xf32, #tpu.memory_space<vmem>> -> memref<128x32xf32, #tpu.memory_space<vmem>>
        %dma_wait3A_926 = arith.constant 0 : i32
        %dma_wait3A_927 = tpu.memref_slice %arg7[%add3A_922, %dma_wait3A_926] : memref<160x128xi32, #tpu.memory_space<vmem>> -> memref<1x128xi32, #tpu.memory_space<vmem>>
        %dma_wait3A_928 = tpu.memref_squeeze %dma_wait3A_927 : memref<1x128xi32, #tpu.memory_space<vmem>> -> memref<128xi32, #tpu.memory_space<vmem>>
        %dma_wait3A_929 = arith.constant 0 : i32
        %dma_wait3A_930 = arith.constant 0 : i32
        %dma_wait3A_931 = tpu.memref_slice %arg10[%dma_wait3A_929, %dma_wait3A_930] : memref<10240x32xf32, #tpu.memory_space<vmem_shared>> -> memref<10240x32xf32, #tpu.memory_space<vmem_shared>>
        tpu.wait_indirect_dma semaphore(%arg14 : memref<!tpu.dma_semaphore, #tpu.memory_space<semaphore_mem>>) src(%dma_wait3A_925 : memref<128x32xf32, #tpu.memory_space<vmem>>) dst(%dma_wait3A_931 : memref<10240x32xf32, #tpu.memory_space<vmem_shared>>)
        %add3A_932 = arith.constant 7 : i32
        %add3A_933 = arith.addi %sub3A_854, %add3A_932 : i32
        %dma_wait3A_934 = arith.constant 896 : i32
        %dma_wait3A_935 = arith.constant 0 : i32
        %dma_wait3A_936 = tpu.memref_slice %arg9[%dma_wait3A_934, %dma_wait3A_935] : memref<1024x32xf32, #tpu.memory_space<vmem>> -> memref<128x32xf32, #tpu.memory_space<vmem>>
        %dma_wait3A_937 = arith.constant 0 : i32
        %dma_wait3A_938 = tpu.memref_slice %arg7[%add3A_933, %dma_wait3A_937] : memref<160x128xi32, #tpu.memory_space<vmem>> -> memref<1x128xi32, #tpu.memory_space<vmem>>
        %dma_wait3A_939 = tpu.memref_squeeze %dma_wait3A_938 : memref<1x128xi32, #tpu.memory_space<vmem>> -> memref<128xi32, #tpu.memory_space<vmem>>
        %dma_wait3A_940 = arith.constant 0 : i32
        %dma_wait3A_941 = arith.constant 0 : i32
        %dma_wait3A_942 = tpu.memref_slice %arg10[%dma_wait3A_940, %dma_wait3A_941] : memref<10240x32xf32, #tpu.memory_space<vmem_shared>> -> memref<10240x32xf32, #tpu.memory_space<vmem_shared>>
        tpu.wait_indirect_dma semaphore(%arg14 : memref<!tpu.dma_semaphore, #tpu.memory_space<semaphore_mem>>) src(%dma_wait3A_936 : memref<128x32xf32, #tpu.memory_space<vmem>>) dst(%dma_wait3A_942 : memref<10240x32xf32, #tpu.memory_space<vmem_shared>>)
      } else {
      }
      %add3A_434 = arith.constant 0 : i32
      %add3A_435 = arith.addi %add3A_223, %add3A_434 : i32
      %dma_start3A_436 = arith.constant 0 : i32
      %dma_start3A_437 = arith.constant 0 : i32
      %dma_start3A_438 = tpu.memref_slice %arg9[%dma_start3A_436, %dma_start3A_437] : memref<1024x32xf32, #tpu.memory_space<vmem>> -> memref<128x32xf32, #tpu.memory_space<vmem>>
      %dma_start3A_439 = arith.constant 0 : i32
      %dma_start3A_440 = tpu.memref_slice %arg6[%add3A_435, %dma_start3A_439] : memref<160x128xi32, #tpu.memory_space<vmem>> -> memref<1x128xi32, #tpu.memory_space<vmem>>
      %dma_start3A_441 = tpu.memref_squeeze %dma_start3A_440 : memref<1x128xi32, #tpu.memory_space<vmem>> -> memref<128xi32, #tpu.memory_space<vmem>>
      %dma_start3A_442 = arith.constant 0 : i32
      %dma_start3A_443 = arith.constant 0 : i32
      %dma_start3A_444 = tpu.memref_slice %arg2[%arg0, %dma_start3A_442, %dma_start3A_443] : memref<2x10000x32xf32, #tpu.memory_space<hbm>> -> memref<1x10000x32xf32, #tpu.memory_space<hbm>>
      %dma_start3A_445 = tpu.memref_squeeze %dma_start3A_444 : memref<1x10000x32xf32, #tpu.memory_space<hbm>> -> memref<10000x32xf32, #tpu.memory_space<hbm>>
      %dma_start3A_446 = arith.constant 0 : i32
      %dma_start3A_447 = arith.constant 0 : i32
      %dma_start3A_448 = tpu.memref_slice %dma_start3A_445[%dma_start3A_446, %dma_start3A_447] : memref<10000x32xf32, #tpu.memory_space<hbm>> -> memref<10000x32xf32, #tpu.memory_space<hbm>>
      tpu.enqueue_indirect_dma source(%dma_start3A_448 : memref<10000x32xf32, #tpu.memory_space<hbm>>) target(%dma_start3A_438 : memref<128x32xf32, #tpu.memory_space<vmem>>) offsets(%dma_start3A_441 : memref<128xi32, #tpu.memory_space<vmem>>) semaphore(%arg12 : memref<!tpu.dma_semaphore, #tpu.memory_space<semaphore_mem>>)
      %add3A_449 = arith.constant 1 : i32
      %add3A_450 = arith.addi %add3A_223, %add3A_449 : i32
      %dma_start3A_451 = arith.constant 128 : i32
      %dma_start3A_452 = arith.constant 0 : i32
      %dma_start3A_453 = tpu.memref_slice %arg9[%dma_start3A_451, %dma_start3A_452] : memref<1024x32xf32, #tpu.memory_space<vmem>> -> memref<128x32xf32, #tpu.memory_space<vmem>>
      %dma_start3A_454 = arith.constant 0 : i32
      %dma_start3A_455 = tpu.memref_slice %arg6[%add3A_450, %dma_start3A_454] : memref<160x128xi32, #tpu.memory_space<vmem>> -> memref<1x128xi32, #tpu.memory_space<vmem>>
      %dma_start3A_456 = tpu.memref_squeeze %dma_start3A_455 : memref<1x128xi32, #tpu.memory_space<vmem>> -> memref<128xi32, #tpu.memory_space<vmem>>
      %dma_start3A_457 = arith.constant 0 : i32
      %dma_start3A_458 = arith.constant 0 : i32
      %dma_start3A_459 = tpu.memref_slice %arg2[%arg0, %dma_start3A_457, %dma_start3A_458] : memref<2x10000x32xf32, #tpu.memory_space<hbm>> -> memref<1x10000x32xf32, #tpu.memory_space<hbm>>
      %dma_start3A_460 = tpu.memref_squeeze %dma_start3A_459 : memref<1x10000x32xf32, #tpu.memory_space<hbm>> -> memref<10000x32xf32, #tpu.memory_space<hbm>>
      %dma_start3A_461 = arith.constant 0 : i32
      %dma_start3A_462 = arith.constant 0 : i32
      %dma_start3A_463 = tpu.memref_slice %dma_start3A_460[%dma_start3A_461, %dma_start3A_462] : memref<10000x32xf32, #tpu.memory_space<hbm>> -> memref<10000x32xf32, #tpu.memory_space<hbm>>
      tpu.enqueue_indirect_dma source(%dma_start3A_463 : memref<10000x32xf32, #tpu.memory_space<hbm>>) target(%dma_start3A_453 : memref<128x32xf32, #tpu.memory_space<vmem>>) offsets(%dma_start3A_456 : memref<128xi32, #tpu.memory_space<vmem>>) semaphore(%arg12 : memref<!tpu.dma_semaphore, #tpu.memory_space<semaphore_mem>>)
      %add3A_464 = arith.constant 2 : i32
      %add3A_465 = arith.addi %add3A_223, %add3A_464 : i32
      %dma_start3A_466 = arith.constant 256 : i32
      %dma_start3A_467 = arith.constant 0 : i32
      %dma_start3A_468 = tpu.memref_slice %arg9[%dma_start3A_466, %dma_start3A_467] : memref<1024x32xf32, #tpu.memory_space<vmem>> -> memref<128x32xf32, #tpu.memory_space<vmem>>
      %dma_start3A_469 = arith.constant 0 : i32
      %dma_start3A_470 = tpu.memref_slice %arg6[%add3A_465, %dma_start3A_469] : memref<160x128xi32, #tpu.memory_space<vmem>> -> memref<1x128xi32, #tpu.memory_space<vmem>>
      %dma_start3A_471 = tpu.memref_squeeze %dma_start3A_470 : memref<1x128xi32, #tpu.memory_space<vmem>> -> memref<128xi32, #tpu.memory_space<vmem>>
      %dma_start3A_472 = arith.constant 0 : i32
      %dma_start3A_473 = arith.constant 0 : i32
      %dma_start3A_474 = tpu.memref_slice %arg2[%arg0, %dma_start3A_472, %dma_start3A_473] : memref<2x10000x32xf32, #tpu.memory_space<hbm>> -> memref<1x10000x32xf32, #tpu.memory_space<hbm>>
      %dma_start3A_475 = tpu.memref_squeeze %dma_start3A_474 : memref<1x10000x32xf32, #tpu.memory_space<hbm>> -> memref<10000x32xf32, #tpu.memory_space<hbm>>
      %dma_start3A_476 = arith.constant 0 : i32
      %dma_start3A_477 = arith.constant 0 : i32
      %dma_start3A_478 = tpu.memref_slice %dma_start3A_475[%dma_start3A_476, %dma_start3A_477] : memref<10000x32xf32, #tpu.memory_space<hbm>> -> memref<10000x32xf32, #tpu.memory_space<hbm>>
      tpu.enqueue_indirect_dma source(%dma_start3A_478 : memref<10000x32xf32, #tpu.memory_space<hbm>>) target(%dma_start3A_468 : memref<128x32xf32, #tpu.memory_space<vmem>>) offsets(%dma_start3A_471 : memref<128xi32, #tpu.memory_space<vmem>>) semaphore(%arg12 : memref<!tpu.dma_semaphore, #tpu.memory_space<semaphore_mem>>)
      %add3A_479 = arith.constant 3 : i32
      %add3A_480 = arith.addi %add3A_223, %add3A_479 : i32
      %dma_start3A_481 = arith.constant 384 : i32
      %dma_start3A_482 = arith.constant 0 : i32
      %dma_start3A_483 = tpu.memref_slice %arg9[%dma_start3A_481, %dma_start3A_482] : memref<1024x32xf32, #tpu.memory_space<vmem>> -> memref<128x32xf32, #tpu.memory_space<vmem>>
      %dma_start3A_484 = arith.constant 0 : i32
      %dma_start3A_485 = tpu.memref_slice %arg6[%add3A_480, %dma_start3A_484] : memref<160x128xi32, #tpu.memory_space<vmem>> -> memref<1x128xi32, #tpu.memory_space<vmem>>
      %dma_start3A_486 = tpu.memref_squeeze %dma_start3A_485 : memref<1x128xi32, #tpu.memory_space<vmem>> -> memref<128xi32, #tpu.memory_space<vmem>>
      %dma_start3A_487 = arith.constant 0 : i32
      %dma_start3A_488 = arith.constant 0 : i32
      %dma_start3A_489 = tpu.memref_slice %arg2[%arg0, %dma_start3A_487, %dma_start3A_488] : memref<2x10000x32xf32, #tpu.memory_space<hbm>> -> memref<1x10000x32xf32, #tpu.memory_space<hbm>>
      %dma_start3A_490 = tpu.memref_squeeze %dma_start3A_489 : memref<1x10000x32xf32, #tpu.memory_space<hbm>> -> memref<10000x32xf32, #tpu.memory_space<hbm>>
      %dma_start3A_491 = arith.constant 0 : i32
      %dma_start3A_492 = arith.constant 0 : i32
      %dma_start3A_493 = tpu.memref_slice %dma_start3A_490[%dma_start3A_491, %dma_start3A_492] : memref<10000x32xf32, #tpu.memory_space<hbm>> -> memref<10000x32xf32, #tpu.memory_space<hbm>>
      tpu.enqueue_indirect_dma source(%dma_start3A_493 : memref<10000x32xf32, #tpu.memory_space<hbm>>) target(%dma_start3A_483 : memref<128x32xf32, #tpu.memory_space<vmem>>) offsets(%dma_start3A_486 : memref<128xi32, #tpu.memory_space<vmem>>) semaphore(%arg12 : memref<!tpu.dma_semaphore, #tpu.memory_space<semaphore_mem>>)
      %add3A_494 = arith.constant 4 : i32
      %add3A_495 = arith.addi %add3A_223, %add3A_494 : i32
      %dma_start3A_496 = arith.constant 512 : i32
      %dma_start3A_497 = arith.constant 0 : i32
      %dma_start3A_498 = tpu.memref_slice %arg9[%dma_start3A_496, %dma_start3A_497] : memref<1024x32xf32, #tpu.memory_space<vmem>> -> memref<128x32xf32, #tpu.memory_space<vmem>>
      %dma_start3A_499 = arith.constant 0 : i32
      %dma_start3A_500 = tpu.memref_slice %arg6[%add3A_495, %dma_start3A_499] : memref<160x128xi32, #tpu.memory_space<vmem>> -> memref<1x128xi32, #tpu.memory_space<vmem>>
      %dma_start3A_501 = tpu.memref_squeeze %dma_start3A_500 : memref<1x128xi32, #tpu.memory_space<vmem>> -> memref<128xi32, #tpu.memory_space<vmem>>
      %dma_start3A_502 = arith.constant 0 : i32
      %dma_start3A_503 = arith.constant 0 : i32
      %dma_start3A_504 = tpu.memref_slice %arg2[%arg0, %dma_start3A_502, %dma_start3A_503] : memref<2x10000x32xf32, #tpu.memory_space<hbm>> -> memref<1x10000x32xf32, #tpu.memory_space<hbm>>
      %dma_start3A_505 = tpu.memref_squeeze %dma_start3A_504 : memref<1x10000x32xf32, #tpu.memory_space<hbm>> -> memref<10000x32xf32, #tpu.memory_space<hbm>>
      %dma_start3A_506 = arith.constant 0 : i32
      %dma_start3A_507 = arith.constant 0 : i32
      %dma_start3A_508 = tpu.memref_slice %dma_start3A_505[%dma_start3A_506, %dma_start3A_507] : memref<10000x32xf32, #tpu.memory_space<hbm>> -> memref<10000x32xf32, #tpu.memory_space<hbm>>
      tpu.enqueue_indirect_dma source(%dma_start3A_508 : memref<10000x32xf32, #tpu.memory_space<hbm>>) target(%dma_start3A_498 : memref<128x32xf32, #tpu.memory_space<vmem>>) offsets(%dma_start3A_501 : memref<128xi32, #tpu.memory_space<vmem>>) semaphore(%arg12 : memref<!tpu.dma_semaphore, #tpu.memory_space<semaphore_mem>>)
      %add3A_509 = arith.constant 5 : i32
      %add3A_510 = arith.addi %add3A_223, %add3A_509 : i32
      %dma_start3A_511 = arith.constant 640 : i32
      %dma_start3A_512 = arith.constant 0 : i32
      %dma_start3A_513 = tpu.memref_slice %arg9[%dma_start3A_511, %dma_start3A_512] : memref<1024x32xf32, #tpu.memory_space<vmem>> -> memref<128x32xf32, #tpu.memory_space<vmem>>
      %dma_start3A_514 = arith.constant 0 : i32
      %dma_start3A_515 = tpu.memref_slice %arg6[%add3A_510, %dma_start3A_514] : memref<160x128xi32, #tpu.memory_space<vmem>> -> memref<1x128xi32, #tpu.memory_space<vmem>>
      %dma_start3A_516 = tpu.memref_squeeze %dma_start3A_515 : memref<1x128xi32, #tpu.memory_space<vmem>> -> memref<128xi32, #tpu.memory_space<vmem>>
      %dma_start3A_517 = arith.constant 0 : i32
      %dma_start3A_518 = arith.constant 0 : i32
      %dma_start3A_519 = tpu.memref_slice %arg2[%arg0, %dma_start3A_517, %dma_start3A_518] : memref<2x10000x32xf32, #tpu.memory_space<hbm>> -> memref<1x10000x32xf32, #tpu.memory_space<hbm>>
      %dma_start3A_520 = tpu.memref_squeeze %dma_start3A_519 : memref<1x10000x32xf32, #tpu.memory_space<hbm>> -> memref<10000x32xf32, #tpu.memory_space<hbm>>
      %dma_start3A_521 = arith.constant 0 : i32
      %dma_start3A_522 = arith.constant 0 : i32
      %dma_start3A_523 = tpu.memref_slice %dma_start3A_520[%dma_start3A_521, %dma_start3A_522] : memref<10000x32xf32, #tpu.memory_space<hbm>> -> memref<10000x32xf32, #tpu.memory_space<hbm>>
      tpu.enqueue_indirect_dma source(%dma_start3A_523 : memref<10000x32xf32, #tpu.memory_space<hbm>>) target(%dma_start3A_513 : memref<128x32xf32, #tpu.memory_space<vmem>>) offsets(%dma_start3A_516 : memref<128xi32, #tpu.memory_space<vmem>>) semaphore(%arg12 : memref<!tpu.dma_semaphore, #tpu.memory_space<semaphore_mem>>)
      %add3A_524 = arith.constant 6 : i32
      %add3A_525 = arith.addi %add3A_223, %add3A_524 : i32
      %dma_start3A_526 = arith.constant 768 : i32
      %dma_start3A_527 = arith.constant 0 : i32
      %dma_start3A_528 = tpu.memref_slice %arg9[%dma_start3A_526, %dma_start3A_527] : memref<1024x32xf32, #tpu.memory_space<vmem>> -> memref<128x32xf32, #tpu.memory_space<vmem>>
      %dma_start3A_529 = arith.constant 0 : i32
      %dma_start3A_530 = tpu.memref_slice %arg6[%add3A_525, %dma_start3A_529] : memref<160x128xi32, #tpu.memory_space<vmem>> -> memref<1x128xi32, #tpu.memory_space<vmem>>
      %dma_start3A_531 = tpu.memref_squeeze %dma_start3A_530 : memref<1x128xi32, #tpu.memory_space<vmem>> -> memref<128xi32, #tpu.memory_space<vmem>>
      %dma_start3A_532 = arith.constant 0 : i32
      %dma_start3A_533 = arith.constant 0 : i32
      %dma_start3A_534 = tpu.memref_slice %arg2[%arg0, %dma_start3A_532, %dma_start3A_533] : memref<2x10000x32xf32, #tpu.memory_space<hbm>> -> memref<1x10000x32xf32, #tpu.memory_space<hbm>>
      %dma_start3A_535 = tpu.memref_squeeze %dma_start3A_534 : memref<1x10000x32xf32, #tpu.memory_space<hbm>> -> memref<10000x32xf32, #tpu.memory_space<hbm>>
      %dma_start3A_536 = arith.constant 0 : i32
      %dma_start3A_537 = arith.constant 0 : i32
      %dma_start3A_538 = tpu.memref_slice %dma_start3A_535[%dma_start3A_536, %dma_start3A_537] : memref<10000x32xf32, #tpu.memory_space<hbm>> -> memref<10000x32xf32, #tpu.memory_space<hbm>>
      tpu.enqueue_indirect_dma source(%dma_start3A_538 : memref<10000x32xf32, #tpu.memory_space<hbm>>) target(%dma_start3A_528 : memref<128x32xf32, #tpu.memory_space<vmem>>) offsets(%dma_start3A_531 : memref<128xi32, #tpu.memory_space<vmem>>) semaphore(%arg12 : memref<!tpu.dma_semaphore, #tpu.memory_space<semaphore_mem>>)
      %add3A_539 = arith.constant 7 : i32
      %add3A_540 = arith.addi %add3A_223, %add3A_539 : i32
      %dma_start3A_541 = arith.constant 896 : i32
      %dma_start3A_542 = arith.constant 0 : i32
      %dma_start3A_543 = tpu.memref_slice %arg9[%dma_start3A_541, %dma_start3A_542] : memref<1024x32xf32, #tpu.memory_space<vmem>> -> memref<128x32xf32, #tpu.memory_space<vmem>>
      %dma_start3A_544 = arith.constant 0 : i32
      %dma_start3A_545 = tpu.memref_slice %arg6[%add3A_540, %dma_start3A_544] : memref<160x128xi32, #tpu.memory_space<vmem>> -> memref<1x128xi32, #tpu.memory_space<vmem>>
      %dma_start3A_546 = tpu.memref_squeeze %dma_start3A_545 : memref<1x128xi32, #tpu.memory_space<vmem>> -> memref<128xi32, #tpu.memory_space<vmem>>
      %dma_start3A_547 = arith.constant 0 : i32
      %dma_start3A_548 = arith.constant 0 : i32
      %dma_start3A_549 = tpu.memref_slice %arg2[%arg0, %dma_start3A_547, %dma_start3A_548] : memref<2x10000x32xf32, #tpu.memory_space<hbm>> -> memref<1x10000x32xf32, #tpu.memory_space<hbm>>
      %dma_start3A_550 = tpu.memref_squeeze %dma_start3A_549 : memref<1x10000x32xf32, #tpu.memory_space<hbm>> -> memref<10000x32xf32, #tpu.memory_space<hbm>>
      %dma_start3A_551 = arith.constant 0 : i32
      %dma_start3A_552 = arith.constant 0 : i32
      %dma_start3A_553 = tpu.memref_slice %dma_start3A_550[%dma_start3A_551, %dma_start3A_552] : memref<10000x32xf32, #tpu.memory_space<hbm>> -> memref<10000x32xf32, #tpu.memory_space<hbm>>
      tpu.enqueue_indirect_dma source(%dma_start3A_553 : memref<10000x32xf32, #tpu.memory_space<hbm>>) target(%dma_start3A_543 : memref<128x32xf32, #tpu.memory_space<vmem>>) offsets(%dma_start3A_546 : memref<128xi32, #tpu.memory_space<vmem>>) semaphore(%arg12 : memref<!tpu.dma_semaphore, #tpu.memory_space<semaphore_mem>>)
      %add3A_554 = arith.constant 0 : i32
      %add3A_555 = arith.addi %add3A_223, %add3A_554 : i32
      %dma_wait3A_556 = arith.constant 0 : i32
      %dma_wait3A_557 = arith.constant 0 : i32
      %dma_wait3A_558 = tpu.memref_slice %arg9[%dma_wait3A_556, %dma_wait3A_557] : memref<1024x32xf32, #tpu.memory_space<vmem>> -> memref<128x32xf32, #tpu.memory_space<vmem>>
      %dma_wait3A_559 = arith.constant 0 : i32
      %dma_wait3A_560 = tpu.memref_slice %arg6[%add3A_555, %dma_wait3A_559] : memref<160x128xi32, #tpu.memory_space<vmem>> -> memref<1x128xi32, #tpu.memory_space<vmem>>
      %dma_wait3A_561 = tpu.memref_squeeze %dma_wait3A_560 : memref<1x128xi32, #tpu.memory_space<vmem>> -> memref<128xi32, #tpu.memory_space<vmem>>
      %dma_wait3A_562 = arith.constant 0 : i32
      %dma_wait3A_563 = arith.constant 0 : i32
      %dma_wait3A_564 = tpu.memref_slice %arg2[%arg0, %dma_wait3A_562, %dma_wait3A_563] : memref<2x10000x32xf32, #tpu.memory_space<hbm>> -> memref<1x10000x32xf32, #tpu.memory_space<hbm>>
      %dma_wait3A_565 = tpu.memref_squeeze %dma_wait3A_564 : memref<1x10000x32xf32, #tpu.memory_space<hbm>> -> memref<10000x32xf32, #tpu.memory_space<hbm>>
      %dma_wait3A_566 = arith.constant 0 : i32
      %dma_wait3A_567 = arith.constant 0 : i32
      %dma_wait3A_568 = tpu.memref_slice %dma_wait3A_565[%dma_wait3A_566, %dma_wait3A_567] : memref<10000x32xf32, #tpu.memory_space<hbm>> -> memref<10000x32xf32, #tpu.memory_space<hbm>>
      tpu.wait_indirect_dma semaphore(%arg12 : memref<!tpu.dma_semaphore, #tpu.memory_space<semaphore_mem>>) src(%dma_wait3A_568 : memref<10000x32xf32, #tpu.memory_space<hbm>>) dst(%dma_wait3A_558 : memref<128x32xf32, #tpu.memory_space<vmem>>)
      %add3A_569 = arith.constant 1 : i32
      %add3A_570 = arith.addi %add3A_223, %add3A_569 : i32
      %dma_wait3A_571 = arith.constant 128 : i32
      %dma_wait3A_572 = arith.constant 0 : i32
      %dma_wait3A_573 = tpu.memref_slice %arg9[%dma_wait3A_571, %dma_wait3A_572] : memref<1024x32xf32, #tpu.memory_space<vmem>> -> memref<128x32xf32, #tpu.memory_space<vmem>>
      %dma_wait3A_574 = arith.constant 0 : i32
      %dma_wait3A_575 = tpu.memref_slice %arg6[%add3A_570, %dma_wait3A_574] : memref<160x128xi32, #tpu.memory_space<vmem>> -> memref<1x128xi32, #tpu.memory_space<vmem>>
      %dma_wait3A_576 = tpu.memref_squeeze %dma_wait3A_575 : memref<1x128xi32, #tpu.memory_space<vmem>> -> memref<128xi32, #tpu.memory_space<vmem>>
      %dma_wait3A_577 = arith.constant 0 : i32
      %dma_wait3A_578 = arith.constant 0 : i32
      %dma_wait3A_579 = tpu.memref_slice %arg2[%arg0, %dma_wait3A_577, %dma_wait3A_578] : memref<2x10000x32xf32, #tpu.memory_space<hbm>> -> memref<1x10000x32xf32, #tpu.memory_space<hbm>>
      %dma_wait3A_580 = tpu.memref_squeeze %dma_wait3A_579 : memref<1x10000x32xf32, #tpu.memory_space<hbm>> -> memref<10000x32xf32, #tpu.memory_space<hbm>>
      %dma_wait3A_581 = arith.constant 0 : i32
      %dma_wait3A_582 = arith.constant 0 : i32
      %dma_wait3A_583 = tpu.memref_slice %dma_wait3A_580[%dma_wait3A_581, %dma_wait3A_582] : memref<10000x32xf32, #tpu.memory_space<hbm>> -> memref<10000x32xf32, #tpu.memory_space<hbm>>
      tpu.wait_indirect_dma semaphore(%arg12 : memref<!tpu.dma_semaphore, #tpu.memory_space<semaphore_mem>>) src(%dma_wait3A_583 : memref<10000x32xf32, #tpu.memory_space<hbm>>) dst(%dma_wait3A_573 : memref<128x32xf32, #tpu.memory_space<vmem>>)
      %add3A_584 = arith.constant 2 : i32
      %add3A_585 = arith.addi %add3A_223, %add3A_584 : i32
      %dma_wait3A_586 = arith.constant 256 : i32
      %dma_wait3A_587 = arith.constant 0 : i32
      %dma_wait3A_588 = tpu.memref_slice %arg9[%dma_wait3A_586, %dma_wait3A_587] : memref<1024x32xf32, #tpu.memory_space<vmem>> -> memref<128x32xf32, #tpu.memory_space<vmem>>
      %dma_wait3A_589 = arith.constant 0 : i32
      %dma_wait3A_590 = tpu.memref_slice %arg6[%add3A_585, %dma_wait3A_589] : memref<160x128xi32, #tpu.memory_space<vmem>> -> memref<1x128xi32, #tpu.memory_space<vmem>>
      %dma_wait3A_591 = tpu.memref_squeeze %dma_wait3A_590 : memref<1x128xi32, #tpu.memory_space<vmem>> -> memref<128xi32, #tpu.memory_space<vmem>>
      %dma_wait3A_592 = arith.constant 0 : i32
      %dma_wait3A_593 = arith.constant 0 : i32
      %dma_wait3A_594 = tpu.memref_slice %arg2[%arg0, %dma_wait3A_592, %dma_wait3A_593] : memref<2x10000x32xf32, #tpu.memory_space<hbm>> -> memref<1x10000x32xf32, #tpu.memory_space<hbm>>
      %dma_wait3A_595 = tpu.memref_squeeze %dma_wait3A_594 : memref<1x10000x32xf32, #tpu.memory_space<hbm>> -> memref<10000x32xf32, #tpu.memory_space<hbm>>
      %dma_wait3A_596 = arith.constant 0 : i32
      %dma_wait3A_597 = arith.constant 0 : i32
      %dma_wait3A_598 = tpu.memref_slice %dma_wait3A_595[%dma_wait3A_596, %dma_wait3A_597] : memref<10000x32xf32, #tpu.memory_space<hbm>> -> memref<10000x32xf32, #tpu.memory_space<hbm>>
      tpu.wait_indirect_dma semaphore(%arg12 : memref<!tpu.dma_semaphore, #tpu.memory_space<semaphore_mem>>) src(%dma_wait3A_598 : memref<10000x32xf32, #tpu.memory_space<hbm>>) dst(%dma_wait3A_588 : memref<128x32xf32, #tpu.memory_space<vmem>>)
      %add3A_599 = arith.constant 3 : i32
      %add3A_600 = arith.addi %add3A_223, %add3A_599 : i32
      %dma_wait3A_601 = arith.constant 384 : i32
      %dma_wait3A_602 = arith.constant 0 : i32
      %dma_wait3A_603 = tpu.memref_slice %arg9[%dma_wait3A_601, %dma_wait3A_602] : memref<1024x32xf32, #tpu.memory_space<vmem>> -> memref<128x32xf32, #tpu.memory_space<vmem>>
      %dma_wait3A_604 = arith.constant 0 : i32
      %dma_wait3A_605 = tpu.memref_slice %arg6[%add3A_600, %dma_wait3A_604] : memref<160x128xi32, #tpu.memory_space<vmem>> -> memref<1x128xi32, #tpu.memory_space<vmem>>
      %dma_wait3A_606 = tpu.memref_squeeze %dma_wait3A_605 : memref<1x128xi32, #tpu.memory_space<vmem>> -> memref<128xi32, #tpu.memory_space<vmem>>
      %dma_wait3A_607 = arith.constant 0 : i32
      %dma_wait3A_608 = arith.constant 0 : i32
      %dma_wait3A_609 = tpu.memref_slice %arg2[%arg0, %dma_wait3A_607, %dma_wait3A_608] : memref<2x10000x32xf32, #tpu.memory_space<hbm>> -> memref<1x10000x32xf32, #tpu.memory_space<hbm>>
      %dma_wait3A_610 = tpu.memref_squeeze %dma_wait3A_609 : memref<1x10000x32xf32, #tpu.memory_space<hbm>> -> memref<10000x32xf32, #tpu.memory_space<hbm>>
      %dma_wait3A_611 = arith.constant 0 : i32
      %dma_wait3A_612 = arith.constant 0 : i32
      %dma_wait3A_613 = tpu.memref_slice %dma_wait3A_610[%dma_wait3A_611, %dma_wait3A_612] : memref<10000x32xf32, #tpu.memory_space<hbm>> -> memref<10000x32xf32, #tpu.memory_space<hbm>>
      tpu.wait_indirect_dma semaphore(%arg12 : memref<!tpu.dma_semaphore, #tpu.memory_space<semaphore_mem>>) src(%dma_wait3A_613 : memref<10000x32xf32, #tpu.memory_space<hbm>>) dst(%dma_wait3A_603 : memref<128x32xf32, #tpu.memory_space<vmem>>)
      %add3A_614 = arith.constant 4 : i32
      %add3A_615 = arith.addi %add3A_223, %add3A_614 : i32
      %dma_wait3A_616 = arith.constant 512 : i32
      %dma_wait3A_617 = arith.constant 0 : i32
      %dma_wait3A_618 = tpu.memref_slice %arg9[%dma_wait3A_616, %dma_wait3A_617] : memref<1024x32xf32, #tpu.memory_space<vmem>> -> memref<128x32xf32, #tpu.memory_space<vmem>>
      %dma_wait3A_619 = arith.constant 0 : i32
      %dma_wait3A_620 = tpu.memref_slice %arg6[%add3A_615, %dma_wait3A_619] : memref<160x128xi32, #tpu.memory_space<vmem>> -> memref<1x128xi32, #tpu.memory_space<vmem>>
      %dma_wait3A_621 = tpu.memref_squeeze %dma_wait3A_620 : memref<1x128xi32, #tpu.memory_space<vmem>> -> memref<128xi32, #tpu.memory_space<vmem>>
      %dma_wait3A_622 = arith.constant 0 : i32
      %dma_wait3A_623 = arith.constant 0 : i32
      %dma_wait3A_624 = tpu.memref_slice %arg2[%arg0, %dma_wait3A_622, %dma_wait3A_623] : memref<2x10000x32xf32, #tpu.memory_space<hbm>> -> memref<1x10000x32xf32, #tpu.memory_space<hbm>>
      %dma_wait3A_625 = tpu.memref_squeeze %dma_wait3A_624 : memref<1x10000x32xf32, #tpu.memory_space<hbm>> -> memref<10000x32xf32, #tpu.memory_space<hbm>>
      %dma_wait3A_626 = arith.constant 0 : i32
      %dma_wait3A_627 = arith.constant 0 : i32
      %dma_wait3A_628 = tpu.memref_slice %dma_wait3A_625[%dma_wait3A_626, %dma_wait3A_627] : memref<10000x32xf32, #tpu.memory_space<hbm>> -> memref<10000x32xf32, #tpu.memory_space<hbm>>
      tpu.wait_indirect_dma semaphore(%arg12 : memref<!tpu.dma_semaphore, #tpu.memory_space<semaphore_mem>>) src(%dma_wait3A_628 : memref<10000x32xf32, #tpu.memory_space<hbm>>) dst(%dma_wait3A_618 : memref<128x32xf32, #tpu.memory_space<vmem>>)
      %add3A_629 = arith.constant 5 : i32
      %add3A_630 = arith.addi %add3A_223, %add3A_629 : i32
      %dma_wait3A_631 = arith.constant 640 : i32
      %dma_wait3A_632 = arith.constant 0 : i32
      %dma_wait3A_633 = tpu.memref_slice %arg9[%dma_wait3A_631, %dma_wait3A_632] : memref<1024x32xf32, #tpu.memory_space<vmem>> -> memref<128x32xf32, #tpu.memory_space<vmem>>
      %dma_wait3A_634 = arith.constant 0 : i32
      %dma_wait3A_635 = tpu.memref_slice %arg6[%add3A_630, %dma_wait3A_634] : memref<160x128xi32, #tpu.memory_space<vmem>> -> memref<1x128xi32, #tpu.memory_space<vmem>>
      %dma_wait3A_636 = tpu.memref_squeeze %dma_wait3A_635 : memref<1x128xi32, #tpu.memory_space<vmem>> -> memref<128xi32, #tpu.memory_space<vmem>>
      %dma_wait3A_637 = arith.constant 0 : i32
      %dma_wait3A_638 = arith.constant 0 : i32
      %dma_wait3A_639 = tpu.memref_slice %arg2[%arg0, %dma_wait3A_637, %dma_wait3A_638] : memref<2x10000x32xf32, #tpu.memory_space<hbm>> -> memref<1x10000x32xf32, #tpu.memory_space<hbm>>
      %dma_wait3A_640 = tpu.memref_squeeze %dma_wait3A_639 : memref<1x10000x32xf32, #tpu.memory_space<hbm>> -> memref<10000x32xf32, #tpu.memory_space<hbm>>
      %dma_wait3A_641 = arith.constant 0 : i32
      %dma_wait3A_642 = arith.constant 0 : i32
      %dma_wait3A_643 = tpu.memref_slice %dma_wait3A_640[%dma_wait3A_641, %dma_wait3A_642] : memref<10000x32xf32, #tpu.memory_space<hbm>> -> memref<10000x32xf32, #tpu.memory_space<hbm>>
      tpu.wait_indirect_dma semaphore(%arg12 : memref<!tpu.dma_semaphore, #tpu.memory_space<semaphore_mem>>) src(%dma_wait3A_643 : memref<10000x32xf32, #tpu.memory_space<hbm>>) dst(%dma_wait3A_633 : memref<128x32xf32, #tpu.memory_space<vmem>>)
      %add3A_644 = arith.constant 6 : i32
      %add3A_645 = arith.addi %add3A_223, %add3A_644 : i32
      %dma_wait3A_646 = arith.constant 768 : i32
      %dma_wait3A_647 = arith.constant 0 : i32
      %dma_wait3A_648 = tpu.memref_slice %arg9[%dma_wait3A_646, %dma_wait3A_647] : memref<1024x32xf32, #tpu.memory_space<vmem>> -> memref<128x32xf32, #tpu.memory_space<vmem>>
      %dma_wait3A_649 = arith.constant 0 : i32
      %dma_wait3A_650 = tpu.memref_slice %arg6[%add3A_645, %dma_wait3A_649] : memref<160x128xi32, #tpu.memory_space<vmem>> -> memref<1x128xi32, #tpu.memory_space<vmem>>
      %dma_wait3A_651 = tpu.memref_squeeze %dma_wait3A_650 : memref<1x128xi32, #tpu.memory_space<vmem>> -> memref<128xi32, #tpu.memory_space<vmem>>
      %dma_wait3A_652 = arith.constant 0 : i32
      %dma_wait3A_653 = arith.constant 0 : i32
      %dma_wait3A_654 = tpu.memref_slice %arg2[%arg0, %dma_wait3A_652, %dma_wait3A_653] : memref<2x10000x32xf32, #tpu.memory_space<hbm>> -> memref<1x10000x32xf32, #tpu.memory_space<hbm>>
      %dma_wait3A_655 = tpu.memref_squeeze %dma_wait3A_654 : memref<1x10000x32xf32, #tpu.memory_space<hbm>> -> memref<10000x32xf32, #tpu.memory_space<hbm>>
      %dma_wait3A_656 = arith.constant 0 : i32
      %dma_wait3A_657 = arith.constant 0 : i32
      %dma_wait3A_658 = tpu.memref_slice %dma_wait3A_655[%dma_wait3A_656, %dma_wait3A_657] : memref<10000x32xf32, #tpu.memory_space<hbm>> -> memref<10000x32xf32, #tpu.memory_space<hbm>>
      tpu.wait_indirect_dma semaphore(%arg12 : memref<!tpu.dma_semaphore, #tpu.memory_space<semaphore_mem>>) src(%dma_wait3A_658 : memref<10000x32xf32, #tpu.memory_space<hbm>>) dst(%dma_wait3A_648 : memref<128x32xf32, #tpu.memory_space<vmem>>)
      %add3A_659 = arith.constant 7 : i32
      %add3A_660 = arith.addi %add3A_223, %add3A_659 : i32
      %dma_wait3A_661 = arith.constant 896 : i32
      %dma_wait3A_662 = arith.constant 0 : i32
      %dma_wait3A_663 = tpu.memref_slice %arg9[%dma_wait3A_661, %dma_wait3A_662] : memref<1024x32xf32, #tpu.memory_space<vmem>> -> memref<128x32xf32, #tpu.memory_space<vmem>>
      %dma_wait3A_664 = arith.constant 0 : i32
      %dma_wait3A_665 = tpu.memref_slice %arg6[%add3A_660, %dma_wait3A_664] : memref<160x128xi32, #tpu.memory_space<vmem>> -> memref<1x128xi32, #tpu.memory_space<vmem>>
      %dma_wait3A_666 = tpu.memref_squeeze %dma_wait3A_665 : memref<1x128xi32, #tpu.memory_space<vmem>> -> memref<128xi32, #tpu.memory_space<vmem>>
      %dma_wait3A_667 = arith.constant 0 : i32
      %dma_wait3A_668 = arith.constant 0 : i32
      %dma_wait3A_669 = tpu.memref_slice %arg2[%arg0, %dma_wait3A_667, %dma_wait3A_668] : memref<2x10000x32xf32, #tpu.memory_space<hbm>> -> memref<1x10000x32xf32, #tpu.memory_space<hbm>>
      %dma_wait3A_670 = tpu.memref_squeeze %dma_wait3A_669 : memref<1x10000x32xf32, #tpu.memory_space<hbm>> -> memref<10000x32xf32, #tpu.memory_space<hbm>>
      %dma_wait3A_671 = arith.constant 0 : i32
      %dma_wait3A_672 = arith.constant 0 : i32
      %dma_wait3A_673 = tpu.memref_slice %dma_wait3A_670[%dma_wait3A_671, %dma_wait3A_672] : memref<10000x32xf32, #tpu.memory_space<hbm>> -> memref<10000x32xf32, #tpu.memory_space<hbm>>
      tpu.wait_indirect_dma semaphore(%arg12 : memref<!tpu.dma_semaphore, #tpu.memory_space<semaphore_mem>>) src(%dma_wait3A_673 : memref<10000x32xf32, #tpu.memory_space<hbm>>) dst(%dma_wait3A_663 : memref<128x32xf32, #tpu.memory_space<vmem>>)
      %add3A_674 = arith.constant 0 : i32
      %add3A_675 = arith.addi %add3A_223, %add3A_674 : i32
      %dma_start3A_676 = arith.constant 0 : i32
      %dma_start3A_677 = arith.constant 0 : i32
      %dma_start3A_678 = tpu.memref_slice %arg9[%dma_start3A_676, %dma_start3A_677] : memref<1024x32xf32, #tpu.memory_space<vmem>> -> memref<128x32xf32, #tpu.memory_space<vmem>>
      %dma_start3A_679 = arith.constant 0 : i32
      %dma_start3A_680 = tpu.memref_slice %arg7[%add3A_675, %dma_start3A_679] : memref<160x128xi32, #tpu.memory_space<vmem>> -> memref<1x128xi32, #tpu.memory_space<vmem>>
      %dma_start3A_681 = tpu.memref_squeeze %dma_start3A_680 : memref<1x128xi32, #tpu.memory_space<vmem>> -> memref<128xi32, #tpu.memory_space<vmem>>
      %dma_start3A_682 = arith.constant 0 : i32
      %dma_start3A_683 = arith.constant 0 : i32
      %dma_start3A_684 = tpu.memref_slice %arg10[%dma_start3A_682, %dma_start3A_683] : memref<10240x32xf32, #tpu.memory_space<vmem_shared>> -> memref<10240x32xf32, #tpu.memory_space<vmem_shared>>
      tpu.enqueue_indirect_dma source(%dma_start3A_678 : memref<128x32xf32, #tpu.memory_space<vmem>>) target(%dma_start3A_684 : memref<10240x32xf32, #tpu.memory_space<vmem_shared>>) offsets(%dma_start3A_681 : memref<128xi32, #tpu.memory_space<vmem>>) semaphore(%arg14 : memref<!tpu.dma_semaphore, #tpu.memory_space<semaphore_mem>>) {add = true}
      %add3A_685 = arith.constant 1 : i32
      %add3A_686 = arith.addi %add3A_223, %add3A_685 : i32
      %dma_start3A_687 = arith.constant 128 : i32
      %dma_start3A_688 = arith.constant 0 : i32
      %dma_start3A_689 = tpu.memref_slice %arg9[%dma_start3A_687, %dma_start3A_688] : memref<1024x32xf32, #tpu.memory_space<vmem>> -> memref<128x32xf32, #tpu.memory_space<vmem>>
      %dma_start3A_690 = arith.constant 0 : i32
      %dma_start3A_691 = tpu.memref_slice %arg7[%add3A_686, %dma_start3A_690] : memref<160x128xi32, #tpu.memory_space<vmem>> -> memref<1x128xi32, #tpu.memory_space<vmem>>
      %dma_start3A_692 = tpu.memref_squeeze %dma_start3A_691 : memref<1x128xi32, #tpu.memory_space<vmem>> -> memref<128xi32, #tpu.memory_space<vmem>>
      %dma_start3A_693 = arith.constant 0 : i32
      %dma_start3A_694 = arith.constant 0 : i32
      %dma_start3A_695 = tpu.memref_slice %arg10[%dma_start3A_693, %dma_start3A_694] : memref<10240x32xf32, #tpu.memory_space<vmem_shared>> -> memref<10240x32xf32, #tpu.memory_space<vmem_shared>>
      tpu.enqueue_indirect_dma source(%dma_start3A_689 : memref<128x32xf32, #tpu.memory_space<vmem>>) target(%dma_start3A_695 : memref<10240x32xf32, #tpu.memory_space<vmem_shared>>) offsets(%dma_start3A_692 : memref<128xi32, #tpu.memory_space<vmem>>) semaphore(%arg14 : memref<!tpu.dma_semaphore, #tpu.memory_space<semaphore_mem>>) {add = true}
      %add3A_696 = arith.constant 2 : i32
      %add3A_697 = arith.addi %add3A_223, %add3A_696 : i32
      %dma_start3A_698 = arith.constant 256 : i32
      %dma_start3A_699 = arith.constant 0 : i32
      %dma_start3A_700 = tpu.memref_slice %arg9[%dma_start3A_698, %dma_start3A_699] : memref<1024x32xf32, #tpu.memory_space<vmem>> -> memref<128x32xf32, #tpu.memory_space<vmem>>
      %dma_start3A_701 = arith.constant 0 : i32
      %dma_start3A_702 = tpu.memref_slice %arg7[%add3A_697, %dma_start3A_701] : memref<160x128xi32, #tpu.memory_space<vmem>> -> memref<1x128xi32, #tpu.memory_space<vmem>>
      %dma_start3A_703 = tpu.memref_squeeze %dma_start3A_702 : memref<1x128xi32, #tpu.memory_space<vmem>> -> memref<128xi32, #tpu.memory_space<vmem>>
      %dma_start3A_704 = arith.constant 0 : i32
      %dma_start3A_705 = arith.constant 0 : i32
      %dma_start3A_706 = tpu.memref_slice %arg10[%dma_start3A_704, %dma_start3A_705] : memref<10240x32xf32, #tpu.memory_space<vmem_shared>> -> memref<10240x32xf32, #tpu.memory_space<vmem_shared>>
      tpu.enqueue_indirect_dma source(%dma_start3A_700 : memref<128x32xf32, #tpu.memory_space<vmem>>) target(%dma_start3A_706 : memref<10240x32xf32, #tpu.memory_space<vmem_shared>>) offsets(%dma_start3A_703 : memref<128xi32, #tpu.memory_space<vmem>>) semaphore(%arg14 : memref<!tpu.dma_semaphore, #tpu.memory_space<semaphore_mem>>) {add = true}
      %add3A_707 = arith.constant 3 : i32
      %add3A_708 = arith.addi %add3A_223, %add3A_707 : i32
      %dma_start3A_709 = arith.constant 384 : i32
      %dma_start3A_710 = arith.constant 0 : i32
      %dma_start3A_711 = tpu.memref_slice %arg9[%dma_start3A_709, %dma_start3A_710] : memref<1024x32xf32, #tpu.memory_space<vmem>> -> memref<128x32xf32, #tpu.memory_space<vmem>>
      %dma_start3A_712 = arith.constant 0 : i32
      %dma_start3A_713 = tpu.memref_slice %arg7[%add3A_708, %dma_start3A_712] : memref<160x128xi32, #tpu.memory_space<vmem>> -> memref<1x128xi32, #tpu.memory_space<vmem>>
      %dma_start3A_714 = tpu.memref_squeeze %dma_start3A_713 : memref<1x128xi32, #tpu.memory_space<vmem>> -> memref<128xi32, #tpu.memory_space<vmem>>
      %dma_start3A_715 = arith.constant 0 : i32
      %dma_start3A_716 = arith.constant 0 : i32
      %dma_start3A_717 = tpu.memref_slice %arg10[%dma_start3A_715, %dma_start3A_716] : memref<10240x32xf32, #tpu.memory_space<vmem_shared>> -> memref<10240x32xf32, #tpu.memory_space<vmem_shared>>
      tpu.enqueue_indirect_dma source(%dma_start3A_711 : memref<128x32xf32, #tpu.memory_space<vmem>>) target(%dma_start3A_717 : memref<10240x32xf32, #tpu.memory_space<vmem_shared>>) offsets(%dma_start3A_714 : memref<128xi32, #tpu.memory_space<vmem>>) semaphore(%arg14 : memref<!tpu.dma_semaphore, #tpu.memory_space<semaphore_mem>>) {add = true}
      %add3A_718 = arith.constant 4 : i32
      %add3A_719 = arith.addi %add3A_223, %add3A_718 : i32
      %dma_start3A_720 = arith.constant 512 : i32
      %dma_start3A_721 = arith.constant 0 : i32
      %dma_start3A_722 = tpu.memref_slice %arg9[%dma_start3A_720, %dma_start3A_721] : memref<1024x32xf32, #tpu.memory_space<vmem>> -> memref<128x32xf32, #tpu.memory_space<vmem>>
      %dma_start3A_723 = arith.constant 0 : i32
      %dma_start3A_724 = tpu.memref_slice %arg7[%add3A_719, %dma_start3A_723] : memref<160x128xi32, #tpu.memory_space<vmem>> -> memref<1x128xi32, #tpu.memory_space<vmem>>
      %dma_start3A_725 = tpu.memref_squeeze %dma_start3A_724 : memref<1x128xi32, #tpu.memory_space<vmem>> -> memref<128xi32, #tpu.memory_space<vmem>>
      %dma_start3A_726 = arith.constant 0 : i32
      %dma_start3A_727 = arith.constant 0 : i32
      %dma_start3A_728 = tpu.memref_slice %arg10[%dma_start3A_726, %dma_start3A_727] : memref<10240x32xf32, #tpu.memory_space<vmem_shared>> -> memref<10240x32xf32, #tpu.memory_space<vmem_shared>>
      tpu.enqueue_indirect_dma source(%dma_start3A_722 : memref<128x32xf32, #tpu.memory_space<vmem>>) target(%dma_start3A_728 : memref<10240x32xf32, #tpu.memory_space<vmem_shared>>) offsets(%dma_start3A_725 : memref<128xi32, #tpu.memory_space<vmem>>) semaphore(%arg14 : memref<!tpu.dma_semaphore, #tpu.memory_space<semaphore_mem>>) {add = true}
      %add3A_729 = arith.constant 5 : i32
      %add3A_730 = arith.addi %add3A_223, %add3A_729 : i32
      %dma_start3A_731 = arith.constant 640 : i32
      %dma_start3A_732 = arith.constant 0 : i32
      %dma_start3A_733 = tpu.memref_slice %arg9[%dma_start3A_731, %dma_start3A_732] : memref<1024x32xf32, #tpu.memory_space<vmem>> -> memref<128x32xf32, #tpu.memory_space<vmem>>
      %dma_start3A_734 = arith.constant 0 : i32
      %dma_start3A_735 = tpu.memref_slice %arg7[%add3A_730, %dma_start3A_734] : memref<160x128xi32, #tpu.memory_space<vmem>> -> memref<1x128xi32, #tpu.memory_space<vmem>>
      %dma_start3A_736 = tpu.memref_squeeze %dma_start3A_735 : memref<1x128xi32, #tpu.memory_space<vmem>> -> memref<128xi32, #tpu.memory_space<vmem>>
      %dma_start3A_737 = arith.constant 0 : i32
      %dma_start3A_738 = arith.constant 0 : i32
      %dma_start3A_739 = tpu.memref_slice %arg10[%dma_start3A_737, %dma_start3A_738] : memref<10240x32xf32, #tpu.memory_space<vmem_shared>> -> memref<10240x32xf32, #tpu.memory_space<vmem_shared>>
      tpu.enqueue_indirect_dma source(%dma_start3A_733 : memref<128x32xf32, #tpu.memory_space<vmem>>) target(%dma_start3A_739 : memref<10240x32xf32, #tpu.memory_space<vmem_shared>>) offsets(%dma_start3A_736 : memref<128xi32, #tpu.memory_space<vmem>>) semaphore(%arg14 : memref<!tpu.dma_semaphore, #tpu.memory_space<semaphore_mem>>) {add = true}
      %add3A_740 = arith.constant 6 : i32
      %add3A_741 = arith.addi %add3A_223, %add3A_740 : i32
      %dma_start3A_742 = arith.constant 768 : i32
      %dma_start3A_743 = arith.constant 0 : i32
      %dma_start3A_744 = tpu.memref_slice %arg9[%dma_start3A_742, %dma_start3A_743] : memref<1024x32xf32, #tpu.memory_space<vmem>> -> memref<128x32xf32, #tpu.memory_space<vmem>>
      %dma_start3A_745 = arith.constant 0 : i32
      %dma_start3A_746 = tpu.memref_slice %arg7[%add3A_741, %dma_start3A_745] : memref<160x128xi32, #tpu.memory_space<vmem>> -> memref<1x128xi32, #tpu.memory_space<vmem>>
      %dma_start3A_747 = tpu.memref_squeeze %dma_start3A_746 : memref<1x128xi32, #tpu.memory_space<vmem>> -> memref<128xi32, #tpu.memory_space<vmem>>
      %dma_start3A_748 = arith.constant 0 : i32
      %dma_start3A_749 = arith.constant 0 : i32
      %dma_start3A_750 = tpu.memref_slice %arg10[%dma_start3A_748, %dma_start3A_749] : memref<10240x32xf32, #tpu.memory_space<vmem_shared>> -> memref<10240x32xf32, #tpu.memory_space<vmem_shared>>
      tpu.enqueue_indirect_dma source(%dma_start3A_744 : memref<128x32xf32, #tpu.memory_space<vmem>>) target(%dma_start3A_750 : memref<10240x32xf32, #tpu.memory_space<vmem_shared>>) offsets(%dma_start3A_747 : memref<128xi32, #tpu.memory_space<vmem>>) semaphore(%arg14 : memref<!tpu.dma_semaphore, #tpu.memory_space<semaphore_mem>>) {add = true}
      %add3A_751 = arith.constant 7 : i32
      %add3A_752 = arith.addi %add3A_223, %add3A_751 : i32
      %dma_start3A_753 = arith.constant 896 : i32
      %dma_start3A_754 = arith.constant 0 : i32
      %dma_start3A_755 = tpu.memref_slice %arg9[%dma_start3A_753, %dma_start3A_754] : memref<1024x32xf32, #tpu.memory_space<vmem>> -> memref<128x32xf32, #tpu.memory_space<vmem>>
      %dma_start3A_756 = arith.constant 0 : i32
      %dma_start3A_757 = tpu.memref_slice %arg7[%add3A_752, %dma_start3A_756] : memref<160x128xi32, #tpu.memory_space<vmem>> -> memref<1x128xi32, #tpu.memory_space<vmem>>
      %dma_start3A_758 = tpu.memref_squeeze %dma_start3A_757 : memref<1x128xi32, #tpu.memory_space<vmem>> -> memref<128xi32, #tpu.memory_space<vmem>>
      %dma_start3A_759 = arith.constant 0 : i32
      %dma_start3A_760 = arith.constant 0 : i32
      %dma_start3A_761 = tpu.memref_slice %arg10[%dma_start3A_759, %dma_start3A_760] : memref<10240x32xf32, #tpu.memory_space<vmem_shared>> -> memref<10240x32xf32, #tpu.memory_space<vmem_shared>>
      tpu.enqueue_indirect_dma source(%dma_start3A_755 : memref<128x32xf32, #tpu.memory_space<vmem>>) target(%dma_start3A_761 : memref<10240x32xf32, #tpu.memory_space<vmem_shared>>) offsets(%dma_start3A_758 : memref<128xi32, #tpu.memory_space<vmem>>) semaphore(%arg14 : memref<!tpu.dma_semaphore, #tpu.memory_space<semaphore_mem>>) {add = true}
      %add3A_762 = arith.constant 0 : i32
      %add3A_763 = arith.addi %mul3A_221, %add3A_762 : i32
      %dma_wait3A_764 = arith.constant 0 : i32
      %dma_wait3A_765 = arith.constant 0 : i32
      %dma_wait3A_766 = tpu.memref_slice %arg8[%dma_wait3A_764, %dma_wait3A_765] : memref<1024x32xf32, #tpu.memory_space<vmem>> -> memref<128x32xf32, #tpu.memory_space<vmem>>
      %dma_wait3A_767 = arith.constant 0 : i32
      %dma_wait3A_768 = tpu.memref_slice %arg7[%add3A_763, %dma_wait3A_767] : memref<160x128xi32, #tpu.memory_space<vmem>> -> memref<1x128xi32, #tpu.memory_space<vmem>>
      %dma_wait3A_769 = tpu.memref_squeeze %dma_wait3A_768 : memref<1x128xi32, #tpu.memory_space<vmem>> -> memref<128xi32, #tpu.memory_space<vmem>>
      %dma_wait3A_770 = arith.constant 0 : i32
      %dma_wait3A_771 = arith.constant 0 : i32
      %dma_wait3A_772 = tpu.memref_slice %arg10[%dma_wait3A_770, %dma_wait3A_771] : memref<10240x32xf32, #tpu.memory_space<vmem_shared>> -> memref<10240x32xf32, #tpu.memory_space<vmem_shared>>
      tpu.wait_indirect_dma semaphore(%arg13 : memref<!tpu.dma_semaphore, #tpu.memory_space<semaphore_mem>>) src(%dma_wait3A_766 : memref<128x32xf32, #tpu.memory_space<vmem>>) dst(%dma_wait3A_772 : memref<10240x32xf32, #tpu.memory_space<vmem_shared>>)
      %add3A_773 = arith.constant 1 : i32
      %add3A_774 = arith.addi %mul3A_221, %add3A_773 : i32
      %dma_wait3A_775 = arith.constant 128 : i32
      %dma_wait3A_776 = arith.constant 0 : i32
      %dma_wait3A_777 = tpu.memref_slice %arg8[%dma_wait3A_775, %dma_wait3A_776] : memref<1024x32xf32, #tpu.memory_space<vmem>> -> memref<128x32xf32, #tpu.memory_space<vmem>>
      %dma_wait3A_778 = arith.constant 0 : i32
      %dma_wait3A_779 = tpu.memref_slice %arg7[%add3A_774, %dma_wait3A_778] : memref<160x128xi32, #tpu.memory_space<vmem>> -> memref<1x128xi32, #tpu.memory_space<vmem>>
      %dma_wait3A_780 = tpu.memref_squeeze %dma_wait3A_779 : memref<1x128xi32, #tpu.memory_space<vmem>> -> memref<128xi32, #tpu.memory_space<vmem>>
      %dma_wait3A_781 = arith.constant 0 : i32
      %dma_wait3A_782 = arith.constant 0 : i32
      %dma_wait3A_783 = tpu.memref_slice %arg10[%dma_wait3A_781, %dma_wait3A_782] : memref<10240x32xf32, #tpu.memory_space<vmem_shared>> -> memref<10240x32xf32, #tpu.memory_space<vmem_shared>>
      tpu.wait_indirect_dma semaphore(%arg13 : memref<!tpu.dma_semaphore, #tpu.memory_space<semaphore_mem>>) src(%dma_wait3A_777 : memref<128x32xf32, #tpu.memory_space<vmem>>) dst(%dma_wait3A_783 : memref<10240x32xf32, #tpu.memory_space<vmem_shared>>)
      %add3A_784 = arith.constant 2 : i32
      %add3A_785 = arith.addi %mul3A_221, %add3A_784 : i32
      %dma_wait3A_786 = arith.constant 256 : i32
      %dma_wait3A_787 = arith.constant 0 : i32
      %dma_wait3A_788 = tpu.memref_slice %arg8[%dma_wait3A_786, %dma_wait3A_787] : memref<1024x32xf32, #tpu.memory_space<vmem>> -> memref<128x32xf32, #tpu.memory_space<vmem>>
      %dma_wait3A_789 = arith.constant 0 : i32
      %dma_wait3A_790 = tpu.memref_slice %arg7[%add3A_785, %dma_wait3A_789] : memref<160x128xi32, #tpu.memory_space<vmem>> -> memref<1x128xi32, #tpu.memory_space<vmem>>
      %dma_wait3A_791 = tpu.memref_squeeze %dma_wait3A_790 : memref<1x128xi32, #tpu.memory_space<vmem>> -> memref<128xi32, #tpu.memory_space<vmem>>
      %dma_wait3A_792 = arith.constant 0 : i32
      %dma_wait3A_793 = arith.constant 0 : i32
      %dma_wait3A_794 = tpu.memref_slice %arg10[%dma_wait3A_792, %dma_wait3A_793] : memref<10240x32xf32, #tpu.memory_space<vmem_shared>> -> memref<10240x32xf32, #tpu.memory_space<vmem_shared>>
      tpu.wait_indirect_dma semaphore(%arg13 : memref<!tpu.dma_semaphore, #tpu.memory_space<semaphore_mem>>) src(%dma_wait3A_788 : memref<128x32xf32, #tpu.memory_space<vmem>>) dst(%dma_wait3A_794 : memref<10240x32xf32, #tpu.memory_space<vmem_shared>>)
      %add3A_795 = arith.constant 3 : i32
      %add3A_796 = arith.addi %mul3A_221, %add3A_795 : i32
      %dma_wait3A_797 = arith.constant 384 : i32
      %dma_wait3A_798 = arith.constant 0 : i32
      %dma_wait3A_799 = tpu.memref_slice %arg8[%dma_wait3A_797, %dma_wait3A_798] : memref<1024x32xf32, #tpu.memory_space<vmem>> -> memref<128x32xf32, #tpu.memory_space<vmem>>
      %dma_wait3A_800 = arith.constant 0 : i32
      %dma_wait3A_801 = tpu.memref_slice %arg7[%add3A_796, %dma_wait3A_800] : memref<160x128xi32, #tpu.memory_space<vmem>> -> memref<1x128xi32, #tpu.memory_space<vmem>>
      %dma_wait3A_802 = tpu.memref_squeeze %dma_wait3A_801 : memref<1x128xi32, #tpu.memory_space<vmem>> -> memref<128xi32, #tpu.memory_space<vmem>>
      %dma_wait3A_803 = arith.constant 0 : i32
      %dma_wait3A_804 = arith.constant 0 : i32
      %dma_wait3A_805 = tpu.memref_slice %arg10[%dma_wait3A_803, %dma_wait3A_804] : memref<10240x32xf32, #tpu.memory_space<vmem_shared>> -> memref<10240x32xf32, #tpu.memory_space<vmem_shared>>
      tpu.wait_indirect_dma semaphore(%arg13 : memref<!tpu.dma_semaphore, #tpu.memory_space<semaphore_mem>>) src(%dma_wait3A_799 : memref<128x32xf32, #tpu.memory_space<vmem>>) dst(%dma_wait3A_805 : memref<10240x32xf32, #tpu.memory_space<vmem_shared>>)
      %add3A_806 = arith.constant 4 : i32
      %add3A_807 = arith.addi %mul3A_221, %add3A_806 : i32
      %dma_wait3A_808 = arith.constant 512 : i32
      %dma_wait3A_809 = arith.constant 0 : i32
      %dma_wait3A_810 = tpu.memref_slice %arg8[%dma_wait3A_808, %dma_wait3A_809] : memref<1024x32xf32, #tpu.memory_space<vmem>> -> memref<128x32xf32, #tpu.memory_space<vmem>>
      %dma_wait3A_811 = arith.constant 0 : i32
      %dma_wait3A_812 = tpu.memref_slice %arg7[%add3A_807, %dma_wait3A_811] : memref<160x128xi32, #tpu.memory_space<vmem>> -> memref<1x128xi32, #tpu.memory_space<vmem>>
      %dma_wait3A_813 = tpu.memref_squeeze %dma_wait3A_812 : memref<1x128xi32, #tpu.memory_space<vmem>> -> memref<128xi32, #tpu.memory_space<vmem>>
      %dma_wait3A_814 = arith.constant 0 : i32
      %dma_wait3A_815 = arith.constant 0 : i32
      %dma_wait3A_816 = tpu.memref_slice %arg10[%dma_wait3A_814, %dma_wait3A_815] : memref<10240x32xf32, #tpu.memory_space<vmem_shared>> -> memref<10240x32xf32, #tpu.memory_space<vmem_shared>>
      tpu.wait_indirect_dma semaphore(%arg13 : memref<!tpu.dma_semaphore, #tpu.memory_space<semaphore_mem>>) src(%dma_wait3A_810 : memref<128x32xf32, #tpu.memory_space<vmem>>) dst(%dma_wait3A_816 : memref<10240x32xf32, #tpu.memory_space<vmem_shared>>)
      %add3A_817 = arith.constant 5 : i32
      %add3A_818 = arith.addi %mul3A_221, %add3A_817 : i32
      %dma_wait3A_819 = arith.constant 640 : i32
      %dma_wait3A_820 = arith.constant 0 : i32
      %dma_wait3A_821 = tpu.memref_slice %arg8[%dma_wait3A_819, %dma_wait3A_820] : memref<1024x32xf32, #tpu.memory_space<vmem>> -> memref<128x32xf32, #tpu.memory_space<vmem>>
      %dma_wait3A_822 = arith.constant 0 : i32
      %dma_wait3A_823 = tpu.memref_slice %arg7[%add3A_818, %dma_wait3A_822] : memref<160x128xi32, #tpu.memory_space<vmem>> -> memref<1x128xi32, #tpu.memory_space<vmem>>
      %dma_wait3A_824 = tpu.memref_squeeze %dma_wait3A_823 : memref<1x128xi32, #tpu.memory_space<vmem>> -> memref<128xi32, #tpu.memory_space<vmem>>
      %dma_wait3A_825 = arith.constant 0 : i32
      %dma_wait3A_826 = arith.constant 0 : i32
      %dma_wait3A_827 = tpu.memref_slice %arg10[%dma_wait3A_825, %dma_wait3A_826] : memref<10240x32xf32, #tpu.memory_space<vmem_shared>> -> memref<10240x32xf32, #tpu.memory_space<vmem_shared>>
      tpu.wait_indirect_dma semaphore(%arg13 : memref<!tpu.dma_semaphore, #tpu.memory_space<semaphore_mem>>) src(%dma_wait3A_821 : memref<128x32xf32, #tpu.memory_space<vmem>>) dst(%dma_wait3A_827 : memref<10240x32xf32, #tpu.memory_space<vmem_shared>>)
      %add3A_828 = arith.constant 6 : i32
      %add3A_829 = arith.addi %mul3A_221, %add3A_828 : i32
      %dma_wait3A_830 = arith.constant 768 : i32
      %dma_wait3A_831 = arith.constant 0 : i32
      %dma_wait3A_832 = tpu.memref_slice %arg8[%dma_wait3A_830, %dma_wait3A_831] : memref<1024x32xf32, #tpu.memory_space<vmem>> -> memref<128x32xf32, #tpu.memory_space<vmem>>
      %dma_wait3A_833 = arith.constant 0 : i32
      %dma_wait3A_834 = tpu.memref_slice %arg7[%add3A_829, %dma_wait3A_833] : memref<160x128xi32, #tpu.memory_space<vmem>> -> memref<1x128xi32, #tpu.memory_space<vmem>>
      %dma_wait3A_835 = tpu.memref_squeeze %dma_wait3A_834 : memref<1x128xi32, #tpu.memory_space<vmem>> -> memref<128xi32, #tpu.memory_space<vmem>>
      %dma_wait3A_836 = arith.constant 0 : i32
      %dma_wait3A_837 = arith.constant 0 : i32
      %dma_wait3A_838 = tpu.memref_slice %arg10[%dma_wait3A_836, %dma_wait3A_837] : memref<10240x32xf32, #tpu.memory_space<vmem_shared>> -> memref<10240x32xf32, #tpu.memory_space<vmem_shared>>
      tpu.wait_indirect_dma semaphore(%arg13 : memref<!tpu.dma_semaphore, #tpu.memory_space<semaphore_mem>>) src(%dma_wait3A_832 : memref<128x32xf32, #tpu.memory_space<vmem>>) dst(%dma_wait3A_838 : memref<10240x32xf32, #tpu.memory_space<vmem_shared>>)
      %add3A_839 = arith.constant 7 : i32
      %add3A_840 = arith.addi %mul3A_221, %add3A_839 : i32
      %dma_wait3A_841 = arith.constant 896 : i32
      %dma_wait3A_842 = arith.constant 0 : i32
      %dma_wait3A_843 = tpu.memref_slice %arg8[%dma_wait3A_841, %dma_wait3A_842] : memref<1024x32xf32, #tpu.memory_space<vmem>> -> memref<128x32xf32, #tpu.memory_space<vmem>>
      %dma_wait3A_844 = arith.constant 0 : i32
      %dma_wait3A_845 = tpu.memref_slice %arg7[%add3A_840, %dma_wait3A_844] : memref<160x128xi32, #tpu.memory_space<vmem>> -> memref<1x128xi32, #tpu.memory_space<vmem>>
      %dma_wait3A_846 = tpu.memref_squeeze %dma_wait3A_845 : memref<1x128xi32, #tpu.memory_space<vmem>> -> memref<128xi32, #tpu.memory_space<vmem>>
      %dma_wait3A_847 = arith.constant 0 : i32
      %dma_wait3A_848 = arith.constant 0 : i32
      %dma_wait3A_849 = tpu.memref_slice %arg10[%dma_wait3A_847, %dma_wait3A_848] : memref<10240x32xf32, #tpu.memory_space<vmem_shared>> -> memref<10240x32xf32, #tpu.memory_space<vmem_shared>>
      tpu.wait_indirect_dma semaphore(%arg13 : memref<!tpu.dma_semaphore, #tpu.memory_space<semaphore_mem>>) src(%dma_wait3A_843 : memref<128x32xf32, #tpu.memory_space<vmem>>) dst(%dma_wait3A_849 : memref<10240x32xf32, #tpu.memory_space<vmem_shared>>)
      %lt3A = arith.constant 9 : i32
      %lt3A_850 = arith.cmpi slt, %add3A_219, %lt3A : i32
      %convert_element_type3A_851 = arith.extui %lt3A_850 : i1 to i32
      %cond3A_852 = arith.constant 0 : i32
      %cond3A_853 = arith.cmpi ne, %convert_element_type3A_851, %cond3A_852 : i32
      scf.if %cond3A_853 {
        %add3A_854 = arith.constant 8 : i32
        %add3A_855 = arith.addi %add3A_223, %add3A_854 : i32
        %add3A_856 = arith.constant 0 : i32
        %add3A_857 = arith.addi %add3A_855, %add3A_856 : i32
        %dma_start3A_858 = arith.constant 0 : i32
        %dma_start3A_859 = arith.constant 0 : i32
        %dma_start3A_860 = tpu.memref_slice %arg8[%dma_start3A_858, %dma_start3A_859] : memref<1024x32xf32, #tpu.memory_space<vmem>> -> memref<128x32xf32, #tpu.memory_space<vmem>>
        %dma_start3A_861 = arith.constant 0 : i32
        %dma_start3A_862 = tpu.memref_slice %arg6[%add3A_857, %dma_start3A_861] : memref<160x128xi32, #tpu.memory_space<vmem>> -> memref<1x128xi32, #tpu.memory_space<vmem>>
        %dma_start3A_863 = tpu.memref_squeeze %dma_start3A_862 : memref<1x128xi32, #tpu.memory_space<vmem>> -> memref<128xi32, #tpu.memory_space<vmem>>
        %dma_start3A_864 = arith.constant 0 : i32
        %dma_start3A_865 = arith.constant 0 : i32
        %dma_start3A_866 = tpu.memref_slice %arg2[%arg0, %dma_start3A_864, %dma_start3A_865] : memref<2x10000x32xf32, #tpu.memory_space<hbm>> -> memref<1x10000x32xf32, #tpu.memory_space<hbm>>
        %dma_start3A_867 = tpu.memref_squeeze %dma_start3A_866 : memref<1x10000x32xf32, #tpu.memory_space<hbm>> -> memref<10000x32xf32, #tpu.memory_space<hbm>>
        %dma_start3A_868 = arith.constant 0 : i32
        %dma_start3A_869 = arith.constant 0 : i32
        %dma_start3A_870 = tpu.memref_slice %dma_start3A_867[%dma_start3A_868, %dma_start3A_869] : memref<10000x32xf32, #tpu.memory_space<hbm>> -> memref<10000x32xf32, #tpu.memory_space<hbm>>
        tpu.enqueue_indirect_dma source(%dma_start3A_870 : memref<10000x32xf32, #tpu.memory_space<hbm>>) target(%dma_start3A_860 : memref<128x32xf32, #tpu.memory_space<vmem>>) offsets(%dma_start3A_863 : memref<128xi32, #tpu.memory_space<vmem>>) semaphore(%arg11 : memref<!tpu.dma_semaphore, #tpu.memory_space<semaphore_mem>>)
        %add3A_871 = arith.constant 1 : i32
        %add3A_872 = arith.addi %add3A_855, %add3A_871 : i32
        %dma_start3A_873 = arith.constant 128 : i32
        %dma_start3A_874 = arith.constant 0 : i32
        %dma_start3A_875 = tpu.memref_slice %arg8[%dma_start3A_873, %dma_start3A_874] : memref<1024x32xf32, #tpu.memory_space<vmem>> -> memref<128x32xf32, #tpu.memory_space<vmem>>
        %dma_start3A_876 = arith.constant 0 : i32
        %dma_start3A_877 = tpu.memref_slice %arg6[%add3A_872, %dma_start3A_876] : memref<160x128xi32, #tpu.memory_space<vmem>> -> memref<1x128xi32, #tpu.memory_space<vmem>>
        %dma_start3A_878 = tpu.memref_squeeze %dma_start3A_877 : memref<1x128xi32, #tpu.memory_space<vmem>> -> memref<128xi32, #tpu.memory_space<vmem>>
        %dma_start3A_879 = arith.constant 0 : i32
        %dma_start3A_880 = arith.constant 0 : i32
        %dma_start3A_881 = tpu.memref_slice %arg2[%arg0, %dma_start3A_879, %dma_start3A_880] : memref<2x10000x32xf32, #tpu.memory_space<hbm>> -> memref<1x10000x32xf32, #tpu.memory_space<hbm>>
        %dma_start3A_882 = tpu.memref_squeeze %dma_start3A_881 : memref<1x10000x32xf32, #tpu.memory_space<hbm>> -> memref<10000x32xf32, #tpu.memory_space<hbm>>
        %dma_start3A_883 = arith.constant 0 : i32
        %dma_start3A_884 = arith.constant 0 : i32
        %dma_start3A_885 = tpu.memref_slice %dma_start3A_882[%dma_start3A_883, %dma_start3A_884] : memref<10000x32xf32, #tpu.memory_space<hbm>> -> memref<10000x32xf32, #tpu.memory_space<hbm>>
        tpu.enqueue_indirect_dma source(%dma_start3A_885 : memref<10000x32xf32, #tpu.memory_space<hbm>>) target(%dma_start3A_875 : memref<128x32xf32, #tpu.memory_space<vmem>>) offsets(%dma_start3A_878 : memref<128xi32, #tpu.memory_space<vmem>>) semaphore(%arg11 : memref<!tpu.dma_semaphore, #tpu.memory_space<semaphore_mem>>)
        %add3A_886 = arith.constant 2 : i32
        %add3A_887 = arith.addi %add3A_855, %add3A_886 : i32
        %dma_start3A_888 = arith.constant 256 : i32
        %dma_start3A_889 = arith.constant 0 : i32
        %dma_start3A_890 = tpu.memref_slice %arg8[%dma_start3A_888, %dma_start3A_889] : memref<1024x32xf32, #tpu.memory_space<vmem>> -> memref<128x32xf32, #tpu.memory_space<vmem>>
        %dma_start3A_891 = arith.constant 0 : i32
        %dma_start3A_892 = tpu.memref_slice %arg6[%add3A_887, %dma_start3A_891] : memref<160x128xi32, #tpu.memory_space<vmem>> -> memref<1x128xi32, #tpu.memory_space<vmem>>
        %dma_start3A_893 = tpu.memref_squeeze %dma_start3A_892 : memref<1x128xi32, #tpu.memory_space<vmem>> -> memref<128xi32, #tpu.memory_space<vmem>>
        %dma_start3A_894 = arith.constant 0 : i32
        %dma_start3A_895 = arith.constant 0 : i32
        %dma_start3A_896 = tpu.memref_slice %arg2[%arg0, %dma_start3A_894, %dma_start3A_895] : memref<2x10000x32xf32, #tpu.memory_space<hbm>> -> memref<1x10000x32xf32, #tpu.memory_space<hbm>>
        %dma_start3A_897 = tpu.memref_squeeze %dma_start3A_896 : memref<1x10000x32xf32, #tpu.memory_space<hbm>> -> memref<10000x32xf32, #tpu.memory_space<hbm>>
        %dma_start3A_898 = arith.constant 0 : i32
        %dma_start3A_899 = arith.constant 0 : i32
        %dma_start3A_900 = tpu.memref_slice %dma_start3A_897[%dma_start3A_898, %dma_start3A_899] : memref<10000x32xf32, #tpu.memory_space<hbm>> -> memref<10000x32xf32, #tpu.memory_space<hbm>>
        tpu.enqueue_indirect_dma source(%dma_start3A_900 : memref<10000x32xf32, #tpu.memory_space<hbm>>) target(%dma_start3A_890 : memref<128x32xf32, #tpu.memory_space<vmem>>) offsets(%dma_start3A_893 : memref<128xi32, #tpu.memory_space<vmem>>) semaphore(%arg11 : memref<!tpu.dma_semaphore, #tpu.memory_space<semaphore_mem>>)
        %add3A_901 = arith.constant 3 : i32
        %add3A_902 = arith.addi %add3A_855, %add3A_901 : i32
        %dma_start3A_903 = arith.constant 384 : i32
        %dma_start3A_904 = arith.constant 0 : i32
        %dma_start3A_905 = tpu.memref_slice %arg8[%dma_start3A_903, %dma_start3A_904] : memref<1024x32xf32, #tpu.memory_space<vmem>> -> memref<128x32xf32, #tpu.memory_space<vmem>>
        %dma_start3A_906 = arith.constant 0 : i32
        %dma_start3A_907 = tpu.memref_slice %arg6[%add3A_902, %dma_start3A_906] : memref<160x128xi32, #tpu.memory_space<vmem>> -> memref<1x128xi32, #tpu.memory_space<vmem>>
        %dma_start3A_908 = tpu.memref_squeeze %dma_start3A_907 : memref<1x128xi32, #tpu.memory_space<vmem>> -> memref<128xi32, #tpu.memory_space<vmem>>
        %dma_start3A_909 = arith.constant 0 : i32
        %dma_start3A_910 = arith.constant 0 : i32
        %dma_start3A_911 = tpu.memref_slice %arg2[%arg0, %dma_start3A_909, %dma_start3A_910] : memref<2x10000x32xf32, #tpu.memory_space<hbm>> -> memref<1x10000x32xf32, #tpu.memory_space<hbm>>
        %dma_start3A_912 = tpu.memref_squeeze %dma_start3A_911 : memref<1x10000x32xf32, #tpu.memory_space<hbm>> -> memref<10000x32xf32, #tpu.memory_space<hbm>>
        %dma_start3A_913 = arith.constant 0 : i32
        %dma_start3A_914 = arith.constant 0 : i32
        %dma_start3A_915 = tpu.memref_slice %dma_start3A_912[%dma_start3A_913, %dma_start3A_914] : memref<10000x32xf32, #tpu.memory_space<hbm>> -> memref<10000x32xf32, #tpu.memory_space<hbm>>
        tpu.enqueue_indirect_dma source(%dma_start3A_915 : memref<10000x32xf32, #tpu.memory_space<hbm>>) target(%dma_start3A_905 : memref<128x32xf32, #tpu.memory_space<vmem>>) offsets(%dma_start3A_908 : memref<128xi32, #tpu.memory_space<vmem>>) semaphore(%arg11 : memref<!tpu.dma_semaphore, #tpu.memory_space<semaphore_mem>>)
        %add3A_916 = arith.constant 4 : i32
        %add3A_917 = arith.addi %add3A_855, %add3A_916 : i32
        %dma_start3A_918 = arith.constant 512 : i32
        %dma_start3A_919 = arith.constant 0 : i32
        %dma_start3A_920 = tpu.memref_slice %arg8[%dma_start3A_918, %dma_start3A_919] : memref<1024x32xf32, #tpu.memory_space<vmem>> -> memref<128x32xf32, #tpu.memory_space<vmem>>
        %dma_start3A_921 = arith.constant 0 : i32
        %dma_start3A_922 = tpu.memref_slice %arg6[%add3A_917, %dma_start3A_921] : memref<160x128xi32, #tpu.memory_space<vmem>> -> memref<1x128xi32, #tpu.memory_space<vmem>>
        %dma_start3A_923 = tpu.memref_squeeze %dma_start3A_922 : memref<1x128xi32, #tpu.memory_space<vmem>> -> memref<128xi32, #tpu.memory_space<vmem>>
        %dma_start3A_924 = arith.constant 0 : i32
        %dma_start3A_925 = arith.constant 0 : i32
        %dma_start3A_926 = tpu.memref_slice %arg2[%arg0, %dma_start3A_924, %dma_start3A_925] : memref<2x10000x32xf32, #tpu.memory_space<hbm>> -> memref<1x10000x32xf32, #tpu.memory_space<hbm>>
        %dma_start3A_927 = tpu.memref_squeeze %dma_start3A_926 : memref<1x10000x32xf32, #tpu.memory_space<hbm>> -> memref<10000x32xf32, #tpu.memory_space<hbm>>
        %dma_start3A_928 = arith.constant 0 : i32
        %dma_start3A_929 = arith.constant 0 : i32
        %dma_start3A_930 = tpu.memref_slice %dma_start3A_927[%dma_start3A_928, %dma_start3A_929] : memref<10000x32xf32, #tpu.memory_space<hbm>> -> memref<10000x32xf32, #tpu.memory_space<hbm>>
        tpu.enqueue_indirect_dma source(%dma_start3A_930 : memref<10000x32xf32, #tpu.memory_space<hbm>>) target(%dma_start3A_920 : memref<128x32xf32, #tpu.memory_space<vmem>>) offsets(%dma_start3A_923 : memref<128xi32, #tpu.memory_space<vmem>>) semaphore(%arg11 : memref<!tpu.dma_semaphore, #tpu.memory_space<semaphore_mem>>)
        %add3A_931 = arith.constant 5 : i32
        %add3A_932 = arith.addi %add3A_855, %add3A_931 : i32
        %dma_start3A_933 = arith.constant 640 : i32
        %dma_start3A_934 = arith.constant 0 : i32
        %dma_start3A_935 = tpu.memref_slice %arg8[%dma_start3A_933, %dma_start3A_934] : memref<1024x32xf32, #tpu.memory_space<vmem>> -> memref<128x32xf32, #tpu.memory_space<vmem>>
        %dma_start3A_936 = arith.constant 0 : i32
        %dma_start3A_937 = tpu.memref_slice %arg6[%add3A_932, %dma_start3A_936] : memref<160x128xi32, #tpu.memory_space<vmem>> -> memref<1x128xi32, #tpu.memory_space<vmem>>
        %dma_start3A_938 = tpu.memref_squeeze %dma_start3A_937 : memref<1x128xi32, #tpu.memory_space<vmem>> -> memref<128xi32, #tpu.memory_space<vmem>>
        %dma_start3A_939 = arith.constant 0 : i32
        %dma_start3A_940 = arith.constant 0 : i32
        %dma_start3A_941 = tpu.memref_slice %arg2[%arg0, %dma_start3A_939, %dma_start3A_940] : memref<2x10000x32xf32, #tpu.memory_space<hbm>> -> memref<1x10000x32xf32, #tpu.memory_space<hbm>>
        %dma_start3A_942 = tpu.memref_squeeze %dma_start3A_941 : memref<1x10000x32xf32, #tpu.memory_space<hbm>> -> memref<10000x32xf32, #tpu.memory_space<hbm>>
        %dma_start3A_943 = arith.constant 0 : i32
        %dma_start3A_944 = arith.constant 0 : i32
        %dma_start3A_945 = tpu.memref_slice %dma_start3A_942[%dma_start3A_943, %dma_start3A_944] : memref<10000x32xf32, #tpu.memory_space<hbm>> -> memref<10000x32xf32, #tpu.memory_space<hbm>>
        tpu.enqueue_indirect_dma source(%dma_start3A_945 : memref<10000x32xf32, #tpu.memory_space<hbm>>) target(%dma_start3A_935 : memref<128x32xf32, #tpu.memory_space<vmem>>) offsets(%dma_start3A_938 : memref<128xi32, #tpu.memory_space<vmem>>) semaphore(%arg11 : memref<!tpu.dma_semaphore, #tpu.memory_space<semaphore_mem>>)
        %add3A_946 = arith.constant 6 : i32
        %add3A_947 = arith.addi %add3A_855, %add3A_946 : i32
        %dma_start3A_948 = arith.constant 768 : i32
        %dma_start3A_949 = arith.constant 0 : i32
        %dma_start3A_950 = tpu.memref_slice %arg8[%dma_start3A_948, %dma_start3A_949] : memref<1024x32xf32, #tpu.memory_space<vmem>> -> memref<128x32xf32, #tpu.memory_space<vmem>>
        %dma_start3A_951 = arith.constant 0 : i32
        %dma_start3A_952 = tpu.memref_slice %arg6[%add3A_947, %dma_start3A_951] : memref<160x128xi32, #tpu.memory_space<vmem>> -> memref<1x128xi32, #tpu.memory_space<vmem>>
        %dma_start3A_953 = tpu.memref_squeeze %dma_start3A_952 : memref<1x128xi32, #tpu.memory_space<vmem>> -> memref<128xi32, #tpu.memory_space<vmem>>
        %dma_start3A_954 = arith.constant 0 : i32
        %dma_start3A_955 = arith.constant 0 : i32
        %dma_start3A_956 = tpu.memref_slice %arg2[%arg0, %dma_start3A_954, %dma_start3A_955] : memref<2x10000x32xf32, #tpu.memory_space<hbm>> -> memref<1x10000x32xf32, #tpu.memory_space<hbm>>
        %dma_start3A_957 = tpu.memref_squeeze %dma_start3A_956 : memref<1x10000x32xf32, #tpu.memory_space<hbm>> -> memref<10000x32xf32, #tpu.memory_space<hbm>>
        %dma_start3A_958 = arith.constant 0 : i32
        %dma_start3A_959 = arith.constant 0 : i32
        %dma_start3A_960 = tpu.memref_slice %dma_start3A_957[%dma_start3A_958, %dma_start3A_959] : memref<10000x32xf32, #tpu.memory_space<hbm>> -> memref<10000x32xf32, #tpu.memory_space<hbm>>
        tpu.enqueue_indirect_dma source(%dma_start3A_960 : memref<10000x32xf32, #tpu.memory_space<hbm>>) target(%dma_start3A_950 : memref<128x32xf32, #tpu.memory_space<vmem>>) offsets(%dma_start3A_953 : memref<128xi32, #tpu.memory_space<vmem>>) semaphore(%arg11 : memref<!tpu.dma_semaphore, #tpu.memory_space<semaphore_mem>>)
        %add3A_961 = arith.constant 7 : i32
        %add3A_962 = arith.addi %add3A_855, %add3A_961 : i32
        %dma_start3A_963 = arith.constant 896 : i32
        %dma_start3A_964 = arith.constant 0 : i32
        %dma_start3A_965 = tpu.memref_slice %arg8[%dma_start3A_963, %dma_start3A_964] : memref<1024x32xf32, #tpu.memory_space<vmem>> -> memref<128x32xf32, #tpu.memory_space<vmem>>
        %dma_start3A_966 = arith.constant 0 : i32
        %dma_start3A_967 = tpu.memref_slice %arg6[%add3A_962, %dma_start3A_966] : memref<160x128xi32, #tpu.memory_space<vmem>> -> memref<1x128xi32, #tpu.memory_space<vmem>>
        %dma_start3A_968 = tpu.memref_squeeze %dma_start3A_967 : memref<1x128xi32, #tpu.memory_space<vmem>> -> memref<128xi32, #tpu.memory_space<vmem>>
        %dma_start3A_969 = arith.constant 0 : i32
        %dma_start3A_970 = arith.constant 0 : i32
        %dma_start3A_971 = tpu.memref_slice %arg2[%arg0, %dma_start3A_969, %dma_start3A_970] : memref<2x10000x32xf32, #tpu.memory_space<hbm>> -> memref<1x10000x32xf32, #tpu.memory_space<hbm>>
        %dma_start3A_972 = tpu.memref_squeeze %dma_start3A_971 : memref<1x10000x32xf32, #tpu.memory_space<hbm>> -> memref<10000x32xf32, #tpu.memory_space<hbm>>
        %dma_start3A_973 = arith.constant 0 : i32
        %dma_start3A_974 = arith.constant 0 : i32
        %dma_start3A_975 = tpu.memref_slice %dma_start3A_972[%dma_start3A_973, %dma_start3A_974] : memref<10000x32xf32, #tpu.memory_space<hbm>> -> memref<10000x32xf32, #tpu.memory_space<hbm>>
        tpu.enqueue_indirect_dma source(%dma_start3A_975 : memref<10000x32xf32, #tpu.memory_space<hbm>>) target(%dma_start3A_965 : memref<128x32xf32, #tpu.memory_space<vmem>>) offsets(%dma_start3A_968 : memref<128xi32, #tpu.memory_space<vmem>>) semaphore(%arg11 : memref<!tpu.dma_semaphore, #tpu.memory_space<semaphore_mem>>)
      } else {
      }
    }
    %scan3A_130 = arith.constant 10 : i32
    %dma_wait3A = arith.constant 152 : i32
    %dma_wait3A_131 = arith.constant 0 : i32
    %dma_wait3A_132 = arith.constant 0 : i32
    %dma_wait3A_133 = tpu.memref_slice %arg9[%dma_wait3A_131, %dma_wait3A_132] : memref<1024x32xf32, #tpu.memory_space<vmem>> -> memref<128x32xf32, #tpu.memory_space<vmem>>
    %dma_wait3A_134 = arith.constant 0 : i32
    %dma_wait3A_135 = tpu.memref_slice %arg7[%dma_wait3A, %dma_wait3A_134] : memref<160x128xi32, #tpu.memory_space<vmem>> -> memref<1x128xi32, #tpu.memory_space<vmem>>
    %dma_wait3A_136 = tpu.memref_squeeze %dma_wait3A_135 : memref<1x128xi32, #tpu.memory_space<vmem>> -> memref<128xi32, #tpu.memory_space<vmem>>
    %dma_wait3A_137 = arith.constant 0 : i32
    %dma_wait3A_138 = arith.constant 0 : i32
    %dma_wait3A_139 = tpu.memref_slice %arg10[%dma_wait3A_137, %dma_wait3A_138] : memref<10240x32xf32, #tpu.memory_space<vmem_shared>> -> memref<10240x32xf32, #tpu.memory_space<vmem_shared>>
    tpu.wait_indirect_dma semaphore(%arg14 : memref<!tpu.dma_semaphore, #tpu.memory_space<semaphore_mem>>) src(%dma_wait3A_133 : memref<128x32xf32, #tpu.memory_space<vmem>>) dst(%dma_wait3A_139 : memref<10240x32xf32, #tpu.memory_space<vmem_shared>>)
    %dma_wait3A_140 = arith.constant 153 : i32
    %dma_wait3A_141 = arith.constant 128 : i32
    %dma_wait3A_142 = arith.constant 0 : i32
    %dma_wait3A_143 = tpu.memref_slice %arg9[%dma_wait3A_141, %dma_wait3A_142] : memref<1024x32xf32, #tpu.memory_space<vmem>> -> memref<128x32xf32, #tpu.memory_space<vmem>>
    %dma_wait3A_144 = arith.constant 0 : i32
    %dma_wait3A_145 = tpu.memref_slice %arg7[%dma_wait3A_140, %dma_wait3A_144] : memref<160x128xi32, #tpu.memory_space<vmem>> -> memref<1x128xi32, #tpu.memory_space<vmem>>
    %dma_wait3A_146 = tpu.memref_squeeze %dma_wait3A_145 : memref<1x128xi32, #tpu.memory_space<vmem>> -> memref<128xi32, #tpu.memory_space<vmem>>
    %dma_wait3A_147 = arith.constant 0 : i32
    %dma_wait3A_148 = arith.constant 0 : i32
    %dma_wait3A_149 = tpu.memref_slice %arg10[%dma_wait3A_147, %dma_wait3A_148] : memref<10240x32xf32, #tpu.memory_space<vmem_shared>> -> memref<10240x32xf32, #tpu.memory_space<vmem_shared>>
    tpu.wait_indirect_dma semaphore(%arg14 : memref<!tpu.dma_semaphore, #tpu.memory_space<semaphore_mem>>) src(%dma_wait3A_143 : memref<128x32xf32, #tpu.memory_space<vmem>>) dst(%dma_wait3A_149 : memref<10240x32xf32, #tpu.memory_space<vmem_shared>>)
    %dma_wait3A_150 = arith.constant 154 : i32
    %dma_wait3A_151 = arith.constant 256 : i32
    %dma_wait3A_152 = arith.constant 0 : i32
    %dma_wait3A_153 = tpu.memref_slice %arg9[%dma_wait3A_151, %dma_wait3A_152] : memref<1024x32xf32, #tpu.memory_space<vmem>> -> memref<128x32xf32, #tpu.memory_space<vmem>>
    %dma_wait3A_154 = arith.constant 0 : i32
    %dma_wait3A_155 = tpu.memref_slice %arg7[%dma_wait3A_150, %dma_wait3A_154] : memref<160x128xi32, #tpu.memory_space<vmem>> -> memref<1x128xi32, #tpu.memory_space<vmem>>
    %dma_wait3A_156 = tpu.memref_squeeze %dma_wait3A_155 : memref<1x128xi32, #tpu.memory_space<vmem>> -> memref<128xi32, #tpu.memory_space<vmem>>
    %dma_wait3A_157 = arith.constant 0 : i32
    %dma_wait3A_158 = arith.constant 0 : i32
    %dma_wait3A_159 = tpu.memref_slice %arg10[%dma_wait3A_157, %dma_wait3A_158] : memref<10240x32xf32, #tpu.memory_space<vmem_shared>> -> memref<10240x32xf32, #tpu.memory_space<vmem_shared>>
    tpu.wait_indirect_dma semaphore(%arg14 : memref<!tpu.dma_semaphore, #tpu.memory_space<semaphore_mem>>) src(%dma_wait3A_153 : memref<128x32xf32, #tpu.memory_space<vmem>>) dst(%dma_wait3A_159 : memref<10240x32xf32, #tpu.memory_space<vmem_shared>>)
    %dma_wait3A_160 = arith.constant 155 : i32
    %dma_wait3A_161 = arith.constant 384 : i32
    %dma_wait3A_162 = arith.constant 0 : i32
    %dma_wait3A_163 = tpu.memref_slice %arg9[%dma_wait3A_161, %dma_wait3A_162] : memref<1024x32xf32, #tpu.memory_space<vmem>> -> memref<128x32xf32, #tpu.memory_space<vmem>>
    %dma_wait3A_164 = arith.constant 0 : i32
    %dma_wait3A_165 = tpu.memref_slice %arg7[%dma_wait3A_160, %dma_wait3A_164] : memref<160x128xi32, #tpu.memory_space<vmem>> -> memref<1x128xi32, #tpu.memory_space<vmem>>
    %dma_wait3A_166 = tpu.memref_squeeze %dma_wait3A_165 : memref<1x128xi32, #tpu.memory_space<vmem>> -> memref<128xi32, #tpu.memory_space<vmem>>
    %dma_wait3A_167 = arith.constant 0 : i32
    %dma_wait3A_168 = arith.constant 0 : i32
    %dma_wait3A_169 = tpu.memref_slice %arg10[%dma_wait3A_167, %dma_wait3A_168] : memref<10240x32xf32, #tpu.memory_space<vmem_shared>> -> memref<10240x32xf32, #tpu.memory_space<vmem_shared>>
    tpu.wait_indirect_dma semaphore(%arg14 : memref<!tpu.dma_semaphore, #tpu.memory_space<semaphore_mem>>) src(%dma_wait3A_163 : memref<128x32xf32, #tpu.memory_space<vmem>>) dst(%dma_wait3A_169 : memref<10240x32xf32, #tpu.memory_space<vmem_shared>>)
    %dma_wait3A_170 = arith.constant 156 : i32
    %dma_wait3A_171 = arith.constant 512 : i32
    %dma_wait3A_172 = arith.constant 0 : i32
    %dma_wait3A_173 = tpu.memref_slice %arg9[%dma_wait3A_171, %dma_wait3A_172] : memref<1024x32xf32, #tpu.memory_space<vmem>> -> memref<128x32xf32, #tpu.memory_space<vmem>>
    %dma_wait3A_174 = arith.constant 0 : i32
    %dma_wait3A_175 = tpu.memref_slice %arg7[%dma_wait3A_170, %dma_wait3A_174] : memref<160x128xi32, #tpu.memory_space<vmem>> -> memref<1x128xi32, #tpu.memory_space<vmem>>
    %dma_wait3A_176 = tpu.memref_squeeze %dma_wait3A_175 : memref<1x128xi32, #tpu.memory_space<vmem>> -> memref<128xi32, #tpu.memory_space<vmem>>
    %dma_wait3A_177 = arith.constant 0 : i32
    %dma_wait3A_178 = arith.constant 0 : i32
    %dma_wait3A_179 = tpu.memref_slice %arg10[%dma_wait3A_177, %dma_wait3A_178] : memref<10240x32xf32, #tpu.memory_space<vmem_shared>> -> memref<10240x32xf32, #tpu.memory_space<vmem_shared>>
    tpu.wait_indirect_dma semaphore(%arg14 : memref<!tpu.dma_semaphore, #tpu.memory_space<semaphore_mem>>) src(%dma_wait3A_173 : memref<128x32xf32, #tpu.memory_space<vmem>>) dst(%dma_wait3A_179 : memref<10240x32xf32, #tpu.memory_space<vmem_shared>>)
    %dma_wait3A_180 = arith.constant 157 : i32
    %dma_wait3A_181 = arith.constant 640 : i32
    %dma_wait3A_182 = arith.constant 0 : i32
    %dma_wait3A_183 = tpu.memref_slice %arg9[%dma_wait3A_181, %dma_wait3A_182] : memref<1024x32xf32, #tpu.memory_space<vmem>> -> memref<128x32xf32, #tpu.memory_space<vmem>>
    %dma_wait3A_184 = arith.constant 0 : i32
    %dma_wait3A_185 = tpu.memref_slice %arg7[%dma_wait3A_180, %dma_wait3A_184] : memref<160x128xi32, #tpu.memory_space<vmem>> -> memref<1x128xi32, #tpu.memory_space<vmem>>
    %dma_wait3A_186 = tpu.memref_squeeze %dma_wait3A_185 : memref<1x128xi32, #tpu.memory_space<vmem>> -> memref<128xi32, #tpu.memory_space<vmem>>
    %dma_wait3A_187 = arith.constant 0 : i32
    %dma_wait3A_188 = arith.constant 0 : i32
    %dma_wait3A_189 = tpu.memref_slice %arg10[%dma_wait3A_187, %dma_wait3A_188] : memref<10240x32xf32, #tpu.memory_space<vmem_shared>> -> memref<10240x32xf32, #tpu.memory_space<vmem_shared>>
    tpu.wait_indirect_dma semaphore(%arg14 : memref<!tpu.dma_semaphore, #tpu.memory_space<semaphore_mem>>) src(%dma_wait3A_183 : memref<128x32xf32, #tpu.memory_space<vmem>>) dst(%dma_wait3A_189 : memref<10240x32xf32, #tpu.memory_space<vmem_shared>>)
    %dma_wait3A_190 = arith.constant 158 : i32
    %dma_wait3A_191 = arith.constant 768 : i32
    %dma_wait3A_192 = arith.constant 0 : i32
    %dma_wait3A_193 = tpu.memref_slice %arg9[%dma_wait3A_191, %dma_wait3A_192] : memref<1024x32xf32, #tpu.memory_space<vmem>> -> memref<128x32xf32, #tpu.memory_space<vmem>>
    %dma_wait3A_194 = arith.constant 0 : i32
    %dma_wait3A_195 = tpu.memref_slice %arg7[%dma_wait3A_190, %dma_wait3A_194] : memref<160x128xi32, #tpu.memory_space<vmem>> -> memref<1x128xi32, #tpu.memory_space<vmem>>
    %dma_wait3A_196 = tpu.memref_squeeze %dma_wait3A_195 : memref<1x128xi32, #tpu.memory_space<vmem>> -> memref<128xi32, #tpu.memory_space<vmem>>
    %dma_wait3A_197 = arith.constant 0 : i32
    %dma_wait3A_198 = arith.constant 0 : i32
    %dma_wait3A_199 = tpu.memref_slice %arg10[%dma_wait3A_197, %dma_wait3A_198] : memref<10240x32xf32, #tpu.memory_space<vmem_shared>> -> memref<10240x32xf32, #tpu.memory_space<vmem_shared>>
    tpu.wait_indirect_dma semaphore(%arg14 : memref<!tpu.dma_semaphore, #tpu.memory_space<semaphore_mem>>) src(%dma_wait3A_193 : memref<128x32xf32, #tpu.memory_space<vmem>>) dst(%dma_wait3A_199 : memref<10240x32xf32, #tpu.memory_space<vmem_shared>>)
    %dma_wait3A_200 = arith.constant 159 : i32
    %dma_wait3A_201 = arith.constant 896 : i32
    %dma_wait3A_202 = arith.constant 0 : i32
    %dma_wait3A_203 = tpu.memref_slice %arg9[%dma_wait3A_201, %dma_wait3A_202] : memref<1024x32xf32, #tpu.memory_space<vmem>> -> memref<128x32xf32, #tpu.memory_space<vmem>>
    %dma_wait3A_204 = arith.constant 0 : i32
    %dma_wait3A_205 = tpu.memref_slice %arg7[%dma_wait3A_200, %dma_wait3A_204] : memref<160x128xi32, #tpu.memory_space<vmem>> -> memref<1x128xi32, #tpu.memory_space<vmem>>
    %dma_wait3A_206 = tpu.memref_squeeze %dma_wait3A_205 : memref<1x128xi32, #tpu.memory_space<vmem>> -> memref<128xi32, #tpu.memory_space<vmem>>
    %dma_wait3A_207 = arith.constant 0 : i32
    %dma_wait3A_208 = arith.constant 0 : i32
    %dma_wait3A_209 = tpu.memref_slice %arg10[%dma_wait3A_207, %dma_wait3A_208] : memref<10240x32xf32, #tpu.memory_space<vmem_shared>> -> memref<10240x32xf32, #tpu.memory_space<vmem_shared>>
    tpu.wait_indirect_dma semaphore(%arg14 : memref<!tpu.dma_semaphore, #tpu.memory_space<semaphore_mem>>) src(%dma_wait3A_203 : memref<128x32xf32, #tpu.memory_space<vmem>>) dst(%dma_wait3A_209 : memref<10240x32xf32, #tpu.memory_space<vmem_shared>>)
    %barrier3A_210 = arith.constant 0 : index
    tpu.barrier barrier_id(%barrier3A_210)
    %mul3A_211 = arith.constant 640 : i32
    %mul3A_212 = arith.muli %arg1, %mul3A_211 : i32
    %mul3A_213 = arith.constant 640 : i32
    %mul3A_214 = arith.muli %arg1, %mul3A_213 : i32
    "tpu.region"() ({
      %run_scoped3A = tpu.sem_alloc : memref<!tpu.dma_semaphore, #tpu.memory_space<semaphore_mem>>
      %dma_start3A_215 = arith.constant 0 : i32
      %dma_start3A_216 = arith.constant 0 : i32
      %dma_start3A_217 = tpu.memref_slice %arg5[%arg0, %dma_start3A_215, %dma_start3A_216] : memref<2x10240x32xf32, #tpu.memory_space<hbm>> -> memref<1x10240x32xf32, #tpu.memory_space<hbm>>
      %dma_start3A_218 = tpu.memref_squeeze %dma_start3A_217 : memref<1x10240x32xf32, #tpu.memory_space<hbm>> -> memref<10240x32xf32, #tpu.memory_space<hbm>>
      %dma_start3A_219 = arith.constant 0 : i32
      %dma_start3A_220 = tpu.memref_slice %dma_start3A_218[%mul3A_214, %dma_start3A_219] : memref<10240x32xf32, #tpu.memory_space<hbm>> -> memref<640x32xf32, #tpu.memory_space<hbm>>
      %dma_start3A_221 = arith.constant 0 : i32
      %dma_start3A_222 = tpu.memref_slice %arg10[%mul3A_212, %dma_start3A_221] : memref<10240x32xf32, #tpu.memory_space<vmem_shared>> -> memref<640x32xf32, #tpu.memory_space<vmem_shared>>
      tpu.enqueue_dma source(%dma_start3A_222 : memref<640x32xf32, #tpu.memory_space<vmem_shared>>) target(%dma_start3A_220 : memref<640x32xf32, #tpu.memory_space<hbm>>) target_semaphore(%run_scoped3A : memref<!tpu.dma_semaphore, #tpu.memory_space<semaphore_mem>>)
      %dma_wait3A_223 = arith.constant 0 : i32
      %dma_wait3A_224 = arith.constant 0 : i32
      %dma_wait3A_225 = tpu.memref_slice %arg5[%arg0, %dma_wait3A_223, %dma_wait3A_224] : memref<2x10240x32xf32, #tpu.memory_space<hbm>> -> memref<1x10240x32xf32, #tpu.memory_space<hbm>>
      %dma_wait3A_226 = tpu.memref_squeeze %dma_wait3A_225 : memref<1x10240x32xf32, #tpu.memory_space<hbm>> -> memref<10240x32xf32, #tpu.memory_space<hbm>>
      %dma_wait3A_227 = arith.constant 0 : i32
      %dma_wait3A_228 = tpu.memref_slice %dma_wait3A_226[%mul3A_214, %dma_wait3A_227] : memref<10240x32xf32, #tpu.memory_space<hbm>> -> memref<640x32xf32, #tpu.memory_space<hbm>>
      %dma_wait3A_229 = arith.constant 0 : i32
      %dma_wait3A_230 = tpu.memref_slice %arg10[%mul3A_212, %dma_wait3A_229] : memref<10240x32xf32, #tpu.memory_space<vmem_shared>> -> memref<640x32xf32, #tpu.memory_space<vmem_shared>>
      tpu.wait_dma2 semaphore(%run_scoped3A : memref<!tpu.dma_semaphore, #tpu.memory_space<semaphore_mem>>) src(%dma_wait3A_230 : memref<640x32xf32, #tpu.memory_space<vmem_shared>>) dst(%dma_wait3A_228 : memref<640x32xf32, #tpu.memory_space<hbm>>)
      tpu.yield
    }) : () -> ()
    return
  }
}

module attributes {stable_mosaic.version = 14 : i64} {
  func.func @_dense1_body(%arg0: memref<2x10240x64xf32, #tpu.memory_space<vmem>>, %arg1: memref<10000x128xf32, #tpu.memory_space<vmem>>, %arg2: memref<128x128xf32, #tpu.memory_space<vmem>>, %arg3: memref<1x128xf32, #tpu.memory_space<vmem>>, %arg4: memref<128x128xf32, #tpu.memory_space<vmem>>, %arg5: memref<1x128xf32, #tpu.memory_space<vmem>>, %arg6: memref<128x128xf32, #tpu.memory_space<vmem>>, %arg7: memref<1x128xf32, #tpu.memory_space<vmem>>, %arg8: memref<128x64xf32, #tpu.memory_space<vmem>>, %arg9: memref<1x64xf32, #tpu.memory_space<vmem>>, %arg10: memref<2x10000x32xf32, #tpu.memory_space<vmem>>) attributes {dimension_semantics = [], scalar_prefetch = 0 : i64, scratch_operands = 0 : i64, tpu.core_type = #tpu.core_type<tc>} {
    %get3A = arith.constant 0 : index
    %get3A_0 = arith.constant 0 : index
    %get3A_1 = arith.constant 0 : index
    %get3A_2 = vector.load %arg0[%get3A, %get3A_0, %get3A_1] : memref<2x10240x64xf32, #tpu.memory_space<vmem>>, vector<1x10240x64xf32>
    %get3A_3 = vector.shape_cast %get3A_2 : vector<1x10240x64xf32> to vector<10240x64xf32>
    %get3A_4 = arith.constant 1 : index
    %get3A_5 = arith.constant 0 : index
    %get3A_6 = arith.constant 0 : index
    %get3A_7 = vector.load %arg0[%get3A_4, %get3A_5, %get3A_6] : memref<2x10240x64xf32, #tpu.memory_space<vmem>>, vector<1x10240x64xf32>
    %get3A_8 = vector.shape_cast %get3A_7 : vector<1x10240x64xf32> to vector<10240x64xf32>
    %concatenate3A = tpu.concatenate %get3A_3, %get3A_8 in 1 : vector<10240x64xf32>, vector<10240x64xf32> -> vector<10240x128xf32>
    %slice3A = vector.extract_strided_slice %concatenate3A {offsets = [0, 0], sizes = [10000, 128], strides = [1, 1]} : vector<10240x128xf32> to vector<10000x128xf32>
    %get3A_9 = arith.constant 0 : index
    %get3A_10 = arith.constant 0 : index
    %get3A_11 = vector.load %arg1[%get3A_9, %get3A_10] : memref<10000x128xf32, #tpu.memory_space<vmem>>, vector<10000x128xf32>
    %add3A = arith.addf %slice3A, %get3A_11 : vector<10000x128xf32>
    %get3A_12 = arith.constant 0 : index
    %get3A_13 = arith.constant 0 : index
    %get3A_14 = vector.load %arg2[%get3A_12, %get3A_13] : memref<128x128xf32, #tpu.memory_space<vmem>>, vector<128x128xf32>
    %dot_general3A = arith.constant dense<0.000000e+00> : vector<10000x128xf32>
    %dot_general3A_15 = tpu.matmul %add3A, %get3A_14, %dot_general3A {dimension_numbers = #tpu.dot_dimension_numbers<[1], [0], [0], [1], [0, 0, 1, 1], [], []>, transpose_lhs_hint = false} : vector<10000x128xf32>, vector<128x128xf32>, vector<10000x128xf32> -> vector<10000x128xf32>
    %get3A_16 = arith.constant 0 : index
    %get3A_17 = arith.constant 0 : index
    %get3A_18 = vector.load %arg3[%get3A_16, %get3A_17] : memref<1x128xf32, #tpu.memory_space<vmem>>, vector<1x128xf32>
    %add3A_19 = vector.broadcast %get3A_18 : vector<1x128xf32> to vector<10000x128xf32>
    %add3A_20 = arith.addf %dot_general3A_15, %add3A_19 : vector<10000x128xf32>
    %max3A = arith.constant 0.000000e+00 : f32
    %max3A_21 = vector.broadcast %max3A : f32 to vector<10000x128xf32>
    %max3A_22 = arith.maximumf %add3A_20, %max3A_21 : vector<10000x128xf32>
    %get3A_23 = arith.constant 0 : index
    %get3A_24 = arith.constant 0 : index
    %get3A_25 = vector.load %arg4[%get3A_23, %get3A_24] : memref<128x128xf32, #tpu.memory_space<vmem>>, vector<128x128xf32>
    %dot_general3A_26 = arith.constant dense<0.000000e+00> : vector<10000x128xf32>
    %dot_general3A_27 = tpu.matmul %max3A_22, %get3A_25, %dot_general3A_26 {dimension_numbers = #tpu.dot_dimension_numbers<[1], [0], [0], [1], [0, 0, 1, 1], [], []>, transpose_lhs_hint = false} : vector<10000x128xf32>, vector<128x128xf32>, vector<10000x128xf32> -> vector<10000x128xf32>
    %get3A_28 = arith.constant 0 : index
    %get3A_29 = arith.constant 0 : index
    %get3A_30 = vector.load %arg5[%get3A_28, %get3A_29] : memref<1x128xf32, #tpu.memory_space<vmem>>, vector<1x128xf32>
    %add3A_31 = vector.broadcast %get3A_30 : vector<1x128xf32> to vector<10000x128xf32>
    %add3A_32 = arith.addf %dot_general3A_27, %add3A_31 : vector<10000x128xf32>
    %max3A_33 = arith.constant 0.000000e+00 : f32
    %max3A_34 = vector.broadcast %max3A_33 : f32 to vector<10000x128xf32>
    %max3A_35 = arith.maximumf %add3A_32, %max3A_34 : vector<10000x128xf32>
    %get3A_36 = arith.constant 0 : index
    %get3A_37 = arith.constant 0 : index
    %get3A_38 = vector.load %arg6[%get3A_36, %get3A_37] : memref<128x128xf32, #tpu.memory_space<vmem>>, vector<128x128xf32>
    %dot_general3A_39 = arith.constant dense<0.000000e+00> : vector<10000x128xf32>
    %dot_general3A_40 = tpu.matmul %max3A_35, %get3A_38, %dot_general3A_39 {dimension_numbers = #tpu.dot_dimension_numbers<[1], [0], [0], [1], [0, 0, 1, 1], [], []>, transpose_lhs_hint = false} : vector<10000x128xf32>, vector<128x128xf32>, vector<10000x128xf32> -> vector<10000x128xf32>
    %get3A_41 = arith.constant 0 : index
    %get3A_42 = arith.constant 0 : index
    %get3A_43 = vector.load %arg7[%get3A_41, %get3A_42] : memref<1x128xf32, #tpu.memory_space<vmem>>, vector<1x128xf32>
    %add3A_44 = vector.broadcast %get3A_43 : vector<1x128xf32> to vector<10000x128xf32>
    %add3A_45 = arith.addf %dot_general3A_40, %add3A_44 : vector<10000x128xf32>
    %max3A_46 = arith.constant 0.000000e+00 : f32
    %max3A_47 = vector.broadcast %max3A_46 : f32 to vector<10000x128xf32>
    %max3A_48 = arith.maximumf %add3A_45, %max3A_47 : vector<10000x128xf32>
    %get3A_49 = arith.constant 0 : index
    %get3A_50 = arith.constant 0 : index
    %get3A_51 = vector.load %arg8[%get3A_49, %get3A_50] : memref<128x64xf32, #tpu.memory_space<vmem>>, vector<128x64xf32>
    %dot_general3A_52 = arith.constant dense<0.000000e+00> : vector<10000x64xf32>
    %dot_general3A_53 = tpu.matmul %max3A_48, %get3A_51, %dot_general3A_52 {dimension_numbers = #tpu.dot_dimension_numbers<[1], [0], [0], [1], [0, 0, 1, 1], [], []>, transpose_lhs_hint = false} : vector<10000x128xf32>, vector<128x64xf32>, vector<10000x64xf32> -> vector<10000x64xf32>
    %get3A_54 = arith.constant 0 : index
    %get3A_55 = arith.constant 0 : index
    %get3A_56 = vector.load %arg9[%get3A_54, %get3A_55] : memref<1x64xf32, #tpu.memory_space<vmem>>, vector<1x64xf32>
    %add3A_57 = vector.broadcast %get3A_56 : vector<1x64xf32> to vector<10000x64xf32>
    %add3A_58 = arith.addf %dot_general3A_53, %add3A_57 : vector<10000x64xf32>
    %slice3A_59 = vector.extract_strided_slice %add3A_58 {offsets = [0, 0], sizes = [10000, 32], strides = [1, 1]} : vector<10000x64xf32> to vector<10000x32xf32>
    %swap3A = arith.constant 0 : index
    %swap3A_60 = arith.constant 0 : index
    %swap3A_61 = arith.constant 0 : index
    %swap3A_62 = vector.load %arg10[%swap3A, %swap3A_60, %swap3A_61] : memref<2x10000x32xf32, #tpu.memory_space<vmem>>, vector<1x10000x32xf32>
    %swap3A_63 = vector.shape_cast %swap3A_62 : vector<1x10000x32xf32> to vector<10000x32xf32>
    %swap3A_64 = vector.shape_cast %slice3A_59 : vector<10000x32xf32> to vector<1x10000x32xf32>
    tpu.vector_store %arg10[%swap3A, %swap3A_60, %swap3A_61], %swap3A_64 {strides = array<i32>} : memref<2x10000x32xf32, #tpu.memory_space<vmem>>, vector<1x10000x32xf32>,
    %slice3A_65 = vector.extract_strided_slice %add3A_58 {offsets = [0, 32], sizes = [10000, 32], strides = [1, 1]} : vector<10000x64xf32> to vector<10000x32xf32>
    %swap3A_66 = arith.constant 1 : index
    %swap3A_67 = arith.constant 0 : index
    %swap3A_68 = arith.constant 0 : index
    %swap3A_69 = vector.load %arg10[%swap3A_66, %swap3A_67, %swap3A_68] : memref<2x10000x32xf32, #tpu.memory_space<vmem>>, vector<1x10000x32xf32>
    %swap3A_70 = vector.shape_cast %swap3A_69 : vector<1x10000x32xf32> to vector<10000x32xf32>
    %swap3A_71 = vector.shape_cast %slice3A_65 : vector<10000x32xf32> to vector<1x10000x32xf32>
    tpu.vector_store %arg10[%swap3A_66, %swap3A_67, %swap3A_68], %swap3A_71 {strides = array<i32>} : memref<2x10000x32xf32, #tpu.memory_space<vmem>>, vector<1x10000x32xf32>,
    return
  }
}

module attributes {stable_mosaic.version = 14 : i64} {
  func.func @_dense2_body(%arg0: memref<2x10240x32xf32, #tpu.memory_space<vmem>>, %arg1: memref<2x10000x32xf32, #tpu.memory_space<vmem>>, %arg2: memref<64x64xf32, #tpu.memory_space<vmem>>, %arg3: memref<1x64xf32, #tpu.memory_space<vmem>>, %arg4: memref<64x64xf32, #tpu.memory_space<vmem>>, %arg5: memref<1x64xf32, #tpu.memory_space<vmem>>, %arg6: memref<10000x64xf32, #tpu.memory_space<vmem>>) attributes {dimension_semantics = [], scalar_prefetch = 0 : i64, scratch_operands = 0 : i64, tpu.core_type = #tpu.core_type<tc>} {
    %get3A = arith.constant 0 : index
    %get3A_0 = arith.constant 0 : index
    %get3A_1 = arith.constant 0 : index
    %get3A_2 = vector.load %arg0[%get3A, %get3A_0, %get3A_1] : memref<2x10240x32xf32, #tpu.memory_space<vmem>>, vector<1x10240x32xf32>
    %get3A_3 = vector.shape_cast %get3A_2 : vector<1x10240x32xf32> to vector<10240x32xf32>
    %get3A_4 = arith.constant 1 : index
    %get3A_5 = arith.constant 0 : index
    %get3A_6 = arith.constant 0 : index
    %get3A_7 = vector.load %arg0[%get3A_4, %get3A_5, %get3A_6] : memref<2x10240x32xf32, #tpu.memory_space<vmem>>, vector<1x10240x32xf32>
    %get3A_8 = vector.shape_cast %get3A_7 : vector<1x10240x32xf32> to vector<10240x32xf32>
    %concatenate3A = tpu.concatenate %get3A_3, %get3A_8 in 1 : vector<10240x32xf32>, vector<10240x32xf32> -> vector<10240x64xf32>
    %get3A_9 = arith.constant 0 : index
    %get3A_10 = arith.constant 0 : index
    %get3A_11 = arith.constant 0 : index
    %get3A_12 = vector.load %arg1[%get3A_9, %get3A_10, %get3A_11] : memref<2x10000x32xf32, #tpu.memory_space<vmem>>, vector<1x10000x32xf32>
    %get3A_13 = vector.shape_cast %get3A_12 : vector<1x10000x32xf32> to vector<10000x32xf32>
    %get3A_14 = arith.constant 1 : index
    %get3A_15 = arith.constant 0 : index
    %get3A_16 = arith.constant 0 : index
    %get3A_17 = vector.load %arg1[%get3A_14, %get3A_15, %get3A_16] : memref<2x10000x32xf32, #tpu.memory_space<vmem>>, vector<1x10000x32xf32>
    %get3A_18 = vector.shape_cast %get3A_17 : vector<1x10000x32xf32> to vector<10000x32xf32>
    %concatenate3A_19 = tpu.concatenate %get3A_13, %get3A_18 in 1 : vector<10000x32xf32>, vector<10000x32xf32> -> vector<10000x64xf32>
    %slice3A = vector.extract_strided_slice %concatenate3A {offsets = [0, 0], sizes = [10000, 64], strides = [1, 1]} : vector<10240x64xf32> to vector<10000x64xf32>
    %add3A = arith.addf %slice3A, %concatenate3A_19 : vector<10000x64xf32>
    %max3A = arith.constant 0.000000e+00 : f32
    %max3A_20 = vector.broadcast %max3A : f32 to vector<10000x64xf32>
    %max3A_21 = arith.maximumf %add3A, %max3A_20 : vector<10000x64xf32>
    %get3A_22 = arith.constant 0 : index
    %get3A_23 = arith.constant 0 : index
    %get3A_24 = vector.load %arg2[%get3A_22, %get3A_23] : memref<64x64xf32, #tpu.memory_space<vmem>>, vector<64x64xf32>
    %dot_general3A = arith.constant dense<0.000000e+00> : vector<10000x64xf32>
    %dot_general3A_25 = tpu.matmul %max3A_21, %get3A_24, %dot_general3A {dimension_numbers = #tpu.dot_dimension_numbers<[1], [0], [0], [1], [0, 0, 1, 1], [], []>, transpose_lhs_hint = false} : vector<10000x64xf32>, vector<64x64xf32>, vector<10000x64xf32> -> vector<10000x64xf32>
    %get3A_26 = arith.constant 0 : index
    %get3A_27 = arith.constant 0 : index
    %get3A_28 = vector.load %arg3[%get3A_26, %get3A_27] : memref<1x64xf32, #tpu.memory_space<vmem>>, vector<1x64xf32>
    %add3A_29 = vector.broadcast %get3A_28 : vector<1x64xf32> to vector<10000x64xf32>
    %add3A_30 = arith.addf %dot_general3A_25, %add3A_29 : vector<10000x64xf32>
    %max3A_31 = arith.constant 0.000000e+00 : f32
    %max3A_32 = vector.broadcast %max3A_31 : f32 to vector<10000x64xf32>
    %max3A_33 = arith.maximumf %add3A_30, %max3A_32 : vector<10000x64xf32>
    %get3A_34 = arith.constant 0 : index
    %get3A_35 = arith.constant 0 : index
    %get3A_36 = vector.load %arg4[%get3A_34, %get3A_35] : memref<64x64xf32, #tpu.memory_space<vmem>>, vector<64x64xf32>
    %dot_general3A_37 = arith.constant dense<0.000000e+00> : vector<10000x64xf32>
    %dot_general3A_38 = tpu.matmul %max3A_33, %get3A_36, %dot_general3A_37 {dimension_numbers = #tpu.dot_dimension_numbers<[1], [0], [0], [1], [0, 0, 1, 1], [], []>, transpose_lhs_hint = false} : vector<10000x64xf32>, vector<64x64xf32>, vector<10000x64xf32> -> vector<10000x64xf32>
    %get3A_39 = arith.constant 0 : index
    %get3A_40 = arith.constant 0 : index
    %get3A_41 = vector.load %arg5[%get3A_39, %get3A_40] : memref<1x64xf32, #tpu.memory_space<vmem>>, vector<1x64xf32>
    %add3A_42 = vector.broadcast %get3A_41 : vector<1x64xf32> to vector<10000x64xf32>
    %add3A_43 = arith.addf %dot_general3A_38, %add3A_42 : vector<10000x64xf32>
    %swap3A = arith.constant 0 : index
    %swap3A_44 = arith.constant 0 : index
    %swap3A_45 = vector.load %arg6[%swap3A, %swap3A_44] : memref<10000x64xf32, #tpu.memory_space<vmem>>, vector<10000x64xf32>
    tpu.vector_store %arg6[%swap3A, %swap3A_44], %add3A_43 {strides = array<i32>} : memref<10000x64xf32, #tpu.memory_space<vmem>>, vector<10000x64xf32>,
    return
  }
}

</mosaic_0001>

<sc_bundles>
// kernel: kernel.6.cloned.1.call-start
scs
__scs_entry_jumppad:
0x0: {  	(pc) =	sbr.rel $0x88, $3  }
0x1: {  	(tag) =	ssettag $0x0;
	lr =	simm.s32 $0x1  }
0x2: {  	[smem:$0x3F93] =	sst lr;
	_ =	strace $0xD0000000  }
0x3: {  	_ = 	snop  }
0x4: {  	_ = 	snop  }
0x5: {  	_ = 	snop  }
0x6: {  	_ = 	snop  }
0x7: {  	_ = 	snop  }
__scs_overlays_trampoline_lowered:
0x8: {  	[smem:$0x3FA2] =	sst s0  }
0x9: {  	[smem:$0x3FA3] =	sst s1  }
0xa: {  	[smem:$0x3FA4] =	sst s2  }
0xb: {  	[smem:$0x3FA5] =	sst s3  }
0xc: {  	[smem:$0x3FA6] =	sst s4  }
0xd: {  	[smem:$0x3FA7] =	sst s5  }
0xe: {  	[smem:$0x3FA8] =	sst s6  }
0xf: {  	[smem:$0x3FA9] =	sst s7  }
0x10: {  	[smem:$0x3FAA] =	sst s8  }
0x11: {  	[smem:$0x3FAB] =	sst s9;
	s0 =	simm.s32 @!p0 $0x0  }
0x12: {  	s1 =	sld [smem:$0x3F91];
	s0 =	simm.s32 @p0 $0x1  }
0x13: {  	[smem:$0x3FAC] =	sst s0;
	s0 =	simm.s32 @!p1 $0x0  }
0x14: {  	s2 =	sld [smem:$0x3F90];
	s0 =	simm.s32 @p1 $0x1  }
0x15: {  	[smem:$0x3FAD] =	sst s0;
	s0 =	simm.s32 @!p2 $0x0  }
0x16: {  	s3 =	sld [smem:$0x3FDB];
	s0 =	simm.s32 @p2 $0x1  }
0x17: {  	s4 =	simm.s32 $0x1BF5;
	[smem:$0x3FAF] =	sst s0  }
0x18: {  	s0 =	sld [smem:$0x3F92];
	_ =	swait.ge [sflag:s4], $0x0  }
0x19: {  	s7 =	sld [smem:$0x3F93]  }
0x1a: {  	s8 =	sadd.s32 $0xFFFFE003, lr  }
0x1b: {  	s9 =	sadd.s32 $0xFFFFFEF7, lr;
	s5 =	simm.s32 $0xFFFFFFFF;
	p2 =	slt.u32 s8, $0xFFFFF086  }
0x1c: {  	p1 =	slt.u32 s9, $0xF7A;
	s5 =	simm.s32 @!p2 $0x0  }
0x1d: {  	s5 =	simm.s32 @p1 $0x1;
	p0 =	seq.s32 s7, s2  }
0x1e: {  	s7 =	smul.u32 @!p0 $0xF7A, s2;
	p2 =	seq.s32 @!p0 s5, $0x0  }
0x1f: {  	s9 =	smul.u32 $0xF7A, s1;
	s8 =	simm.s32 @!p0 $0x1BF5;
	p2 =	por !p2, p0  }
0x20: {  	[sflag:s8] =	ssyncset.s32 @!p0 $0xFFFFF086;
	s6 =	sadd.s32 @!p0 s3, s7;
	s7 =	simm.s32 @!p0 $0x108  }
0x21: {  	s3 =	sadd.s32 s3, s9;
	s6 =	sadd.s32 @!p0 $0x88, s6;
	s7 =	simm.s32 @p2 $0x1082  }
0x22: {  	[simem:s7], [sflag:s8] =	dma.local @!p0 [hbm:s6], $0xF7A  }
0x23: {  	s9 =	sor.u32 $0xD0000000, s2;
	s6 =	simm.s32 $0x108;
	_ =	swait.ge @!p0 [sflag:s8], $0x0  }
0x24: {  	s3 =	sadd.s32 $0x88, s3;
	s6 =	simm.s32 @!p1 $0x1082;
	[sflag:s4] =	ssyncset.s32 $0xFFFFF086  }
0x25: {  	[simem:s6], [sflag:s4] =	dma.local [hbm:s3], $0xF7A  }
0x26: {  	[smem:$0x3F93] =	sst s1;
	(tag) =	ssettag s2;
	_ =	strace s9  }
0x27: {  	s1 =	sld [smem:$0x3FA3]  }
0x28: {  	s2 =	sld [smem:$0x3FA4]  }
0x29: {  	s4 =	sld [smem:$0x3FA6]  }
0x2a: {  	p0 =	seq.s32 s5, $0x0;
	s5 =	sld [smem:$0x3FA7]  }
0x2b: {  	s6 =	sld [smem:$0x3FA8]  }
0x2c: {  	s7 =	sld [smem:$0x3FA9]  }
0x2d: {  	s3 =	simm.s32 $0x108;
	s8 =	sld [smem:$0x3FAA]  }
0x2e: {  	s3 =	simm.s32 @!p0 $0x1082;
	s9 =	sld [smem:$0x3FAB]  }
0x2f: {  	lr =	sadd.s32 s0, s3;
	s0 =	sld [smem:$0x3FA2]  }
0x30: {  	s3 =	sld [smem:$0x3FA5]  }
0x31: {  	[smem:$0x3FAE] =	sst s10  }
0x32: {  	s10 =	sld [smem:$0x3FAC];
	_ =	sdelay $0x3  }
0x33: {  	p0 =	seq.s32 s10, $0x1;
	s10 =	sld [smem:$0x3FAE];
	_ =	sdelay $0x3  }
0x34: {  	[smem:$0x3FAE] =	sst s10  }
0x35: {  	s10 =	sld [smem:$0x3FAD];
	_ =	sdelay $0x3  }
0x36: {  	p1 =	seq.s32 s10, $0x1;
	s10 =	sld [smem:$0x3FAE];
	_ =	sdelay $0x3  }
0x37: {  	[smem:$0x3FAE] =	sst s10  }
0x38: {  	s10 =	sld [smem:$0x3FAF]  }
0x39: {  	_ = 	snop;
	(pc) =	sbr.ind lr, $3  }
0x3a: {  	_ = 	snop  }
0x3b: {  	_ = 	snop  }
0x3c: {  	p2 =	seq.s32 s10, $0x1;
	s10 =	sld [smem:$0x3FAE]  }
0x3d: {  	_ =	shalt  }
0x3e: {  	_ =	shalt  }
0x3f: {  	_ =	shalt  }
0x40: {  	_ =	shalt  }
0x41: {  	_ =	shalt  }
0x42: {  	_ =	shalt  }
0x43: {  	_ =	shalt  }
0x44: {  	_ =	shalt  }
0x45: {  	_ =	shalt  }
0x46: {  	_ =	shalt  }
0x47: {  	_ =	shalt  }
0x48: {  	_ =	shalt  }
0x49: {  	_ =	shalt  }
0x4a: {  	_ =	shalt  }
0x4b: {  	_ =	shalt  }
0x4c: {  	_ =	shalt  }
0x4d: {  	_ =	shalt  }
0x4e: {  	_ =	shalt  }
0x4f: {  	_ =	shalt  }
0x50: {  	_ =	shalt  }
0x51: {  	_ =	shalt  }
0x52: {  	_ =	shalt  }
0x53: {  	_ =	shalt  }
0x54: {  	_ =	shalt  }
0x55: {  	_ =	shalt  }
0x56: {  	_ =	shalt  }
0x57: {  	_ =	shalt  }
0x58: {  	_ =	shalt  }
0x59: {  	_ =	shalt  }
0x5a: {  	_ =	shalt  }
0x5b: {  	_ =	shalt  }
0x5c: {  	_ =	shalt  }
0x5d: {  	_ =	shalt  }
0x5e: {  	_ =	shalt  }
0x5f: {  	_ =	shalt  }
0x60: {  	_ =	shalt  }
0x61: {  	_ =	shalt  }
0x62: {  	_ =	shalt  }
0x63: {  	_ =	shalt  }
0x64: {  	_ =	shalt  }
0x65: {  	_ =	shalt  }
0x66: {  	_ =	shalt  }
0x67: {  	_ =	shalt  }
0x68: {  	_ =	shalt  }
0x69: {  	_ =	shalt  }
0x6a: {  	_ =	shalt  }
0x6b: {  	_ =	shalt  }
0x6c: {  	_ =	shalt  }
0x6d: {  	_ =	shalt  }
0x6e: {  	_ =	shalt  }
0x6f: {  	_ =	shalt  }
0x70: {  	_ =	shalt  }
0x71: {  	_ =	shalt  }
0x72: {  	_ =	shalt  }
0x73: {  	_ =	shalt  }
0x74: {  	_ =	shalt  }
0x75: {  	_ =	shalt  }
0x76: {  	_ =	shalt  }
0x77: {  	_ =	shalt  }
0x78: {  	_ =	shalt  }
0x79: {  	_ =	shalt  }
0x7a: {  	_ =	shalt  }
0x7b: {  	_ =	shalt  }
0x7c: {  	_ =	shalt  }
0x7d: {  	_ =	shalt  }
0x7e: {  	_ =	shalt  }
0x7f: {  	_ =	shalt  }
0x80: {  	_ =	shalt  }
0x81: {  	_ =	shalt  }
0x82: {  	_ =	shalt  }
0x83: {  	_ =	shalt  }
0x84: {  	_ =	shalt  }
0x85: {  	_ =	shalt  }
0x86: {  	_ =	shalt  }
0x87: {  	_ =	shalt  }
.Lfunc_end0:
.L_simem_size_0:
called_computation_lowered:
.L_overlay_start_0:
0x88: {  	s2 =	sld [smem:$0x3FD9]  }
0x89: {  	s3 =	sld [smem:$0x3FFE];
	_ =	sdelay $0x1  }
0x8a: {  	s1 =	srdreg.scid  }
0x8b: {  	s0 =	sand.u32 $0x1, s1  }
0x8c: {  	s16 =	sshll.u32 s0, $0xA;
	s2 =	sadd.s32 s3, s2  }
0x8d: {  	s2 =	sadd.s32 s2, s16  }
0x8e: {  	[smem:$0x3FBA] =	sst s2  }
0x8f: {  	_ = 	snop  }
0x90: {  	(tm) =	ssettm $0x1  }
0x91: {  	s17 =	sld [smem:$0x3FFB];
	_ =	sdelay $0x3  }
0x92: {  	_ =	strace s17  }
0x93: {  	s2 =	sld [smem:$0x3FFC];
	_ =	sdelay $0x3  }
0x94: {  	_ =	strace s2  }
0x95: {  	s2 =	sld [smem:$0x3FFD];
	_ =	sdelay $0x3  }
0x96: {  	_ =	strace s2  }
0x97: {  	_ =	strace $0x8FFFFFFF  }
0x98: {  	s18 =	sld [smem:$0x3FDB];
	_ =	sdelay $0x1  }
0x99: {  	s19 =	simm.s32 $_scs_section_size  }
0x9a: {  	s4 =	simm.s32 $_size__tile_overlayer_lowered;
	s5 =	simm.s32 $_tile_overlayer_lowered  }
0x9b: {  	s22 =	simm.s32 $0x1BFF;
	s21 =	sshll.u32 s5, $0x1;
	s2 =	sadd.s32 s19, s18  }
0x9c: {  	s6 =	simm.s32 $0x0;
	s20 =	sshll.u32 s4, $0x1;
	s4 =	sadd.s32 s21, s2  }
0x9d: {  	[timem:s6], [sflag:s22] =	dma.local [hbm:s4], s20  }
0x9e: {  	_ =	swait.ge [sflag:s22], s20  }
0x9f: {  	s3 =	ssub.s32 $0x0, s20;
	[sflag:s22] =	ssyncset.done $0x0  }
0xa0: {  	[sflag:s22] =	ssyncadd.s32 s3;
	_ =	sdelay $0x1  }
0xa1: {  	s23 =	simm.s32 $0x1B8B  }
0xa2: {  	_ =	swait.ge [sflag:s23], $0x1  }
0xa3: {  	[sflag:s23] =	ssyncset.done $0x0  }
0xa4: {  	s25 =	simm.s32 $0x1B8E;
	s24 =	sld [smem:$0x3FFE];
	[sflag:s23] =	ssyncadd.s32 $0xFFFFFFFF  }
0xa5: {  	s26 =	simm.s32 $execute0_lowered;
	[smem:$0x3FD2] =	sst s25  }
0xa6: {  	s4 =	sshll.u32 s26, $0x1;
	_ =	strace $0x80000046;
	[dreg:$0x1] =	wrdreg $0xFFFFFFFF  }
0xa7: {  	s28 =	simm.s32 $_size_execute0_lowered;
	s2 =	sadd.s32 s2, s4;
	[dreg:$0x0] =	wrdreg $0x0  }
0xa8: {  	s4 =	sshll.u32 s28, $0x1;
	[dreg:$0x2] =	wrdreg s2  }
0xa9: {  	[dreg:$0x3] =	wrdreg s4  }
0xaa: {  	[dreg:$0x4] =	wrdreg $0xC0  }
0xab: {  	_ =	task [dreg:s6], $0x5FFFF  }
0xac: {  	[dreg:$0x1] =	wrdreg $0xFFFFFFFF  }
0xad: {  	[dreg:$0x0] =	wrdreg $0x60  }
0xae: {  	[dreg:$0x2] =	wrdreg s24  }
0xaf: {  	[dreg:$0x3] =	wrdreg $0x150000  }
0xb0: {  	[dreg:$0x4] =	wrdreg $0x9  }
0xb1: {  	_ =	task.clear_ibuf [dreg:s6], $0x5FFFF;
	_ =	strace $0x90000046  }
0xb2: {  	s29 =	simm.s32 $0x9;
	_ =	strace $0x80000048  }
0xb3: {  	_ =	swait.ge [sflag:s29], $0x1  }
0xb4: {  	[sflag:s29] =	ssyncadd.s32 $0xFFFFFFFF  }
0xb5: {  	_ =	strace $0x90000048  }
0xb6: {  	_ =	sfence  }
0xb7: {  	s30 =	sld [smem:$0x0];
	_ =	sdelay $0x2  }
0xb8: {  	s31 =	sshll.u32 s1, $0xD;
	s1 =	sshrl.u32 s1, $0x2  }
0xb9: {  	s3 =	sand.u32 $0x4000, s31;
	s1 =	sadd.s32 s1, s30  }
0xba: {  	s0 =	sor.u32 s3, s0;
	s1 =	sshll.u32 s1, $0x11  }
0xbb: {  	s0 =	sor.u32 s1, s0  }
0xbc: {  	s0 =	sadd.s32 $0x8F2B, s0  }
0xbd: {  	[sflag:s0] =	ssyncadd.remote.s32 $0x1  }
0xbe: {  	_ =	sfence.sel $0xFFFF  }
0xbf: {  	[dreg:$0x0] =	wrdreg $0xFFFFFFFF;
	(pc) =	sbr.abs _section_cstart, $3  }
0xc0: {  	[dreg:$0x1] =	wrdreg $0xFFFFFFFF  }
0xc1: {  	_ =	task.clear_ibuf [dreg:s6], $0x2FFFF;
	_ =	strace $0x9FFFFFFF  }
0xc2: {  	(tm) =	ssettm $0x7FFFFFFF  }
0xc3: {  	_ =	shalt  }
tec
execute0_lowered:
.L_overlay_start_1:
0x0: {  	(tag) =	ssettag $0x1  }
0x1: {  	s0 =	rddreg [dreg:$0x0]  }
0x2: {  	s1 =	rddreg [dreg:$0x1]  }
0x3: {  	s3 =	srdreg.scid;
	s2 =	simm.s32 $0x0;
	s12 =	stileid.u32  }
0x4: {  	s15 =	simm.s32 $0x5000;
	s16 =	simm.s32 $0x5;
	s17 =	simm.s32 $0x2800  }
0x5: {  	s18 =	simm.s32 $0x80;
	s19 =	simm.s32 $0x7000;
	s20 =	smul.u32 $0x28000, s12  }
0x6: {  	s28 =	simm.s32 $0xD000;
	s29 =	simm.s32 $0xF000;
	s7 =	smul.u32 $0xA00, s12  }
0x7: {  	s30 =	simm.s32 $0x11000;
	s31 =	simm.s32 $0x13000;
	s11 =	smul.u32 $0x5000, s12  }
0x8: {  	s3 =	sand.u32 $0x1, s3;
	[smem:$0x7FF] =	sst s2;
	s23 =	smul.u32 $0xA000, s12  }
0x9: {  	s8 =	sadd.s32 $0x29000, s0;
	s9 =	sadd.s32 $0x33000, s0;
	s4 =	smul.u32 $0x13880, s3  }
0xa: {  	s5 =	smul.u32 $0x14000, s3;
	_ =	strace $0x80000047;
	s3 =	ssub.s32 $0x2, s3  }
0xb: {  	s10 =	sshrl.u32 s3, $0x1;
	s21 =	sadd.s32 s8, s7;
	s22 =	sshrl.u32 s11, $0x3  }
0xc: {  	s7 =	sadd.s32 s9, s7;
	s25 =	sshrl.u32 s23, $0x3;
	s26 =	sadd.s32 s23, s1  }
0xd: {  	s6 =	sadd.s32 s4, s0;
	s0 =	sadd.s32 s5, s0;
	[dreg:$0x3] =	wrdreg s21  }
0xe: {  	s3 =	ssub.s32 s3, s10;
	s4 =	sshrl.u32 s20, $0x2;
	[dreg:$0x4] =	wrdreg s7  }
0xf: {  	s5 =	sadd.s32 $0x500, s22;
	s20 =	simm.s32 $0x100;
	s21 =	simm.s32 $0x9000  }
0x10: {  	s22 =	simm.s32 $0x180;
	s4 =	sadd.s32 s4, s1;
	s7 =	sadd.s32 $0x1E00, s6  }
0x11: {  	s24 =	sadd.s32 s8, s5;
	s5 =	sadd.s32 s9, s5;
	s0 =	sadd.s32 $0x3D000, s0  }
.Ltmp0:
0x12: {  	s10 =	smax.u32 s3, $0x1;
	[dreg:$0x5] =	wrdreg s24;
	(pc) =	sbr.rel .LBB2_1-.Ltmp0, $4  }
0x13: {  	s3 =	simm.s32 $0x3;
	[dreg:$0x6] =	wrdreg s5;
	s11 =	sadd.s32 $0x2000, s4  }
0x14: {  	s12 =	sadd.s32 $0x4000, s4;
	s13 =	sadd.s32 $0x6000, s4;
	s14 =	sadd.s32 $0x8000, s4  }
0x15: {  	s23 =	sadd.s32 s25, s0;
	s24 =	simm.s32 $0xB000;
	s25 =	sshrl.u32 s26, $0x3  }
0x16: {  	v0 =	vimm.f32 $0.0e+00;
	s26 =	simm.s32 $0x1;
	s0 =	simm.s32 $0x2;
	s5 =	simm.s32 $0x4  }
.LBB2_9:
0x17: {  	_ =	swait.ge [sflag:s5], $0x2000  }
0x18: {  	[sflag:s5] =	ssyncset.done $0x0  }
0x19: {  	[sflag:s5] =	ssyncadd.s32 $0xFFFFE000  }
0x1a: {  	_ =	swait.ge [sflag:s5], $0x2000  }
0x1b: {  	[sflag:s5] =	ssyncset.done $0x0  }
0x1c: {  	[sflag:s5] =	ssyncadd.s32 $0xFFFFE000  }
0x1d: {  	_ =	swait.ge [sflag:s5], $0x2000  }
0x1e: {  	[sflag:s5] =	ssyncset.done $0x0  }
0x1f: {  	[sflag:s5] =	ssyncadd.s32 $0xFFFFE000  }
0x20: {  	_ =	swait.ge [sflag:s5], $0x2000  }
0x21: {  	s6 =	stileid.u32;
	s2 =	sadd.s32 $0x1, s2;
	[sflag:s5] =	ssyncset.done $0x0  }
0x22: {  	s6 =	sshll.u32 s6, $0x6;
	p0 =	sne.s32 s2, s10;
	[sflag:s5] =	ssyncadd.s32 $0xFFFFE000  }
.Ltmp1:
0x23: {  	s6 =	sor.u32 $0x1C05, s6;
	[bflag:$0x0] =	sbarrier.arrive $0xFFFF;
	(pc) =	sbr.rel @!p0 .LBB2_10-.Ltmp1, $4  }
0x24: {  	[hbm:s23], [sflag:s6] =	dma.local [spmem:s25], $0x1400  }
0x25: {  	_ =	swait.ge [sflag:s16], $0x1400  }
0x26: {  	[sflag:s16] =	ssyncset.done $0x0  }
0x27: {  	[sflag:s16] =	ssyncadd.s32 $0xFFFFEC00  }
.LBB2_1:
0x28: {  	s8 =	simm.s32 $0x100;
	s6 =	simm.s32 $0x0  }
.LBB2_2:
0x29: {  	p0 =	sne.s32 s8, $0x7F00;
	[tilespmem:s6+$0x5030] =	vst v0;
	s9 =	smov.u32 s8;
	s8 =	sadd.s32 $0x100, s8  }
.Ltmp2:
0x2a: {  	[tilespmem:s6+$0x5020] =	vst v0;
	(pc) =	sbr.rel @p0 .LBB2_2-.Ltmp2, $3  }
0x2b: {  	[tilespmem:s6+$0x5000] =	vst v0  }
0x2c: {  	[tilespmem:s6+$0x5010] =	vst v0;
	_ =	sdelay $0x1  }
0x2d: {  	s6 =	sshra.s32 s9, $0x2  }
0x2e: {  	[tilespmem:s6+$0x5030] =	vst v0  }
0x2f: {  	[tilespmem:s6+$0x5020] =	vst v0  }
0x30: {  	[tilespmem:s6+$0x5000] =	vst v0  }
0x31: {  	[tilespmem:s6+$0x5010] =	vst v0  }
0x32: {  	[spmem:s4] =	stream.linear.scatter [tilespmem:s15], [sflag:$0x5], $0x2000, $0x38;
	[tilespmem:$0x1F000] =	vst v63  }
0x33: {  	_ =	swait.ge [sflag:s16], $0x2000  }
0x34: {  	[sflag:s16] =	ssyncset.done $0x0  }
0x35: {  	[sflag:s16] =	ssyncadd.s32 $0xFFFFE000  }
0x36: {  	[spmem:s11] =	stream.linear.scatter [tilespmem:s15], [sflag:$0x5], $0x2000, $0x38;
	[tilespmem:$0x1F000] =	vst v63  }
0x37: {  	_ =	swait.ge [sflag:s16], $0x2000  }
0x38: {  	[sflag:s16] =	ssyncset.done $0x0  }
0x39: {  	[sflag:s16] =	ssyncadd.s32 $0xFFFFE000  }
0x3a: {  	[spmem:s12] =	stream.linear.scatter [tilespmem:s15], [sflag:$0x5], $0x2000, $0x38;
	[tilespmem:$0x1F000] =	vst v63  }
0x3b: {  	_ =	swait.ge [sflag:s16], $0x2000  }
0x3c: {  	[sflag:s16] =	ssyncset.done $0x0  }
0x3d: {  	[sflag:s16] =	ssyncadd.s32 $0xFFFFE000  }
0x3e: {  	[spmem:s13] =	stream.linear.scatter [tilespmem:s15], [sflag:$0x5], $0x2000, $0x38;
	[tilespmem:$0x1F000] =	vst v63  }
0x3f: {  	_ =	swait.ge [sflag:s16], $0x2000  }
0x40: {  	[sflag:s16] =	ssyncset.done $0x0  }
0x41: {  	[sflag:s16] =	ssyncadd.s32 $0xFFFFE000  }
0x42: {  	[spmem:s14] =	stream.linear.scatter [tilespmem:s15], [sflag:$0x5], $0x2000, $0x38;
	[tilespmem:$0x1F000] =	vst v63  }
0x43: {  	_ =	swait.ge [sflag:s16], $0x2000  }
0x44: {  	[sflag:s16] =	ssyncset.done $0x0  }
0x45: {  	[sflag:s16] =	ssyncadd.s32 $0xFFFFE000  }
0x46: {  	[bflag:$0x0] =	sbarrier.arrive $0xFFFF  }
0x47: {  	s6 =	simm.s32 $0x0;
	s8 =	rddreg [dreg:$0x3]  }
0x48: {  	[tilespmem:s6], [sflag:$0x5] =	stream.linear.gather [hbm4b:s8+s6], $0x2800, $0x38;
	[tilespmem:$0x1F000] =	vst v63  }
0x49: {  	_ =	swait.ge [sflag:s16], $0x2800  }
0x4a: {  	[sflag:s16] =	ssyncset.done $0x0  }
0x4b: {  	s9 =	rddreg [dreg:$0x4];
	[sflag:s16] =	ssyncadd.s32 $0xFFFFD800  }
0x4c: {  	[tilespmem:s17], [sflag:$0x5] =	stream.linear.gather [hbm4b:s9+s6], $0x2800, $0x38;
	[tilespmem:$0x1F000] =	vst v63  }
0x4d: {  	_ =	swait.ge [sflag:s16], $0x2800  }
0x4e: {  	[sflag:s16] =	ssyncset.done $0x0  }
0x4f: {  	[sflag:s16] =	ssyncadd.s32 $0xFFFFD800  }
0x50: {  	[tilespmem:s15], [sflag:$0x1] =	stream.indirect.gather [hbm4b:s7+s18], $0x40, s6, s18, $0xb8;
	[tilespmem:$0x1F000] =	vst v63  }
0x51: {  	_ = 	snop  }
0x52: {  	[tilespmem:s19], [sflag:$0x1] =	stream.indirect.gather [hbm4b:s7+s18], $0x40, s18, s18, $0xb8;
	[tilespmem:$0x1F000] =	vst v63  }
0x53: {  	_ = 	snop  }
0x54: {  	[tilespmem:s21], [sflag:$0x1] =	stream.indirect.gather [hbm4b:s7+s18], $0x40, s20, s18, $0xb8;
	[tilespmem:$0x1F000] =	vst v63  }
0x55: {  	_ = 	snop  }
0x56: {  	[tilespmem:s24], [sflag:$0x1] =	stream.indirect.gather [hbm4b:s7+s18], $0x40, s22, s18, $0xb8;
	[tilespmem:$0x1F000] =	vst v63  }
.LBB2_4:
0x57: {  	_ =	swait.ge [sflag:s26], $0x2000  }
0x58: {  	[sflag:s26] =	ssyncset.done $0x0  }
0x59: {  	[sflag:s26] =	ssyncadd.s32 $0xFFFFE000  }
0x5a: {  	_ =	swait.ge [sflag:s26], $0x2000  }
0x5b: {  	[sflag:s26] =	ssyncset.done $0x0  }
0x5c: {  	[sflag:s26] =	ssyncadd.s32 $0xFFFFE000  }
0x5d: {  	_ =	swait.ge [sflag:s26], $0x2000  }
0x5e: {  	[sflag:s26] =	ssyncset.done $0x0  }
0x5f: {  	[sflag:s26] =	ssyncadd.s32 $0xFFFFE000  }
0x60: {  	_ =	swait.ge [sflag:s26], $0x2000  }
0x61: {  	s8 =	sshra.s32 s6, $0x2;
	[sflag:s26] =	ssyncset.done $0x0  }
0x62: {  	s9 =	sadd.s32 $0x2800, s8;
	[sflag:s26] =	ssyncadd.s32 $0xFFFFE000  }
0x63: {  	[spmem:s1] =	stream.indirect.scatter.add.f32 [tilespmem:s15], [sflag:$0x3], $0x40, s9, s18, $0xb8;
	[tilespmem:$0x1F000] =	vst v63  }
0x64: {  	s9 =	sadd.s32 $0x2880, s8  }
0x65: {  	[spmem:s1] =	stream.indirect.scatter.add.f32 [tilespmem:s19], [sflag:$0x3], $0x40, s9, s18, $0xb8;
	[tilespmem:$0x1F000] =	vst v63  }
0x66: {  	s9 =	sadd.s32 $0x2900, s8  }
0x67: {  	[spmem:s1] =	stream.indirect.scatter.add.f32 [tilespmem:s21], [sflag:$0x3], $0x40, s9, s18, $0xb8;
	[tilespmem:$0x1F000] =	vst v63  }
0x68: {  	p0 =	seq.s32 s6, $0x0;
	s9 =	sadd.s32 $0x2980, s8  }
0x69: {  	[spmem:s1] =	stream.indirect.scatter.add.f32 [tilespmem:s24], [sflag:$0x3], $0x40, s9, s18, $0xb8;
	[tilespmem:$0x1F000] =	vst v63  }
0x6a: {  	s9 =	simm.s32 @!p0 $0x4  }
0x6b: {  	_ =	swait.ge @!p0 [sflag:s9], $0x2000  }
0x6c: {  	[sflag:s9] =	ssyncset.done @!p0 $0x0  }
0x6d: {  	[sflag:s9] =	ssyncadd.s32 @!p0 $0xFFFFE000  }
0x6e: {  	_ =	swait.ge @!p0 [sflag:s9], $0x2000  }
0x6f: {  	[sflag:s9] =	ssyncset.done @!p0 $0x0  }
0x70: {  	[sflag:s9] =	ssyncadd.s32 @!p0 $0xFFFFE000  }
0x71: {  	_ =	swait.ge @!p0 [sflag:s9], $0x2000  }
0x72: {  	[sflag:s9] =	ssyncset.done @!p0 $0x0  }
0x73: {  	[sflag:s9] =	ssyncadd.s32 @!p0 $0xFFFFE000  }
0x74: {  	_ =	swait.ge @!p0 [sflag:s9], $0x2000  }
0x75: {  	[sflag:s9] =	ssyncset.done @!p0 $0x0  }
0x76: {  	[sflag:s9] =	ssyncadd.s32 @!p0 $0xFFFFE000;
	s9 =	sadd.s32 $0x200, s8  }
0x77: {  	[tilespmem:s28], [sflag:$0x2] =	stream.indirect.gather [hbm4b:s7+s18], $0x40, s9, s18, $0xb8;
	[tilespmem:$0x1F000] =	vst v63  }
0x78: {  	s9 =	sadd.s32 $0x280, s8  }
0x79: {  	[tilespmem:s29], [sflag:$0x2] =	stream.indirect.gather [hbm4b:s7+s18], $0x40, s9, s18, $0xb8;
	[tilespmem:$0x1F000] =	vst v63  }
0x7a: {  	s9 =	sadd.s32 $0x300, s8  }
0x7b: {  	[tilespmem:s30], [sflag:$0x2] =	stream.indirect.gather [hbm4b:s7+s18], $0x40, s9, s18, $0xb8;
	[tilespmem:$0x1F000] =	vst v63  }
0x7c: {  	s9 =	sadd.s32 $0x380, s8  }
0x7d: {  	[tilespmem:s31], [sflag:$0x2] =	stream.indirect.gather [hbm4b:s7+s18], $0x40, s9, s18, $0xb8;
	[tilespmem:$0x1F000] =	vst v63  }
0x7e: {  	_ =	swait.ge [sflag:s0], $0x2000  }
0x7f: {  	[sflag:s0] =	ssyncset.done $0x0  }
0x80: {  	[sflag:s0] =	ssyncadd.s32 $0xFFFFE000  }
0x81: {  	_ =	swait.ge [sflag:s0], $0x2000  }
0x82: {  	[sflag:s0] =	ssyncset.done $0x0  }
0x83: {  	[sflag:s0] =	ssyncadd.s32 $0xFFFFE000  }
0x84: {  	_ =	swait.ge [sflag:s0], $0x2000  }
0x85: {  	[sflag:s0] =	ssyncset.done $0x0  }
0x86: {  	[sflag:s0] =	ssyncadd.s32 $0xFFFFE000  }
0x87: {  	_ =	swait.ge [sflag:s0], $0x2000  }
0x88: {  	[sflag:s0] =	ssyncset.done $0x0  }
0x89: {  	s9 =	sadd.s32 $0x2A00, s8;
	[sflag:s0] =	ssyncadd.s32 $0xFFFFE000  }
0x8a: {  	[spmem:s1] =	stream.indirect.scatter.add.f32 [tilespmem:s28], [sflag:$0x4], $0x40, s9, s18, $0xb8;
	[tilespmem:$0x1F000] =	vst v63  }
0x8b: {  	s9 =	sadd.s32 $0x2A80, s8  }
0x8c: {  	[spmem:s1] =	stream.indirect.scatter.add.f32 [tilespmem:s29], [sflag:$0x4], $0x40, s9, s18, $0xb8;
	[tilespmem:$0x1F000] =	vst v63  }
0x8d: {  	s9 =	sadd.s32 $0x2B00, s8  }
0x8e: {  	[spmem:s1] =	stream.indirect.scatter.add.f32 [tilespmem:s30], [sflag:$0x4], $0x40, s9, s18, $0xb8;
	[tilespmem:$0x1F000] =	vst v63  }
0x8f: {  	s9 =	sadd.s32 $0x2B80, s8  }
0x90: {  	[spmem:s1] =	stream.indirect.scatter.add.f32 [tilespmem:s31], [sflag:$0x4], $0x40, s9, s18, $0xb8;
	[tilespmem:$0x1F000] =	vst v63  }
0x91: {  	_ =	swait.ge [sflag:s3], $0x2000  }
0x92: {  	[sflag:s3] =	ssyncset.done $0x0  }
0x93: {  	[sflag:s3] =	ssyncadd.s32 $0xFFFFE000  }
0x94: {  	_ =	swait.ge [sflag:s3], $0x2000  }
0x95: {  	[sflag:s3] =	ssyncset.done $0x0  }
0x96: {  	[sflag:s3] =	ssyncadd.s32 $0xFFFFE000  }
0x97: {  	p0 =	seq.s32 s6, $0x9000;
	_ =	swait.ge [sflag:s3], $0x2000  }
.Ltmp3:
0x98: {  	[sflag:s3] =	ssyncset.done $0x0;
	(pc) =	sbr.rel @p0 .LBB2_6-.Ltmp3, $4  }
0x99: {  	[sflag:s3] =	ssyncadd.s32 $0xFFFFE000  }
0x9a: {  	_ =	swait.ge [sflag:s3], $0x2000  }
0x9b: {  	[sflag:s3] =	ssyncset.done $0x0  }
0x9c: {  	[sflag:s3] =	ssyncadd.s32 $0xFFFFE000  }
0x9d: {  	s9 =	sadd.s32 $0x400, s8  }
0x9e: {  	[tilespmem:s15], [sflag:$0x1] =	stream.indirect.gather [hbm4b:s7+s18], $0x40, s9, s18, $0xb8;
	[tilespmem:$0x1F000] =	vst v63  }
0x9f: {  	s9 =	sadd.s32 $0x480, s8  }
0xa0: {  	[tilespmem:s19], [sflag:$0x1] =	stream.indirect.gather [hbm4b:s7+s18], $0x40, s9, s18, $0xb8;
	[tilespmem:$0x1F000] =	vst v63  }
.Ltmp4:
0xa1: {  	_ = 	snop;
	(pc) =	sbr.rel .LBB2_4-.Ltmp4, $4  }
0xa2: {  	s9 =	sadd.s32 $0x500, s8  }
0xa3: {  	[tilespmem:s21], [sflag:$0x1] =	stream.indirect.gather [hbm4b:s7+s18], $0x40, s9, s18, $0xb8;
	[tilespmem:$0x1F000] =	vst v63  }
0xa4: {  	s6 =	sadd.s32 $0x1000, s6;
	s9 =	sadd.s32 $0x580, s8  }
0xa5: {  	[tilespmem:s24], [sflag:$0x1] =	stream.indirect.gather [hbm4b:s7+s18], $0x40, s9, s18, $0xb8;
	[tilespmem:$0x1F000] =	vst v63  }
.LBB2_6:
0xa6: {  	_ =	swait.ge [sflag:s5], $0x2000  }
0xa7: {  	[sflag:s5] =	ssyncset.done $0x0  }
0xa8: {  	[sflag:s5] =	ssyncadd.s32 $0xFFFFE000  }
0xa9: {  	_ =	swait.ge [sflag:s5], $0x2000  }
0xaa: {  	[sflag:s5] =	ssyncset.done $0x0  }
0xab: {  	[sflag:s5] =	ssyncadd.s32 $0xFFFFE000  }
0xac: {  	_ =	swait.ge [sflag:s5], $0x2000  }
0xad: {  	[sflag:s5] =	ssyncset.done $0x0  }
0xae: {  	[sflag:s5] =	ssyncadd.s32 $0xFFFFE000  }
0xaf: {  	_ =	swait.ge [sflag:s5], $0x2000  }
0xb0: {  	[sflag:s5] =	ssyncset.done $0x0  }
0xb1: {  	s6 =	simm.s32 $0x0;
	s8 =	rddreg [dreg:$0x5];
	[sflag:s5] =	ssyncadd.s32 $0xFFFFE000  }
0xb2: {  	[tilespmem:s6], [sflag:$0x5] =	stream.linear.gather [hbm4b:s8+s6], $0x2800, $0x38;
	[tilespmem:$0x1F000] =	vst v63  }
0xb3: {  	_ =	swait.ge [sflag:s16], $0x2800  }
0xb4: {  	[sflag:s16] =	ssyncset.done $0x0  }
0xb5: {  	s9 =	rddreg [dreg:$0x6];
	[sflag:s16] =	ssyncadd.s32 $0xFFFFD800  }
0xb6: {  	[tilespmem:s17], [sflag:$0x5] =	stream.linear.gather [hbm4b:s9+s6], $0x2800, $0x38;
	[tilespmem:$0x1F000] =	vst v63  }
0xb7: {  	_ =	swait.ge [sflag:s16], $0x2800  }
0xb8: {  	[sflag:s16] =	ssyncset.done $0x0  }
0xb9: {  	[sflag:s16] =	ssyncadd.s32 $0xFFFFD800  }
0xba: {  	[tilespmem:s15], [sflag:$0x1] =	stream.indirect.gather [hbm4b:s7+s18], $0x40, s6, s18, $0xb8;
	[tilespmem:$0x1F000] =	vst v63  }
0xbb: {  	_ = 	snop  }
0xbc: {  	[tilespmem:s19], [sflag:$0x1] =	stream.indirect.gather [hbm4b:s7+s18], $0x40, s18, s18, $0xb8;
	[tilespmem:$0x1F000] =	vst v63  }
0xbd: {  	_ = 	snop  }
0xbe: {  	[tilespmem:s21], [sflag:$0x1] =	stream.indirect.gather [hbm4b:s7+s18], $0x40, s20, s18, $0xb8;
	[tilespmem:$0x1F000] =	vst v63  }
0xbf: {  	_ = 	snop  }
0xc0: {  	[tilespmem:s24], [sflag:$0x1] =	stream.indirect.gather [hbm4b:s7+s18], $0x40, s22, s18, $0xb8;
	[tilespmem:$0x1F000] =	vst v63  }
.LBB2_7:
0xc1: {  	_ =	swait.ge [sflag:s26], $0x2000  }
0xc2: {  	[sflag:s26] =	ssyncset.done $0x0  }
0xc3: {  	[sflag:s26] =	ssyncadd.s32 $0xFFFFE000  }
0xc4: {  	_ =	swait.ge [sflag:s26], $0x2000  }
0xc5: {  	[sflag:s26] =	ssyncset.done $0x0  }
0xc6: {  	[sflag:s26] =	ssyncadd.s32 $0xFFFFE000  }
0xc7: {  	_ =	swait.ge [sflag:s26], $0x2000  }
0xc8: {  	[sflag:s26] =	ssyncset.done $0x0  }
0xc9: {  	[sflag:s26] =	ssyncadd.s32 $0xFFFFE000  }
0xca: {  	_ =	swait.ge [sflag:s26], $0x2000  }
0xcb: {  	s8 =	sshra.s32 s6, $0x2;
	[sflag:s26] =	ssyncset.done $0x0  }
0xcc: {  	s9 =	sadd.s32 $0x2800, s8;
	[sflag:s26] =	ssyncadd.s32 $0xFFFFE000  }
0xcd: {  	[spmem:s1] =	stream.indirect.scatter.add.f32 [tilespmem:s15], [sflag:$0x3], $0x40, s9, s18, $0xb8;
	[tilespmem:$0x1F000] =	vst v63  }
0xce: {  	s9 =	sadd.s32 $0x2880, s8  }
0xcf: {  	[spmem:s1] =	stream.indirect.scatter.add.f32 [tilespmem:s19], [sflag:$0x3], $0x40, s9, s18, $0xb8;
	[tilespmem:$0x1F000] =	vst v63  }
0xd0: {  	s9 =	sadd.s32 $0x2900, s8  }
0xd1: {  	[spmem:s1] =	stream.indirect.scatter.add.f32 [tilespmem:s21], [sflag:$0x3], $0x40, s9, s18, $0xb8;
	[tilespmem:$0x1F000] =	vst v63  }
0xd2: {  	p0 =	seq.s32 s6, $0x0;
	s9 =	sadd.s32 $0x2980, s8  }
0xd3: {  	[spmem:s1] =	stream.indirect.scatter.add.f32 [tilespmem:s24], [sflag:$0x3], $0x40, s9, s18, $0xb8;
	[tilespmem:$0x1F000] =	vst v63  }
0xd4: {  	s9 =	simm.s32 @!p0 $0x4  }
0xd5: {  	_ =	swait.ge @!p0 [sflag:s9], $0x2000  }
0xd6: {  	[sflag:s9] =	ssyncset.done @!p0 $0x0  }
0xd7: {  	[sflag:s9] =	ssyncadd.s32 @!p0 $0xFFFFE000  }
0xd8: {  	_ =	swait.ge @!p0 [sflag:s9], $0x2000  }
0xd9: {  	[sflag:s9] =	ssyncset.done @!p0 $0x0  }
0xda: {  	[sflag:s9] =	ssyncadd.s32 @!p0 $0xFFFFE000  }
0xdb: {  	_ =	swait.ge @!p0 [sflag:s9], $0x2000  }
0xdc: {  	[sflag:s9] =	ssyncset.done @!p0 $0x0  }
0xdd: {  	[sflag:s9] =	ssyncadd.s32 @!p0 $0xFFFFE000  }
0xde: {  	_ =	swait.ge @!p0 [sflag:s9], $0x2000  }
0xdf: {  	[sflag:s9] =	ssyncset.done @!p0 $0x0  }
0xe0: {  	[sflag:s9] =	ssyncadd.s32 @!p0 $0xFFFFE000;
	s9 =	sadd.s32 $0x200, s8  }
0xe1: {  	[tilespmem:s28], [sflag:$0x2] =	stream.indirect.gather [hbm4b:s7+s18], $0x40, s9, s18, $0xb8;
	[tilespmem:$0x1F000] =	vst v63  }
0xe2: {  	s9 =	sadd.s32 $0x280, s8  }
0xe3: {  	[tilespmem:s29], [sflag:$0x2] =	stream.indirect.gather [hbm4b:s7+s18], $0x40, s9, s18, $0xb8;
	[tilespmem:$0x1F000] =	vst v63  }
0xe4: {  	s9 =	sadd.s32 $0x300, s8  }
0xe5: {  	[tilespmem:s30], [sflag:$0x2] =	stream.indirect.gather [hbm4b:s7+s18], $0x40, s9, s18, $0xb8;
	[tilespmem:$0x1F000] =	vst v63  }
0xe6: {  	s9 =	sadd.s32 $0x380, s8  }
0xe7: {  	[tilespmem:s31], [sflag:$0x2] =	stream.indirect.gather [hbm4b:s7+s18], $0x40, s9, s18, $0xb8;
	[tilespmem:$0x1F000] =	vst v63  }
0xe8: {  	_ =	swait.ge [sflag:s0], $0x2000  }
0xe9: {  	[sflag:s0] =	ssyncset.done $0x0  }
0xea: {  	[sflag:s0] =	ssyncadd.s32 $0xFFFFE000  }
0xeb: {  	_ =	swait.ge [sflag:s0], $0x2000  }
0xec: {  	[sflag:s0] =	ssyncset.done $0x0  }
0xed: {  	[sflag:s0] =	ssyncadd.s32 $0xFFFFE000  }
0xee: {  	_ =	swait.ge [sflag:s0], $0x2000  }
0xef: {  	[sflag:s0] =	ssyncset.done $0x0  }
0xf0: {  	[sflag:s0] =	ssyncadd.s32 $0xFFFFE000  }
0xf1: {  	_ =	swait.ge [sflag:s0], $0x2000  }
0xf2: {  	[sflag:s0] =	ssyncset.done $0x0  }
0xf3: {  	s9 =	sadd.s32 $0x2A00, s8;
	[sflag:s0] =	ssyncadd.s32 $0xFFFFE000  }
0xf4: {  	[spmem:s1] =	stream.indirect.scatter.add.f32 [tilespmem:s28], [sflag:$0x4], $0x40, s9, s18, $0xb8;
	[tilespmem:$0x1F000] =	vst v63  }
0xf5: {  	s9 =	sadd.s32 $0x2A80, s8  }
0xf6: {  	[spmem:s1] =	stream.indirect.scatter.add.f32 [tilespmem:s29], [sflag:$0x4], $0x40, s9, s18, $0xb8;
	[tilespmem:$0x1F000] =	vst v63  }
0xf7: {  	s9 =	sadd.s32 $0x2B00, s8  }
0xf8: {  	[spmem:s1] =	stream.indirect.scatter.add.f32 [tilespmem:s30], [sflag:$0x4], $0x40, s9, s18, $0xb8;
	[tilespmem:$0x1F000] =	vst v63  }
0xf9: {  	s9 =	sadd.s32 $0x2B80, s8  }
0xfa: {  	[spmem:s1] =	stream.indirect.scatter.add.f32 [tilespmem:s31], [sflag:$0x4], $0x40, s9, s18, $0xb8;
	[tilespmem:$0x1F000] =	vst v63  }
0xfb: {  	_ =	swait.ge [sflag:s3], $0x2000  }
0xfc: {  	[sflag:s3] =	ssyncset.done $0x0  }
0xfd: {  	[sflag:s3] =	ssyncadd.s32 $0xFFFFE000  }
0xfe: {  	_ =	swait.ge [sflag:s3], $0x2000  }
0xff: {  	[sflag:s3] =	ssyncset.done $0x0  }
0x100: {  	[sflag:s3] =	ssyncadd.s32 $0xFFFFE000  }
0x101: {  	p0 =	seq.s32 s6, $0x9000;
	_ =	swait.ge [sflag:s3], $0x2000  }
.Ltmp5:
0x102: {  	[sflag:s3] =	ssyncset.done $0x0;
	(pc) =	sbr.rel @p0 .LBB2_9-.Ltmp5, $4  }
0x103: {  	[sflag:s3] =	ssyncadd.s32 $0xFFFFE000  }
0x104: {  	_ =	swait.ge [sflag:s3], $0x2000  }
0x105: {  	[sflag:s3] =	ssyncset.done $0x0  }
0x106: {  	[sflag:s3] =	ssyncadd.s32 $0xFFFFE000  }
0x107: {  	s9 =	sadd.s32 $0x400, s8  }
0x108: {  	[tilespmem:s15], [sflag:$0x1] =	stream.indirect.gather [hbm4b:s7+s18], $0x40, s9, s18, $0xb8;
	[tilespmem:$0x1F000] =	vst v63  }
0x109: {  	s9 =	sadd.s32 $0x480, s8  }
0x10a: {  	[tilespmem:s19], [sflag:$0x1] =	stream.indirect.gather [hbm4b:s7+s18], $0x40, s9, s18, $0xb8;
	[tilespmem:$0x1F000] =	vst v63  }
.Ltmp6:
0x10b: {  	_ = 	snop;
	(pc) =	sbr.rel .LBB2_7-.Ltmp6, $4  }
0x10c: {  	s9 =	sadd.s32 $0x500, s8  }
0x10d: {  	[tilespmem:s21], [sflag:$0x1] =	stream.indirect.gather [hbm4b:s7+s18], $0x40, s9, s18, $0xb8;
	[tilespmem:$0x1F000] =	vst v63  }
0x10e: {  	s6 =	sadd.s32 $0x1000, s6;
	s9 =	sadd.s32 $0x580, s8  }
0x10f: {  	[tilespmem:s24], [sflag:$0x1] =	stream.indirect.gather [hbm4b:s7+s18], $0x40, s9, s18, $0xb8;
	[tilespmem:$0x1F000] =	vst v63  }
.LBB2_10:
0x110: {  	_ =	sfence.sel $0x180000  }
0x111: {  	[bflag:$0x0] =	sbarrier.arrive $0xFFFF  }
0x112: {  	_ =	strace $0x90000047  }
0x113: {  	s0 =	stileid.u32;
	[bflag:$0x2] =	sbarrier.arrive $0xFFFF  }
0x114: {  	p0 =	sne.s32 s0, $0x0;
	s0 =	rddreg [dreg:$0x2]  }
0x115: {  	s0 =	sadd.s32 @!p0 $0x100000, s0  }
0x116: {  	[sflag:s0] =	ssyncadd.tile.s32 @!p0 $0x1;
	_ =	shalt  }
.Lfunc_end2:
_tile_overlayer_lowered:
.L_overlay_start_2:
0x117: {  	(tag) =	ssettag $0x2  }
0x118: {  	s0 =	rddreg [dreg:$0x0];
	s2 =	stileid.u32  }
0x119: {  	s1 =	rddreg [dreg:$0x1];
	p0 =	sne.s32 s2, $0x0  }
0x11a: {  	s3 =	rddreg [dreg:$0x2];
	[bflag:$0x3] =	sbarrier.arrive $0xFFFF;
	s2 =	simm.s32 @!p0 $0x1C05  }
0x11b: {  	[timem:s3], [sflag:s2] =	dma.local @!p0 [hbm:s0], s1  }
0x11c: {  	s0 =	simm.s32 @!p0 $0x5  }
0x11d: {  	_ =	swait.ge @!p0 [sflag:s0], s1  }
0x11e: {  	s1 =	ssub.s32 @!p0 $0x0, s1;
	[sflag:s0] =	ssyncset.done @!p0 $0x0  }
0x11f: {  	[sflag:s0] =	ssyncadd.s32 @!p0 s1  }
0x120: {  	[bflag:$0x3] =	sbarrier.arrive $0xFFFF  }
0x121: {  	_ =	shalt  }

// kernel: kernel.9.cloned.1.call-start
scs
__scs_entry_jumppad:
0x0: {  	(pc) =	sbr.rel $0x88, $3  }
0x1: {  	(tag) =	ssettag $0x0;
	lr =	simm.s32 $0x1  }
0x2: {  	[smem:$0x3F93] =	sst lr;
	_ =	strace $0xD0000000  }
0x3: {  	_ = 	snop  }
0x4: {  	_ = 	snop  }
0x5: {  	_ = 	snop  }
0x6: {  	_ = 	snop  }
0x7: {  	_ = 	snop  }
__scs_overlays_trampoline_lowered:
0x8: {  	[smem:$0x3FA2] =	sst s0  }
0x9: {  	[smem:$0x3FA3] =	sst s1  }
0xa: {  	[smem:$0x3FA4] =	sst s2  }
0xb: {  	[smem:$0x3FA5] =	sst s3  }
0xc: {  	[smem:$0x3FA6] =	sst s4  }
0xd: {  	[smem:$0x3FA7] =	sst s5  }
0xe: {  	[smem:$0x3FA8] =	sst s6  }
0xf: {  	[smem:$0x3FA9] =	sst s7  }
0x10: {  	[smem:$0x3FAA] =	sst s8  }
0x11: {  	[smem:$0x3FAB] =	sst s9;
	s0 =	simm.s32 @!p0 $0x0  }
0x12: {  	s1 =	sld [smem:$0x3F91];
	s0 =	simm.s32 @p0 $0x1  }
0x13: {  	[smem:$0x3FAC] =	sst s0;
	s0 =	simm.s32 @!p1 $0x0  }
0x14: {  	s2 =	sld [smem:$0x3F90];
	s0 =	simm.s32 @p1 $0x1  }
0x15: {  	[smem:$0x3FAD] =	sst s0;
	s0 =	simm.s32 @!p2 $0x0  }
0x16: {  	s3 =	sld [smem:$0x3FDB];
	s0 =	simm.s32 @p2 $0x1  }
0x17: {  	s4 =	simm.s32 $0x1BF5;
	[smem:$0x3FAF] =	sst s0  }
0x18: {  	s0 =	sld [smem:$0x3F92];
	_ =	swait.ge [sflag:s4], $0x0  }
0x19: {  	s7 =	sld [smem:$0x3F93]  }
0x1a: {  	s8 =	sadd.s32 $0xFFFFE003, lr  }
0x1b: {  	s9 =	sadd.s32 $0xFFFFFEF7, lr;
	s5 =	simm.s32 $0xFFFFFFFF;
	p2 =	slt.u32 s8, $0xFFFFF086  }
0x1c: {  	p1 =	slt.u32 s9, $0xF7A;
	s5 =	simm.s32 @!p2 $0x0  }
0x1d: {  	s5 =	simm.s32 @p1 $0x1;
	p0 =	seq.s32 s7, s2  }
0x1e: {  	s7 =	smul.u32 @!p0 $0xF7A, s2;
	p2 =	seq.s32 @!p0 s5, $0x0  }
0x1f: {  	s9 =	smul.u32 $0xF7A, s1;
	s8 =	simm.s32 @!p0 $0x1BF5;
	p2 =	por !p2, p0  }
0x20: {  	[sflag:s8] =	ssyncset.s32 @!p0 $0xFFFFF086;
	s6 =	sadd.s32 @!p0 s3, s7;
	s7 =	simm.s32 @!p0 $0x108  }
0x21: {  	s3 =	sadd.s32 s3, s9;
	s6 =	sadd.s32 @!p0 $0x88, s6;
	s7 =	simm.s32 @p2 $0x1082  }
0x22: {  	[simem:s7], [sflag:s8] =	dma.local @!p0 [hbm:s6], $0xF7A  }
0x23: {  	s9 =	sor.u32 $0xD0000000, s2;
	s6 =	simm.s32 $0x108;
	_ =	swait.ge @!p0 [sflag:s8], $0x0  }
0x24: {  	s3 =	sadd.s32 $0x88, s3;
	s6 =	simm.s32 @!p1 $0x1082;
	[sflag:s4] =	ssyncset.s32 $0xFFFFF086  }
0x25: {  	[simem:s6], [sflag:s4] =	dma.local [hbm:s3], $0xF7A  }
0x26: {  	[smem:$0x3F93] =	sst s1;
	(tag) =	ssettag s2;
	_ =	strace s9  }
0x27: {  	s1 =	sld [smem:$0x3FA3]  }
0x28: {  	s2 =	sld [smem:$0x3FA4]  }
0x29: {  	s4 =	sld [smem:$0x3FA6]  }
0x2a: {  	p0 =	seq.s32 s5, $0x0;
	s5 =	sld [smem:$0x3FA7]  }
0x2b: {  	s6 =	sld [smem:$0x3FA8]  }
0x2c: {  	s7 =	sld [smem:$0x3FA9]  }
0x2d: {  	s3 =	simm.s32 $0x108;
	s8 =	sld [smem:$0x3FAA]  }
0x2e: {  	s3 =	simm.s32 @!p0 $0x1082;
	s9 =	sld [smem:$0x3FAB]  }
0x2f: {  	lr =	sadd.s32 s0, s3;
	s0 =	sld [smem:$0x3FA2]  }
0x30: {  	s3 =	sld [smem:$0x3FA5]  }
0x31: {  	[smem:$0x3FAE] =	sst s10  }
0x32: {  	s10 =	sld [smem:$0x3FAC];
	_ =	sdelay $0x3  }
0x33: {  	p0 =	seq.s32 s10, $0x1;
	s10 =	sld [smem:$0x3FAE];
	_ =	sdelay $0x3  }
0x34: {  	[smem:$0x3FAE] =	sst s10  }
0x35: {  	s10 =	sld [smem:$0x3FAD];
	_ =	sdelay $0x3  }
0x36: {  	p1 =	seq.s32 s10, $0x1;
	s10 =	sld [smem:$0x3FAE];
	_ =	sdelay $0x3  }
0x37: {  	[smem:$0x3FAE] =	sst s10  }
0x38: {  	s10 =	sld [smem:$0x3FAF]  }
0x39: {  	_ = 	snop;
	(pc) =	sbr.ind lr, $3  }
0x3a: {  	_ = 	snop  }
0x3b: {  	_ = 	snop  }
0x3c: {  	p2 =	seq.s32 s10, $0x1;
	s10 =	sld [smem:$0x3FAE]  }
0x3d: {  	_ =	shalt  }
0x3e: {  	_ =	shalt  }
0x3f: {  	_ =	shalt  }
0x40: {  	_ =	shalt  }
0x41: {  	_ =	shalt  }
0x42: {  	_ =	shalt  }
0x43: {  	_ =	shalt  }
0x44: {  	_ =	shalt  }
0x45: {  	_ =	shalt  }
0x46: {  	_ =	shalt  }
0x47: {  	_ =	shalt  }
0x48: {  	_ =	shalt  }
0x49: {  	_ =	shalt  }
0x4a: {  	_ =	shalt  }
0x4b: {  	_ =	shalt  }
0x4c: {  	_ =	shalt  }
0x4d: {  	_ =	shalt  }
0x4e: {  	_ =	shalt  }
0x4f: {  	_ =	shalt  }
0x50: {  	_ =	shalt  }
0x51: {  	_ =	shalt  }
0x52: {  	_ =	shalt  }
0x53: {  	_ =	shalt  }
0x54: {  	_ =	shalt  }
0x55: {  	_ =	shalt  }
0x56: {  	_ =	shalt  }
0x57: {  	_ =	shalt  }
0x58: {  	_ =	shalt  }
0x59: {  	_ =	shalt  }
0x5a: {  	_ =	shalt  }
0x5b: {  	_ =	shalt  }
0x5c: {  	_ =	shalt  }
0x5d: {  	_ =	shalt  }
0x5e: {  	_ =	shalt  }
0x5f: {  	_ =	shalt  }
0x60: {  	_ =	shalt  }
0x61: {  	_ =	shalt  }
0x62: {  	_ =	shalt  }
0x63: {  	_ =	shalt  }
0x64: {  	_ =	shalt  }
0x65: {  	_ =	shalt  }
0x66: {  	_ =	shalt  }
0x67: {  	_ =	shalt  }
0x68: {  	_ =	shalt  }
0x69: {  	_ =	shalt  }
0x6a: {  	_ =	shalt  }
0x6b: {  	_ =	shalt  }
0x6c: {  	_ =	shalt  }
0x6d: {  	_ =	shalt  }
0x6e: {  	_ =	shalt  }
0x6f: {  	_ =	shalt  }
0x70: {  	_ =	shalt  }
0x71: {  	_ =	shalt  }
0x72: {  	_ =	shalt  }
0x73: {  	_ =	shalt  }
0x74: {  	_ =	shalt  }
0x75: {  	_ =	shalt  }
0x76: {  	_ =	shalt  }
0x77: {  	_ =	shalt  }
0x78: {  	_ =	shalt  }
0x79: {  	_ =	shalt  }
0x7a: {  	_ =	shalt  }
0x7b: {  	_ =	shalt  }
0x7c: {  	_ =	shalt  }
0x7d: {  	_ =	shalt  }
0x7e: {  	_ =	shalt  }
0x7f: {  	_ =	shalt  }
0x80: {  	_ =	shalt  }
0x81: {  	_ =	shalt  }
0x82: {  	_ =	shalt  }
0x83: {  	_ =	shalt  }
0x84: {  	_ =	shalt  }
0x85: {  	_ =	shalt  }
0x86: {  	_ =	shalt  }
0x87: {  	_ =	shalt  }
.Lfunc_end0:
.L_simem_size_0:
called_computation.1_lowered:
.L_overlay_start_0:
0x88: {  	s2 =	sld [smem:$0x3FD9]  }
0x89: {  	s3 =	sld [smem:$0x3FFE];
	_ =	sdelay $0x1  }
0x8a: {  	s1 =	srdreg.scid  }
0x8b: {  	s0 =	sand.u32 $0x1, s1  }
0x8c: {  	s17 =	sshll.u32 s0, $0xA;
	s2 =	sadd.s32 s3, s2  }
0x8d: {  	s2 =	sadd.s32 s2, s17  }
0x8e: {  	[smem:$0x3FBA] =	sst s2  }
0x8f: {  	_ = 	snop  }
0x90: {  	s2 =	sld [smem:$0x3FD0];
	(tm) =	ssettm $0x1  }
0x91: {  	s18 =	sld [smem:$0x3FFB];
	_ =	sdelay $0x3  }
0x92: {  	_ =	strace s18  }
0x93: {  	s3 =	sld [smem:$0x3FFC];
	_ =	sdelay $0x3  }
0x94: {  	_ =	strace s3  }
0x95: {  	s3 =	sld [smem:$0x3FFD];
	_ =	sdelay $0x3  }
0x96: {  	_ =	strace s3  }
0x97: {  	_ =	strace $0x8FFFFFFF  }
0x98: {  	s19 =	sld [smem:$0x3FDB];
	_ =	sdelay $0x1  }
0x99: {  	s4 =	simm.s32 $_scs_section_size  }
0x9a: {  	s5 =	simm.s32 $_size__tile_overlayer_lowered;
	s6 =	simm.s32 $_tile_overlayer_lowered  }
0x9b: {  	s22 =	simm.s32 $0x1BFF;
	s21 =	sshll.u32 s6, $0x1;
	s3 =	sadd.s32 s4, s19  }
0x9c: {  	s7 =	simm.s32 $0x0;
	s20 =	sshll.u32 s5, $0x1;
	s5 =	sadd.s32 s21, s3  }
0x9d: {  	[timem:s7], [sflag:s22] =	dma.local [hbm:s5], s20  }
0x9e: {  	_ =	swait.ge [sflag:s22], s20  }
0x9f: {  	s4 =	ssub.s32 $0x0, s20;
	[sflag:s22] =	ssyncset.done $0x0  }
0xa0: {  	[sflag:s22] =	ssyncadd.s32 s4;
	_ =	sdelay $0x1  }
0xa1: {  	s23 =	simm.s32 $0x1B8B  }
0xa2: {  	_ =	swait.ge [sflag:s23], $0x1  }
0xa3: {  	[sflag:s23] =	ssyncset.done $0x0  }
0xa4: {  	s25 =	simm.s32 $0x1B8E;
	s24 =	sld [smem:$0x3FFE];
	[sflag:s23] =	ssyncadd.s32 $0xFFFFFFFF  }
0xa5: {  	s26 =	simm.s32 $execute0_lowered;
	[smem:$0x3FD2] =	sst s25  }
0xa6: {  	s5 =	sshll.u32 s26, $0x1;
	_ =	strace $0x80000049;
	[dreg:$0x1] =	wrdreg $0xFFFFFFFF  }
0xa7: {  	s28 =	simm.s32 $_size_execute0_lowered;
	s3 =	sadd.s32 s3, s5;
	[dreg:$0x0] =	wrdreg $0x0  }
0xa8: {  	s5 =	sshll.u32 s28, $0x1;
	[dreg:$0x2] =	wrdreg s3  }
0xa9: {  	[dreg:$0x3] =	wrdreg s5  }
0xaa: {  	[dreg:$0x4] =	wrdreg $0xC0  }
0xab: {  	_ =	task [dreg:s7], $0x5FFFF  }
0xac: {  	[dreg:$0x1] =	wrdreg $0xFFFFFFFF  }
0xad: {  	[dreg:$0x0] =	wrdreg $0x60  }
0xae: {  	[dreg:$0x2] =	wrdreg s2  }
0xaf: {  	[dreg:$0x3] =	wrdreg s24  }
0xb0: {  	[dreg:$0x4] =	wrdreg $0x1A0000  }
0xb1: {  	[dreg:$0x5] =	wrdreg $0x9  }
0xb2: {  	_ =	task.clear_ibuf [dreg:s7], $0x6FFFF;
	_ =	strace $0x90000049  }
0xb3: {  	s29 =	simm.s32 $0x9;
	_ =	strace $0x8000004B  }
0xb4: {  	_ =	swait.ge [sflag:s29], $0x1  }
0xb5: {  	[sflag:s29] =	ssyncadd.s32 $0xFFFFFFFF  }
0xb6: {  	_ =	strace $0x9000004B  }
0xb7: {  	_ =	sfence  }
0xb8: {  	s30 =	sld [smem:$0x0];
	_ =	sdelay $0x2  }
0xb9: {  	s31 =	sshll.u32 s1, $0xD;
	s1 =	sshrl.u32 s1, $0x2  }
0xba: {  	s3 =	sand.u32 $0x4000, s31;
	s1 =	sadd.s32 s1, s30  }
0xbb: {  	s0 =	sor.u32 s3, s0;
	s1 =	sshll.u32 s1, $0x11  }
0xbc: {  	s0 =	sor.u32 s1, s0  }
0xbd: {  	s0 =	sadd.s32 $0x8F2B, s0  }
0xbe: {  	[sflag:s0] =	ssyncadd.remote.s32 $0x1  }
0xbf: {  	_ =	sfence.sel $0xFFFF  }
0xc0: {  	[dreg:$0x0] =	wrdreg $0xFFFFFFFF;
	(pc) =	sbr.abs _section_cstart, $3  }
0xc1: {  	[dreg:$0x1] =	wrdreg $0xFFFFFFFF  }
0xc2: {  	_ =	task.clear_ibuf [dreg:s7], $0x2FFFF;
	_ =	strace $0x9FFFFFFF  }
0xc3: {  	(tm) =	ssettm $0x7FFFFFFF  }
tec
execute0_lowered:
.L_overlay_start_1:
0x0: {  	(tag) =	ssettag $0x1  }
0x1: {  	s0 =	rddreg [dreg:$0x0]  }
0x2: {  	s1 =	rddreg [dreg:$0x1]  }
0x3: {  	s2 =	rddreg [dreg:$0x2];
	s10 =	stileid.u32  }
0x4: {  	s4 =	srdreg.scid;
	s3 =	simm.s32 $0x0;
	s13 =	simm.s32 $0xA000  }
0x5: {  	s14 =	simm.s32 $0x5;
	s19 =	simm.s32 $0xC000;
	s21 =	simm.s32 $0xD000  }
0x6: {  	s28 =	simm.s32 $0xF000;
	s30 =	simm.s32 $0x10000;
	s5 =	smul.u32 $0xA00, s10  }
0x7: {  	s29 =	simm.s32 $0x17000;
	s31 =	simm.s32 $0x18000;
	s7 =	smul.u32 $0x14000, s10  }
0x8: {  	s4 =	sand.u32 $0x1, s4;
	[smem:$0x7FF] =	sst s3;
	s16 =	smul.u32 $0x5000, s10  }
0x9: {  	s6 =	smul.u32 $0xA000, s4;
	_ =	strace $0x8000004A;
	s15 =	ssub.s32 $0x2, s4  }
0xa: {  	s9 =	smul.u32 $0x9C40, s4;
	s5 =	sadd.s32 s5, s1;
	s8 =	sshrl.u32 s15, $0x1  }
0xb: {  	s7 =	sshrl.u32 s7, $0x2;
	s20 =	sshrl.u32 s16, $0x3;
	s22 =	sadd.s32 s16, s2  }
0xc: {  	s16 =	simm.s32 $0x80;
	s1 =	sadd.s32 s6, s1;
	s6 =	ssub.s32 s15, s8  }
0xd: {  	s4 =	sadd.s32 s7, s2;
	s17 =	sadd.s32 $0x29000, s5;
	s5 =	sadd.s32 $0x33000, s5  }
0xe: {  	s7 =	sadd.s32 s0, s9;
	s0 =	simm.s32 $0x11000;
	s15 =	simm.s32 $0x1  }
0xf: {  	s8 =	simm.s32 $0x3;
	s9 =	simm.s32 $0x4;
	[dreg:$0x4] =	wrdreg s17  }
0x10: {  	[dreg:$0x5] =	wrdreg s5;
	s18 =	sadd.s32 $0x1E00, s1;
	s6 =	smax.u32 s6, $0x1  }
0x11: {  	s23 =	sadd.s32 $0x1000, s4;
	s24 =	sadd.s32 $0x2000, s4;
	[dreg:$0x6] =	wrdreg s6  }
0x12: {  	s25 =	sadd.s32 $0x3000, s4;
	s26 =	sadd.s32 $0x4000, s4;
	[dreg:$0x7] =	wrdreg s23  }
.Ltmp0:
0x13: {  	s17 =	simm.s32 $0xB000;
	[dreg:$0x8] =	wrdreg s24;
	(pc) =	sbr.rel .LBB2_1-.Ltmp0, $4  }
0x14: {  	s1 =	simm.s32 $0x13000;
	s5 =	simm.s32 $0x19000;
	[dreg:$0x9] =	wrdreg s25  }
0x15: {  	[dreg:$0xa] =	wrdreg s26;
	s23 =	sadd.s32 s20, s18;
	s24 =	simm.s32 $0xE000  }
0x16: {  	s25 =	sshrl.u32 s22, $0x3;
	s18 =	simm.s32 $0x12000;
	s20 =	simm.s32 $0x14000  }
0x17: {  	v0 =	vimm.f32 $0.0e+00;
	s22 =	simm.s32 $0x15000;
	s26 =	simm.s32 $0x16000;
	s6 =	simm.s32 $0x2  }
.LBB2_6:
0x18: {  	_ =	swait.ge [sflag:s9], $0x1000  }
0x19: {  	[sflag:s9] =	ssyncset.done $0x0  }
0x1a: {  	[sflag:s9] =	ssyncadd.s32 $0xFFFFF000  }
0x1b: {  	_ =	swait.ge [sflag:s9], $0x1000  }
0x1c: {  	[sflag:s9] =	ssyncset.done $0x0  }
0x1d: {  	[sflag:s9] =	ssyncadd.s32 $0xFFFFF000  }
0x1e: {  	_ =	swait.ge [sflag:s9], $0x1000  }
0x1f: {  	[sflag:s9] =	ssyncset.done $0x0  }
0x20: {  	[sflag:s9] =	ssyncadd.s32 $0xFFFFF000  }
0x21: {  	_ =	swait.ge [sflag:s9], $0x1000  }
0x22: {  	[sflag:s9] =	ssyncset.done $0x0  }
0x23: {  	[sflag:s9] =	ssyncadd.s32 $0xFFFFF000  }
0x24: {  	_ =	swait.ge [sflag:s9], $0x1000  }
0x25: {  	[sflag:s9] =	ssyncset.done $0x0  }
0x26: {  	[sflag:s9] =	ssyncadd.s32 $0xFFFFF000  }
0x27: {  	_ =	swait.ge [sflag:s9], $0x1000  }
0x28: {  	[sflag:s9] =	ssyncset.done $0x0  }
0x29: {  	[sflag:s9] =	ssyncadd.s32 $0xFFFFF000  }
0x2a: {  	_ =	swait.ge [sflag:s9], $0x1000  }
0x2b: {  	[sflag:s9] =	ssyncset.done $0x0  }
0x2c: {  	[sflag:s9] =	ssyncadd.s32 $0xFFFFF000  }
0x2d: {  	_ =	swait.ge [sflag:s9], $0x1000  }
0x2e: {  	s10 =	stileid.u32;
	[sflag:s9] =	ssyncset.done $0x0  }
0x2f: {  	s10 =	sshll.u32 s10, $0x6;
	[sflag:s9] =	ssyncadd.s32 $0xFFFFF000  }
0x30: {  	s10 =	sor.u32 $0x1C05, s10;
	[bflag:$0x0] =	sbarrier.arrive $0xFFFF  }
0x31: {  	[hbm:s23], [sflag:s10] =	dma.local [spmem:s25], $0xA00  }
0x32: {  	_ =	swait.ge [sflag:s14], $0xA00  }
0x33: {  	s3 =	sadd.s32 $0x1, s3;
	s12 =	rddreg [dreg:$0x6]  }
0x34: {  	p0 =	sne.s32 s3, s12  }
.Ltmp1:
0x35: {  	_ = 	snop;
	(pc) =	sbr.rel @!p0 .LBB2_7-.Ltmp1, $3  }
0x36: {  	_ =	sdelay $0x1  }
0x37: {  	[sflag:s14] =	ssyncset.done $0x0  }
0x38: {  	[sflag:s14] =	ssyncadd.s32 $0xFFFFF600  }
.LBB2_1:
0x39: {  	s10 =	simm.s32 $0x80;
	s11 =	simm.s32 $0x0  }
.LBB2_2:
0x3a: {  	p0 =	sne.s32 s10, $0x3F80;
	[tilespmem:s11+$0xA000] =	vst v0;
	s12 =	smov.u32 s10;
	s10 =	sadd.s32 $0x80, s10  }
.Ltmp2:
0x3b: {  	[tilespmem:s11+$0xA010] =	vst v0;
	(pc) =	sbr.rel @p0 .LBB2_2-.Ltmp2, $2  }
0x3c: {  	_ =	sdelay $0x2  }
0x3d: {  	s11 =	sshra.s32 s12, $0x2  }
0x3e: {  	[tilespmem:s11+$0xA000] =	vst v0  }
0x3f: {  	[tilespmem:s11+$0xA010] =	vst v0  }
0x40: {  	[spmem:s4] =	stream.linear.scatter [tilespmem:s13], [sflag:$0x5], $0x1000, $0x38;
	[tilespmem:$0x1F000] =	vst v63  }
0x41: {  	_ =	swait.ge [sflag:s14], $0x1000  }
0x42: {  	[sflag:s14] =	ssyncset.done $0x0  }
0x43: {  	s10 =	rddreg [dreg:$0x7];
	[sflag:s14] =	ssyncadd.s32 $0xFFFFF000  }
0x44: {  	[spmem:s10] =	stream.linear.scatter [tilespmem:s13], [sflag:$0x5], $0x1000, $0x38;
	[tilespmem:$0x1F000] =	vst v63  }
0x45: {  	_ =	swait.ge [sflag:s14], $0x1000  }
0x46: {  	[sflag:s14] =	ssyncset.done $0x0  }
0x47: {  	s11 =	rddreg [dreg:$0x8];
	[sflag:s14] =	ssyncadd.s32 $0xFFFFF000  }
0x48: {  	[spmem:s11] =	stream.linear.scatter [tilespmem:s13], [sflag:$0x5], $0x1000, $0x38;
	[tilespmem:$0x1F000] =	vst v63  }
0x49: {  	_ =	swait.ge [sflag:s14], $0x1000  }
0x4a: {  	[sflag:s14] =	ssyncset.done $0x0  }
0x4b: {  	s12 =	rddreg [dreg:$0x9];
	[sflag:s14] =	ssyncadd.s32 $0xFFFFF000  }
0x4c: {  	[spmem:s12] =	stream.linear.scatter [tilespmem:s13], [sflag:$0x5], $0x1000, $0x38;
	[tilespmem:$0x1F000] =	vst v63  }
0x4d: {  	_ =	swait.ge [sflag:s14], $0x1000  }
0x4e: {  	[sflag:s14] =	ssyncset.done $0x0  }
0x4f: {  	s11 =	rddreg [dreg:$0xa];
	[sflag:s14] =	ssyncadd.s32 $0xFFFFF000  }
0x50: {  	[spmem:s11] =	stream.linear.scatter [tilespmem:s13], [sflag:$0x5], $0x1000, $0x38;
	[tilespmem:$0x1F000] =	vst v63  }
0x51: {  	_ =	swait.ge [sflag:s14], $0x1000  }
0x52: {  	[sflag:s14] =	ssyncset.done $0x0  }
0x53: {  	[sflag:s14] =	ssyncadd.s32 $0xFFFFF000  }
0x54: {  	[bflag:$0x0] =	sbarrier.arrive $0xFFFF  }
0x55: {  	s10 =	simm.s32 $0x0;
	s12 =	rddreg [dreg:$0x4]  }
0x56: {  	[tilespmem:s10], [sflag:$0x5] =	stream.linear.gather [hbm4b:s12+s10], $0x5000, $0x38;
	[tilespmem:$0x1F000] =	vst v63  }
0x57: {  	_ =	swait.ge [sflag:s14], $0x5000  }
0x58: {  	[sflag:s14] =	ssyncset.done $0x0  }
0x59: {  	s12 =	simm.s32 $0x5000;
	s11 =	rddreg [dreg:$0x5];
	[sflag:s14] =	ssyncadd.s32 $0xFFFFB000  }
0x5a: {  	[tilespmem:s12], [sflag:$0x5] =	stream.linear.gather [hbm4b:s11+s10], $0x5000, $0x38;
	[tilespmem:$0x1F000] =	vst v63  }
0x5b: {  	_ =	swait.ge [sflag:s14], $0x5000  }
0x5c: {  	[sflag:s14] =	ssyncset.done $0x0  }
0x5d: {  	[sflag:s14] =	ssyncadd.s32 $0xFFFFB000  }
0x5e: {  	[tilespmem:s13], [sflag:$0x1] =	stream.indirect.gather [hbm4b:s7+s16], $0x20, s10, s16, $0xb8;
	[tilespmem:$0x1F000] =	vst v63  }
0x5f: {  	_ = 	snop  }
0x60: {  	[tilespmem:s17], [sflag:$0x1] =	stream.indirect.gather [hbm4b:s7+s16], $0x20, s16, s16, $0xb8;
	[tilespmem:$0x1F000] =	vst v63  }
0x61: {  	s12 =	simm.s32 $0x100  }
0x62: {  	[tilespmem:s19], [sflag:$0x1] =	stream.indirect.gather [hbm4b:s7+s16], $0x20, s12, s16, $0xb8;
	[tilespmem:$0x1F000] =	vst v63  }
0x63: {  	s12 =	simm.s32 $0x180  }
0x64: {  	[tilespmem:s21], [sflag:$0x1] =	stream.indirect.gather [hbm4b:s7+s16], $0x20, s12, s16, $0xb8;
	[tilespmem:$0x1F000] =	vst v63  }
0x65: {  	s12 =	simm.s32 $0x200  }
0x66: {  	[tilespmem:s24], [sflag:$0x1] =	stream.indirect.gather [hbm4b:s7+s16], $0x20, s12, s16, $0xb8;
	[tilespmem:$0x1F000] =	vst v63  }
0x67: {  	s12 =	simm.s32 $0x280  }
0x68: {  	[tilespmem:s28], [sflag:$0x1] =	stream.indirect.gather [hbm4b:s7+s16], $0x20, s12, s16, $0xb8;
	[tilespmem:$0x1F000] =	vst v63  }
0x69: {  	s12 =	simm.s32 $0x300  }
0x6a: {  	[tilespmem:s30], [sflag:$0x1] =	stream.indirect.gather [hbm4b:s7+s16], $0x20, s12, s16, $0xb8;
	[tilespmem:$0x1F000] =	vst v63  }
0x6b: {  	s12 =	simm.s32 $0x380  }
0x6c: {  	[tilespmem:s0], [sflag:$0x1] =	stream.indirect.gather [hbm4b:s7+s16], $0x20, s12, s16, $0xb8;
	[tilespmem:$0x1F000] =	vst v63  }
.LBB2_4:
0x6d: {  	_ =	swait.ge [sflag:s15], $0x1000  }
0x6e: {  	[sflag:s15] =	ssyncset.done $0x0  }
0x6f: {  	[sflag:s15] =	ssyncadd.s32 $0xFFFFF000  }
0x70: {  	_ =	swait.ge [sflag:s15], $0x1000  }
0x71: {  	[sflag:s15] =	ssyncset.done $0x0  }
0x72: {  	[sflag:s15] =	ssyncadd.s32 $0xFFFFF000  }
0x73: {  	_ =	swait.ge [sflag:s15], $0x1000  }
0x74: {  	[sflag:s15] =	ssyncset.done $0x0  }
0x75: {  	[sflag:s15] =	ssyncadd.s32 $0xFFFFF000  }
0x76: {  	_ =	swait.ge [sflag:s15], $0x1000  }
0x77: {  	[sflag:s15] =	ssyncset.done $0x0  }
0x78: {  	[sflag:s15] =	ssyncadd.s32 $0xFFFFF000  }
0x79: {  	_ =	swait.ge [sflag:s15], $0x1000  }
0x7a: {  	[sflag:s15] =	ssyncset.done $0x0  }
0x7b: {  	[sflag:s15] =	ssyncadd.s32 $0xFFFFF000  }
0x7c: {  	_ =	swait.ge [sflag:s15], $0x1000  }
0x7d: {  	[sflag:s15] =	ssyncset.done $0x0  }
0x7e: {  	[sflag:s15] =	ssyncadd.s32 $0xFFFFF000  }
0x7f: {  	_ =	swait.ge [sflag:s15], $0x1000  }
0x80: {  	[sflag:s15] =	ssyncset.done $0x0  }
0x81: {  	[sflag:s15] =	ssyncadd.s32 $0xFFFFF000  }
0x82: {  	_ =	swait.ge [sflag:s15], $0x1000  }
0x83: {  	s11 =	sshra.s32 s10, $0x2;
	[sflag:s15] =	ssyncset.done $0x0  }
0x84: {  	s12 =	sadd.s32 $0x5000, s11;
	[sflag:s15] =	ssyncadd.s32 $0xFFFFF000  }
0x85: {  	[spmem:s2] =	stream.indirect.scatter.add.f32 [tilespmem:s13], [sflag:$0x3], $0x20, s12, s16, $0xb8;
	[tilespmem:$0x1F000] =	vst v63  }
0x86: {  	s12 =	sadd.s32 $0x5080, s11  }
0x87: {  	[spmem:s2] =	stream.indirect.scatter.add.f32 [tilespmem:s17], [sflag:$0x3], $0x20, s12, s16, $0xb8;
	[tilespmem:$0x1F000] =	vst v63  }
0x88: {  	s12 =	sadd.s32 $0x5100, s11  }
0x89: {  	[spmem:s2] =	stream.indirect.scatter.add.f32 [tilespmem:s19], [sflag:$0x3], $0x20, s12, s16, $0xb8;
	[tilespmem:$0x1F000] =	vst v63  }
0x8a: {  	s12 =	sadd.s32 $0x5180, s11  }
0x8b: {  	[spmem:s2] =	stream.indirect.scatter.add.f32 [tilespmem:s21], [sflag:$0x3], $0x20, s12, s16, $0xb8;
	[tilespmem:$0x1F000] =	vst v63  }
0x8c: {  	s12 =	sadd.s32 $0x5200, s11  }
0x8d: {  	[spmem:s2] =	stream.indirect.scatter.add.f32 [tilespmem:s24], [sflag:$0x3], $0x20, s12, s16, $0xb8;
	[tilespmem:$0x1F000] =	vst v63  }
0x8e: {  	s12 =	sadd.s32 $0x5280, s11  }
0x8f: {  	[spmem:s2] =	stream.indirect.scatter.add.f32 [tilespmem:s28], [sflag:$0x3], $0x20, s12, s16, $0xb8;
	[tilespmem:$0x1F000] =	vst v63  }
0x90: {  	s12 =	sadd.s32 $0x5300, s11  }
0x91: {  	[spmem:s2] =	stream.indirect.scatter.add.f32 [tilespmem:s30], [sflag:$0x3], $0x20, s12, s16, $0xb8;
	[tilespmem:$0x1F000] =	vst v63  }
0x92: {  	p0 =	seq.s32 s10, $0x0;
	s12 =	sadd.s32 $0x5380, s11  }
0x93: {  	[spmem:s2] =	stream.indirect.scatter.add.f32 [tilespmem:s0], [sflag:$0x3], $0x20, s12, s16, $0xb8;
	[tilespmem:$0x1F000] =	vst v63  }
0x94: {  	s12 =	simm.s32 @!p0 $0x4  }
0x95: {  	_ =	swait.ge @!p0 [sflag:s12], $0x1000  }
0x96: {  	[sflag:s12] =	ssyncset.done @!p0 $0x0  }
0x97: {  	[sflag:s12] =	ssyncadd.s32 @!p0 $0xFFFFF000  }
0x98: {  	_ =	swait.ge @!p0 [sflag:s12], $0x1000  }
0x99: {  	[sflag:s12] =	ssyncset.done @!p0 $0x0  }
0x9a: {  	[sflag:s12] =	ssyncadd.s32 @!p0 $0xFFFFF000  }
0x9b: {  	_ =	swait.ge @!p0 [sflag:s12], $0x1000  }
0x9c: {  	[sflag:s12] =	ssyncset.done @!p0 $0x0  }
0x9d: {  	[sflag:s12] =	ssyncadd.s32 @!p0 $0xFFFFF000  }
0x9e: {  	_ =	swait.ge @!p0 [sflag:s12], $0x1000  }
0x9f: {  	[sflag:s12] =	ssyncset.done @!p0 $0x0  }
0xa0: {  	[sflag:s12] =	ssyncadd.s32 @!p0 $0xFFFFF000  }
0xa1: {  	_ =	swait.ge @!p0 [sflag:s12], $0x1000  }
0xa2: {  	[sflag:s12] =	ssyncset.done @!p0 $0x0  }
0xa3: {  	[sflag:s12] =	ssyncadd.s32 @!p0 $0xFFFFF000  }
0xa4: {  	_ =	swait.ge @!p0 [sflag:s12], $0x1000  }
0xa5: {  	[sflag:s12] =	ssyncset.done @!p0 $0x0  }
0xa6: {  	[sflag:s12] =	ssyncadd.s32 @!p0 $0xFFFFF000  }
0xa7: {  	_ =	swait.ge @!p0 [sflag:s12], $0x1000  }
0xa8: {  	[sflag:s12] =	ssyncset.done @!p0 $0x0  }
0xa9: {  	[sflag:s12] =	ssyncadd.s32 @!p0 $0xFFFFF000  }
0xaa: {  	_ =	swait.ge @!p0 [sflag:s12], $0x1000  }
0xab: {  	[sflag:s12] =	ssyncset.done @!p0 $0x0  }
0xac: {  	[sflag:s12] =	ssyncadd.s32 @!p0 $0xFFFFF000;
	s12 =	sadd.s32 $0x400, s11  }
0xad: {  	[tilespmem:s18], [sflag:$0x2] =	stream.indirect.gather [hbm4b:s7+s16], $0x20, s12, s16, $0xb8;
	[tilespmem:$0x1F000] =	vst v63  }
0xae: {  	s12 =	sadd.s32 $0x480, s11  }
0xaf: {  	[tilespmem:s1], [sflag:$0x2] =	stream.indirect.gather [hbm4b:s7+s16], $0x20, s12, s16, $0xb8;
	[tilespmem:$0x1F000] =	vst v63  }
0xb0: {  	s12 =	sadd.s32 $0x500, s11  }
0xb1: {  	[tilespmem:s20], [sflag:$0x2] =	stream.indirect.gather [hbm4b:s7+s16], $0x20, s12, s16, $0xb8;
	[tilespmem:$0x1F000] =	vst v63  }
0xb2: {  	s12 =	sadd.s32 $0x580, s11  }
0xb3: {  	[tilespmem:s22], [sflag:$0x2] =	stream.indirect.gather [hbm4b:s7+s16], $0x20, s12, s16, $0xb8;
	[tilespmem:$0x1F000] =	vst v63  }
0xb4: {  	s12 =	sadd.s32 $0x600, s11  }
0xb5: {  	[tilespmem:s26], [sflag:$0x2] =	stream.indirect.gather [hbm4b:s7+s16], $0x20, s12, s16, $0xb8;
	[tilespmem:$0x1F000] =	vst v63  }
0xb6: {  	s12 =	sadd.s32 $0x680, s11  }
0xb7: {  	[tilespmem:s29], [sflag:$0x2] =	stream.indirect.gather [hbm4b:s7+s16], $0x20, s12, s16, $0xb8;
	[tilespmem:$0x1F000] =	vst v63  }
0xb8: {  	s12 =	sadd.s32 $0x700, s11  }
0xb9: {  	[tilespmem:s31], [sflag:$0x2] =	stream.indirect.gather [hbm4b:s7+s16], $0x20, s12, s16, $0xb8;
	[tilespmem:$0x1F000] =	vst v63  }
0xba: {  	s12 =	sadd.s32 $0x780, s11  }
0xbb: {  	[tilespmem:s5], [sflag:$0x2] =	stream.indirect.gather [hbm4b:s7+s16], $0x20, s12, s16, $0xb8;
	[tilespmem:$0x1F000] =	vst v63  }
0xbc: {  	_ =	swait.ge [sflag:s6], $0x1000  }
0xbd: {  	[sflag:s6] =	ssyncset.done $0x0  }
0xbe: {  	[sflag:s6] =	ssyncadd.s32 $0xFFFFF000  }
0xbf: {  	_ =	swait.ge [sflag:s6], $0x1000  }
0xc0: {  	[sflag:s6] =	ssyncset.done $0x0  }
0xc1: {  	[sflag:s6] =	ssyncadd.s32 $0xFFFFF000  }
0xc2: {  	_ =	swait.ge [sflag:s6], $0x1000  }
0xc3: {  	[sflag:s6] =	ssyncset.done $0x0  }
0xc4: {  	[sflag:s6] =	ssyncadd.s32 $0xFFFFF000  }
0xc5: {  	_ =	swait.ge [sflag:s6], $0x1000  }
0xc6: {  	[sflag:s6] =	ssyncset.done $0x0  }
0xc7: {  	[sflag:s6] =	ssyncadd.s32 $0xFFFFF000  }
0xc8: {  	_ =	swait.ge [sflag:s6], $0x1000  }
0xc9: {  	[sflag:s6] =	ssyncset.done $0x0  }
0xca: {  	[sflag:s6] =	ssyncadd.s32 $0xFFFFF000  }
0xcb: {  	_ =	swait.ge [sflag:s6], $0x1000  }
0xcc: {  	[sflag:s6] =	ssyncset.done $0x0  }
0xcd: {  	[sflag:s6] =	ssyncadd.s32 $0xFFFFF000  }
0xce: {  	_ =	swait.ge [sflag:s6], $0x1000  }
0xcf: {  	[sflag:s6] =	ssyncset.done $0x0  }
0xd0: {  	[sflag:s6] =	ssyncadd.s32 $0xFFFFF000  }
0xd1: {  	_ =	swait.ge [sflag:s6], $0x1000  }
0xd2: {  	[sflag:s6] =	ssyncset.done $0x0  }
0xd3: {  	s12 =	sadd.s32 $0x5400, s11;
	[sflag:s6] =	ssyncadd.s32 $0xFFFFF000  }
0xd4: {  	[spmem:s2] =	stream.indirect.scatter.add.f32 [tilespmem:s18], [sflag:$0x4], $0x20, s12, s16, $0xb8;
	[tilespmem:$0x1F000] =	vst v63  }
0xd5: {  	s12 =	sadd.s32 $0x5480, s11  }
0xd6: {  	[spmem:s2] =	stream.indirect.scatter.add.f32 [tilespmem:s1], [sflag:$0x4], $0x20, s12, s16, $0xb8;
	[tilespmem:$0x1F000] =	vst v63  }
0xd7: {  	s12 =	sadd.s32 $0x5500, s11  }
0xd8: {  	[spmem:s2] =	stream.indirect.scatter.add.f32 [tilespmem:s20], [sflag:$0x4], $0x20, s12, s16, $0xb8;
	[tilespmem:$0x1F000] =	vst v63  }
0xd9: {  	s12 =	sadd.s32 $0x5580, s11  }
0xda: {  	[spmem:s2] =	stream.indirect.scatter.add.f32 [tilespmem:s22], [sflag:$0x4], $0x20, s12, s16, $0xb8;
	[tilespmem:$0x1F000] =	vst v63  }
0xdb: {  	s12 =	sadd.s32 $0x5600, s11  }
0xdc: {  	[spmem:s2] =	stream.indirect.scatter.add.f32 [tilespmem:s26], [sflag:$0x4], $0x20, s12, s16, $0xb8;
	[tilespmem:$0x1F000] =	vst v63  }
0xdd: {  	s12 =	sadd.s32 $0x5680, s11  }
0xde: {  	[spmem:s2] =	stream.indirect.scatter.add.f32 [tilespmem:s29], [sflag:$0x4], $0x20, s12, s16, $0xb8;
	[tilespmem:$0x1F000] =	vst v63  }
0xdf: {  	s12 =	sadd.s32 $0x5700, s11  }
0xe0: {  	[spmem:s2] =	stream.indirect.scatter.add.f32 [tilespmem:s31], [sflag:$0x4], $0x20, s12, s16, $0xb8;
	[tilespmem:$0x1F000] =	vst v63  }
0xe1: {  	s12 =	sadd.s32 $0x5780, s11  }
0xe2: {  	[spmem:s2] =	stream.indirect.scatter.add.f32 [tilespmem:s5], [sflag:$0x4], $0x20, s12, s16, $0xb8;
	[tilespmem:$0x1F000] =	vst v63  }
0xe3: {  	_ =	swait.ge [sflag:s8], $0x1000  }
0xe4: {  	[sflag:s8] =	ssyncset.done $0x0  }
0xe5: {  	[sflag:s8] =	ssyncadd.s32 $0xFFFFF000  }
0xe6: {  	_ =	swait.ge [sflag:s8], $0x1000  }
0xe7: {  	[sflag:s8] =	ssyncset.done $0x0  }
0xe8: {  	[sflag:s8] =	ssyncadd.s32 $0xFFFFF000  }
0xe9: {  	_ =	swait.ge [sflag:s8], $0x1000  }
0xea: {  	[sflag:s8] =	ssyncset.done $0x0  }
0xeb: {  	[sflag:s8] =	ssyncadd.s32 $0xFFFFF000  }
0xec: {  	_ =	swait.ge [sflag:s8], $0x1000  }
0xed: {  	[sflag:s8] =	ssyncset.done $0x0  }
0xee: {  	[sflag:s8] =	ssyncadd.s32 $0xFFFFF000  }
0xef: {  	_ =	swait.ge [sflag:s8], $0x1000  }
0xf0: {  	[sflag:s8] =	ssyncset.done $0x0  }
0xf1: {  	[sflag:s8] =	ssyncadd.s32 $0xFFFFF000  }
0xf2: {  	_ =	swait.ge [sflag:s8], $0x1000  }
0xf3: {  	[sflag:s8] =	ssyncset.done $0x0  }
0xf4: {  	[sflag:s8] =	ssyncadd.s32 $0xFFFFF000  }
0xf5: {  	p0 =	seq.s32 s10, $0x12000;
	_ =	swait.ge [sflag:s8], $0x1000  }
.Ltmp3:
0xf6: {  	[sflag:s8] =	ssyncset.done $0x0;
	(pc) =	sbr.rel @p0 .LBB2_6-.Ltmp3, $4  }
0xf7: {  	[sflag:s8] =	ssyncadd.s32 $0xFFFFF000  }
0xf8: {  	_ =	swait.ge [sflag:s8], $0x1000  }
0xf9: {  	[sflag:s8] =	ssyncset.done $0x0  }
0xfa: {  	[sflag:s8] =	ssyncadd.s32 $0xFFFFF000  }
0xfb: {  	s12 =	sadd.s32 $0x800, s11  }
0xfc: {  	[tilespmem:s13], [sflag:$0x1] =	stream.indirect.gather [hbm4b:s7+s16], $0x20, s12, s16, $0xb8;
	[tilespmem:$0x1F000] =	vst v63  }
0xfd: {  	s12 =	sadd.s32 $0x880, s11  }
0xfe: {  	[tilespmem:s17], [sflag:$0x1] =	stream.indirect.gather [hbm4b:s7+s16], $0x20, s12, s16, $0xb8;
	[tilespmem:$0x1F000] =	vst v63  }
0xff: {  	s12 =	sadd.s32 $0x900, s11  }
0x100: {  	[tilespmem:s19], [sflag:$0x1] =	stream.indirect.gather [hbm4b:s7+s16], $0x20, s12, s16, $0xb8;
	[tilespmem:$0x1F000] =	vst v63  }
0x101: {  	s12 =	sadd.s32 $0x980, s11  }
0x102: {  	[tilespmem:s21], [sflag:$0x1] =	stream.indirect.gather [hbm4b:s7+s16], $0x20, s12, s16, $0xb8;
	[tilespmem:$0x1F000] =	vst v63  }
0x103: {  	s12 =	sadd.s32 $0xA00, s11  }
0x104: {  	[tilespmem:s24], [sflag:$0x1] =	stream.indirect.gather [hbm4b:s7+s16], $0x20, s12, s16, $0xb8;
	[tilespmem:$0x1F000] =	vst v63  }
0x105: {  	s12 =	sadd.s32 $0xA80, s11  }
0x106: {  	[tilespmem:s28], [sflag:$0x1] =	stream.indirect.gather [hbm4b:s7+s16], $0x20, s12, s16, $0xb8;
	[tilespmem:$0x1F000] =	vst v63  }
.Ltmp4:
0x107: {  	_ = 	snop;
	(pc) =	sbr.rel .LBB2_4-.Ltmp4, $4  }
0x108: {  	s12 =	sadd.s32 $0xB00, s11  }
0x109: {  	[tilespmem:s30], [sflag:$0x1] =	stream.indirect.gather [hbm4b:s7+s16], $0x20, s12, s16, $0xb8;
	[tilespmem:$0x1F000] =	vst v63  }
0x10a: {  	s10 =	sadd.s32 $0x2000, s10;
	s12 =	sadd.s32 $0xB80, s11  }
0x10b: {  	[tilespmem:s0], [sflag:$0x1] =	stream.indirect.gather [hbm4b:s7+s16], $0x20, s12, s16, $0xb8;
	[tilespmem:$0x1F000] =	vst v63  }
.LBB2_7:
0x10c: {  	_ =	sfence.sel $0x180000  }
0x10d: {  	[bflag:$0x0] =	sbarrier.arrive $0xFFFF  }
0x10e: {  	_ =	strace $0x9000004A  }
0x10f: {  	s0 =	stileid.u32;
	[bflag:$0x2] =	sbarrier.arrive $0xFFFF  }
0x110: {  	p0 =	sne.s32 s0, $0x0;
	s0 =	rddreg [dreg:$0x3]  }
0x111: {  	s0 =	sadd.s32 @!p0 $0x100000, s0  }
0x112: {  	[sflag:s0] =	ssyncadd.tile.s32 @!p0 $0x1;
	_ =	shalt  }
.Lfunc_end2:
_tile_overlayer_lowered:
.L_overlay_start_2:
0x113: {  	(tag) =	ssettag $0x2  }
0x114: {  	s0 =	rddreg [dreg:$0x0];
	s2 =	stileid.u32  }
0x115: {  	s1 =	rddreg [dreg:$0x1];
	p0 =	sne.s32 s2, $0x0  }
0x116: {  	s3 =	rddreg [dreg:$0x2];
	[bflag:$0x3] =	sbarrier.arrive $0xFFFF;
	s2 =	simm.s32 @!p0 $0x1C05  }
0x117: {  	[timem:s3], [sflag:s2] =	dma.local @!p0 [hbm:s0], s1  }
0x118: {  	s0 =	simm.s32 @!p0 $0x5  }
0x119: {  	_ =	swait.ge @!p0 [sflag:s0], s1  }
0x11a: {  	s1 =	ssub.s32 @!p0 $0x0, s1;
	[sflag:s0] =	ssyncset.done @!p0 $0x0  }
0x11b: {  	[sflag:s0] =	ssyncadd.s32 @!p0 s1  }
0x11c: {  	[bflag:$0x3] =	sbarrier.arrive $0xFFFF  }
0x11d: {  	_ =	shalt  }

</sc_bundles>
